<compile_context>
chip_gen: v7x
topology: tpu7x:2x2x1
jax: 0.10.2.dev20260603
libtpu: 0.0.44.dev20260713+nightly
codegen_flags: <defaults>
</compile_context>

<pallas_src>
import jax
import jax.numpy as jnp
from jax import lax
from jax.experimental import pallas as pl
from jax.experimental.pallas import tpu as pltpu
from jax.experimental.pallas import tpu_sc as plsc

VOC_SIZE = 1000000
EMBED_DIM = 64
BATCH = 16384
HIST = 20

NC = 2
NS = 16
NW = NC * NS

CHUNK = 128
NCHUNKS = BATCH * HIST // CHUNK
CPW = NCHUNKS // NW
CBLK = BATCH // CHUNK


def _transpose(G, OUT):
    for lg in range(8):
        lvec = jnp.arange(16, dtype=jnp.int32) + 16 * lg

        @plsc.parallel_loop(0, EMBED_DIM, step=1, unroll=8)
        def _(d):
            cvec = jnp.full((16,), 0, jnp.int32) + d
            OUT[d, pl.ds(16 * lg, 16)] = plsc.load_gather(G, [lvec, cvec])


def _body(idx_hbm, table_hbm, out_hbm, pv, Ga, Gb, Oa, Ob,
          gsa, gsb, osa, osb):
    c = lax.axis_index("c")
    s = lax.axis_index("s")
    wid = s * NC + c
    k0 = wid * CPW
    pltpu.sync_copy(idx_hbm.at[wid], pv)

    def start_gather(j, G, sem):
        pltpu.async_copy(table_hbm.at[pv.at[j]], G, sem)

    def wait_gather(j, G, sem):
        pltpu.make_async_copy(table_hbm.at[pv.at[j]], G, sem).wait()

    def out_dst(j, r):
        k = k0 + j
        return out_hbm.at[k // CBLK, r, k % CBLK]

    def start_out(j, OUT, sem):
        for r in range(8):
            pltpu.async_copy(OUT.at[pl.ds(8 * r, 8)], out_dst(j, r), sem)

    def wait_out(j, OUT, sem):
        for r in range(8):
            pltpu.make_async_copy(OUT.at[pl.ds(8 * r, 8)], out_dst(j, r),
                                  sem).wait()

    start_gather(0, Ga, gsa)
    start_gather(1, Gb, gsb)

    def block(t, carry):
        for G, OUT, gs, os, off in ((Ga, Oa, gsa, osa, 0),
                                    (Gb, Ob, gsb, osb, 1)):
            j = 2 * t + off
            wait_gather(j, G, gs)

            @pl.when(t >= 1)
            def _():
                wait_out(j - 2, OUT, os)

            _transpose(G, OUT)

            @pl.when(j + 2 < CPW)
            def _():
                start_gather(j + 2, G, gs)

            start_out(j, OUT, os)
        return carry

    lax.fori_loop(0, CPW // 2, block, 0)
    wait_out(CPW - 2, Oa, osa)
    wait_out(CPW - 1, Ob, osb)


@jax.jit
def _lookup(idx3, table2):
    table = table2.reshape(VOC_SIZE, EMBED_DIM)
    mesh = plsc.VectorSubcoreMesh(core_axis_name="c", subcore_axis_name="s")
    kfn = pl.kernel(
        _body,
        out_type=jax.ShapeDtypeStruct((HIST, 8, CBLK, 8, CHUNK), jnp.float32),
        mesh=mesh,
        scratch_types=[
            pltpu.VMEM((CPW, CHUNK), jnp.int32),
            pltpu.VMEM((CHUNK, EMBED_DIM), jnp.float32),
            pltpu.VMEM((CHUNK, EMBED_DIM), jnp.float32),
            pltpu.VMEM((EMBED_DIM, CHUNK), jnp.float32),
            pltpu.VMEM((EMBED_DIM, CHUNK), jnp.float32),
            pltpu.SemaphoreType.DMA,
            pltpu.SemaphoreType.DMA,
            pltpu.SemaphoreType.DMA,
            pltpu.SemaphoreType.DMA,
        ],
        compiler_params=pltpu.CompilerParams(
            use_tc_tiling_on_sc=False, needs_layout_passes=False
        ),
    )
    return kfn(idx3, table)


def kernel(inputs, embeddings):
    idx3 = inputs.astype(jnp.int32).T.reshape(NW, CPW, CHUNK)
    table2 = embeddings.reshape(VOC_SIZE // 2, 128)
    out5 = _lookup(idx3, table2)
    return out5.transpose(2, 4, 0, 1, 3).reshape(BATCH, HIST, EMBED_DIM)

# --- scband reference (transcript-rebuilt; emitter-appended) ---
"""Pipeline reference for scband-word2-vec-4252017623419 (READ-ONLY COPY).

The authoritative reference and input builder live on the scoring server;
editing this copy changes nothing except your own understanding.
"""

import jax, jax.numpy as jnp
import numpy as np

VOC_SIZE = 1000000
EMBED_DIM = 64
BATCH = 16384
HIST = 20

def setup_inputs(seed: int = 0) -> dict:
    key = jax.random.key(seed)
    k1, k2 = jax.random.split(key)
    inputs = jax.random.randint(k1, (BATCH, HIST), 0, VOC_SIZE, dtype=jnp.int64 if jax.config.jax_enable_x64 else jnp.int32)
    embeddings = jax.random.uniform(k2, (VOC_SIZE, EMBED_DIM), dtype=jnp.float32, minval=-1.0, maxval=1.0)
    return {"inputs": inputs, "embeddings": embeddings}

def reference(inputs, embeddings):
    # tf.nn.embedding_lookup(self.embeddings, inputs)
    selected_embed = jnp.take(embeddings, inputs, axis=0)
    return selected_embed

if __name__ == "__main__":
    import jax
    _d = setup_inputs()
    print(jax.jit(kernel)(*tuple(_d.values())))

</pallas_src>

<mosaic_0001>
#map = affine_map<(d0, d1) -> (0, 0, 0)>
#map1 = affine_map<(d0, d1) -> (0, 0)>
#map2 = affine_map<(d0, d1) -> (0, 0, 0, 0, 0)>
module attributes {stable_mosaic.version = 14 : i64} {
  func.func @_body(%arg0: i32, %arg1: i32, %arg2: memref<32x80x128xi32, #tpu.memory_space<hbm>>, %arg3: memref<1000000x64xf32, #tpu.memory_space<hbm>>, %arg4: memref<20x8x128x8x128xf32, #tpu.memory_space<hbm>>, %arg5: memref<80x128xi32, #tpu.memory_space<vmem>>, %arg6: memref<128x64xf32, #tpu.memory_space<vmem>>, %arg7: memref<128x64xf32, #tpu.memory_space<vmem>>, %arg8: memref<64x128xf32, #tpu.memory_space<vmem>>, %arg9: memref<64x128xf32, #tpu.memory_space<vmem>>, %arg10: memref<!tpu.dma_semaphore, #tpu.memory_space<semaphore_mem>>, %arg11: memref<!tpu.dma_semaphore, #tpu.memory_space<semaphore_mem>>, %arg12: memref<!tpu.dma_semaphore, #tpu.memory_space<semaphore_mem>>, %arg13: memref<!tpu.dma_semaphore, #tpu.memory_space<semaphore_mem>>) attributes {dimension_semantics = [#tpu.dimension_semantics<core_parallel>, #tpu.dimension_semantics<subcore_parallel>], iteration_bounds = array<i64: 2, 16>, scalar_prefetch = 0 : i64, scratch_operands = 9 : i64, tpu.core_type = #tpu.core_type<sc_vector_subcore>, window_params = [{transform_indices = #map}, {transform_indices = #map1}, {transform_indices = #map2}]} {
    %mul3A = arith.constant 2 : i32
    %mul3A_0 = arith.muli %arg1, %mul3A : i32
    %add3A = arith.addi %mul3A_0, %arg0 : i32
    %mul3A_1 = arith.constant 80 : i32
    %mul3A_2 = arith.muli %add3A, %mul3A_1 : i32
    "tpu.region"() ({
      %run_scoped3A = tpu.sem_alloc : memref<!tpu.dma_semaphore, #tpu.memory_space<semaphore_mem>>
      %dma_start3A_922 = arith.constant 0 : i32
      %dma_start3A_923 = arith.constant 0 : i32
      %dma_start3A_924 = tpu.memref_slice %arg2[%add3A, %dma_start3A_922, %dma_start3A_923] : memref<32x80x128xi32, #tpu.memory_space<hbm>> -> memref<1x80x128xi32, #tpu.memory_space<hbm>>
      %dma_start3A_925 = tpu.memref_squeeze %dma_start3A_924 : memref<1x80x128xi32, #tpu.memory_space<hbm>> -> memref<80x128xi32, #tpu.memory_space<hbm>>
      %dma_start3A_926 = arith.constant 0 : i32
      %dma_start3A_927 = arith.constant 0 : i32
      %dma_start3A_928 = tpu.memref_slice %arg2[%add3A, %dma_start3A_926, %dma_start3A_927] : memref<32x80x128xi32, #tpu.memory_space<hbm>> -> memref<1x80x128xi32, #tpu.memory_space<hbm>>
      %dma_start3A_929 = tpu.memref_squeeze %dma_start3A_928 : memref<1x80x128xi32, #tpu.memory_space<hbm>> -> memref<80x128xi32, #tpu.memory_space<hbm>>
      tpu.enqueue_dma source(%dma_start3A_929 : memref<80x128xi32, #tpu.memory_space<hbm>>) target(%arg5 : memref<80x128xi32, #tpu.memory_space<vmem>>) target_semaphore(%run_scoped3A : memref<!tpu.dma_semaphore, #tpu.memory_space<semaphore_mem>>)
      %dma_wait3A_930 = arith.constant 0 : i32
      %dma_wait3A_931 = arith.constant 0 : i32
      %dma_wait3A_932 = tpu.memref_slice %arg2[%add3A, %dma_wait3A_930, %dma_wait3A_931] : memref<32x80x128xi32, #tpu.memory_space<hbm>> -> memref<1x80x128xi32, #tpu.memory_space<hbm>>
      %dma_wait3A_933 = tpu.memref_squeeze %dma_wait3A_932 : memref<1x80x128xi32, #tpu.memory_space<hbm>> -> memref<80x128xi32, #tpu.memory_space<hbm>>
      %dma_wait3A_934 = arith.constant 0 : i32
      %dma_wait3A_935 = arith.constant 0 : i32
      %dma_wait3A_936 = tpu.memref_slice %arg2[%add3A, %dma_wait3A_934, %dma_wait3A_935] : memref<32x80x128xi32, #tpu.memory_space<hbm>> -> memref<1x80x128xi32, #tpu.memory_space<hbm>>
      %dma_wait3A_937 = tpu.memref_squeeze %dma_wait3A_936 : memref<1x80x128xi32, #tpu.memory_space<hbm>> -> memref<80x128xi32, #tpu.memory_space<hbm>>
      tpu.wait_dma2 semaphore(%run_scoped3A : memref<!tpu.dma_semaphore, #tpu.memory_space<semaphore_mem>>) src(%dma_wait3A_937 : memref<80x128xi32, #tpu.memory_space<hbm>>) dst(%arg5 : memref<80x128xi32, #tpu.memory_space<vmem>>)
      tpu.yield
    }) : () -> ()
    %dma_start3A = arith.constant 0 : i32
    %dma_start3A_3 = arith.constant 0 : i32
    %dma_start3A_4 = tpu.memref_slice %arg5[%dma_start3A, %dma_start3A_3] : memref<80x128xi32, #tpu.memory_space<vmem>> -> memref<1x128xi32, #tpu.memory_space<vmem>>
    %dma_start3A_5 = tpu.memref_squeeze %dma_start3A_4 : memref<1x128xi32, #tpu.memory_space<vmem>> -> memref<128xi32, #tpu.memory_space<vmem>>
    %dma_start3A_6 = arith.constant 0 : i32
    %dma_start3A_7 = arith.constant 0 : i32
    %dma_start3A_8 = tpu.memref_slice %arg3[%dma_start3A_6, %dma_start3A_7] : memref<1000000x64xf32, #tpu.memory_space<hbm>> -> memref<1000000x64xf32, #tpu.memory_space<hbm>>
    tpu.enqueue_indirect_dma source(%dma_start3A_8 : memref<1000000x64xf32, #tpu.memory_space<hbm>>) target(%arg6 : memref<128x64xf32, #tpu.memory_space<vmem>>) offsets(%dma_start3A_5 : memref<128xi32, #tpu.memory_space<vmem>>) semaphore(%arg10 : memref<!tpu.dma_semaphore, #tpu.memory_space<semaphore_mem>>)
    %dma_start3A_9 = arith.constant 1 : i32
    %dma_start3A_10 = arith.constant 0 : i32
    %dma_start3A_11 = tpu.memref_slice %arg5[%dma_start3A_9, %dma_start3A_10] : memref<80x128xi32, #tpu.memory_space<vmem>> -> memref<1x128xi32, #tpu.memory_space<vmem>>
    %dma_start3A_12 = tpu.memref_squeeze %dma_start3A_11 : memref<1x128xi32, #tpu.memory_space<vmem>> -> memref<128xi32, #tpu.memory_space<vmem>>
    %dma_start3A_13 = arith.constant 0 : i32
    %dma_start3A_14 = arith.constant 0 : i32
    %dma_start3A_15 = tpu.memref_slice %arg3[%dma_start3A_13, %dma_start3A_14] : memref<1000000x64xf32, #tpu.memory_space<hbm>> -> memref<1000000x64xf32, #tpu.memory_space<hbm>>
    tpu.enqueue_indirect_dma source(%dma_start3A_15 : memref<1000000x64xf32, #tpu.memory_space<hbm>>) target(%arg7 : memref<128x64xf32, #tpu.memory_space<vmem>>) offsets(%dma_start3A_12 : memref<128xi32, #tpu.memory_space<vmem>>) semaphore(%arg11 : memref<!tpu.dma_semaphore, #tpu.memory_space<semaphore_mem>>)
    %scan3A = arith.constant 0 : i32
    %scan3A_16 = arith.constant 0 : i32
    %scan3A_17 = arith.constant 40 : i32
    %scan3A_18 = arith.addi %scan3A_16, %scan3A_17 : i32
    %scan3A_19 = arith.constant 1 : i32
    scf.for %scan3A_922 = %scan3A_16 to %scan3A_18 step %scan3A_19  : i32 {
      %mul3A_923 = arith.constant 2 : i32
      %mul3A_924 = arith.muli %mul3A_923, %scan3A_922 : i32
      %add3A_925 = arith.constant 0 : i32
      %add3A_926 = arith.addi %mul3A_924, %add3A_925 : i32
      %dma_wait3A_927 = arith.constant 0 : i32
      %dma_wait3A_928 = tpu.memref_slice %arg5[%add3A_926, %dma_wait3A_927] : memref<80x128xi32, #tpu.memory_space<vmem>> -> memref<1x128xi32, #tpu.memory_space<vmem>>
      %dma_wait3A_929 = tpu.memref_squeeze %dma_wait3A_928 : memref<1x128xi32, #tpu.memory_space<vmem>> -> memref<128xi32, #tpu.memory_space<vmem>>
      %dma_wait3A_930 = arith.constant 0 : i32
      %dma_wait3A_931 = arith.constant 0 : i32
      %dma_wait3A_932 = tpu.memref_slice %arg3[%dma_wait3A_930, %dma_wait3A_931] : memref<1000000x64xf32, #tpu.memory_space<hbm>> -> memref<1000000x64xf32, #tpu.memory_space<hbm>>
      tpu.wait_indirect_dma semaphore(%arg10 : memref<!tpu.dma_semaphore, #tpu.memory_space<semaphore_mem>>) src(%dma_wait3A_932 : memref<1000000x64xf32, #tpu.memory_space<hbm>>) dst(%arg6 : memref<128x64xf32, #tpu.memory_space<vmem>>)
      %ge3A = arith.constant 1 : i32
      %ge3A_933 = arith.cmpi sge, %scan3A_922, %ge3A : i32
      %convert_element_type3A = arith.extui %ge3A_933 : i1 to i32
      %cond3A = arith.constant 0 : i32
      %cond3A_934 = arith.cmpi ne, %convert_element_type3A, %cond3A : i32
      scf.if %cond3A_934 {
        %sub3A_1970 = arith.constant 2 : i32
        %sub3A_1971 = arith.subi %add3A_926, %sub3A_1970 : i32
        %add3A_1972 = arith.addi %mul3A_2, %sub3A_1971 : i32
        %jit3A_1973 = arith.constant 128 : i32
        %div3A_1974 = arith.divsi %add3A_1972, %jit3A_1973 : i32
        %sign3A_1975 = arith.constant 0 : i32
        %sign3A_1976 = arith.cmpi sgt, %add3A_1972, %sign3A_1975 : i32
        %sign3A_1977 = arith.extui %sign3A_1976 : i1 to i32
        %sign3A_1978 = arith.constant 0 : i32
        %sign3A_1979 = arith.cmpi slt, %add3A_1972, %sign3A_1978 : i32
        %sign3A_1980 = arith.extui %sign3A_1979 : i1 to i32
        %sign3A_1981 = arith.subi %sign3A_1977, %sign3A_1980 : i32
        %sign3A_1982 = arith.constant 0 : i32
        %sign3A_1983 = arith.cmpi sgt, %jit3A_1973, %sign3A_1982 : i32
        %sign3A_1984 = arith.extui %sign3A_1983 : i1 to i32
        %sign3A_1985 = arith.constant 0 : i32
        %sign3A_1986 = arith.cmpi slt, %jit3A_1973, %sign3A_1985 : i32
        %sign3A_1987 = arith.extui %sign3A_1986 : i1 to i32
        %sign3A_1988 = arith.subi %sign3A_1984, %sign3A_1987 : i32
        %ne3A_1989 = arith.cmpi ne, %sign3A_1981, %sign3A_1988 : i32
        %rem3A_1990 = arith.remsi %add3A_1972, %jit3A_1973 : i32
        %ne3A_1991 = arith.constant 0 : i32
        %ne3A_1992 = arith.cmpi ne, %rem3A_1990, %ne3A_1991 : i32
        %and3A_1993 = arith.andi %ne3A_1989, %ne3A_1992 : i1
        %sub3A_1994 = arith.constant 1 : i32
        %sub3A_1995 = arith.subi %div3A_1974, %sub3A_1994 : i32
        %select_n3A_1996 = arith.select %and3A_1993, %sub3A_1995, %div3A_1974 : i32
        %jit3A_1997 = arith.constant 128 : i32
        %eq3A_1998 = arith.constant 0 : i32
        %eq3A_1999 = arith.cmpi eq, %jit3A_1997, %eq3A_1998 : i32
        %jit3A_2000 = arith.constant 1 : i32
        %select_n3A_2001 = arith.select %eq3A_1999, %jit3A_2000, %jit3A_1997 : i32
        %rem3A_2002 = arith.remsi %add3A_1972, %select_n3A_2001 : i32
        %ne3A_2003 = arith.constant 0 : i32
        %ne3A_2004 = arith.cmpi ne, %rem3A_2002, %ne3A_2003 : i32
        %lt3A_2005 = arith.constant 0 : i32
        %lt3A_2006 = arith.cmpi slt, %rem3A_2002, %lt3A_2005 : i32
        %lt3A_2007 = arith.constant 0 : i32
        %lt3A_2008 = arith.cmpi slt, %select_n3A_2001, %lt3A_2007 : i32
        %ne3A_2009 = arith.xori %lt3A_2006, %lt3A_2008 : i1
        %and3A_2010 = arith.andi %ne3A_2009, %ne3A_2004 : i1
        %add3A_2011 = arith.addi %rem3A_2002, %select_n3A_2001 : i32
        %select_n3A_2012 = arith.select %and3A_2010, %add3A_2011, %rem3A_2002 : i32
        %dma_wait3A_2013 = arith.constant 0 : i32
        %dma_wait3A_2014 = arith.constant 0 : i32
        %dma_wait3A_2015 = arith.constant 0 : i32
        %dma_wait3A_2016 = tpu.memref_slice %arg8[%dma_wait3A_2014, %dma_wait3A_2015] : memref<64x128xf32, #tpu.memory_space<vmem>> -> memref<8x128xf32, #tpu.memory_space<vmem>>
        %dma_wait3A_2017 = arith.constant 0 : i32
        %dma_wait3A_2018 = arith.constant 0 : i32
        %dma_wait3A_2019 = tpu.memref_slice %arg4[%select_n3A_1996, %dma_wait3A_2013, %select_n3A_2012, %dma_wait3A_2017, %dma_wait3A_2018] : memref<20x8x128x8x128xf32, #tpu.memory_space<hbm>> -> memref<1x1x1x8x128xf32, #tpu.memory_space<hbm>>
        %dma_wait3A_2020 = tpu.memref_squeeze %dma_wait3A_2019 : memref<1x1x1x8x128xf32, #tpu.memory_space<hbm>> -> memref<8x128xf32, #tpu.memory_space<hbm>>
        %dma_wait3A_2021 = arith.constant 0 : i32
        %dma_wait3A_2022 = arith.constant 0 : i32
        %dma_wait3A_2023 = tpu.memref_slice %arg4[%select_n3A_1996, %dma_wait3A_2013, %select_n3A_2012, %dma_wait3A_2021, %dma_wait3A_2022] : memref<20x8x128x8x128xf32, #tpu.memory_space<hbm>> -> memref<1x1x1x8x128xf32, #tpu.memory_space<hbm>>
        %dma_wait3A_2024 = tpu.memref_squeeze %dma_wait3A_2023 : memref<1x1x1x8x128xf32, #tpu.memory_space<hbm>> -> memref<8x128xf32, #tpu.memory_space<hbm>>
        %dma_wait3A_2025 = arith.constant 0 : i32
        %dma_wait3A_2026 = arith.constant 0 : i32
        %dma_wait3A_2027 = tpu.memref_slice %arg8[%dma_wait3A_2025, %dma_wait3A_2026] : memref<64x128xf32, #tpu.memory_space<vmem>> -> memref<8x128xf32, #tpu.memory_space<vmem>>
        tpu.wait_dma2 semaphore(%arg12 : memref<!tpu.dma_semaphore, #tpu.memory_space<semaphore_mem>>) src(%dma_wait3A_2027 : memref<8x128xf32, #tpu.memory_space<vmem>>) dst(%dma_wait3A_2024 : memref<8x128xf32, #tpu.memory_space<hbm>>)
        %add3A_2028 = arith.addi %mul3A_2, %sub3A_1971 : i32
        %jit3A_2029 = arith.constant 128 : i32
        %div3A_2030 = arith.divsi %add3A_2028, %jit3A_2029 : i32
        %sign3A_2031 = arith.constant 0 : i32
        %sign3A_2032 = arith.cmpi sgt, %add3A_2028, %sign3A_2031 : i32
        %sign3A_2033 = arith.extui %sign3A_2032 : i1 to i32
        %sign3A_2034 = arith.constant 0 : i32
        %sign3A_2035 = arith.cmpi slt, %add3A_2028, %sign3A_2034 : i32
        %sign3A_2036 = arith.extui %sign3A_2035 : i1 to i32
        %sign3A_2037 = arith.subi %sign3A_2033, %sign3A_2036 : i32
        %sign3A_2038 = arith.constant 0 : i32
        %sign3A_2039 = arith.cmpi sgt, %jit3A_2029, %sign3A_2038 : i32
        %sign3A_2040 = arith.extui %sign3A_2039 : i1 to i32
        %sign3A_2041 = arith.constant 0 : i32
        %sign3A_2042 = arith.cmpi slt, %jit3A_2029, %sign3A_2041 : i32
        %sign3A_2043 = arith.extui %sign3A_2042 : i1 to i32
        %sign3A_2044 = arith.subi %sign3A_2040, %sign3A_2043 : i32
        %ne3A_2045 = arith.cmpi ne, %sign3A_2037, %sign3A_2044 : i32
        %rem3A_2046 = arith.remsi %add3A_2028, %jit3A_2029 : i32
        %ne3A_2047 = arith.constant 0 : i32
        %ne3A_2048 = arith.cmpi ne, %rem3A_2046, %ne3A_2047 : i32
        %and3A_2049 = arith.andi %ne3A_2045, %ne3A_2048 : i1
        %sub3A_2050 = arith.constant 1 : i32
        %sub3A_2051 = arith.subi %div3A_2030, %sub3A_2050 : i32
        %select_n3A_2052 = arith.select %and3A_2049, %sub3A_2051, %div3A_2030 : i32
        %jit3A_2053 = arith.constant 128 : i32
        %eq3A_2054 = arith.constant 0 : i32
        %eq3A_2055 = arith.cmpi eq, %jit3A_2053, %eq3A_2054 : i32
        %jit3A_2056 = arith.constant 1 : i32
        %select_n3A_2057 = arith.select %eq3A_2055, %jit3A_2056, %jit3A_2053 : i32
        %rem3A_2058 = arith.remsi %add3A_2028, %select_n3A_2057 : i32
        %ne3A_2059 = arith.constant 0 : i32
        %ne3A_2060 = arith.cmpi ne, %rem3A_2058, %ne3A_2059 : i32
        %lt3A_2061 = arith.constant 0 : i32
        %lt3A_2062 = arith.cmpi slt, %rem3A_2058, %lt3A_2061 : i32
        %lt3A_2063 = arith.constant 0 : i32
        %lt3A_2064 = arith.cmpi slt, %select_n3A_2057, %lt3A_2063 : i32
        %ne3A_2065 = arith.xori %lt3A_2062, %lt3A_2064 : i1
        %and3A_2066 = arith.andi %ne3A_2065, %ne3A_2060 : i1
        %add3A_2067 = arith.addi %rem3A_2058, %select_n3A_2057 : i32
        %select_n3A_2068 = arith.select %and3A_2066, %add3A_2067, %rem3A_2058 : i32
        %dma_wait3A_2069 = arith.constant 1 : i32
        %dma_wait3A_2070 = arith.constant 8 : i32
        %dma_wait3A_2071 = arith.constant 0 : i32
        %dma_wait3A_2072 = tpu.memref_slice %arg8[%dma_wait3A_2070, %dma_wait3A_2071] : memref<64x128xf32, #tpu.memory_space<vmem>> -> memref<8x128xf32, #tpu.memory_space<vmem>>
        %dma_wait3A_2073 = arith.constant 0 : i32
        %dma_wait3A_2074 = arith.constant 0 : i32
        %dma_wait3A_2075 = tpu.memref_slice %arg4[%select_n3A_2052, %dma_wait3A_2069, %select_n3A_2068, %dma_wait3A_2073, %dma_wait3A_2074] : memref<20x8x128x8x128xf32, #tpu.memory_space<hbm>> -> memref<1x1x1x8x128xf32, #tpu.memory_space<hbm>>
        %dma_wait3A_2076 = tpu.memref_squeeze %dma_wait3A_2075 : memref<1x1x1x8x128xf32, #tpu.memory_space<hbm>> -> memref<8x128xf32, #tpu.memory_space<hbm>>
        %dma_wait3A_2077 = arith.constant 0 : i32
        %dma_wait3A_2078 = arith.constant 0 : i32
        %dma_wait3A_2079 = tpu.memref_slice %arg4[%select_n3A_2052, %dma_wait3A_2069, %select_n3A_2068, %dma_wait3A_2077, %dma_wait3A_2078] : memref<20x8x128x8x128xf32, #tpu.memory_space<hbm>> -> memref<1x1x1x8x128xf32, #tpu.memory_space<hbm>>
        %dma_wait3A_2080 = tpu.memref_squeeze %dma_wait3A_2079 : memref<1x1x1x8x128xf32, #tpu.memory_space<hbm>> -> memref<8x128xf32, #tpu.memory_space<hbm>>
        %dma_wait3A_2081 = arith.constant 8 : i32
        %dma_wait3A_2082 = arith.constant 0 : i32
        %dma_wait3A_2083 = tpu.memref_slice %arg8[%dma_wait3A_2081, %dma_wait3A_2082] : memref<64x128xf32, #tpu.memory_space<vmem>> -> memref<8x128xf32, #tpu.memory_space<vmem>>
        tpu.wait_dma2 semaphore(%arg12 : memref<!tpu.dma_semaphore, #tpu.memory_space<semaphore_mem>>) src(%dma_wait3A_2083 : memref<8x128xf32, #tpu.memory_space<vmem>>) dst(%dma_wait3A_2080 : memref<8x128xf32, #tpu.memory_space<hbm>>)
        %add3A_2084 = arith.addi %mul3A_2, %sub3A_1971 : i32
        %jit3A_2085 = arith.constant 128 : i32
        %div3A_2086 = arith.divsi %add3A_2084, %jit3A_2085 : i32
        %sign3A_2087 = arith.constant 0 : i32
        %sign3A_2088 = arith.cmpi sgt, %add3A_2084, %sign3A_2087 : i32
        %sign3A_2089 = arith.extui %sign3A_2088 : i1 to i32
        %sign3A_2090 = arith.constant 0 : i32
        %sign3A_2091 = arith.cmpi slt, %add3A_2084, %sign3A_2090 : i32
        %sign3A_2092 = arith.extui %sign3A_2091 : i1 to i32
        %sign3A_2093 = arith.subi %sign3A_2089, %sign3A_2092 : i32
        %sign3A_2094 = arith.constant 0 : i32
        %sign3A_2095 = arith.cmpi sgt, %jit3A_2085, %sign3A_2094 : i32
        %sign3A_2096 = arith.extui %sign3A_2095 : i1 to i32
        %sign3A_2097 = arith.constant 0 : i32
        %sign3A_2098 = arith.cmpi slt, %jit3A_2085, %sign3A_2097 : i32
        %sign3A_2099 = arith.extui %sign3A_2098 : i1 to i32
        %sign3A_2100 = arith.subi %sign3A_2096, %sign3A_2099 : i32
        %ne3A_2101 = arith.cmpi ne, %sign3A_2093, %sign3A_2100 : i32
        %rem3A_2102 = arith.remsi %add3A_2084, %jit3A_2085 : i32
        %ne3A_2103 = arith.constant 0 : i32
        %ne3A_2104 = arith.cmpi ne, %rem3A_2102, %ne3A_2103 : i32
        %and3A_2105 = arith.andi %ne3A_2101, %ne3A_2104 : i1
        %sub3A_2106 = arith.constant 1 : i32
        %sub3A_2107 = arith.subi %div3A_2086, %sub3A_2106 : i32
        %select_n3A_2108 = arith.select %and3A_2105, %sub3A_2107, %div3A_2086 : i32
        %jit3A_2109 = arith.constant 128 : i32
        %eq3A_2110 = arith.constant 0 : i32
        %eq3A_2111 = arith.cmpi eq, %jit3A_2109, %eq3A_2110 : i32
        %jit3A_2112 = arith.constant 1 : i32
        %select_n3A_2113 = arith.select %eq3A_2111, %jit3A_2112, %jit3A_2109 : i32
        %rem3A_2114 = arith.remsi %add3A_2084, %select_n3A_2113 : i32
        %ne3A_2115 = arith.constant 0 : i32
        %ne3A_2116 = arith.cmpi ne, %rem3A_2114, %ne3A_2115 : i32
        %lt3A_2117 = arith.constant 0 : i32
        %lt3A_2118 = arith.cmpi slt, %rem3A_2114, %lt3A_2117 : i32
        %lt3A_2119 = arith.constant 0 : i32
        %lt3A_2120 = arith.cmpi slt, %select_n3A_2113, %lt3A_2119 : i32
        %ne3A_2121 = arith.xori %lt3A_2118, %lt3A_2120 : i1
        %and3A_2122 = arith.andi %ne3A_2121, %ne3A_2116 : i1
        %add3A_2123 = arith.addi %rem3A_2114, %select_n3A_2113 : i32
        %select_n3A_2124 = arith.select %and3A_2122, %add3A_2123, %rem3A_2114 : i32
        %dma_wait3A_2125 = arith.constant 2 : i32
        %dma_wait3A_2126 = arith.constant 16 : i32
        %dma_wait3A_2127 = arith.constant 0 : i32
        %dma_wait3A_2128 = tpu.memref_slice %arg8[%dma_wait3A_2126, %dma_wait3A_2127] : memref<64x128xf32, #tpu.memory_space<vmem>> -> memref<8x128xf32, #tpu.memory_space<vmem>>
        %dma_wait3A_2129 = arith.constant 0 : i32
        %dma_wait3A_2130 = arith.constant 0 : i32
        %dma_wait3A_2131 = tpu.memref_slice %arg4[%select_n3A_2108, %dma_wait3A_2125, %select_n3A_2124, %dma_wait3A_2129, %dma_wait3A_2130] : memref<20x8x128x8x128xf32, #tpu.memory_space<hbm>> -> memref<1x1x1x8x128xf32, #tpu.memory_space<hbm>>
        %dma_wait3A_2132 = tpu.memref_squeeze %dma_wait3A_2131 : memref<1x1x1x8x128xf32, #tpu.memory_space<hbm>> -> memref<8x128xf32, #tpu.memory_space<hbm>>
        %dma_wait3A_2133 = arith.constant 0 : i32
        %dma_wait3A_2134 = arith.constant 0 : i32
        %dma_wait3A_2135 = tpu.memref_slice %arg4[%select_n3A_2108, %dma_wait3A_2125, %select_n3A_2124, %dma_wait3A_2133, %dma_wait3A_2134] : memref<20x8x128x8x128xf32, #tpu.memory_space<hbm>> -> memref<1x1x1x8x128xf32, #tpu.memory_space<hbm>>
        %dma_wait3A_2136 = tpu.memref_squeeze %dma_wait3A_2135 : memref<1x1x1x8x128xf32, #tpu.memory_space<hbm>> -> memref<8x128xf32, #tpu.memory_space<hbm>>
        %dma_wait3A_2137 = arith.constant 16 : i32
        %dma_wait3A_2138 = arith.constant 0 : i32
        %dma_wait3A_2139 = tpu.memref_slice %arg8[%dma_wait3A_2137, %dma_wait3A_2138] : memref<64x128xf32, #tpu.memory_space<vmem>> -> memref<8x128xf32, #tpu.memory_space<vmem>>
        tpu.wait_dma2 semaphore(%arg12 : memref<!tpu.dma_semaphore, #tpu.memory_space<semaphore_mem>>) src(%dma_wait3A_2139 : memref<8x128xf32, #tpu.memory_space<vmem>>) dst(%dma_wait3A_2136 : memref<8x128xf32, #tpu.memory_space<hbm>>)
        %add3A_2140 = arith.addi %mul3A_2, %sub3A_1971 : i32
        %jit3A_2141 = arith.constant 128 : i32
        %div3A_2142 = arith.divsi %add3A_2140, %jit3A_2141 : i32
        %sign3A_2143 = arith.constant 0 : i32
        %sign3A_2144 = arith.cmpi sgt, %add3A_2140, %sign3A_2143 : i32
        %sign3A_2145 = arith.extui %sign3A_2144 : i1 to i32
        %sign3A_2146 = arith.constant 0 : i32
        %sign3A_2147 = arith.cmpi slt, %add3A_2140, %sign3A_2146 : i32
        %sign3A_2148 = arith.extui %sign3A_2147 : i1 to i32
        %sign3A_2149 = arith.subi %sign3A_2145, %sign3A_2148 : i32
        %sign3A_2150 = arith.constant 0 : i32
        %sign3A_2151 = arith.cmpi sgt, %jit3A_2141, %sign3A_2150 : i32
        %sign3A_2152 = arith.extui %sign3A_2151 : i1 to i32
        %sign3A_2153 = arith.constant 0 : i32
        %sign3A_2154 = arith.cmpi slt, %jit3A_2141, %sign3A_2153 : i32
        %sign3A_2155 = arith.extui %sign3A_2154 : i1 to i32
        %sign3A_2156 = arith.subi %sign3A_2152, %sign3A_2155 : i32
        %ne3A_2157 = arith.cmpi ne, %sign3A_2149, %sign3A_2156 : i32
        %rem3A_2158 = arith.remsi %add3A_2140, %jit3A_2141 : i32
        %ne3A_2159 = arith.constant 0 : i32
        %ne3A_2160 = arith.cmpi ne, %rem3A_2158, %ne3A_2159 : i32
        %and3A_2161 = arith.andi %ne3A_2157, %ne3A_2160 : i1
        %sub3A_2162 = arith.constant 1 : i32
        %sub3A_2163 = arith.subi %div3A_2142, %sub3A_2162 : i32
        %select_n3A_2164 = arith.select %and3A_2161, %sub3A_2163, %div3A_2142 : i32
        %jit3A_2165 = arith.constant 128 : i32
        %eq3A_2166 = arith.constant 0 : i32
        %eq3A_2167 = arith.cmpi eq, %jit3A_2165, %eq3A_2166 : i32
        %jit3A_2168 = arith.constant 1 : i32
        %select_n3A_2169 = arith.select %eq3A_2167, %jit3A_2168, %jit3A_2165 : i32
        %rem3A_2170 = arith.remsi %add3A_2140, %select_n3A_2169 : i32
        %ne3A_2171 = arith.constant 0 : i32
        %ne3A_2172 = arith.cmpi ne, %rem3A_2170, %ne3A_2171 : i32
        %lt3A_2173 = arith.constant 0 : i32
        %lt3A_2174 = arith.cmpi slt, %rem3A_2170, %lt3A_2173 : i32
        %lt3A_2175 = arith.constant 0 : i32
        %lt3A_2176 = arith.cmpi slt, %select_n3A_2169, %lt3A_2175 : i32
        %ne3A_2177 = arith.xori %lt3A_2174, %lt3A_2176 : i1
        %and3A_2178 = arith.andi %ne3A_2177, %ne3A_2172 : i1
        %add3A_2179 = arith.addi %rem3A_2170, %select_n3A_2169 : i32
        %select_n3A_2180 = arith.select %and3A_2178, %add3A_2179, %rem3A_2170 : i32
        %dma_wait3A_2181 = arith.constant 3 : i32
        %dma_wait3A_2182 = arith.constant 24 : i32
        %dma_wait3A_2183 = arith.constant 0 : i32
        %dma_wait3A_2184 = tpu.memref_slice %arg8[%dma_wait3A_2182, %dma_wait3A_2183] : memref<64x128xf32, #tpu.memory_space<vmem>> -> memref<8x128xf32, #tpu.memory_space<vmem>>
        %dma_wait3A_2185 = arith.constant 0 : i32
        %dma_wait3A_2186 = arith.constant 0 : i32
        %dma_wait3A_2187 = tpu.memref_slice %arg4[%select_n3A_2164, %dma_wait3A_2181, %select_n3A_2180, %dma_wait3A_2185, %dma_wait3A_2186] : memref<20x8x128x8x128xf32, #tpu.memory_space<hbm>> -> memref<1x1x1x8x128xf32, #tpu.memory_space<hbm>>
        %dma_wait3A_2188 = tpu.memref_squeeze %dma_wait3A_2187 : memref<1x1x1x8x128xf32, #tpu.memory_space<hbm>> -> memref<8x128xf32, #tpu.memory_space<hbm>>
        %dma_wait3A_2189 = arith.constant 0 : i32
        %dma_wait3A_2190 = arith.constant 0 : i32
        %dma_wait3A_2191 = tpu.memref_slice %arg4[%select_n3A_2164, %dma_wait3A_2181, %select_n3A_2180, %dma_wait3A_2189, %dma_wait3A_2190] : memref<20x8x128x8x128xf32, #tpu.memory_space<hbm>> -> memref<1x1x1x8x128xf32, #tpu.memory_space<hbm>>
        %dma_wait3A_2192 = tpu.memref_squeeze %dma_wait3A_2191 : memref<1x1x1x8x128xf32, #tpu.memory_space<hbm>> -> memref<8x128xf32, #tpu.memory_space<hbm>>
        %dma_wait3A_2193 = arith.constant 24 : i32
        %dma_wait3A_2194 = arith.constant 0 : i32
        %dma_wait3A_2195 = tpu.memref_slice %arg8[%dma_wait3A_2193, %dma_wait3A_2194] : memref<64x128xf32, #tpu.memory_space<vmem>> -> memref<8x128xf32, #tpu.memory_space<vmem>>
        tpu.wait_dma2 semaphore(%arg12 : memref<!tpu.dma_semaphore, #tpu.memory_space<semaphore_mem>>) src(%dma_wait3A_2195 : memref<8x128xf32, #tpu.memory_space<vmem>>) dst(%dma_wait3A_2192 : memref<8x128xf32, #tpu.memory_space<hbm>>)
        %add3A_2196 = arith.addi %mul3A_2, %sub3A_1971 : i32
        %jit3A_2197 = arith.constant 128 : i32
        %div3A_2198 = arith.divsi %add3A_2196, %jit3A_2197 : i32
        %sign3A_2199 = arith.constant 0 : i32
        %sign3A_2200 = arith.cmpi sgt, %add3A_2196, %sign3A_2199 : i32
        %sign3A_2201 = arith.extui %sign3A_2200 : i1 to i32
        %sign3A_2202 = arith.constant 0 : i32
        %sign3A_2203 = arith.cmpi slt, %add3A_2196, %sign3A_2202 : i32
        %sign3A_2204 = arith.extui %sign3A_2203 : i1 to i32
        %sign3A_2205 = arith.subi %sign3A_2201, %sign3A_2204 : i32
        %sign3A_2206 = arith.constant 0 : i32
        %sign3A_2207 = arith.cmpi sgt, %jit3A_2197, %sign3A_2206 : i32
        %sign3A_2208 = arith.extui %sign3A_2207 : i1 to i32
        %sign3A_2209 = arith.constant 0 : i32
        %sign3A_2210 = arith.cmpi slt, %jit3A_2197, %sign3A_2209 : i32
        %sign3A_2211 = arith.extui %sign3A_2210 : i1 to i32
        %sign3A_2212 = arith.subi %sign3A_2208, %sign3A_2211 : i32
        %ne3A_2213 = arith.cmpi ne, %sign3A_2205, %sign3A_2212 : i32
        %rem3A_2214 = arith.remsi %add3A_2196, %jit3A_2197 : i32
        %ne3A_2215 = arith.constant 0 : i32
        %ne3A_2216 = arith.cmpi ne, %rem3A_2214, %ne3A_2215 : i32
        %and3A_2217 = arith.andi %ne3A_2213, %ne3A_2216 : i1
        %sub3A_2218 = arith.constant 1 : i32
        %sub3A_2219 = arith.subi %div3A_2198, %sub3A_2218 : i32
        %select_n3A_2220 = arith.select %and3A_2217, %sub3A_2219, %div3A_2198 : i32
        %jit3A_2221 = arith.constant 128 : i32
        %eq3A_2222 = arith.constant 0 : i32
        %eq3A_2223 = arith.cmpi eq, %jit3A_2221, %eq3A_2222 : i32
        %jit3A_2224 = arith.constant 1 : i32
        %select_n3A_2225 = arith.select %eq3A_2223, %jit3A_2224, %jit3A_2221 : i32
        %rem3A_2226 = arith.remsi %add3A_2196, %select_n3A_2225 : i32
        %ne3A_2227 = arith.constant 0 : i32
        %ne3A_2228 = arith.cmpi ne, %rem3A_2226, %ne3A_2227 : i32
        %lt3A_2229 = arith.constant 0 : i32
        %lt3A_2230 = arith.cmpi slt, %rem3A_2226, %lt3A_2229 : i32
        %lt3A_2231 = arith.constant 0 : i32
        %lt3A_2232 = arith.cmpi slt, %select_n3A_2225, %lt3A_2231 : i32
        %ne3A_2233 = arith.xori %lt3A_2230, %lt3A_2232 : i1
        %and3A_2234 = arith.andi %ne3A_2233, %ne3A_2228 : i1
        %add3A_2235 = arith.addi %rem3A_2226, %select_n3A_2225 : i32
        %select_n3A_2236 = arith.select %and3A_2234, %add3A_2235, %rem3A_2226 : i32
        %dma_wait3A_2237 = arith.constant 4 : i32
        %dma_wait3A_2238 = arith.constant 32 : i32
        %dma_wait3A_2239 = arith.constant 0 : i32
        %dma_wait3A_2240 = tpu.memref_slice %arg8[%dma_wait3A_2238, %dma_wait3A_2239] : memref<64x128xf32, #tpu.memory_space<vmem>> -> memref<8x128xf32, #tpu.memory_space<vmem>>
        %dma_wait3A_2241 = arith.constant 0 : i32
        %dma_wait3A_2242 = arith.constant 0 : i32
        %dma_wait3A_2243 = tpu.memref_slice %arg4[%select_n3A_2220, %dma_wait3A_2237, %select_n3A_2236, %dma_wait3A_2241, %dma_wait3A_2242] : memref<20x8x128x8x128xf32, #tpu.memory_space<hbm>> -> memref<1x1x1x8x128xf32, #tpu.memory_space<hbm>>
        %dma_wait3A_2244 = tpu.memref_squeeze %dma_wait3A_2243 : memref<1x1x1x8x128xf32, #tpu.memory_space<hbm>> -> memref<8x128xf32, #tpu.memory_space<hbm>>
        %dma_wait3A_2245 = arith.constant 0 : i32
        %dma_wait3A_2246 = arith.constant 0 : i32
        %dma_wait3A_2247 = tpu.memref_slice %arg4[%select_n3A_2220, %dma_wait3A_2237, %select_n3A_2236, %dma_wait3A_2245, %dma_wait3A_2246] : memref<20x8x128x8x128xf32, #tpu.memory_space<hbm>> -> memref<1x1x1x8x128xf32, #tpu.memory_space<hbm>>
        %dma_wait3A_2248 = tpu.memref_squeeze %dma_wait3A_2247 : memref<1x1x1x8x128xf32, #tpu.memory_space<hbm>> -> memref<8x128xf32, #tpu.memory_space<hbm>>
        %dma_wait3A_2249 = arith.constant 32 : i32
        %dma_wait3A_2250 = arith.constant 0 : i32
        %dma_wait3A_2251 = tpu.memref_slice %arg8[%dma_wait3A_2249, %dma_wait3A_2250] : memref<64x128xf32, #tpu.memory_space<vmem>> -> memref<8x128xf32, #tpu.memory_space<vmem>>
        tpu.wait_dma2 semaphore(%arg12 : memref<!tpu.dma_semaphore, #tpu.memory_space<semaphore_mem>>) src(%dma_wait3A_2251 : memref<8x128xf32, #tpu.memory_space<vmem>>) dst(%dma_wait3A_2248 : memref<8x128xf32, #tpu.memory_space<hbm>>)
        %add3A_2252 = arith.addi %mul3A_2, %sub3A_1971 : i32
        %jit3A_2253 = arith.constant 128 : i32
        %div3A_2254 = arith.divsi %add3A_2252, %jit3A_2253 : i32
        %sign3A_2255 = arith.constant 0 : i32
        %sign3A_2256 = arith.cmpi sgt, %add3A_2252, %sign3A_2255 : i32
        %sign3A_2257 = arith.extui %sign3A_2256 : i1 to i32
        %sign3A_2258 = arith.constant 0 : i32
        %sign3A_2259 = arith.cmpi slt, %add3A_2252, %sign3A_2258 : i32
        %sign3A_2260 = arith.extui %sign3A_2259 : i1 to i32
        %sign3A_2261 = arith.subi %sign3A_2257, %sign3A_2260 : i32
        %sign3A_2262 = arith.constant 0 : i32
        %sign3A_2263 = arith.cmpi sgt, %jit3A_2253, %sign3A_2262 : i32
        %sign3A_2264 = arith.extui %sign3A_2263 : i1 to i32
        %sign3A_2265 = arith.constant 0 : i32
        %sign3A_2266 = arith.cmpi slt, %jit3A_2253, %sign3A_2265 : i32
        %sign3A_2267 = arith.extui %sign3A_2266 : i1 to i32
        %sign3A_2268 = arith.subi %sign3A_2264, %sign3A_2267 : i32
        %ne3A_2269 = arith.cmpi ne, %sign3A_2261, %sign3A_2268 : i32
        %rem3A_2270 = arith.remsi %add3A_2252, %jit3A_2253 : i32
        %ne3A_2271 = arith.constant 0 : i32
        %ne3A_2272 = arith.cmpi ne, %rem3A_2270, %ne3A_2271 : i32
        %and3A_2273 = arith.andi %ne3A_2269, %ne3A_2272 : i1
        %sub3A_2274 = arith.constant 1 : i32
        %sub3A_2275 = arith.subi %div3A_2254, %sub3A_2274 : i32
        %select_n3A_2276 = arith.select %and3A_2273, %sub3A_2275, %div3A_2254 : i32
        %jit3A_2277 = arith.constant 128 : i32
        %eq3A_2278 = arith.constant 0 : i32
        %eq3A_2279 = arith.cmpi eq, %jit3A_2277, %eq3A_2278 : i32
        %jit3A_2280 = arith.constant 1 : i32
        %select_n3A_2281 = arith.select %eq3A_2279, %jit3A_2280, %jit3A_2277 : i32
        %rem3A_2282 = arith.remsi %add3A_2252, %select_n3A_2281 : i32
        %ne3A_2283 = arith.constant 0 : i32
        %ne3A_2284 = arith.cmpi ne, %rem3A_2282, %ne3A_2283 : i32
        %lt3A_2285 = arith.constant 0 : i32
        %lt3A_2286 = arith.cmpi slt, %rem3A_2282, %lt3A_2285 : i32
        %lt3A_2287 = arith.constant 0 : i32
        %lt3A_2288 = arith.cmpi slt, %select_n3A_2281, %lt3A_2287 : i32
        %ne3A_2289 = arith.xori %lt3A_2286, %lt3A_2288 : i1
        %and3A_2290 = arith.andi %ne3A_2289, %ne3A_2284 : i1
        %add3A_2291 = arith.addi %rem3A_2282, %select_n3A_2281 : i32
        %select_n3A_2292 = arith.select %and3A_2290, %add3A_2291, %rem3A_2282 : i32
        %dma_wait3A_2293 = arith.constant 5 : i32
        %dma_wait3A_2294 = arith.constant 40 : i32
        %dma_wait3A_2295 = arith.constant 0 : i32
        %dma_wait3A_2296 = tpu.memref_slice %arg8[%dma_wait3A_2294, %dma_wait3A_2295] : memref<64x128xf32, #tpu.memory_space<vmem>> -> memref<8x128xf32, #tpu.memory_space<vmem>>
        %dma_wait3A_2297 = arith.constant 0 : i32
        %dma_wait3A_2298 = arith.constant 0 : i32
        %dma_wait3A_2299 = tpu.memref_slice %arg4[%select_n3A_2276, %dma_wait3A_2293, %select_n3A_2292, %dma_wait3A_2297, %dma_wait3A_2298] : memref<20x8x128x8x128xf32, #tpu.memory_space<hbm>> -> memref<1x1x1x8x128xf32, #tpu.memory_space<hbm>>
        %dma_wait3A_2300 = tpu.memref_squeeze %dma_wait3A_2299 : memref<1x1x1x8x128xf32, #tpu.memory_space<hbm>> -> memref<8x128xf32, #tpu.memory_space<hbm>>
        %dma_wait3A_2301 = arith.constant 0 : i32
        %dma_wait3A_2302 = arith.constant 0 : i32
        %dma_wait3A_2303 = tpu.memref_slice %arg4[%select_n3A_2276, %dma_wait3A_2293, %select_n3A_2292, %dma_wait3A_2301, %dma_wait3A_2302] : memref<20x8x128x8x128xf32, #tpu.memory_space<hbm>> -> memref<1x1x1x8x128xf32, #tpu.memory_space<hbm>>
        %dma_wait3A_2304 = tpu.memref_squeeze %dma_wait3A_2303 : memref<1x1x1x8x128xf32, #tpu.memory_space<hbm>> -> memref<8x128xf32, #tpu.memory_space<hbm>>
        %dma_wait3A_2305 = arith.constant 40 : i32
        %dma_wait3A_2306 = arith.constant 0 : i32
        %dma_wait3A_2307 = tpu.memref_slice %arg8[%dma_wait3A_2305, %dma_wait3A_2306] : memref<64x128xf32, #tpu.memory_space<vmem>> -> memref<8x128xf32, #tpu.memory_space<vmem>>
        tpu.wait_dma2 semaphore(%arg12 : memref<!tpu.dma_semaphore, #tpu.memory_space<semaphore_mem>>) src(%dma_wait3A_2307 : memref<8x128xf32, #tpu.memory_space<vmem>>) dst(%dma_wait3A_2304 : memref<8x128xf32, #tpu.memory_space<hbm>>)
        %add3A_2308 = arith.addi %mul3A_2, %sub3A_1971 : i32
        %jit3A_2309 = arith.constant 128 : i32
        %div3A_2310 = arith.divsi %add3A_2308, %jit3A_2309 : i32
        %sign3A_2311 = arith.constant 0 : i32
        %sign3A_2312 = arith.cmpi sgt, %add3A_2308, %sign3A_2311 : i32
        %sign3A_2313 = arith.extui %sign3A_2312 : i1 to i32
        %sign3A_2314 = arith.constant 0 : i32
        %sign3A_2315 = arith.cmpi slt, %add3A_2308, %sign3A_2314 : i32
        %sign3A_2316 = arith.extui %sign3A_2315 : i1 to i32
        %sign3A_2317 = arith.subi %sign3A_2313, %sign3A_2316 : i32
        %sign3A_2318 = arith.constant 0 : i32
        %sign3A_2319 = arith.cmpi sgt, %jit3A_2309, %sign3A_2318 : i32
        %sign3A_2320 = arith.extui %sign3A_2319 : i1 to i32
        %sign3A_2321 = arith.constant 0 : i32
        %sign3A_2322 = arith.cmpi slt, %jit3A_2309, %sign3A_2321 : i32
        %sign3A_2323 = arith.extui %sign3A_2322 : i1 to i32
        %sign3A_2324 = arith.subi %sign3A_2320, %sign3A_2323 : i32
        %ne3A_2325 = arith.cmpi ne, %sign3A_2317, %sign3A_2324 : i32
        %rem3A_2326 = arith.remsi %add3A_2308, %jit3A_2309 : i32
        %ne3A_2327 = arith.constant 0 : i32
        %ne3A_2328 = arith.cmpi ne, %rem3A_2326, %ne3A_2327 : i32
        %and3A_2329 = arith.andi %ne3A_2325, %ne3A_2328 : i1
        %sub3A_2330 = arith.constant 1 : i32
        %sub3A_2331 = arith.subi %div3A_2310, %sub3A_2330 : i32
        %select_n3A_2332 = arith.select %and3A_2329, %sub3A_2331, %div3A_2310 : i32
        %jit3A_2333 = arith.constant 128 : i32
        %eq3A_2334 = arith.constant 0 : i32
        %eq3A_2335 = arith.cmpi eq, %jit3A_2333, %eq3A_2334 : i32
        %jit3A_2336 = arith.constant 1 : i32
        %select_n3A_2337 = arith.select %eq3A_2335, %jit3A_2336, %jit3A_2333 : i32
        %rem3A_2338 = arith.remsi %add3A_2308, %select_n3A_2337 : i32
        %ne3A_2339 = arith.constant 0 : i32
        %ne3A_2340 = arith.cmpi ne, %rem3A_2338, %ne3A_2339 : i32
        %lt3A_2341 = arith.constant 0 : i32
        %lt3A_2342 = arith.cmpi slt, %rem3A_2338, %lt3A_2341 : i32
        %lt3A_2343 = arith.constant 0 : i32
        %lt3A_2344 = arith.cmpi slt, %select_n3A_2337, %lt3A_2343 : i32
        %ne3A_2345 = arith.xori %lt3A_2342, %lt3A_2344 : i1
        %and3A_2346 = arith.andi %ne3A_2345, %ne3A_2340 : i1
        %add3A_2347 = arith.addi %rem3A_2338, %select_n3A_2337 : i32
        %select_n3A_2348 = arith.select %and3A_2346, %add3A_2347, %rem3A_2338 : i32
        %dma_wait3A_2349 = arith.constant 6 : i32
        %dma_wait3A_2350 = arith.constant 48 : i32
        %dma_wait3A_2351 = arith.constant 0 : i32
        %dma_wait3A_2352 = tpu.memref_slice %arg8[%dma_wait3A_2350, %dma_wait3A_2351] : memref<64x128xf32, #tpu.memory_space<vmem>> -> memref<8x128xf32, #tpu.memory_space<vmem>>
        %dma_wait3A_2353 = arith.constant 0 : i32
        %dma_wait3A_2354 = arith.constant 0 : i32
        %dma_wait3A_2355 = tpu.memref_slice %arg4[%select_n3A_2332, %dma_wait3A_2349, %select_n3A_2348, %dma_wait3A_2353, %dma_wait3A_2354] : memref<20x8x128x8x128xf32, #tpu.memory_space<hbm>> -> memref<1x1x1x8x128xf32, #tpu.memory_space<hbm>>
        %dma_wait3A_2356 = tpu.memref_squeeze %dma_wait3A_2355 : memref<1x1x1x8x128xf32, #tpu.memory_space<hbm>> -> memref<8x128xf32, #tpu.memory_space<hbm>>
        %dma_wait3A_2357 = arith.constant 0 : i32
        %dma_wait3A_2358 = arith.constant 0 : i32
        %dma_wait3A_2359 = tpu.memref_slice %arg4[%select_n3A_2332, %dma_wait3A_2349, %select_n3A_2348, %dma_wait3A_2357, %dma_wait3A_2358] : memref<20x8x128x8x128xf32, #tpu.memory_space<hbm>> -> memref<1x1x1x8x128xf32, #tpu.memory_space<hbm>>
        %dma_wait3A_2360 = tpu.memref_squeeze %dma_wait3A_2359 : memref<1x1x1x8x128xf32, #tpu.memory_space<hbm>> -> memref<8x128xf32, #tpu.memory_space<hbm>>
        %dma_wait3A_2361 = arith.constant 48 : i32
        %dma_wait3A_2362 = arith.constant 0 : i32
        %dma_wait3A_2363 = tpu.memref_slice %arg8[%dma_wait3A_2361, %dma_wait3A_2362] : memref<64x128xf32, #tpu.memory_space<vmem>> -> memref<8x128xf32, #tpu.memory_space<vmem>>
        tpu.wait_dma2 semaphore(%arg12 : memref<!tpu.dma_semaphore, #tpu.memory_space<semaphore_mem>>) src(%dma_wait3A_2363 : memref<8x128xf32, #tpu.memory_space<vmem>>) dst(%dma_wait3A_2360 : memref<8x128xf32, #tpu.memory_space<hbm>>)
        %add3A_2364 = arith.addi %mul3A_2, %sub3A_1971 : i32
        %jit3A_2365 = arith.constant 128 : i32
        %div3A_2366 = arith.divsi %add3A_2364, %jit3A_2365 : i32
        %sign3A_2367 = arith.constant 0 : i32
        %sign3A_2368 = arith.cmpi sgt, %add3A_2364, %sign3A_2367 : i32
        %sign3A_2369 = arith.extui %sign3A_2368 : i1 to i32
        %sign3A_2370 = arith.constant 0 : i32
        %sign3A_2371 = arith.cmpi slt, %add3A_2364, %sign3A_2370 : i32
        %sign3A_2372 = arith.extui %sign3A_2371 : i1 to i32
        %sign3A_2373 = arith.subi %sign3A_2369, %sign3A_2372 : i32
        %sign3A_2374 = arith.constant 0 : i32
        %sign3A_2375 = arith.cmpi sgt, %jit3A_2365, %sign3A_2374 : i32
        %sign3A_2376 = arith.extui %sign3A_2375 : i1 to i32
        %sign3A_2377 = arith.constant 0 : i32
        %sign3A_2378 = arith.cmpi slt, %jit3A_2365, %sign3A_2377 : i32
        %sign3A_2379 = arith.extui %sign3A_2378 : i1 to i32
        %sign3A_2380 = arith.subi %sign3A_2376, %sign3A_2379 : i32
        %ne3A_2381 = arith.cmpi ne, %sign3A_2373, %sign3A_2380 : i32
        %rem3A_2382 = arith.remsi %add3A_2364, %jit3A_2365 : i32
        %ne3A_2383 = arith.constant 0 : i32
        %ne3A_2384 = arith.cmpi ne, %rem3A_2382, %ne3A_2383 : i32
        %and3A_2385 = arith.andi %ne3A_2381, %ne3A_2384 : i1
        %sub3A_2386 = arith.constant 1 : i32
        %sub3A_2387 = arith.subi %div3A_2366, %sub3A_2386 : i32
        %select_n3A_2388 = arith.select %and3A_2385, %sub3A_2387, %div3A_2366 : i32
        %jit3A_2389 = arith.constant 128 : i32
        %eq3A_2390 = arith.constant 0 : i32
        %eq3A_2391 = arith.cmpi eq, %jit3A_2389, %eq3A_2390 : i32
        %jit3A_2392 = arith.constant 1 : i32
        %select_n3A_2393 = arith.select %eq3A_2391, %jit3A_2392, %jit3A_2389 : i32
        %rem3A_2394 = arith.remsi %add3A_2364, %select_n3A_2393 : i32
        %ne3A_2395 = arith.constant 0 : i32
        %ne3A_2396 = arith.cmpi ne, %rem3A_2394, %ne3A_2395 : i32
        %lt3A_2397 = arith.constant 0 : i32
        %lt3A_2398 = arith.cmpi slt, %rem3A_2394, %lt3A_2397 : i32
        %lt3A_2399 = arith.constant 0 : i32
        %lt3A_2400 = arith.cmpi slt, %select_n3A_2393, %lt3A_2399 : i32
        %ne3A_2401 = arith.xori %lt3A_2398, %lt3A_2400 : i1
        %and3A_2402 = arith.andi %ne3A_2401, %ne3A_2396 : i1
        %add3A_2403 = arith.addi %rem3A_2394, %select_n3A_2393 : i32
        %select_n3A_2404 = arith.select %and3A_2402, %add3A_2403, %rem3A_2394 : i32
        %dma_wait3A_2405 = arith.constant 7 : i32
        %dma_wait3A_2406 = arith.constant 56 : i32
        %dma_wait3A_2407 = arith.constant 0 : i32
        %dma_wait3A_2408 = tpu.memref_slice %arg8[%dma_wait3A_2406, %dma_wait3A_2407] : memref<64x128xf32, #tpu.memory_space<vmem>> -> memref<8x128xf32, #tpu.memory_space<vmem>>
        %dma_wait3A_2409 = arith.constant 0 : i32
        %dma_wait3A_2410 = arith.constant 0 : i32
        %dma_wait3A_2411 = tpu.memref_slice %arg4[%select_n3A_2388, %dma_wait3A_2405, %select_n3A_2404, %dma_wait3A_2409, %dma_wait3A_2410] : memref<20x8x128x8x128xf32, #tpu.memory_space<hbm>> -> memref<1x1x1x8x128xf32, #tpu.memory_space<hbm>>
        %dma_wait3A_2412 = tpu.memref_squeeze %dma_wait3A_2411 : memref<1x1x1x8x128xf32, #tpu.memory_space<hbm>> -> memref<8x128xf32, #tpu.memory_space<hbm>>
        %dma_wait3A_2413 = arith.constant 0 : i32
        %dma_wait3A_2414 = arith.constant 0 : i32
        %dma_wait3A_2415 = tpu.memref_slice %arg4[%select_n3A_2388, %dma_wait3A_2405, %select_n3A_2404, %dma_wait3A_2413, %dma_wait3A_2414] : memref<20x8x128x8x128xf32, #tpu.memory_space<hbm>> -> memref<1x1x1x8x128xf32, #tpu.memory_space<hbm>>
        %dma_wait3A_2416 = tpu.memref_squeeze %dma_wait3A_2415 : memref<1x1x1x8x128xf32, #tpu.memory_space<hbm>> -> memref<8x128xf32, #tpu.memory_space<hbm>>
        %dma_wait3A_2417 = arith.constant 56 : i32
        %dma_wait3A_2418 = arith.constant 0 : i32
        %dma_wait3A_2419 = tpu.memref_slice %arg8[%dma_wait3A_2417, %dma_wait3A_2418] : memref<64x128xf32, #tpu.memory_space<vmem>> -> memref<8x128xf32, #tpu.memory_space<vmem>>
        tpu.wait_dma2 semaphore(%arg12 : memref<!tpu.dma_semaphore, #tpu.memory_space<semaphore_mem>>) src(%dma_wait3A_2419 : memref<8x128xf32, #tpu.memory_space<vmem>>) dst(%dma_wait3A_2416 : memref<8x128xf32, #tpu.memory_space<hbm>>)
      } else {
      }
      %iota3A = tpu.iota {dimensions = array<i32: 0>} : vector<16xi32>
      %add3A_935 = arith.constant 0 : i32
      %add3A_936 = vector.broadcast %add3A_935 : i32 to vector<16xi32>
      %add3A_937 = arith.addi %iota3A, %add3A_936 : vector<16xi32>
      %parallel_loop3A = arith.constant 0 : i32
      %parallel_loop3A_938 = arith.constant 64 : i32
      %parallel_loop3A_939 = arith.constant 1 : i32
      scf.for %parallel_loop3A_1970 = %parallel_loop3A to %parallel_loop3A_938 step %parallel_loop3A_939  : i32 {
        %parallel_loop3A_1971 = arith.constant 0 : i32
        %parallel_loop3A_1972 = vector.broadcast %parallel_loop3A_1971 : i32 to vector<16xi32>
        %parallel_loop3A_1973 = vector.broadcast %parallel_loop3A_1970 : i32 to vector<16xi32>
        %parallel_loop3A_1974 = arith.addi %parallel_loop3A_1972, %parallel_loop3A_1973 : vector<16xi32>
        %parallel_loop3A_1975 = tpu.vector_load_idx %arg6[%add3A_937, %parallel_loop3A_1974] : memref<128x64xf32, #tpu.memory_space<vmem>>[vector<16xi32>, vector<16xi32>], vector<16xf32>,
        %parallel_loop3A_1976 = arith.index_cast %parallel_loop3A_1970 : i32 to index
        %parallel_loop3A_1977 = arith.constant 0 : index
        %parallel_loop3A_1978 = tpu.vector_load %arg8[%parallel_loop3A_1976, %parallel_loop3A_1977] {strides = array<i32>} : memref<64x128xf32, #tpu.memory_space<vmem>>, vector<16xf32>,
        tpu.vector_store %arg8[%parallel_loop3A_1976, %parallel_loop3A_1977], %parallel_loop3A_1975 {strides = array<i32>} : memref<64x128xf32, #tpu.memory_space<vmem>>, vector<16xf32>,
      } {sc.loop_unroll_factor = 8 : i64, sc.parallel_access}
      %iota3A_940 = tpu.iota {dimensions = array<i32: 0>} : vector<16xi32>
      %add3A_941 = arith.constant 16 : i32
      %add3A_942 = vector.broadcast %add3A_941 : i32 to vector<16xi32>
      %add3A_943 = arith.addi %iota3A_940, %add3A_942 : vector<16xi32>
      %parallel_loop3A_944 = arith.constant 0 : i32
      %parallel_loop3A_945 = arith.constant 64 : i32
      %parallel_loop3A_946 = arith.constant 1 : i32
      scf.for %parallel_loop3A_1970 = %parallel_loop3A_944 to %parallel_loop3A_945 step %parallel_loop3A_946  : i32 {
        %parallel_loop3A_1971 = arith.constant 0 : i32
        %parallel_loop3A_1972 = vector.broadcast %parallel_loop3A_1971 : i32 to vector<16xi32>
        %parallel_loop3A_1973 = vector.broadcast %parallel_loop3A_1970 : i32 to vector<16xi32>
        %parallel_loop3A_1974 = arith.addi %parallel_loop3A_1972, %parallel_loop3A_1973 : vector<16xi32>
        %parallel_loop3A_1975 = tpu.vector_load_idx %arg6[%add3A_943, %parallel_loop3A_1974] : memref<128x64xf32, #tpu.memory_space<vmem>>[vector<16xi32>, vector<16xi32>], vector<16xf32>,
        %parallel_loop3A_1976 = arith.index_cast %parallel_loop3A_1970 : i32 to index
        %parallel_loop3A_1977 = arith.constant 16 : index
        %parallel_loop3A_1978 = tpu.vector_load %arg8[%parallel_loop3A_1976, %parallel_loop3A_1977] {strides = array<i32>} : memref<64x128xf32, #tpu.memory_space<vmem>>, vector<16xf32>,
        tpu.vector_store %arg8[%parallel_loop3A_1976, %parallel_loop3A_1977], %parallel_loop3A_1975 {strides = array<i32>} : memref<64x128xf32, #tpu.memory_space<vmem>>, vector<16xf32>,
      } {sc.loop_unroll_factor = 8 : i64, sc.parallel_access}
      %iota3A_947 = tpu.iota {dimensions = array<i32: 0>} : vector<16xi32>
      %add3A_948 = arith.constant 32 : i32
      %add3A_949 = vector.broadcast %add3A_948 : i32 to vector<16xi32>
      %add3A_950 = arith.addi %iota3A_947, %add3A_949 : vector<16xi32>
      %parallel_loop3A_951 = arith.constant 0 : i32
      %parallel_loop3A_952 = arith.constant 64 : i32
      %parallel_loop3A_953 = arith.constant 1 : i32
      scf.for %parallel_loop3A_1970 = %parallel_loop3A_951 to %parallel_loop3A_952 step %parallel_loop3A_953  : i32 {
        %parallel_loop3A_1971 = arith.constant 0 : i32
        %parallel_loop3A_1972 = vector.broadcast %parallel_loop3A_1971 : i32 to vector<16xi32>
        %parallel_loop3A_1973 = vector.broadcast %parallel_loop3A_1970 : i32 to vector<16xi32>
        %parallel_loop3A_1974 = arith.addi %parallel_loop3A_1972, %parallel_loop3A_1973 : vector<16xi32>
        %parallel_loop3A_1975 = tpu.vector_load_idx %arg6[%add3A_950, %parallel_loop3A_1974] : memref<128x64xf32, #tpu.memory_space<vmem>>[vector<16xi32>, vector<16xi32>], vector<16xf32>,
        %parallel_loop3A_1976 = arith.index_cast %parallel_loop3A_1970 : i32 to index
        %parallel_loop3A_1977 = arith.constant 32 : index
        %parallel_loop3A_1978 = tpu.vector_load %arg8[%parallel_loop3A_1976, %parallel_loop3A_1977] {strides = array<i32>} : memref<64x128xf32, #tpu.memory_space<vmem>>, vector<16xf32>,
        tpu.vector_store %arg8[%parallel_loop3A_1976, %parallel_loop3A_1977], %parallel_loop3A_1975 {strides = array<i32>} : memref<64x128xf32, #tpu.memory_space<vmem>>, vector<16xf32>,
      } {sc.loop_unroll_factor = 8 : i64, sc.parallel_access}
      %iota3A_954 = tpu.iota {dimensions = array<i32: 0>} : vector<16xi32>
      %add3A_955 = arith.constant 48 : i32
      %add3A_956 = vector.broadcast %add3A_955 : i32 to vector<16xi32>
      %add3A_957 = arith.addi %iota3A_954, %add3A_956 : vector<16xi32>
      %parallel_loop3A_958 = arith.constant 0 : i32
      %parallel_loop3A_959 = arith.constant 64 : i32
      %parallel_loop3A_960 = arith.constant 1 : i32
      scf.for %parallel_loop3A_1970 = %parallel_loop3A_958 to %parallel_loop3A_959 step %parallel_loop3A_960  : i32 {
        %parallel_loop3A_1971 = arith.constant 0 : i32
        %parallel_loop3A_1972 = vector.broadcast %parallel_loop3A_1971 : i32 to vector<16xi32>
        %parallel_loop3A_1973 = vector.broadcast %parallel_loop3A_1970 : i32 to vector<16xi32>
        %parallel_loop3A_1974 = arith.addi %parallel_loop3A_1972, %parallel_loop3A_1973 : vector<16xi32>
        %parallel_loop3A_1975 = tpu.vector_load_idx %arg6[%add3A_957, %parallel_loop3A_1974] : memref<128x64xf32, #tpu.memory_space<vmem>>[vector<16xi32>, vector<16xi32>], vector<16xf32>,
        %parallel_loop3A_1976 = arith.index_cast %parallel_loop3A_1970 : i32 to index
        %parallel_loop3A_1977 = arith.constant 48 : index
        %parallel_loop3A_1978 = tpu.vector_load %arg8[%parallel_loop3A_1976, %parallel_loop3A_1977] {strides = array<i32>} : memref<64x128xf32, #tpu.memory_space<vmem>>, vector<16xf32>,
        tpu.vector_store %arg8[%parallel_loop3A_1976, %parallel_loop3A_1977], %parallel_loop3A_1975 {strides = array<i32>} : memref<64x128xf32, #tpu.memory_space<vmem>>, vector<16xf32>,
      } {sc.loop_unroll_factor = 8 : i64, sc.parallel_access}
      %iota3A_961 = tpu.iota {dimensions = array<i32: 0>} : vector<16xi32>
      %add3A_962 = arith.constant 64 : i32
      %add3A_963 = vector.broadcast %add3A_962 : i32 to vector<16xi32>
      %add3A_964 = arith.addi %iota3A_961, %add3A_963 : vector<16xi32>
      %parallel_loop3A_965 = arith.constant 0 : i32
      %parallel_loop3A_966 = arith.constant 64 : i32
      %parallel_loop3A_967 = arith.constant 1 : i32
      scf.for %parallel_loop3A_1970 = %parallel_loop3A_965 to %parallel_loop3A_966 step %parallel_loop3A_967  : i32 {
        %parallel_loop3A_1971 = arith.constant 0 : i32
        %parallel_loop3A_1972 = vector.broadcast %parallel_loop3A_1971 : i32 to vector<16xi32>
        %parallel_loop3A_1973 = vector.broadcast %parallel_loop3A_1970 : i32 to vector<16xi32>
        %parallel_loop3A_1974 = arith.addi %parallel_loop3A_1972, %parallel_loop3A_1973 : vector<16xi32>
        %parallel_loop3A_1975 = tpu.vector_load_idx %arg6[%add3A_964, %parallel_loop3A_1974] : memref<128x64xf32, #tpu.memory_space<vmem>>[vector<16xi32>, vector<16xi32>], vector<16xf32>,
        %parallel_loop3A_1976 = arith.index_cast %parallel_loop3A_1970 : i32 to index
        %parallel_loop3A_1977 = arith.constant 64 : index
        %parallel_loop3A_1978 = tpu.vector_load %arg8[%parallel_loop3A_1976, %parallel_loop3A_1977] {strides = array<i32>} : memref<64x128xf32, #tpu.memory_space<vmem>>, vector<16xf32>,
        tpu.vector_store %arg8[%parallel_loop3A_1976, %parallel_loop3A_1977], %parallel_loop3A_1975 {strides = array<i32>} : memref<64x128xf32, #tpu.memory_space<vmem>>, vector<16xf32>,
      } {sc.loop_unroll_factor = 8 : i64, sc.parallel_access}
      %iota3A_968 = tpu.iota {dimensions = array<i32: 0>} : vector<16xi32>
      %add3A_969 = arith.constant 80 : i32
      %add3A_970 = vector.broadcast %add3A_969 : i32 to vector<16xi32>
      %add3A_971 = arith.addi %iota3A_968, %add3A_970 : vector<16xi32>
      %parallel_loop3A_972 = arith.constant 0 : i32
      %parallel_loop3A_973 = arith.constant 64 : i32
      %parallel_loop3A_974 = arith.constant 1 : i32
      scf.for %parallel_loop3A_1970 = %parallel_loop3A_972 to %parallel_loop3A_973 step %parallel_loop3A_974  : i32 {
        %parallel_loop3A_1971 = arith.constant 0 : i32
        %parallel_loop3A_1972 = vector.broadcast %parallel_loop3A_1971 : i32 to vector<16xi32>
        %parallel_loop3A_1973 = vector.broadcast %parallel_loop3A_1970 : i32 to vector<16xi32>
        %parallel_loop3A_1974 = arith.addi %parallel_loop3A_1972, %parallel_loop3A_1973 : vector<16xi32>
        %parallel_loop3A_1975 = tpu.vector_load_idx %arg6[%add3A_971, %parallel_loop3A_1974] : memref<128x64xf32, #tpu.memory_space<vmem>>[vector<16xi32>, vector<16xi32>], vector<16xf32>,
        %parallel_loop3A_1976 = arith.index_cast %parallel_loop3A_1970 : i32 to index
        %parallel_loop3A_1977 = arith.constant 80 : index
        %parallel_loop3A_1978 = tpu.vector_load %arg8[%parallel_loop3A_1976, %parallel_loop3A_1977] {strides = array<i32>} : memref<64x128xf32, #tpu.memory_space<vmem>>, vector<16xf32>,
        tpu.vector_store %arg8[%parallel_loop3A_1976, %parallel_loop3A_1977], %parallel_loop3A_1975 {strides = array<i32>} : memref<64x128xf32, #tpu.memory_space<vmem>>, vector<16xf32>,
      } {sc.loop_unroll_factor = 8 : i64, sc.parallel_access}
      %iota3A_975 = tpu.iota {dimensions = array<i32: 0>} : vector<16xi32>
      %add3A_976 = arith.constant 96 : i32
      %add3A_977 = vector.broadcast %add3A_976 : i32 to vector<16xi32>
      %add3A_978 = arith.addi %iota3A_975, %add3A_977 : vector<16xi32>
      %parallel_loop3A_979 = arith.constant 0 : i32
      %parallel_loop3A_980 = arith.constant 64 : i32
      %parallel_loop3A_981 = arith.constant 1 : i32
      scf.for %parallel_loop3A_1970 = %parallel_loop3A_979 to %parallel_loop3A_980 step %parallel_loop3A_981  : i32 {
        %parallel_loop3A_1971 = arith.constant 0 : i32
        %parallel_loop3A_1972 = vector.broadcast %parallel_loop3A_1971 : i32 to vector<16xi32>
        %parallel_loop3A_1973 = vector.broadcast %parallel_loop3A_1970 : i32 to vector<16xi32>
        %parallel_loop3A_1974 = arith.addi %parallel_loop3A_1972, %parallel_loop3A_1973 : vector<16xi32>
        %parallel_loop3A_1975 = tpu.vector_load_idx %arg6[%add3A_978, %parallel_loop3A_1974] : memref<128x64xf32, #tpu.memory_space<vmem>>[vector<16xi32>, vector<16xi32>], vector<16xf32>,
        %parallel_loop3A_1976 = arith.index_cast %parallel_loop3A_1970 : i32 to index
        %parallel_loop3A_1977 = arith.constant 96 : index
        %parallel_loop3A_1978 = tpu.vector_load %arg8[%parallel_loop3A_1976, %parallel_loop3A_1977] {strides = array<i32>} : memref<64x128xf32, #tpu.memory_space<vmem>>, vector<16xf32>,
        tpu.vector_store %arg8[%parallel_loop3A_1976, %parallel_loop3A_1977], %parallel_loop3A_1975 {strides = array<i32>} : memref<64x128xf32, #tpu.memory_space<vmem>>, vector<16xf32>,
      } {sc.loop_unroll_factor = 8 : i64, sc.parallel_access}
      %iota3A_982 = tpu.iota {dimensions = array<i32: 0>} : vector<16xi32>
      %add3A_983 = arith.constant 112 : i32
      %add3A_984 = vector.broadcast %add3A_983 : i32 to vector<16xi32>
      %add3A_985 = arith.addi %iota3A_982, %add3A_984 : vector<16xi32>
      %parallel_loop3A_986 = arith.constant 0 : i32
      %parallel_loop3A_987 = arith.constant 64 : i32
      %parallel_loop3A_988 = arith.constant 1 : i32
      scf.for %parallel_loop3A_1970 = %parallel_loop3A_986 to %parallel_loop3A_987 step %parallel_loop3A_988  : i32 {
        %parallel_loop3A_1971 = arith.constant 0 : i32
        %parallel_loop3A_1972 = vector.broadcast %parallel_loop3A_1971 : i32 to vector<16xi32>
        %parallel_loop3A_1973 = vector.broadcast %parallel_loop3A_1970 : i32 to vector<16xi32>
        %parallel_loop3A_1974 = arith.addi %parallel_loop3A_1972, %parallel_loop3A_1973 : vector<16xi32>
        %parallel_loop3A_1975 = tpu.vector_load_idx %arg6[%add3A_985, %parallel_loop3A_1974] : memref<128x64xf32, #tpu.memory_space<vmem>>[vector<16xi32>, vector<16xi32>], vector<16xf32>,
        %parallel_loop3A_1976 = arith.index_cast %parallel_loop3A_1970 : i32 to index
        %parallel_loop3A_1977 = arith.constant 112 : index
        %parallel_loop3A_1978 = tpu.vector_load %arg8[%parallel_loop3A_1976, %parallel_loop3A_1977] {strides = array<i32>} : memref<64x128xf32, #tpu.memory_space<vmem>>, vector<16xf32>,
        tpu.vector_store %arg8[%parallel_loop3A_1976, %parallel_loop3A_1977], %parallel_loop3A_1975 {strides = array<i32>} : memref<64x128xf32, #tpu.memory_space<vmem>>, vector<16xf32>,
      } {sc.loop_unroll_factor = 8 : i64, sc.parallel_access}
      %add3A_989 = arith.constant 2 : i32
      %add3A_990 = arith.addi %add3A_926, %add3A_989 : i32
      %lt3A_991 = arith.constant 80 : i32
      %lt3A_992 = arith.cmpi slt, %add3A_990, %lt3A_991 : i32
      %convert_element_type3A_993 = arith.extui %lt3A_992 : i1 to i32
      %cond3A_994 = arith.constant 0 : i32
      %cond3A_995 = arith.cmpi ne, %convert_element_type3A_993, %cond3A_994 : i32
      scf.if %cond3A_995 {
        %add3A_1970 = arith.constant 2 : i32
        %add3A_1971 = arith.addi %add3A_926, %add3A_1970 : i32
        %dma_start3A_1972 = arith.constant 0 : i32
        %dma_start3A_1973 = tpu.memref_slice %arg5[%add3A_1971, %dma_start3A_1972] : memref<80x128xi32, #tpu.memory_space<vmem>> -> memref<1x128xi32, #tpu.memory_space<vmem>>
        %dma_start3A_1974 = tpu.memref_squeeze %dma_start3A_1973 : memref<1x128xi32, #tpu.memory_space<vmem>> -> memref<128xi32, #tpu.memory_space<vmem>>
        %dma_start3A_1975 = arith.constant 0 : i32
        %dma_start3A_1976 = arith.constant 0 : i32
        %dma_start3A_1977 = tpu.memref_slice %arg3[%dma_start3A_1975, %dma_start3A_1976] : memref<1000000x64xf32, #tpu.memory_space<hbm>> -> memref<1000000x64xf32, #tpu.memory_space<hbm>>
        tpu.enqueue_indirect_dma source(%dma_start3A_1977 : memref<1000000x64xf32, #tpu.memory_space<hbm>>) target(%arg6 : memref<128x64xf32, #tpu.memory_space<vmem>>) offsets(%dma_start3A_1974 : memref<128xi32, #tpu.memory_space<vmem>>) semaphore(%arg10 : memref<!tpu.dma_semaphore, #tpu.memory_space<semaphore_mem>>)
      } else {
      }
      %add3A_996 = arith.addi %mul3A_2, %add3A_926 : i32
      %jit3A_997 = arith.constant 128 : i32
      %div3A_998 = arith.divsi %add3A_996, %jit3A_997 : i32
      %sign3A_999 = arith.constant 0 : i32
      %sign3A_1000 = arith.cmpi sgt, %add3A_996, %sign3A_999 : i32
      %sign3A_1001 = arith.extui %sign3A_1000 : i1 to i32
      %sign3A_1002 = arith.constant 0 : i32
      %sign3A_1003 = arith.cmpi slt, %add3A_996, %sign3A_1002 : i32
      %sign3A_1004 = arith.extui %sign3A_1003 : i1 to i32
      %sign3A_1005 = arith.subi %sign3A_1001, %sign3A_1004 : i32
      %sign3A_1006 = arith.constant 0 : i32
      %sign3A_1007 = arith.cmpi sgt, %jit3A_997, %sign3A_1006 : i32
      %sign3A_1008 = arith.extui %sign3A_1007 : i1 to i32
      %sign3A_1009 = arith.constant 0 : i32
      %sign3A_1010 = arith.cmpi slt, %jit3A_997, %sign3A_1009 : i32
      %sign3A_1011 = arith.extui %sign3A_1010 : i1 to i32
      %sign3A_1012 = arith.subi %sign3A_1008, %sign3A_1011 : i32
      %ne3A_1013 = arith.cmpi ne, %sign3A_1005, %sign3A_1012 : i32
      %rem3A_1014 = arith.remsi %add3A_996, %jit3A_997 : i32
      %ne3A_1015 = arith.constant 0 : i32
      %ne3A_1016 = arith.cmpi ne, %rem3A_1014, %ne3A_1015 : i32
      %and3A_1017 = arith.andi %ne3A_1013, %ne3A_1016 : i1
      %sub3A_1018 = arith.constant 1 : i32
      %sub3A_1019 = arith.subi %div3A_998, %sub3A_1018 : i32
      %select_n3A_1020 = arith.select %and3A_1017, %sub3A_1019, %div3A_998 : i32
      %jit3A_1021 = arith.constant 128 : i32
      %eq3A_1022 = arith.constant 0 : i32
      %eq3A_1023 = arith.cmpi eq, %jit3A_1021, %eq3A_1022 : i32
      %jit3A_1024 = arith.constant 1 : i32
      %select_n3A_1025 = arith.select %eq3A_1023, %jit3A_1024, %jit3A_1021 : i32
      %rem3A_1026 = arith.remsi %add3A_996, %select_n3A_1025 : i32
      %ne3A_1027 = arith.constant 0 : i32
      %ne3A_1028 = arith.cmpi ne, %rem3A_1026, %ne3A_1027 : i32
      %lt3A_1029 = arith.constant 0 : i32
      %lt3A_1030 = arith.cmpi slt, %rem3A_1026, %lt3A_1029 : i32
      %lt3A_1031 = arith.constant 0 : i32
      %lt3A_1032 = arith.cmpi slt, %select_n3A_1025, %lt3A_1031 : i32
      %ne3A_1033 = arith.xori %lt3A_1030, %lt3A_1032 : i1
      %and3A_1034 = arith.andi %ne3A_1033, %ne3A_1028 : i1
      %add3A_1035 = arith.addi %rem3A_1026, %select_n3A_1025 : i32
      %select_n3A_1036 = arith.select %and3A_1034, %add3A_1035, %rem3A_1026 : i32
      %dma_start3A_1037 = arith.constant 0 : i32
      %dma_start3A_1038 = arith.constant 0 : i32
      %dma_start3A_1039 = arith.constant 0 : i32
      %dma_start3A_1040 = tpu.memref_slice %arg8[%dma_start3A_1038, %dma_start3A_1039] : memref<64x128xf32, #tpu.memory_space<vmem>> -> memref<8x128xf32, #tpu.memory_space<vmem>>
      %dma_start3A_1041 = arith.constant 0 : i32
      %dma_start3A_1042 = arith.constant 0 : i32
      %dma_start3A_1043 = tpu.memref_slice %arg4[%select_n3A_1020, %dma_start3A_1037, %select_n3A_1036, %dma_start3A_1041, %dma_start3A_1042] : memref<20x8x128x8x128xf32, #tpu.memory_space<hbm>> -> memref<1x1x1x8x128xf32, #tpu.memory_space<hbm>>
      %dma_start3A_1044 = tpu.memref_squeeze %dma_start3A_1043 : memref<1x1x1x8x128xf32, #tpu.memory_space<hbm>> -> memref<8x128xf32, #tpu.memory_space<hbm>>
      %dma_start3A_1045 = arith.constant 0 : i32
      %dma_start3A_1046 = arith.constant 0 : i32
      %dma_start3A_1047 = tpu.memref_slice %arg4[%select_n3A_1020, %dma_start3A_1037, %select_n3A_1036, %dma_start3A_1045, %dma_start3A_1046] : memref<20x8x128x8x128xf32, #tpu.memory_space<hbm>> -> memref<1x1x1x8x128xf32, #tpu.memory_space<hbm>>
      %dma_start3A_1048 = tpu.memref_squeeze %dma_start3A_1047 : memref<1x1x1x8x128xf32, #tpu.memory_space<hbm>> -> memref<8x128xf32, #tpu.memory_space<hbm>>
      %dma_start3A_1049 = arith.constant 0 : i32
      %dma_start3A_1050 = arith.constant 0 : i32
      %dma_start3A_1051 = tpu.memref_slice %arg8[%dma_start3A_1049, %dma_start3A_1050] : memref<64x128xf32, #tpu.memory_space<vmem>> -> memref<8x128xf32, #tpu.memory_space<vmem>>
      tpu.enqueue_dma source(%dma_start3A_1051 : memref<8x128xf32, #tpu.memory_space<vmem>>) target(%dma_start3A_1048 : memref<8x128xf32, #tpu.memory_space<hbm>>) target_semaphore(%arg12 : memref<!tpu.dma_semaphore, #tpu.memory_space<semaphore_mem>>)
      %add3A_1052 = arith.addi %mul3A_2, %add3A_926 : i32
      %jit3A_1053 = arith.constant 128 : i32
      %div3A_1054 = arith.divsi %add3A_1052, %jit3A_1053 : i32
      %sign3A_1055 = arith.constant 0 : i32
      %sign3A_1056 = arith.cmpi sgt, %add3A_1052, %sign3A_1055 : i32
      %sign3A_1057 = arith.extui %sign3A_1056 : i1 to i32
      %sign3A_1058 = arith.constant 0 : i32
      %sign3A_1059 = arith.cmpi slt, %add3A_1052, %sign3A_1058 : i32
      %sign3A_1060 = arith.extui %sign3A_1059 : i1 to i32
      %sign3A_1061 = arith.subi %sign3A_1057, %sign3A_1060 : i32
      %sign3A_1062 = arith.constant 0 : i32
      %sign3A_1063 = arith.cmpi sgt, %jit3A_1053, %sign3A_1062 : i32
      %sign3A_1064 = arith.extui %sign3A_1063 : i1 to i32
      %sign3A_1065 = arith.constant 0 : i32
      %sign3A_1066 = arith.cmpi slt, %jit3A_1053, %sign3A_1065 : i32
      %sign3A_1067 = arith.extui %sign3A_1066 : i1 to i32
      %sign3A_1068 = arith.subi %sign3A_1064, %sign3A_1067 : i32
      %ne3A_1069 = arith.cmpi ne, %sign3A_1061, %sign3A_1068 : i32
      %rem3A_1070 = arith.remsi %add3A_1052, %jit3A_1053 : i32
      %ne3A_1071 = arith.constant 0 : i32
      %ne3A_1072 = arith.cmpi ne, %rem3A_1070, %ne3A_1071 : i32
      %and3A_1073 = arith.andi %ne3A_1069, %ne3A_1072 : i1
      %sub3A_1074 = arith.constant 1 : i32
      %sub3A_1075 = arith.subi %div3A_1054, %sub3A_1074 : i32
      %select_n3A_1076 = arith.select %and3A_1073, %sub3A_1075, %div3A_1054 : i32
      %jit3A_1077 = arith.constant 128 : i32
      %eq3A_1078 = arith.constant 0 : i32
      %eq3A_1079 = arith.cmpi eq, %jit3A_1077, %eq3A_1078 : i32
      %jit3A_1080 = arith.constant 1 : i32
      %select_n3A_1081 = arith.select %eq3A_1079, %jit3A_1080, %jit3A_1077 : i32
      %rem3A_1082 = arith.remsi %add3A_1052, %select_n3A_1081 : i32
      %ne3A_1083 = arith.constant 0 : i32
      %ne3A_1084 = arith.cmpi ne, %rem3A_1082, %ne3A_1083 : i32
      %lt3A_1085 = arith.constant 0 : i32
      %lt3A_1086 = arith.cmpi slt, %rem3A_1082, %lt3A_1085 : i32
      %lt3A_1087 = arith.constant 0 : i32
      %lt3A_1088 = arith.cmpi slt, %select_n3A_1081, %lt3A_1087 : i32
      %ne3A_1089 = arith.xori %lt3A_1086, %lt3A_1088 : i1
      %and3A_1090 = arith.andi %ne3A_1089, %ne3A_1084 : i1
      %add3A_1091 = arith.addi %rem3A_1082, %select_n3A_1081 : i32
      %select_n3A_1092 = arith.select %and3A_1090, %add3A_1091, %rem3A_1082 : i32
      %dma_start3A_1093 = arith.constant 1 : i32
      %dma_start3A_1094 = arith.constant 8 : i32
      %dma_start3A_1095 = arith.constant 0 : i32
      %dma_start3A_1096 = tpu.memref_slice %arg8[%dma_start3A_1094, %dma_start3A_1095] : memref<64x128xf32, #tpu.memory_space<vmem>> -> memref<8x128xf32, #tpu.memory_space<vmem>>
      %dma_start3A_1097 = arith.constant 0 : i32
      %dma_start3A_1098 = arith.constant 0 : i32
      %dma_start3A_1099 = tpu.memref_slice %arg4[%select_n3A_1076, %dma_start3A_1093, %select_n3A_1092, %dma_start3A_1097, %dma_start3A_1098] : memref<20x8x128x8x128xf32, #tpu.memory_space<hbm>> -> memref<1x1x1x8x128xf32, #tpu.memory_space<hbm>>
      %dma_start3A_1100 = tpu.memref_squeeze %dma_start3A_1099 : memref<1x1x1x8x128xf32, #tpu.memory_space<hbm>> -> memref<8x128xf32, #tpu.memory_space<hbm>>
      %dma_start3A_1101 = arith.constant 0 : i32
      %dma_start3A_1102 = arith.constant 0 : i32
      %dma_start3A_1103 = tpu.memref_slice %arg4[%select_n3A_1076, %dma_start3A_1093, %select_n3A_1092, %dma_start3A_1101, %dma_start3A_1102] : memref<20x8x128x8x128xf32, #tpu.memory_space<hbm>> -> memref<1x1x1x8x128xf32, #tpu.memory_space<hbm>>
      %dma_start3A_1104 = tpu.memref_squeeze %dma_start3A_1103 : memref<1x1x1x8x128xf32, #tpu.memory_space<hbm>> -> memref<8x128xf32, #tpu.memory_space<hbm>>
      %dma_start3A_1105 = arith.constant 8 : i32
      %dma_start3A_1106 = arith.constant 0 : i32
      %dma_start3A_1107 = tpu.memref_slice %arg8[%dma_start3A_1105, %dma_start3A_1106] : memref<64x128xf32, #tpu.memory_space<vmem>> -> memref<8x128xf32, #tpu.memory_space<vmem>>
      tpu.enqueue_dma source(%dma_start3A_1107 : memref<8x128xf32, #tpu.memory_space<vmem>>) target(%dma_start3A_1104 : memref<8x128xf32, #tpu.memory_space<hbm>>) target_semaphore(%arg12 : memref<!tpu.dma_semaphore, #tpu.memory_space<semaphore_mem>>)
      %add3A_1108 = arith.addi %mul3A_2, %add3A_926 : i32
      %jit3A_1109 = arith.constant 128 : i32
      %div3A_1110 = arith.divsi %add3A_1108, %jit3A_1109 : i32
      %sign3A_1111 = arith.constant 0 : i32
      %sign3A_1112 = arith.cmpi sgt, %add3A_1108, %sign3A_1111 : i32
      %sign3A_1113 = arith.extui %sign3A_1112 : i1 to i32
      %sign3A_1114 = arith.constant 0 : i32
      %sign3A_1115 = arith.cmpi slt, %add3A_1108, %sign3A_1114 : i32
      %sign3A_1116 = arith.extui %sign3A_1115 : i1 to i32
      %sign3A_1117 = arith.subi %sign3A_1113, %sign3A_1116 : i32
      %sign3A_1118 = arith.constant 0 : i32
      %sign3A_1119 = arith.cmpi sgt, %jit3A_1109, %sign3A_1118 : i32
      %sign3A_1120 = arith.extui %sign3A_1119 : i1 to i32
      %sign3A_1121 = arith.constant 0 : i32
      %sign3A_1122 = arith.cmpi slt, %jit3A_1109, %sign3A_1121 : i32
      %sign3A_1123 = arith.extui %sign3A_1122 : i1 to i32
      %sign3A_1124 = arith.subi %sign3A_1120, %sign3A_1123 : i32
      %ne3A_1125 = arith.cmpi ne, %sign3A_1117, %sign3A_1124 : i32
      %rem3A_1126 = arith.remsi %add3A_1108, %jit3A_1109 : i32
      %ne3A_1127 = arith.constant 0 : i32
      %ne3A_1128 = arith.cmpi ne, %rem3A_1126, %ne3A_1127 : i32
      %and3A_1129 = arith.andi %ne3A_1125, %ne3A_1128 : i1
      %sub3A_1130 = arith.constant 1 : i32
      %sub3A_1131 = arith.subi %div3A_1110, %sub3A_1130 : i32
      %select_n3A_1132 = arith.select %and3A_1129, %sub3A_1131, %div3A_1110 : i32
      %jit3A_1133 = arith.constant 128 : i32
      %eq3A_1134 = arith.constant 0 : i32
      %eq3A_1135 = arith.cmpi eq, %jit3A_1133, %eq3A_1134 : i32
      %jit3A_1136 = arith.constant 1 : i32
      %select_n3A_1137 = arith.select %eq3A_1135, %jit3A_1136, %jit3A_1133 : i32
      %rem3A_1138 = arith.remsi %add3A_1108, %select_n3A_1137 : i32
      %ne3A_1139 = arith.constant 0 : i32
      %ne3A_1140 = arith.cmpi ne, %rem3A_1138, %ne3A_1139 : i32
      %lt3A_1141 = arith.constant 0 : i32
      %lt3A_1142 = arith.cmpi slt, %rem3A_1138, %lt3A_1141 : i32
      %lt3A_1143 = arith.constant 0 : i32
      %lt3A_1144 = arith.cmpi slt, %select_n3A_1137, %lt3A_1143 : i32
      %ne3A_1145 = arith.xori %lt3A_1142, %lt3A_1144 : i1
      %and3A_1146 = arith.andi %ne3A_1145, %ne3A_1140 : i1
      %add3A_1147 = arith.addi %rem3A_1138, %select_n3A_1137 : i32
      %select_n3A_1148 = arith.select %and3A_1146, %add3A_1147, %rem3A_1138 : i32
      %dma_start3A_1149 = arith.constant 2 : i32
      %dma_start3A_1150 = arith.constant 16 : i32
      %dma_start3A_1151 = arith.constant 0 : i32
      %dma_start3A_1152 = tpu.memref_slice %arg8[%dma_start3A_1150, %dma_start3A_1151] : memref<64x128xf32, #tpu.memory_space<vmem>> -> memref<8x128xf32, #tpu.memory_space<vmem>>
      %dma_start3A_1153 = arith.constant 0 : i32
      %dma_start3A_1154 = arith.constant 0 : i32
      %dma_start3A_1155 = tpu.memref_slice %arg4[%select_n3A_1132, %dma_start3A_1149, %select_n3A_1148, %dma_start3A_1153, %dma_start3A_1154] : memref<20x8x128x8x128xf32, #tpu.memory_space<hbm>> -> memref<1x1x1x8x128xf32, #tpu.memory_space<hbm>>
      %dma_start3A_1156 = tpu.memref_squeeze %dma_start3A_1155 : memref<1x1x1x8x128xf32, #tpu.memory_space<hbm>> -> memref<8x128xf32, #tpu.memory_space<hbm>>
      %dma_start3A_1157 = arith.constant 0 : i32
      %dma_start3A_1158 = arith.constant 0 : i32
      %dma_start3A_1159 = tpu.memref_slice %arg4[%select_n3A_1132, %dma_start3A_1149, %select_n3A_1148, %dma_start3A_1157, %dma_start3A_1158] : memref<20x8x128x8x128xf32, #tpu.memory_space<hbm>> -> memref<1x1x1x8x128xf32, #tpu.memory_space<hbm>>
      %dma_start3A_1160 = tpu.memref_squeeze %dma_start3A_1159 : memref<1x1x1x8x128xf32, #tpu.memory_space<hbm>> -> memref<8x128xf32, #tpu.memory_space<hbm>>
      %dma_start3A_1161 = arith.constant 16 : i32
      %dma_start3A_1162 = arith.constant 0 : i32
      %dma_start3A_1163 = tpu.memref_slice %arg8[%dma_start3A_1161, %dma_start3A_1162] : memref<64x128xf32, #tpu.memory_space<vmem>> -> memref<8x128xf32, #tpu.memory_space<vmem>>
      tpu.enqueue_dma source(%dma_start3A_1163 : memref<8x128xf32, #tpu.memory_space<vmem>>) target(%dma_start3A_1160 : memref<8x128xf32, #tpu.memory_space<hbm>>) target_semaphore(%arg12 : memref<!tpu.dma_semaphore, #tpu.memory_space<semaphore_mem>>)
      %add3A_1164 = arith.addi %mul3A_2, %add3A_926 : i32
      %jit3A_1165 = arith.constant 128 : i32
      %div3A_1166 = arith.divsi %add3A_1164, %jit3A_1165 : i32
      %sign3A_1167 = arith.constant 0 : i32
      %sign3A_1168 = arith.cmpi sgt, %add3A_1164, %sign3A_1167 : i32
      %sign3A_1169 = arith.extui %sign3A_1168 : i1 to i32
      %sign3A_1170 = arith.constant 0 : i32
      %sign3A_1171 = arith.cmpi slt, %add3A_1164, %sign3A_1170 : i32
      %sign3A_1172 = arith.extui %sign3A_1171 : i1 to i32
      %sign3A_1173 = arith.subi %sign3A_1169, %sign3A_1172 : i32
      %sign3A_1174 = arith.constant 0 : i32
      %sign3A_1175 = arith.cmpi sgt, %jit3A_1165, %sign3A_1174 : i32
      %sign3A_1176 = arith.extui %sign3A_1175 : i1 to i32
      %sign3A_1177 = arith.constant 0 : i32
      %sign3A_1178 = arith.cmpi slt, %jit3A_1165, %sign3A_1177 : i32
      %sign3A_1179 = arith.extui %sign3A_1178 : i1 to i32
      %sign3A_1180 = arith.subi %sign3A_1176, %sign3A_1179 : i32
      %ne3A_1181 = arith.cmpi ne, %sign3A_1173, %sign3A_1180 : i32
      %rem3A_1182 = arith.remsi %add3A_1164, %jit3A_1165 : i32
      %ne3A_1183 = arith.constant 0 : i32
      %ne3A_1184 = arith.cmpi ne, %rem3A_1182, %ne3A_1183 : i32
      %and3A_1185 = arith.andi %ne3A_1181, %ne3A_1184 : i1
      %sub3A_1186 = arith.constant 1 : i32
      %sub3A_1187 = arith.subi %div3A_1166, %sub3A_1186 : i32
      %select_n3A_1188 = arith.select %and3A_1185, %sub3A_1187, %div3A_1166 : i32
      %jit3A_1189 = arith.constant 128 : i32
      %eq3A_1190 = arith.constant 0 : i32
      %eq3A_1191 = arith.cmpi eq, %jit3A_1189, %eq3A_1190 : i32
      %jit3A_1192 = arith.constant 1 : i32
      %select_n3A_1193 = arith.select %eq3A_1191, %jit3A_1192, %jit3A_1189 : i32
      %rem3A_1194 = arith.remsi %add3A_1164, %select_n3A_1193 : i32
      %ne3A_1195 = arith.constant 0 : i32
      %ne3A_1196 = arith.cmpi ne, %rem3A_1194, %ne3A_1195 : i32
      %lt3A_1197 = arith.constant 0 : i32
      %lt3A_1198 = arith.cmpi slt, %rem3A_1194, %lt3A_1197 : i32
      %lt3A_1199 = arith.constant 0 : i32
      %lt3A_1200 = arith.cmpi slt, %select_n3A_1193, %lt3A_1199 : i32
      %ne3A_1201 = arith.xori %lt3A_1198, %lt3A_1200 : i1
      %and3A_1202 = arith.andi %ne3A_1201, %ne3A_1196 : i1
      %add3A_1203 = arith.addi %rem3A_1194, %select_n3A_1193 : i32
      %select_n3A_1204 = arith.select %and3A_1202, %add3A_1203, %rem3A_1194 : i32
      %dma_start3A_1205 = arith.constant 3 : i32
      %dma_start3A_1206 = arith.constant 24 : i32
      %dma_start3A_1207 = arith.constant 0 : i32
      %dma_start3A_1208 = tpu.memref_slice %arg8[%dma_start3A_1206, %dma_start3A_1207] : memref<64x128xf32, #tpu.memory_space<vmem>> -> memref<8x128xf32, #tpu.memory_space<vmem>>
      %dma_start3A_1209 = arith.constant 0 : i32
      %dma_start3A_1210 = arith.constant 0 : i32
      %dma_start3A_1211 = tpu.memref_slice %arg4[%select_n3A_1188, %dma_start3A_1205, %select_n3A_1204, %dma_start3A_1209, %dma_start3A_1210] : memref<20x8x128x8x128xf32, #tpu.memory_space<hbm>> -> memref<1x1x1x8x128xf32, #tpu.memory_space<hbm>>
      %dma_start3A_1212 = tpu.memref_squeeze %dma_start3A_1211 : memref<1x1x1x8x128xf32, #tpu.memory_space<hbm>> -> memref<8x128xf32, #tpu.memory_space<hbm>>
      %dma_start3A_1213 = arith.constant 0 : i32
      %dma_start3A_1214 = arith.constant 0 : i32
      %dma_start3A_1215 = tpu.memref_slice %arg4[%select_n3A_1188, %dma_start3A_1205, %select_n3A_1204, %dma_start3A_1213, %dma_start3A_1214] : memref<20x8x128x8x128xf32, #tpu.memory_space<hbm>> -> memref<1x1x1x8x128xf32, #tpu.memory_space<hbm>>
      %dma_start3A_1216 = tpu.memref_squeeze %dma_start3A_1215 : memref<1x1x1x8x128xf32, #tpu.memory_space<hbm>> -> memref<8x128xf32, #tpu.memory_space<hbm>>
      %dma_start3A_1217 = arith.constant 24 : i32
      %dma_start3A_1218 = arith.constant 0 : i32
      %dma_start3A_1219 = tpu.memref_slice %arg8[%dma_start3A_1217, %dma_start3A_1218] : memref<64x128xf32, #tpu.memory_space<vmem>> -> memref<8x128xf32, #tpu.memory_space<vmem>>
      tpu.enqueue_dma source(%dma_start3A_1219 : memref<8x128xf32, #tpu.memory_space<vmem>>) target(%dma_start3A_1216 : memref<8x128xf32, #tpu.memory_space<hbm>>) target_semaphore(%arg12 : memref<!tpu.dma_semaphore, #tpu.memory_space<semaphore_mem>>)
      %add3A_1220 = arith.addi %mul3A_2, %add3A_926 : i32
      %jit3A_1221 = arith.constant 128 : i32
      %div3A_1222 = arith.divsi %add3A_1220, %jit3A_1221 : i32
      %sign3A_1223 = arith.constant 0 : i32
      %sign3A_1224 = arith.cmpi sgt, %add3A_1220, %sign3A_1223 : i32
      %sign3A_1225 = arith.extui %sign3A_1224 : i1 to i32
      %sign3A_1226 = arith.constant 0 : i32
      %sign3A_1227 = arith.cmpi slt, %add3A_1220, %sign3A_1226 : i32
      %sign3A_1228 = arith.extui %sign3A_1227 : i1 to i32
      %sign3A_1229 = arith.subi %sign3A_1225, %sign3A_1228 : i32
      %sign3A_1230 = arith.constant 0 : i32
      %sign3A_1231 = arith.cmpi sgt, %jit3A_1221, %sign3A_1230 : i32
      %sign3A_1232 = arith.extui %sign3A_1231 : i1 to i32
      %sign3A_1233 = arith.constant 0 : i32
      %sign3A_1234 = arith.cmpi slt, %jit3A_1221, %sign3A_1233 : i32
      %sign3A_1235 = arith.extui %sign3A_1234 : i1 to i32
      %sign3A_1236 = arith.subi %sign3A_1232, %sign3A_1235 : i32
      %ne3A_1237 = arith.cmpi ne, %sign3A_1229, %sign3A_1236 : i32
      %rem3A_1238 = arith.remsi %add3A_1220, %jit3A_1221 : i32
      %ne3A_1239 = arith.constant 0 : i32
      %ne3A_1240 = arith.cmpi ne, %rem3A_1238, %ne3A_1239 : i32
      %and3A_1241 = arith.andi %ne3A_1237, %ne3A_1240 : i1
      %sub3A_1242 = arith.constant 1 : i32
      %sub3A_1243 = arith.subi %div3A_1222, %sub3A_1242 : i32
      %select_n3A_1244 = arith.select %and3A_1241, %sub3A_1243, %div3A_1222 : i32
      %jit3A_1245 = arith.constant 128 : i32
      %eq3A_1246 = arith.constant 0 : i32
      %eq3A_1247 = arith.cmpi eq, %jit3A_1245, %eq3A_1246 : i32
      %jit3A_1248 = arith.constant 1 : i32
      %select_n3A_1249 = arith.select %eq3A_1247, %jit3A_1248, %jit3A_1245 : i32
      %rem3A_1250 = arith.remsi %add3A_1220, %select_n3A_1249 : i32
      %ne3A_1251 = arith.constant 0 : i32
      %ne3A_1252 = arith.cmpi ne, %rem3A_1250, %ne3A_1251 : i32
      %lt3A_1253 = arith.constant 0 : i32
      %lt3A_1254 = arith.cmpi slt, %rem3A_1250, %lt3A_1253 : i32
      %lt3A_1255 = arith.constant 0 : i32
      %lt3A_1256 = arith.cmpi slt, %select_n3A_1249, %lt3A_1255 : i32
      %ne3A_1257 = arith.xori %lt3A_1254, %lt3A_1256 : i1
      %and3A_1258 = arith.andi %ne3A_1257, %ne3A_1252 : i1
      %add3A_1259 = arith.addi %rem3A_1250, %select_n3A_1249 : i32
      %select_n3A_1260 = arith.select %and3A_1258, %add3A_1259, %rem3A_1250 : i32
      %dma_start3A_1261 = arith.constant 4 : i32
      %dma_start3A_1262 = arith.constant 32 : i32
      %dma_start3A_1263 = arith.constant 0 : i32
      %dma_start3A_1264 = tpu.memref_slice %arg8[%dma_start3A_1262, %dma_start3A_1263] : memref<64x128xf32, #tpu.memory_space<vmem>> -> memref<8x128xf32, #tpu.memory_space<vmem>>
      %dma_start3A_1265 = arith.constant 0 : i32
      %dma_start3A_1266 = arith.constant 0 : i32
      %dma_start3A_1267 = tpu.memref_slice %arg4[%select_n3A_1244, %dma_start3A_1261, %select_n3A_1260, %dma_start3A_1265, %dma_start3A_1266] : memref<20x8x128x8x128xf32, #tpu.memory_space<hbm>> -> memref<1x1x1x8x128xf32, #tpu.memory_space<hbm>>
      %dma_start3A_1268 = tpu.memref_squeeze %dma_start3A_1267 : memref<1x1x1x8x128xf32, #tpu.memory_space<hbm>> -> memref<8x128xf32, #tpu.memory_space<hbm>>
      %dma_start3A_1269 = arith.constant 0 : i32
      %dma_start3A_1270 = arith.constant 0 : i32
      %dma_start3A_1271 = tpu.memref_slice %arg4[%select_n3A_1244, %dma_start3A_1261, %select_n3A_1260, %dma_start3A_1269, %dma_start3A_1270] : memref<20x8x128x8x128xf32, #tpu.memory_space<hbm>> -> memref<1x1x1x8x128xf32, #tpu.memory_space<hbm>>
      %dma_start3A_1272 = tpu.memref_squeeze %dma_start3A_1271 : memref<1x1x1x8x128xf32, #tpu.memory_space<hbm>> -> memref<8x128xf32, #tpu.memory_space<hbm>>
      %dma_start3A_1273 = arith.constant 32 : i32
      %dma_start3A_1274 = arith.constant 0 : i32
      %dma_start3A_1275 = tpu.memref_slice %arg8[%dma_start3A_1273, %dma_start3A_1274] : memref<64x128xf32, #tpu.memory_space<vmem>> -> memref<8x128xf32, #tpu.memory_space<vmem>>
      tpu.enqueue_dma source(%dma_start3A_1275 : memref<8x128xf32, #tpu.memory_space<vmem>>) target(%dma_start3A_1272 : memref<8x128xf32, #tpu.memory_space<hbm>>) target_semaphore(%arg12 : memref<!tpu.dma_semaphore, #tpu.memory_space<semaphore_mem>>)
      %add3A_1276 = arith.addi %mul3A_2, %add3A_926 : i32
      %jit3A_1277 = arith.constant 128 : i32
      %div3A_1278 = arith.divsi %add3A_1276, %jit3A_1277 : i32
      %sign3A_1279 = arith.constant 0 : i32
      %sign3A_1280 = arith.cmpi sgt, %add3A_1276, %sign3A_1279 : i32
      %sign3A_1281 = arith.extui %sign3A_1280 : i1 to i32
      %sign3A_1282 = arith.constant 0 : i32
      %sign3A_1283 = arith.cmpi slt, %add3A_1276, %sign3A_1282 : i32
      %sign3A_1284 = arith.extui %sign3A_1283 : i1 to i32
      %sign3A_1285 = arith.subi %sign3A_1281, %sign3A_1284 : i32
      %sign3A_1286 = arith.constant 0 : i32
      %sign3A_1287 = arith.cmpi sgt, %jit3A_1277, %sign3A_1286 : i32
      %sign3A_1288 = arith.extui %sign3A_1287 : i1 to i32
      %sign3A_1289 = arith.constant 0 : i32
      %sign3A_1290 = arith.cmpi slt, %jit3A_1277, %sign3A_1289 : i32
      %sign3A_1291 = arith.extui %sign3A_1290 : i1 to i32
      %sign3A_1292 = arith.subi %sign3A_1288, %sign3A_1291 : i32
      %ne3A_1293 = arith.cmpi ne, %sign3A_1285, %sign3A_1292 : i32
      %rem3A_1294 = arith.remsi %add3A_1276, %jit3A_1277 : i32
      %ne3A_1295 = arith.constant 0 : i32
      %ne3A_1296 = arith.cmpi ne, %rem3A_1294, %ne3A_1295 : i32
      %and3A_1297 = arith.andi %ne3A_1293, %ne3A_1296 : i1
      %sub3A_1298 = arith.constant 1 : i32
      %sub3A_1299 = arith.subi %div3A_1278, %sub3A_1298 : i32
      %select_n3A_1300 = arith.select %and3A_1297, %sub3A_1299, %div3A_1278 : i32
      %jit3A_1301 = arith.constant 128 : i32
      %eq3A_1302 = arith.constant 0 : i32
      %eq3A_1303 = arith.cmpi eq, %jit3A_1301, %eq3A_1302 : i32
      %jit3A_1304 = arith.constant 1 : i32
      %select_n3A_1305 = arith.select %eq3A_1303, %jit3A_1304, %jit3A_1301 : i32
      %rem3A_1306 = arith.remsi %add3A_1276, %select_n3A_1305 : i32
      %ne3A_1307 = arith.constant 0 : i32
      %ne3A_1308 = arith.cmpi ne, %rem3A_1306, %ne3A_1307 : i32
      %lt3A_1309 = arith.constant 0 : i32
      %lt3A_1310 = arith.cmpi slt, %rem3A_1306, %lt3A_1309 : i32
      %lt3A_1311 = arith.constant 0 : i32
      %lt3A_1312 = arith.cmpi slt, %select_n3A_1305, %lt3A_1311 : i32
      %ne3A_1313 = arith.xori %lt3A_1310, %lt3A_1312 : i1
      %and3A_1314 = arith.andi %ne3A_1313, %ne3A_1308 : i1
      %add3A_1315 = arith.addi %rem3A_1306, %select_n3A_1305 : i32
      %select_n3A_1316 = arith.select %and3A_1314, %add3A_1315, %rem3A_1306 : i32
      %dma_start3A_1317 = arith.constant 5 : i32
      %dma_start3A_1318 = arith.constant 40 : i32
      %dma_start3A_1319 = arith.constant 0 : i32
      %dma_start3A_1320 = tpu.memref_slice %arg8[%dma_start3A_1318, %dma_start3A_1319] : memref<64x128xf32, #tpu.memory_space<vmem>> -> memref<8x128xf32, #tpu.memory_space<vmem>>
      %dma_start3A_1321 = arith.constant 0 : i32
      %dma_start3A_1322 = arith.constant 0 : i32
      %dma_start3A_1323 = tpu.memref_slice %arg4[%select_n3A_1300, %dma_start3A_1317, %select_n3A_1316, %dma_start3A_1321, %dma_start3A_1322] : memref<20x8x128x8x128xf32, #tpu.memory_space<hbm>> -> memref<1x1x1x8x128xf32, #tpu.memory_space<hbm>>
      %dma_start3A_1324 = tpu.memref_squeeze %dma_start3A_1323 : memref<1x1x1x8x128xf32, #tpu.memory_space<hbm>> -> memref<8x128xf32, #tpu.memory_space<hbm>>
      %dma_start3A_1325 = arith.constant 0 : i32
      %dma_start3A_1326 = arith.constant 0 : i32
      %dma_start3A_1327 = tpu.memref_slice %arg4[%select_n3A_1300, %dma_start3A_1317, %select_n3A_1316, %dma_start3A_1325, %dma_start3A_1326] : memref<20x8x128x8x128xf32, #tpu.memory_space<hbm>> -> memref<1x1x1x8x128xf32, #tpu.memory_space<hbm>>
      %dma_start3A_1328 = tpu.memref_squeeze %dma_start3A_1327 : memref<1x1x1x8x128xf32, #tpu.memory_space<hbm>> -> memref<8x128xf32, #tpu.memory_space<hbm>>
      %dma_start3A_1329 = arith.constant 40 : i32
      %dma_start3A_1330 = arith.constant 0 : i32
      %dma_start3A_1331 = tpu.memref_slice %arg8[%dma_start3A_1329, %dma_start3A_1330] : memref<64x128xf32, #tpu.memory_space<vmem>> -> memref<8x128xf32, #tpu.memory_space<vmem>>
      tpu.enqueue_dma source(%dma_start3A_1331 : memref<8x128xf32, #tpu.memory_space<vmem>>) target(%dma_start3A_1328 : memref<8x128xf32, #tpu.memory_space<hbm>>) target_semaphore(%arg12 : memref<!tpu.dma_semaphore, #tpu.memory_space<semaphore_mem>>)
      %add3A_1332 = arith.addi %mul3A_2, %add3A_926 : i32
      %jit3A_1333 = arith.constant 128 : i32
      %div3A_1334 = arith.divsi %add3A_1332, %jit3A_1333 : i32
      %sign3A_1335 = arith.constant 0 : i32
      %sign3A_1336 = arith.cmpi sgt, %add3A_1332, %sign3A_1335 : i32
      %sign3A_1337 = arith.extui %sign3A_1336 : i1 to i32
      %sign3A_1338 = arith.constant 0 : i32
      %sign3A_1339 = arith.cmpi slt, %add3A_1332, %sign3A_1338 : i32
      %sign3A_1340 = arith.extui %sign3A_1339 : i1 to i32
      %sign3A_1341 = arith.subi %sign3A_1337, %sign3A_1340 : i32
      %sign3A_1342 = arith.constant 0 : i32
      %sign3A_1343 = arith.cmpi sgt, %jit3A_1333, %sign3A_1342 : i32
      %sign3A_1344 = arith.extui %sign3A_1343 : i1 to i32
      %sign3A_1345 = arith.constant 0 : i32
      %sign3A_1346 = arith.cmpi slt, %jit3A_1333, %sign3A_1345 : i32
      %sign3A_1347 = arith.extui %sign3A_1346 : i1 to i32
      %sign3A_1348 = arith.subi %sign3A_1344, %sign3A_1347 : i32
      %ne3A_1349 = arith.cmpi ne, %sign3A_1341, %sign3A_1348 : i32
      %rem3A_1350 = arith.remsi %add3A_1332, %jit3A_1333 : i32
      %ne3A_1351 = arith.constant 0 : i32
      %ne3A_1352 = arith.cmpi ne, %rem3A_1350, %ne3A_1351 : i32
      %and3A_1353 = arith.andi %ne3A_1349, %ne3A_1352 : i1
      %sub3A_1354 = arith.constant 1 : i32
      %sub3A_1355 = arith.subi %div3A_1334, %sub3A_1354 : i32
      %select_n3A_1356 = arith.select %and3A_1353, %sub3A_1355, %div3A_1334 : i32
      %jit3A_1357 = arith.constant 128 : i32
      %eq3A_1358 = arith.constant 0 : i32
      %eq3A_1359 = arith.cmpi eq, %jit3A_1357, %eq3A_1358 : i32
      %jit3A_1360 = arith.constant 1 : i32
      %select_n3A_1361 = arith.select %eq3A_1359, %jit3A_1360, %jit3A_1357 : i32
      %rem3A_1362 = arith.remsi %add3A_1332, %select_n3A_1361 : i32
      %ne3A_1363 = arith.constant 0 : i32
      %ne3A_1364 = arith.cmpi ne, %rem3A_1362, %ne3A_1363 : i32
      %lt3A_1365 = arith.constant 0 : i32
      %lt3A_1366 = arith.cmpi slt, %rem3A_1362, %lt3A_1365 : i32
      %lt3A_1367 = arith.constant 0 : i32
      %lt3A_1368 = arith.cmpi slt, %select_n3A_1361, %lt3A_1367 : i32
      %ne3A_1369 = arith.xori %lt3A_1366, %lt3A_1368 : i1
      %and3A_1370 = arith.andi %ne3A_1369, %ne3A_1364 : i1
      %add3A_1371 = arith.addi %rem3A_1362, %select_n3A_1361 : i32
      %select_n3A_1372 = arith.select %and3A_1370, %add3A_1371, %rem3A_1362 : i32
      %dma_start3A_1373 = arith.constant 6 : i32
      %dma_start3A_1374 = arith.constant 48 : i32
      %dma_start3A_1375 = arith.constant 0 : i32
      %dma_start3A_1376 = tpu.memref_slice %arg8[%dma_start3A_1374, %dma_start3A_1375] : memref<64x128xf32, #tpu.memory_space<vmem>> -> memref<8x128xf32, #tpu.memory_space<vmem>>
      %dma_start3A_1377 = arith.constant 0 : i32
      %dma_start3A_1378 = arith.constant 0 : i32
      %dma_start3A_1379 = tpu.memref_slice %arg4[%select_n3A_1356, %dma_start3A_1373, %select_n3A_1372, %dma_start3A_1377, %dma_start3A_1378] : memref<20x8x128x8x128xf32, #tpu.memory_space<hbm>> -> memref<1x1x1x8x128xf32, #tpu.memory_space<hbm>>
      %dma_start3A_1380 = tpu.memref_squeeze %dma_start3A_1379 : memref<1x1x1x8x128xf32, #tpu.memory_space<hbm>> -> memref<8x128xf32, #tpu.memory_space<hbm>>
      %dma_start3A_1381 = arith.constant 0 : i32
      %dma_start3A_1382 = arith.constant 0 : i32
      %dma_start3A_1383 = tpu.memref_slice %arg4[%select_n3A_1356, %dma_start3A_1373, %select_n3A_1372, %dma_start3A_1381, %dma_start3A_1382] : memref<20x8x128x8x128xf32, #tpu.memory_space<hbm>> -> memref<1x1x1x8x128xf32, #tpu.memory_space<hbm>>
      %dma_start3A_1384 = tpu.memref_squeeze %dma_start3A_1383 : memref<1x1x1x8x128xf32, #tpu.memory_space<hbm>> -> memref<8x128xf32, #tpu.memory_space<hbm>>
      %dma_start3A_1385 = arith.constant 48 : i32
      %dma_start3A_1386 = arith.constant 0 : i32
      %dma_start3A_1387 = tpu.memref_slice %arg8[%dma_start3A_1385, %dma_start3A_1386] : memref<64x128xf32, #tpu.memory_space<vmem>> -> memref<8x128xf32, #tpu.memory_space<vmem>>
      tpu.enqueue_dma source(%dma_start3A_1387 : memref<8x128xf32, #tpu.memory_space<vmem>>) target(%dma_start3A_1384 : memref<8x128xf32, #tpu.memory_space<hbm>>) target_semaphore(%arg12 : memref<!tpu.dma_semaphore, #tpu.memory_space<semaphore_mem>>)
      %add3A_1388 = arith.addi %mul3A_2, %add3A_926 : i32
      %jit3A_1389 = arith.constant 128 : i32
      %div3A_1390 = arith.divsi %add3A_1388, %jit3A_1389 : i32
      %sign3A_1391 = arith.constant 0 : i32
      %sign3A_1392 = arith.cmpi sgt, %add3A_1388, %sign3A_1391 : i32
      %sign3A_1393 = arith.extui %sign3A_1392 : i1 to i32
      %sign3A_1394 = arith.constant 0 : i32
      %sign3A_1395 = arith.cmpi slt, %add3A_1388, %sign3A_1394 : i32
      %sign3A_1396 = arith.extui %sign3A_1395 : i1 to i32
      %sign3A_1397 = arith.subi %sign3A_1393, %sign3A_1396 : i32
      %sign3A_1398 = arith.constant 0 : i32
      %sign3A_1399 = arith.cmpi sgt, %jit3A_1389, %sign3A_1398 : i32
      %sign3A_1400 = arith.extui %sign3A_1399 : i1 to i32
      %sign3A_1401 = arith.constant 0 : i32
      %sign3A_1402 = arith.cmpi slt, %jit3A_1389, %sign3A_1401 : i32
      %sign3A_1403 = arith.extui %sign3A_1402 : i1 to i32
      %sign3A_1404 = arith.subi %sign3A_1400, %sign3A_1403 : i32
      %ne3A_1405 = arith.cmpi ne, %sign3A_1397, %sign3A_1404 : i32
      %rem3A_1406 = arith.remsi %add3A_1388, %jit3A_1389 : i32
      %ne3A_1407 = arith.constant 0 : i32
      %ne3A_1408 = arith.cmpi ne, %rem3A_1406, %ne3A_1407 : i32
      %and3A_1409 = arith.andi %ne3A_1405, %ne3A_1408 : i1
      %sub3A_1410 = arith.constant 1 : i32
      %sub3A_1411 = arith.subi %div3A_1390, %sub3A_1410 : i32
      %select_n3A_1412 = arith.select %and3A_1409, %sub3A_1411, %div3A_1390 : i32
      %jit3A_1413 = arith.constant 128 : i32
      %eq3A_1414 = arith.constant 0 : i32
      %eq3A_1415 = arith.cmpi eq, %jit3A_1413, %eq3A_1414 : i32
      %jit3A_1416 = arith.constant 1 : i32
      %select_n3A_1417 = arith.select %eq3A_1415, %jit3A_1416, %jit3A_1413 : i32
      %rem3A_1418 = arith.remsi %add3A_1388, %select_n3A_1417 : i32
      %ne3A_1419 = arith.constant 0 : i32
      %ne3A_1420 = arith.cmpi ne, %rem3A_1418, %ne3A_1419 : i32
      %lt3A_1421 = arith.constant 0 : i32
      %lt3A_1422 = arith.cmpi slt, %rem3A_1418, %lt3A_1421 : i32
      %lt3A_1423 = arith.constant 0 : i32
      %lt3A_1424 = arith.cmpi slt, %select_n3A_1417, %lt3A_1423 : i32
      %ne3A_1425 = arith.xori %lt3A_1422, %lt3A_1424 : i1
      %and3A_1426 = arith.andi %ne3A_1425, %ne3A_1420 : i1
      %add3A_1427 = arith.addi %rem3A_1418, %select_n3A_1417 : i32
      %select_n3A_1428 = arith.select %and3A_1426, %add3A_1427, %rem3A_1418 : i32
      %dma_start3A_1429 = arith.constant 7 : i32
      %dma_start3A_1430 = arith.constant 56 : i32
      %dma_start3A_1431 = arith.constant 0 : i32
      %dma_start3A_1432 = tpu.memref_slice %arg8[%dma_start3A_1430, %dma_start3A_1431] : memref<64x128xf32, #tpu.memory_space<vmem>> -> memref<8x128xf32, #tpu.memory_space<vmem>>
      %dma_start3A_1433 = arith.constant 0 : i32
      %dma_start3A_1434 = arith.constant 0 : i32
      %dma_start3A_1435 = tpu.memref_slice %arg4[%select_n3A_1412, %dma_start3A_1429, %select_n3A_1428, %dma_start3A_1433, %dma_start3A_1434] : memref<20x8x128x8x128xf32, #tpu.memory_space<hbm>> -> memref<1x1x1x8x128xf32, #tpu.memory_space<hbm>>
      %dma_start3A_1436 = tpu.memref_squeeze %dma_start3A_1435 : memref<1x1x1x8x128xf32, #tpu.memory_space<hbm>> -> memref<8x128xf32, #tpu.memory_space<hbm>>
      %dma_start3A_1437 = arith.constant 0 : i32
      %dma_start3A_1438 = arith.constant 0 : i32
      %dma_start3A_1439 = tpu.memref_slice %arg4[%select_n3A_1412, %dma_start3A_1429, %select_n3A_1428, %dma_start3A_1437, %dma_start3A_1438] : memref<20x8x128x8x128xf32, #tpu.memory_space<hbm>> -> memref<1x1x1x8x128xf32, #tpu.memory_space<hbm>>
      %dma_start3A_1440 = tpu.memref_squeeze %dma_start3A_1439 : memref<1x1x1x8x128xf32, #tpu.memory_space<hbm>> -> memref<8x128xf32, #tpu.memory_space<hbm>>
      %dma_start3A_1441 = arith.constant 56 : i32
      %dma_start3A_1442 = arith.constant 0 : i32
      %dma_start3A_1443 = tpu.memref_slice %arg8[%dma_start3A_1441, %dma_start3A_1442] : memref<64x128xf32, #tpu.memory_space<vmem>> -> memref<8x128xf32, #tpu.memory_space<vmem>>
      tpu.enqueue_dma source(%dma_start3A_1443 : memref<8x128xf32, #tpu.memory_space<vmem>>) target(%dma_start3A_1440 : memref<8x128xf32, #tpu.memory_space<hbm>>) target_semaphore(%arg12 : memref<!tpu.dma_semaphore, #tpu.memory_space<semaphore_mem>>)
      %mul3A_1444 = arith.constant 2 : i32
      %mul3A_1445 = arith.muli %mul3A_1444, %scan3A_922 : i32
      %add3A_1446 = arith.constant 1 : i32
      %add3A_1447 = arith.addi %mul3A_1445, %add3A_1446 : i32
      %dma_wait3A_1448 = arith.constant 0 : i32
      %dma_wait3A_1449 = tpu.memref_slice %arg5[%add3A_1447, %dma_wait3A_1448] : memref<80x128xi32, #tpu.memory_space<vmem>> -> memref<1x128xi32, #tpu.memory_space<vmem>>
      %dma_wait3A_1450 = tpu.memref_squeeze %dma_wait3A_1449 : memref<1x128xi32, #tpu.memory_space<vmem>> -> memref<128xi32, #tpu.memory_space<vmem>>
      %dma_wait3A_1451 = arith.constant 0 : i32
      %dma_wait3A_1452 = arith.constant 0 : i32
      %dma_wait3A_1453 = tpu.memref_slice %arg3[%dma_wait3A_1451, %dma_wait3A_1452] : memref<1000000x64xf32, #tpu.memory_space<hbm>> -> memref<1000000x64xf32, #tpu.memory_space<hbm>>
      tpu.wait_indirect_dma semaphore(%arg11 : memref<!tpu.dma_semaphore, #tpu.memory_space<semaphore_mem>>) src(%dma_wait3A_1453 : memref<1000000x64xf32, #tpu.memory_space<hbm>>) dst(%arg7 : memref<128x64xf32, #tpu.memory_space<vmem>>)
      %ge3A_1454 = arith.constant 1 : i32
      %ge3A_1455 = arith.cmpi sge, %scan3A_922, %ge3A_1454 : i32
      %convert_element_type3A_1456 = arith.extui %ge3A_1455 : i1 to i32
      %cond3A_1457 = arith.constant 0 : i32
      %cond3A_1458 = arith.cmpi ne, %convert_element_type3A_1456, %cond3A_1457 : i32
      scf.if %cond3A_1458 {
        %sub3A_1970 = arith.constant 2 : i32
        %sub3A_1971 = arith.subi %add3A_1447, %sub3A_1970 : i32
        %add3A_1972 = arith.addi %mul3A_2, %sub3A_1971 : i32
        %jit3A_1973 = arith.constant 128 : i32
        %div3A_1974 = arith.divsi %add3A_1972, %jit3A_1973 : i32
        %sign3A_1975 = arith.constant 0 : i32
        %sign3A_1976 = arith.cmpi sgt, %add3A_1972, %sign3A_1975 : i32
        %sign3A_1977 = arith.extui %sign3A_1976 : i1 to i32
        %sign3A_1978 = arith.constant 0 : i32
        %sign3A_1979 = arith.cmpi slt, %add3A_1972, %sign3A_1978 : i32
        %sign3A_1980 = arith.extui %sign3A_1979 : i1 to i32
        %sign3A_1981 = arith.subi %sign3A_1977, %sign3A_1980 : i32
        %sign3A_1982 = arith.constant 0 : i32
        %sign3A_1983 = arith.cmpi sgt, %jit3A_1973, %sign3A_1982 : i32
        %sign3A_1984 = arith.extui %sign3A_1983 : i1 to i32
        %sign3A_1985 = arith.constant 0 : i32
        %sign3A_1986 = arith.cmpi slt, %jit3A_1973, %sign3A_1985 : i32
        %sign3A_1987 = arith.extui %sign3A_1986 : i1 to i32
        %sign3A_1988 = arith.subi %sign3A_1984, %sign3A_1987 : i32
        %ne3A_1989 = arith.cmpi ne, %sign3A_1981, %sign3A_1988 : i32
        %rem3A_1990 = arith.remsi %add3A_1972, %jit3A_1973 : i32
        %ne3A_1991 = arith.constant 0 : i32
        %ne3A_1992 = arith.cmpi ne, %rem3A_1990, %ne3A_1991 : i32
        %and3A_1993 = arith.andi %ne3A_1989, %ne3A_1992 : i1
        %sub3A_1994 = arith.constant 1 : i32
        %sub3A_1995 = arith.subi %div3A_1974, %sub3A_1994 : i32
        %select_n3A_1996 = arith.select %and3A_1993, %sub3A_1995, %div3A_1974 : i32
        %jit3A_1997 = arith.constant 128 : i32
        %eq3A_1998 = arith.constant 0 : i32
        %eq3A_1999 = arith.cmpi eq, %jit3A_1997, %eq3A_1998 : i32
        %jit3A_2000 = arith.constant 1 : i32
        %select_n3A_2001 = arith.select %eq3A_1999, %jit3A_2000, %jit3A_1997 : i32
        %rem3A_2002 = arith.remsi %add3A_1972, %select_n3A_2001 : i32
        %ne3A_2003 = arith.constant 0 : i32
        %ne3A_2004 = arith.cmpi ne, %rem3A_2002, %ne3A_2003 : i32
        %lt3A_2005 = arith.constant 0 : i32
        %lt3A_2006 = arith.cmpi slt, %rem3A_2002, %lt3A_2005 : i32
        %lt3A_2007 = arith.constant 0 : i32
        %lt3A_2008 = arith.cmpi slt, %select_n3A_2001, %lt3A_2007 : i32
        %ne3A_2009 = arith.xori %lt3A_2006, %lt3A_2008 : i1
        %and3A_2010 = arith.andi %ne3A_2009, %ne3A_2004 : i1
        %add3A_2011 = arith.addi %rem3A_2002, %select_n3A_2001 : i32
        %select_n3A_2012 = arith.select %and3A_2010, %add3A_2011, %rem3A_2002 : i32
        %dma_wait3A_2013 = arith.constant 0 : i32
        %dma_wait3A_2014 = arith.constant 0 : i32
        %dma_wait3A_2015 = arith.constant 0 : i32
        %dma_wait3A_2016 = tpu.memref_slice %arg9[%dma_wait3A_2014, %dma_wait3A_2015] : memref<64x128xf32, #tpu.memory_space<vmem>> -> memref<8x128xf32, #tpu.memory_space<vmem>>
        %dma_wait3A_2017 = arith.constant 0 : i32
        %dma_wait3A_2018 = arith.constant 0 : i32
        %dma_wait3A_2019 = tpu.memref_slice %arg4[%select_n3A_1996, %dma_wait3A_2013, %select_n3A_2012, %dma_wait3A_2017, %dma_wait3A_2018] : memref<20x8x128x8x128xf32, #tpu.memory_space<hbm>> -> memref<1x1x1x8x128xf32, #tpu.memory_space<hbm>>
        %dma_wait3A_2020 = tpu.memref_squeeze %dma_wait3A_2019 : memref<1x1x1x8x128xf32, #tpu.memory_space<hbm>> -> memref<8x128xf32, #tpu.memory_space<hbm>>
        %dma_wait3A_2021 = arith.constant 0 : i32
        %dma_wait3A_2022 = arith.constant 0 : i32
        %dma_wait3A_2023 = tpu.memref_slice %arg4[%select_n3A_1996, %dma_wait3A_2013, %select_n3A_2012, %dma_wait3A_2021, %dma_wait3A_2022] : memref<20x8x128x8x128xf32, #tpu.memory_space<hbm>> -> memref<1x1x1x8x128xf32, #tpu.memory_space<hbm>>
        %dma_wait3A_2024 = tpu.memref_squeeze %dma_wait3A_2023 : memref<1x1x1x8x128xf32, #tpu.memory_space<hbm>> -> memref<8x128xf32, #tpu.memory_space<hbm>>
        %dma_wait3A_2025 = arith.constant 0 : i32
        %dma_wait3A_2026 = arith.constant 0 : i32
        %dma_wait3A_2027 = tpu.memref_slice %arg9[%dma_wait3A_2025, %dma_wait3A_2026] : memref<64x128xf32, #tpu.memory_space<vmem>> -> memref<8x128xf32, #tpu.memory_space<vmem>>
        tpu.wait_dma2 semaphore(%arg13 : memref<!tpu.dma_semaphore, #tpu.memory_space<semaphore_mem>>) src(%dma_wait3A_2027 : memref<8x128xf32, #tpu.memory_space<vmem>>) dst(%dma_wait3A_2024 : memref<8x128xf32, #tpu.memory_space<hbm>>)
        %add3A_2028 = arith.addi %mul3A_2, %sub3A_1971 : i32
        %jit3A_2029 = arith.constant 128 : i32
        %div3A_2030 = arith.divsi %add3A_2028, %jit3A_2029 : i32
        %sign3A_2031 = arith.constant 0 : i32
        %sign3A_2032 = arith.cmpi sgt, %add3A_2028, %sign3A_2031 : i32
        %sign3A_2033 = arith.extui %sign3A_2032 : i1 to i32
        %sign3A_2034 = arith.constant 0 : i32
        %sign3A_2035 = arith.cmpi slt, %add3A_2028, %sign3A_2034 : i32
        %sign3A_2036 = arith.extui %sign3A_2035 : i1 to i32
        %sign3A_2037 = arith.subi %sign3A_2033, %sign3A_2036 : i32
        %sign3A_2038 = arith.constant 0 : i32
        %sign3A_2039 = arith.cmpi sgt, %jit3A_2029, %sign3A_2038 : i32
        %sign3A_2040 = arith.extui %sign3A_2039 : i1 to i32
        %sign3A_2041 = arith.constant 0 : i32
        %sign3A_2042 = arith.cmpi slt, %jit3A_2029, %sign3A_2041 : i32
        %sign3A_2043 = arith.extui %sign3A_2042 : i1 to i32
        %sign3A_2044 = arith.subi %sign3A_2040, %sign3A_2043 : i32
        %ne3A_2045 = arith.cmpi ne, %sign3A_2037, %sign3A_2044 : i32
        %rem3A_2046 = arith.remsi %add3A_2028, %jit3A_2029 : i32
        %ne3A_2047 = arith.constant 0 : i32
        %ne3A_2048 = arith.cmpi ne, %rem3A_2046, %ne3A_2047 : i32
        %and3A_2049 = arith.andi %ne3A_2045, %ne3A_2048 : i1
        %sub3A_2050 = arith.constant 1 : i32
        %sub3A_2051 = arith.subi %div3A_2030, %sub3A_2050 : i32
        %select_n3A_2052 = arith.select %and3A_2049, %sub3A_2051, %div3A_2030 : i32
        %jit3A_2053 = arith.constant 128 : i32
        %eq3A_2054 = arith.constant 0 : i32
        %eq3A_2055 = arith.cmpi eq, %jit3A_2053, %eq3A_2054 : i32
        %jit3A_2056 = arith.constant 1 : i32
        %select_n3A_2057 = arith.select %eq3A_2055, %jit3A_2056, %jit3A_2053 : i32
        %rem3A_2058 = arith.remsi %add3A_2028, %select_n3A_2057 : i32
        %ne3A_2059 = arith.constant 0 : i32
        %ne3A_2060 = arith.cmpi ne, %rem3A_2058, %ne3A_2059 : i32
        %lt3A_2061 = arith.constant 0 : i32
        %lt3A_2062 = arith.cmpi slt, %rem3A_2058, %lt3A_2061 : i32
        %lt3A_2063 = arith.constant 0 : i32
        %lt3A_2064 = arith.cmpi slt, %select_n3A_2057, %lt3A_2063 : i32
        %ne3A_2065 = arith.xori %lt3A_2062, %lt3A_2064 : i1
        %and3A_2066 = arith.andi %ne3A_2065, %ne3A_2060 : i1
        %add3A_2067 = arith.addi %rem3A_2058, %select_n3A_2057 : i32
        %select_n3A_2068 = arith.select %and3A_2066, %add3A_2067, %rem3A_2058 : i32
        %dma_wait3A_2069 = arith.constant 1 : i32
        %dma_wait3A_2070 = arith.constant 8 : i32
        %dma_wait3A_2071 = arith.constant 0 : i32
        %dma_wait3A_2072 = tpu.memref_slice %arg9[%dma_wait3A_2070, %dma_wait3A_2071] : memref<64x128xf32, #tpu.memory_space<vmem>> -> memref<8x128xf32, #tpu.memory_space<vmem>>
        %dma_wait3A_2073 = arith.constant 0 : i32
        %dma_wait3A_2074 = arith.constant 0 : i32
        %dma_wait3A_2075 = tpu.memref_slice %arg4[%select_n3A_2052, %dma_wait3A_2069, %select_n3A_2068, %dma_wait3A_2073, %dma_wait3A_2074] : memref<20x8x128x8x128xf32, #tpu.memory_space<hbm>> -> memref<1x1x1x8x128xf32, #tpu.memory_space<hbm>>
        %dma_wait3A_2076 = tpu.memref_squeeze %dma_wait3A_2075 : memref<1x1x1x8x128xf32, #tpu.memory_space<hbm>> -> memref<8x128xf32, #tpu.memory_space<hbm>>
        %dma_wait3A_2077 = arith.constant 0 : i32
        %dma_wait3A_2078 = arith.constant 0 : i32
        %dma_wait3A_2079 = tpu.memref_slice %arg4[%select_n3A_2052, %dma_wait3A_2069, %select_n3A_2068, %dma_wait3A_2077, %dma_wait3A_2078] : memref<20x8x128x8x128xf32, #tpu.memory_space<hbm>> -> memref<1x1x1x8x128xf32, #tpu.memory_space<hbm>>
        %dma_wait3A_2080 = tpu.memref_squeeze %dma_wait3A_2079 : memref<1x1x1x8x128xf32, #tpu.memory_space<hbm>> -> memref<8x128xf32, #tpu.memory_space<hbm>>
        %dma_wait3A_2081 = arith.constant 8 : i32
        %dma_wait3A_2082 = arith.constant 0 : i32
        %dma_wait3A_2083 = tpu.memref_slice %arg9[%dma_wait3A_2081, %dma_wait3A_2082] : memref<64x128xf32, #tpu.memory_space<vmem>> -> memref<8x128xf32, #tpu.memory_space<vmem>>
        tpu.wait_dma2 semaphore(%arg13 : memref<!tpu.dma_semaphore, #tpu.memory_space<semaphore_mem>>) src(%dma_wait3A_2083 : memref<8x128xf32, #tpu.memory_space<vmem>>) dst(%dma_wait3A_2080 : memref<8x128xf32, #tpu.memory_space<hbm>>)
        %add3A_2084 = arith.addi %mul3A_2, %sub3A_1971 : i32
        %jit3A_2085 = arith.constant 128 : i32
        %div3A_2086 = arith.divsi %add3A_2084, %jit3A_2085 : i32
        %sign3A_2087 = arith.constant 0 : i32
        %sign3A_2088 = arith.cmpi sgt, %add3A_2084, %sign3A_2087 : i32
        %sign3A_2089 = arith.extui %sign3A_2088 : i1 to i32
        %sign3A_2090 = arith.constant 0 : i32
        %sign3A_2091 = arith.cmpi slt, %add3A_2084, %sign3A_2090 : i32
        %sign3A_2092 = arith.extui %sign3A_2091 : i1 to i32
        %sign3A_2093 = arith.subi %sign3A_2089, %sign3A_2092 : i32
        %sign3A_2094 = arith.constant 0 : i32
        %sign3A_2095 = arith.cmpi sgt, %jit3A_2085, %sign3A_2094 : i32
        %sign3A_2096 = arith.extui %sign3A_2095 : i1 to i32
        %sign3A_2097 = arith.constant 0 : i32
        %sign3A_2098 = arith.cmpi slt, %jit3A_2085, %sign3A_2097 : i32
        %sign3A_2099 = arith.extui %sign3A_2098 : i1 to i32
        %sign3A_2100 = arith.subi %sign3A_2096, %sign3A_2099 : i32
        %ne3A_2101 = arith.cmpi ne, %sign3A_2093, %sign3A_2100 : i32
        %rem3A_2102 = arith.remsi %add3A_2084, %jit3A_2085 : i32
        %ne3A_2103 = arith.constant 0 : i32
        %ne3A_2104 = arith.cmpi ne, %rem3A_2102, %ne3A_2103 : i32
        %and3A_2105 = arith.andi %ne3A_2101, %ne3A_2104 : i1
        %sub3A_2106 = arith.constant 1 : i32
        %sub3A_2107 = arith.subi %div3A_2086, %sub3A_2106 : i32
        %select_n3A_2108 = arith.select %and3A_2105, %sub3A_2107, %div3A_2086 : i32
        %jit3A_2109 = arith.constant 128 : i32
        %eq3A_2110 = arith.constant 0 : i32
        %eq3A_2111 = arith.cmpi eq, %jit3A_2109, %eq3A_2110 : i32
        %jit3A_2112 = arith.constant 1 : i32
        %select_n3A_2113 = arith.select %eq3A_2111, %jit3A_2112, %jit3A_2109 : i32
        %rem3A_2114 = arith.remsi %add3A_2084, %select_n3A_2113 : i32
        %ne3A_2115 = arith.constant 0 : i32
        %ne3A_2116 = arith.cmpi ne, %rem3A_2114, %ne3A_2115 : i32
        %lt3A_2117 = arith.constant 0 : i32
        %lt3A_2118 = arith.cmpi slt, %rem3A_2114, %lt3A_2117 : i32
        %lt3A_2119 = arith.constant 0 : i32
        %lt3A_2120 = arith.cmpi slt, %select_n3A_2113, %lt3A_2119 : i32
        %ne3A_2121 = arith.xori %lt3A_2118, %lt3A_2120 : i1
        %and3A_2122 = arith.andi %ne3A_2121, %ne3A_2116 : i1
        %add3A_2123 = arith.addi %rem3A_2114, %select_n3A_2113 : i32
        %select_n3A_2124 = arith.select %and3A_2122, %add3A_2123, %rem3A_2114 : i32
        %dma_wait3A_2125 = arith.constant 2 : i32
        %dma_wait3A_2126 = arith.constant 16 : i32
        %dma_wait3A_2127 = arith.constant 0 : i32
        %dma_wait3A_2128 = tpu.memref_slice %arg9[%dma_wait3A_2126, %dma_wait3A_2127] : memref<64x128xf32, #tpu.memory_space<vmem>> -> memref<8x128xf32, #tpu.memory_space<vmem>>
        %dma_wait3A_2129 = arith.constant 0 : i32
        %dma_wait3A_2130 = arith.constant 0 : i32
        %dma_wait3A_2131 = tpu.memref_slice %arg4[%select_n3A_2108, %dma_wait3A_2125, %select_n3A_2124, %dma_wait3A_2129, %dma_wait3A_2130] : memref<20x8x128x8x128xf32, #tpu.memory_space<hbm>> -> memref<1x1x1x8x128xf32, #tpu.memory_space<hbm>>
        %dma_wait3A_2132 = tpu.memref_squeeze %dma_wait3A_2131 : memref<1x1x1x8x128xf32, #tpu.memory_space<hbm>> -> memref<8x128xf32, #tpu.memory_space<hbm>>
        %dma_wait3A_2133 = arith.constant 0 : i32
        %dma_wait3A_2134 = arith.constant 0 : i32
        %dma_wait3A_2135 = tpu.memref_slice %arg4[%select_n3A_2108, %dma_wait3A_2125, %select_n3A_2124, %dma_wait3A_2133, %dma_wait3A_2134] : memref<20x8x128x8x128xf32, #tpu.memory_space<hbm>> -> memref<1x1x1x8x128xf32, #tpu.memory_space<hbm>>
        %dma_wait3A_2136 = tpu.memref_squeeze %dma_wait3A_2135 : memref<1x1x1x8x128xf32, #tpu.memory_space<hbm>> -> memref<8x128xf32, #tpu.memory_space<hbm>>
        %dma_wait3A_2137 = arith.constant 16 : i32
        %dma_wait3A_2138 = arith.constant 0 : i32
        %dma_wait3A_2139 = tpu.memref_slice %arg9[%dma_wait3A_2137, %dma_wait3A_2138] : memref<64x128xf32, #tpu.memory_space<vmem>> -> memref<8x128xf32, #tpu.memory_space<vmem>>
        tpu.wait_dma2 semaphore(%arg13 : memref<!tpu.dma_semaphore, #tpu.memory_space<semaphore_mem>>) src(%dma_wait3A_2139 : memref<8x128xf32, #tpu.memory_space<vmem>>) dst(%dma_wait3A_2136 : memref<8x128xf32, #tpu.memory_space<hbm>>)
        %add3A_2140 = arith.addi %mul3A_2, %sub3A_1971 : i32
        %jit3A_2141 = arith.constant 128 : i32
        %div3A_2142 = arith.divsi %add3A_2140, %jit3A_2141 : i32
        %sign3A_2143 = arith.constant 0 : i32
        %sign3A_2144 = arith.cmpi sgt, %add3A_2140, %sign3A_2143 : i32
        %sign3A_2145 = arith.extui %sign3A_2144 : i1 to i32
        %sign3A_2146 = arith.constant 0 : i32
        %sign3A_2147 = arith.cmpi slt, %add3A_2140, %sign3A_2146 : i32
        %sign3A_2148 = arith.extui %sign3A_2147 : i1 to i32
        %sign3A_2149 = arith.subi %sign3A_2145, %sign3A_2148 : i32
        %sign3A_2150 = arith.constant 0 : i32
        %sign3A_2151 = arith.cmpi sgt, %jit3A_2141, %sign3A_2150 : i32
        %sign3A_2152 = arith.extui %sign3A_2151 : i1 to i32
        %sign3A_2153 = arith.constant 0 : i32
        %sign3A_2154 = arith.cmpi slt, %jit3A_2141, %sign3A_2153 : i32
        %sign3A_2155 = arith.extui %sign3A_2154 : i1 to i32
        %sign3A_2156 = arith.subi %sign3A_2152, %sign3A_2155 : i32
        %ne3A_2157 = arith.cmpi ne, %sign3A_2149, %sign3A_2156 : i32
        %rem3A_2158 = arith.remsi %add3A_2140, %jit3A_2141 : i32
        %ne3A_2159 = arith.constant 0 : i32
        %ne3A_2160 = arith.cmpi ne, %rem3A_2158, %ne3A_2159 : i32
        %and3A_2161 = arith.andi %ne3A_2157, %ne3A_2160 : i1
        %sub3A_2162 = arith.constant 1 : i32
        %sub3A_2163 = arith.subi %div3A_2142, %sub3A_2162 : i32
        %select_n3A_2164 = arith.select %and3A_2161, %sub3A_2163, %div3A_2142 : i32
        %jit3A_2165 = arith.constant 128 : i32
        %eq3A_2166 = arith.constant 0 : i32
        %eq3A_2167 = arith.cmpi eq, %jit3A_2165, %eq3A_2166 : i32
        %jit3A_2168 = arith.constant 1 : i32
        %select_n3A_2169 = arith.select %eq3A_2167, %jit3A_2168, %jit3A_2165 : i32
        %rem3A_2170 = arith.remsi %add3A_2140, %select_n3A_2169 : i32
        %ne3A_2171 = arith.constant 0 : i32
        %ne3A_2172 = arith.cmpi ne, %rem3A_2170, %ne3A_2171 : i32
        %lt3A_2173 = arith.constant 0 : i32
        %lt3A_2174 = arith.cmpi slt, %rem3A_2170, %lt3A_2173 : i32
        %lt3A_2175 = arith.constant 0 : i32
        %lt3A_2176 = arith.cmpi slt, %select_n3A_2169, %lt3A_2175 : i32
        %ne3A_2177 = arith.xori %lt3A_2174, %lt3A_2176 : i1
        %and3A_2178 = arith.andi %ne3A_2177, %ne3A_2172 : i1
        %add3A_2179 = arith.addi %rem3A_2170, %select_n3A_2169 : i32
        %select_n3A_2180 = arith.select %and3A_2178, %add3A_2179, %rem3A_2170 : i32
        %dma_wait3A_2181 = arith.constant 3 : i32
        %dma_wait3A_2182 = arith.constant 24 : i32
        %dma_wait3A_2183 = arith.constant 0 : i32
        %dma_wait3A_2184 = tpu.memref_slice %arg9[%dma_wait3A_2182, %dma_wait3A_2183] : memref<64x128xf32, #tpu.memory_space<vmem>> -> memref<8x128xf32, #tpu.memory_space<vmem>>
        %dma_wait3A_2185 = arith.constant 0 : i32
        %dma_wait3A_2186 = arith.constant 0 : i32
        %dma_wait3A_2187 = tpu.memref_slice %arg4[%select_n3A_2164, %dma_wait3A_2181, %select_n3A_2180, %dma_wait3A_2185, %dma_wait3A_2186] : memref<20x8x128x8x128xf32, #tpu.memory_space<hbm>> -> memref<1x1x1x8x128xf32, #tpu.memory_space<hbm>>
        %dma_wait3A_2188 = tpu.memref_squeeze %dma_wait3A_2187 : memref<1x1x1x8x128xf32, #tpu.memory_space<hbm>> -> memref<8x128xf32, #tpu.memory_space<hbm>>
        %dma_wait3A_2189 = arith.constant 0 : i32
        %dma_wait3A_2190 = arith.constant 0 : i32
        %dma_wait3A_2191 = tpu.memref_slice %arg4[%select_n3A_2164, %dma_wait3A_2181, %select_n3A_2180, %dma_wait3A_2189, %dma_wait3A_2190] : memref<20x8x128x8x128xf32, #tpu.memory_space<hbm>> -> memref<1x1x1x8x128xf32, #tpu.memory_space<hbm>>
        %dma_wait3A_2192 = tpu.memref_squeeze %dma_wait3A_2191 : memref<1x1x1x8x128xf32, #tpu.memory_space<hbm>> -> memref<8x128xf32, #tpu.memory_space<hbm>>
        %dma_wait3A_2193 = arith.constant 24 : i32
        %dma_wait3A_2194 = arith.constant 0 : i32
        %dma_wait3A_2195 = tpu.memref_slice %arg9[%dma_wait3A_2193, %dma_wait3A_2194] : memref<64x128xf32, #tpu.memory_space<vmem>> -> memref<8x128xf32, #tpu.memory_space<vmem>>
        tpu.wait_dma2 semaphore(%arg13 : memref<!tpu.dma_semaphore, #tpu.memory_space<semaphore_mem>>) src(%dma_wait3A_2195 : memref<8x128xf32, #tpu.memory_space<vmem>>) dst(%dma_wait3A_2192 : memref<8x128xf32, #tpu.memory_space<hbm>>)
        %add3A_2196 = arith.addi %mul3A_2, %sub3A_1971 : i32
        %jit3A_2197 = arith.constant 128 : i32
        %div3A_2198 = arith.divsi %add3A_2196, %jit3A_2197 : i32
        %sign3A_2199 = arith.constant 0 : i32
        %sign3A_2200 = arith.cmpi sgt, %add3A_2196, %sign3A_2199 : i32
        %sign3A_2201 = arith.extui %sign3A_2200 : i1 to i32
        %sign3A_2202 = arith.constant 0 : i32
        %sign3A_2203 = arith.cmpi slt, %add3A_2196, %sign3A_2202 : i32
        %sign3A_2204 = arith.extui %sign3A_2203 : i1 to i32
        %sign3A_2205 = arith.subi %sign3A_2201, %sign3A_2204 : i32
        %sign3A_2206 = arith.constant 0 : i32
        %sign3A_2207 = arith.cmpi sgt, %jit3A_2197, %sign3A_2206 : i32
        %sign3A_2208 = arith.extui %sign3A_2207 : i1 to i32
        %sign3A_2209 = arith.constant 0 : i32
        %sign3A_2210 = arith.cmpi slt, %jit3A_2197, %sign3A_2209 : i32
        %sign3A_2211 = arith.extui %sign3A_2210 : i1 to i32
        %sign3A_2212 = arith.subi %sign3A_2208, %sign3A_2211 : i32
        %ne3A_2213 = arith.cmpi ne, %sign3A_2205, %sign3A_2212 : i32
        %rem3A_2214 = arith.remsi %add3A_2196, %jit3A_2197 : i32
        %ne3A_2215 = arith.constant 0 : i32
        %ne3A_2216 = arith.cmpi ne, %rem3A_2214, %ne3A_2215 : i32
        %and3A_2217 = arith.andi %ne3A_2213, %ne3A_2216 : i1
        %sub3A_2218 = arith.constant 1 : i32
        %sub3A_2219 = arith.subi %div3A_2198, %sub3A_2218 : i32
        %select_n3A_2220 = arith.select %and3A_2217, %sub3A_2219, %div3A_2198 : i32
        %jit3A_2221 = arith.constant 128 : i32
        %eq3A_2222 = arith.constant 0 : i32
        %eq3A_2223 = arith.cmpi eq, %jit3A_2221, %eq3A_2222 : i32
        %jit3A_2224 = arith.constant 1 : i32
        %select_n3A_2225 = arith.select %eq3A_2223, %jit3A_2224, %jit3A_2221 : i32
        %rem3A_2226 = arith.remsi %add3A_2196, %select_n3A_2225 : i32
        %ne3A_2227 = arith.constant 0 : i32
        %ne3A_2228 = arith.cmpi ne, %rem3A_2226, %ne3A_2227 : i32
        %lt3A_2229 = arith.constant 0 : i32
        %lt3A_2230 = arith.cmpi slt, %rem3A_2226, %lt3A_2229 : i32
        %lt3A_2231 = arith.constant 0 : i32
        %lt3A_2232 = arith.cmpi slt, %select_n3A_2225, %lt3A_2231 : i32
        %ne3A_2233 = arith.xori %lt3A_2230, %lt3A_2232 : i1
        %and3A_2234 = arith.andi %ne3A_2233, %ne3A_2228 : i1
        %add3A_2235 = arith.addi %rem3A_2226, %select_n3A_2225 : i32
        %select_n3A_2236 = arith.select %and3A_2234, %add3A_2235, %rem3A_2226 : i32
        %dma_wait3A_2237 = arith.constant 4 : i32
        %dma_wait3A_2238 = arith.constant 32 : i32
        %dma_wait3A_2239 = arith.constant 0 : i32
        %dma_wait3A_2240 = tpu.memref_slice %arg9[%dma_wait3A_2238, %dma_wait3A_2239] : memref<64x128xf32, #tpu.memory_space<vmem>> -> memref<8x128xf32, #tpu.memory_space<vmem>>
        %dma_wait3A_2241 = arith.constant 0 : i32
        %dma_wait3A_2242 = arith.constant 0 : i32
        %dma_wait3A_2243 = tpu.memref_slice %arg4[%select_n3A_2220, %dma_wait3A_2237, %select_n3A_2236, %dma_wait3A_2241, %dma_wait3A_2242] : memref<20x8x128x8x128xf32, #tpu.memory_space<hbm>> -> memref<1x1x1x8x128xf32, #tpu.memory_space<hbm>>
        %dma_wait3A_2244 = tpu.memref_squeeze %dma_wait3A_2243 : memref<1x1x1x8x128xf32, #tpu.memory_space<hbm>> -> memref<8x128xf32, #tpu.memory_space<hbm>>
        %dma_wait3A_2245 = arith.constant 0 : i32
        %dma_wait3A_2246 = arith.constant 0 : i32
        %dma_wait3A_2247 = tpu.memref_slice %arg4[%select_n3A_2220, %dma_wait3A_2237, %select_n3A_2236, %dma_wait3A_2245, %dma_wait3A_2246] : memref<20x8x128x8x128xf32, #tpu.memory_space<hbm>> -> memref<1x1x1x8x128xf32, #tpu.memory_space<hbm>>
        %dma_wait3A_2248 = tpu.memref_squeeze %dma_wait3A_2247 : memref<1x1x1x8x128xf32, #tpu.memory_space<hbm>> -> memref<8x128xf32, #tpu.memory_space<hbm>>
        %dma_wait3A_2249 = arith.constant 32 : i32
        %dma_wait3A_2250 = arith.constant 0 : i32
        %dma_wait3A_2251 = tpu.memref_slice %arg9[%dma_wait3A_2249, %dma_wait3A_2250] : memref<64x128xf32, #tpu.memory_space<vmem>> -> memref<8x128xf32, #tpu.memory_space<vmem>>
        tpu.wait_dma2 semaphore(%arg13 : memref<!tpu.dma_semaphore, #tpu.memory_space<semaphore_mem>>) src(%dma_wait3A_2251 : memref<8x128xf32, #tpu.memory_space<vmem>>) dst(%dma_wait3A_2248 : memref<8x128xf32, #tpu.memory_space<hbm>>)
        %add3A_2252 = arith.addi %mul3A_2, %sub3A_1971 : i32
        %jit3A_2253 = arith.constant 128 : i32
        %div3A_2254 = arith.divsi %add3A_2252, %jit3A_2253 : i32
        %sign3A_2255 = arith.constant 0 : i32
        %sign3A_2256 = arith.cmpi sgt, %add3A_2252, %sign3A_2255 : i32
        %sign3A_2257 = arith.extui %sign3A_2256 : i1 to i32
        %sign3A_2258 = arith.constant 0 : i32
        %sign3A_2259 = arith.cmpi slt, %add3A_2252, %sign3A_2258 : i32
        %sign3A_2260 = arith.extui %sign3A_2259 : i1 to i32
        %sign3A_2261 = arith.subi %sign3A_2257, %sign3A_2260 : i32
        %sign3A_2262 = arith.constant 0 : i32
        %sign3A_2263 = arith.cmpi sgt, %jit3A_2253, %sign3A_2262 : i32
        %sign3A_2264 = arith.extui %sign3A_2263 : i1 to i32
        %sign3A_2265 = arith.constant 0 : i32
        %sign3A_2266 = arith.cmpi slt, %jit3A_2253, %sign3A_2265 : i32
        %sign3A_2267 = arith.extui %sign3A_2266 : i1 to i32
        %sign3A_2268 = arith.subi %sign3A_2264, %sign3A_2267 : i32
        %ne3A_2269 = arith.cmpi ne, %sign3A_2261, %sign3A_2268 : i32
        %rem3A_2270 = arith.remsi %add3A_2252, %jit3A_2253 : i32
        %ne3A_2271 = arith.constant 0 : i32
        %ne3A_2272 = arith.cmpi ne, %rem3A_2270, %ne3A_2271 : i32
        %and3A_2273 = arith.andi %ne3A_2269, %ne3A_2272 : i1
        %sub3A_2274 = arith.constant 1 : i32
        %sub3A_2275 = arith.subi %div3A_2254, %sub3A_2274 : i32
        %select_n3A_2276 = arith.select %and3A_2273, %sub3A_2275, %div3A_2254 : i32
        %jit3A_2277 = arith.constant 128 : i32
        %eq3A_2278 = arith.constant 0 : i32
        %eq3A_2279 = arith.cmpi eq, %jit3A_2277, %eq3A_2278 : i32
        %jit3A_2280 = arith.constant 1 : i32
        %select_n3A_2281 = arith.select %eq3A_2279, %jit3A_2280, %jit3A_2277 : i32
        %rem3A_2282 = arith.remsi %add3A_2252, %select_n3A_2281 : i32
        %ne3A_2283 = arith.constant 0 : i32
        %ne3A_2284 = arith.cmpi ne, %rem3A_2282, %ne3A_2283 : i32
        %lt3A_2285 = arith.constant 0 : i32
        %lt3A_2286 = arith.cmpi slt, %rem3A_2282, %lt3A_2285 : i32
        %lt3A_2287 = arith.constant 0 : i32
        %lt3A_2288 = arith.cmpi slt, %select_n3A_2281, %lt3A_2287 : i32
        %ne3A_2289 = arith.xori %lt3A_2286, %lt3A_2288 : i1
        %and3A_2290 = arith.andi %ne3A_2289, %ne3A_2284 : i1
        %add3A_2291 = arith.addi %rem3A_2282, %select_n3A_2281 : i32
        %select_n3A_2292 = arith.select %and3A_2290, %add3A_2291, %rem3A_2282 : i32
        %dma_wait3A_2293 = arith.constant 5 : i32
        %dma_wait3A_2294 = arith.constant 40 : i32
        %dma_wait3A_2295 = arith.constant 0 : i32
        %dma_wait3A_2296 = tpu.memref_slice %arg9[%dma_wait3A_2294, %dma_wait3A_2295] : memref<64x128xf32, #tpu.memory_space<vmem>> -> memref<8x128xf32, #tpu.memory_space<vmem>>
        %dma_wait3A_2297 = arith.constant 0 : i32
        %dma_wait3A_2298 = arith.constant 0 : i32
        %dma_wait3A_2299 = tpu.memref_slice %arg4[%select_n3A_2276, %dma_wait3A_2293, %select_n3A_2292, %dma_wait3A_2297, %dma_wait3A_2298] : memref<20x8x128x8x128xf32, #tpu.memory_space<hbm>> -> memref<1x1x1x8x128xf32, #tpu.memory_space<hbm>>
        %dma_wait3A_2300 = tpu.memref_squeeze %dma_wait3A_2299 : memref<1x1x1x8x128xf32, #tpu.memory_space<hbm>> -> memref<8x128xf32, #tpu.memory_space<hbm>>
        %dma_wait3A_2301 = arith.constant 0 : i32
        %dma_wait3A_2302 = arith.constant 0 : i32
        %dma_wait3A_2303 = tpu.memref_slice %arg4[%select_n3A_2276, %dma_wait3A_2293, %select_n3A_2292, %dma_wait3A_2301, %dma_wait3A_2302] : memref<20x8x128x8x128xf32, #tpu.memory_space<hbm>> -> memref<1x1x1x8x128xf32, #tpu.memory_space<hbm>>
        %dma_wait3A_2304 = tpu.memref_squeeze %dma_wait3A_2303 : memref<1x1x1x8x128xf32, #tpu.memory_space<hbm>> -> memref<8x128xf32, #tpu.memory_space<hbm>>
        %dma_wait3A_2305 = arith.constant 40 : i32
        %dma_wait3A_2306 = arith.constant 0 : i32
        %dma_wait3A_2307 = tpu.memref_slice %arg9[%dma_wait3A_2305, %dma_wait3A_2306] : memref<64x128xf32, #tpu.memory_space<vmem>> -> memref<8x128xf32, #tpu.memory_space<vmem>>
        tpu.wait_dma2 semaphore(%arg13 : memref<!tpu.dma_semaphore, #tpu.memory_space<semaphore_mem>>) src(%dma_wait3A_2307 : memref<8x128xf32, #tpu.memory_space<vmem>>) dst(%dma_wait3A_2304 : memref<8x128xf32, #tpu.memory_space<hbm>>)
        %add3A_2308 = arith.addi %mul3A_2, %sub3A_1971 : i32
        %jit3A_2309 = arith.constant 128 : i32
        %div3A_2310 = arith.divsi %add3A_2308, %jit3A_2309 : i32
        %sign3A_2311 = arith.constant 0 : i32
        %sign3A_2312 = arith.cmpi sgt, %add3A_2308, %sign3A_2311 : i32
        %sign3A_2313 = arith.extui %sign3A_2312 : i1 to i32
        %sign3A_2314 = arith.constant 0 : i32
        %sign3A_2315 = arith.cmpi slt, %add3A_2308, %sign3A_2314 : i32
        %sign3A_2316 = arith.extui %sign3A_2315 : i1 to i32
        %sign3A_2317 = arith.subi %sign3A_2313, %sign3A_2316 : i32
        %sign3A_2318 = arith.constant 0 : i32
        %sign3A_2319 = arith.cmpi sgt, %jit3A_2309, %sign3A_2318 : i32
        %sign3A_2320 = arith.extui %sign3A_2319 : i1 to i32
        %sign3A_2321 = arith.constant 0 : i32
        %sign3A_2322 = arith.cmpi slt, %jit3A_2309, %sign3A_2321 : i32
        %sign3A_2323 = arith.extui %sign3A_2322 : i1 to i32
        %sign3A_2324 = arith.subi %sign3A_2320, %sign3A_2323 : i32
        %ne3A_2325 = arith.cmpi ne, %sign3A_2317, %sign3A_2324 : i32
        %rem3A_2326 = arith.remsi %add3A_2308, %jit3A_2309 : i32
        %ne3A_2327 = arith.constant 0 : i32
        %ne3A_2328 = arith.cmpi ne, %rem3A_2326, %ne3A_2327 : i32
        %and3A_2329 = arith.andi %ne3A_2325, %ne3A_2328 : i1
        %sub3A_2330 = arith.constant 1 : i32
        %sub3A_2331 = arith.subi %div3A_2310, %sub3A_2330 : i32
        %select_n3A_2332 = arith.select %and3A_2329, %sub3A_2331, %div3A_2310 : i32
        %jit3A_2333 = arith.constant 128 : i32
        %eq3A_2334 = arith.constant 0 : i32
        %eq3A_2335 = arith.cmpi eq, %jit3A_2333, %eq3A_2334 : i32
        %jit3A_2336 = arith.constant 1 : i32
        %select_n3A_2337 = arith.select %eq3A_2335, %jit3A_2336, %jit3A_2333 : i32
        %rem3A_2338 = arith.remsi %add3A_2308, %select_n3A_2337 : i32
        %ne3A_2339 = arith.constant 0 : i32
        %ne3A_2340 = arith.cmpi ne, %rem3A_2338, %ne3A_2339 : i32
        %lt3A_2341 = arith.constant 0 : i32
        %lt3A_2342 = arith.cmpi slt, %rem3A_2338, %lt3A_2341 : i32
        %lt3A_2343 = arith.constant 0 : i32
        %lt3A_2344 = arith.cmpi slt, %select_n3A_2337, %lt3A_2343 : i32
        %ne3A_2345 = arith.xori %lt3A_2342, %lt3A_2344 : i1
        %and3A_2346 = arith.andi %ne3A_2345, %ne3A_2340 : i1
        %add3A_2347 = arith.addi %rem3A_2338, %select_n3A_2337 : i32
        %select_n3A_2348 = arith.select %and3A_2346, %add3A_2347, %rem3A_2338 : i32
        %dma_wait3A_2349 = arith.constant 6 : i32
        %dma_wait3A_2350 = arith.constant 48 : i32
        %dma_wait3A_2351 = arith.constant 0 : i32
        %dma_wait3A_2352 = tpu.memref_slice %arg9[%dma_wait3A_2350, %dma_wait3A_2351] : memref<64x128xf32, #tpu.memory_space<vmem>> -> memref<8x128xf32, #tpu.memory_space<vmem>>
        %dma_wait3A_2353 = arith.constant 0 : i32
        %dma_wait3A_2354 = arith.constant 0 : i32
        %dma_wait3A_2355 = tpu.memref_slice %arg4[%select_n3A_2332, %dma_wait3A_2349, %select_n3A_2348, %dma_wait3A_2353, %dma_wait3A_2354] : memref<20x8x128x8x128xf32, #tpu.memory_space<hbm>> -> memref<1x1x1x8x128xf32, #tpu.memory_space<hbm>>
        %dma_wait3A_2356 = tpu.memref_squeeze %dma_wait3A_2355 : memref<1x1x1x8x128xf32, #tpu.memory_space<hbm>> -> memref<8x128xf32, #tpu.memory_space<hbm>>
        %dma_wait3A_2357 = arith.constant 0 : i32
        %dma_wait3A_2358 = arith.constant 0 : i32
        %dma_wait3A_2359 = tpu.memref_slice %arg4[%select_n3A_2332, %dma_wait3A_2349, %select_n3A_2348, %dma_wait3A_2357, %dma_wait3A_2358] : memref<20x8x128x8x128xf32, #tpu.memory_space<hbm>> -> memref<1x1x1x8x128xf32, #tpu.memory_space<hbm>>
        %dma_wait3A_2360 = tpu.memref_squeeze %dma_wait3A_2359 : memref<1x1x1x8x128xf32, #tpu.memory_space<hbm>> -> memref<8x128xf32, #tpu.memory_space<hbm>>
        %dma_wait3A_2361 = arith.constant 48 : i32
        %dma_wait3A_2362 = arith.constant 0 : i32
        %dma_wait3A_2363 = tpu.memref_slice %arg9[%dma_wait3A_2361, %dma_wait3A_2362] : memref<64x128xf32, #tpu.memory_space<vmem>> -> memref<8x128xf32, #tpu.memory_space<vmem>>
        tpu.wait_dma2 semaphore(%arg13 : memref<!tpu.dma_semaphore, #tpu.memory_space<semaphore_mem>>) src(%dma_wait3A_2363 : memref<8x128xf32, #tpu.memory_space<vmem>>) dst(%dma_wait3A_2360 : memref<8x128xf32, #tpu.memory_space<hbm>>)
        %add3A_2364 = arith.addi %mul3A_2, %sub3A_1971 : i32
        %jit3A_2365 = arith.constant 128 : i32
        %div3A_2366 = arith.divsi %add3A_2364, %jit3A_2365 : i32
        %sign3A_2367 = arith.constant 0 : i32
        %sign3A_2368 = arith.cmpi sgt, %add3A_2364, %sign3A_2367 : i32
        %sign3A_2369 = arith.extui %sign3A_2368 : i1 to i32
        %sign3A_2370 = arith.constant 0 : i32
        %sign3A_2371 = arith.cmpi slt, %add3A_2364, %sign3A_2370 : i32
        %sign3A_2372 = arith.extui %sign3A_2371 : i1 to i32
        %sign3A_2373 = arith.subi %sign3A_2369, %sign3A_2372 : i32
        %sign3A_2374 = arith.constant 0 : i32
        %sign3A_2375 = arith.cmpi sgt, %jit3A_2365, %sign3A_2374 : i32
        %sign3A_2376 = arith.extui %sign3A_2375 : i1 to i32
        %sign3A_2377 = arith.constant 0 : i32
        %sign3A_2378 = arith.cmpi slt, %jit3A_2365, %sign3A_2377 : i32
        %sign3A_2379 = arith.extui %sign3A_2378 : i1 to i32
        %sign3A_2380 = arith.subi %sign3A_2376, %sign3A_2379 : i32
        %ne3A_2381 = arith.cmpi ne, %sign3A_2373, %sign3A_2380 : i32
        %rem3A_2382 = arith.remsi %add3A_2364, %jit3A_2365 : i32
        %ne3A_2383 = arith.constant 0 : i32
        %ne3A_2384 = arith.cmpi ne, %rem3A_2382, %ne3A_2383 : i32
        %and3A_2385 = arith.andi %ne3A_2381, %ne3A_2384 : i1
        %sub3A_2386 = arith.constant 1 : i32
        %sub3A_2387 = arith.subi %div3A_2366, %sub3A_2386 : i32
        %select_n3A_2388 = arith.select %and3A_2385, %sub3A_2387, %div3A_2366 : i32
        %jit3A_2389 = arith.constant 128 : i32
        %eq3A_2390 = arith.constant 0 : i32
        %eq3A_2391 = arith.cmpi eq, %jit3A_2389, %eq3A_2390 : i32
        %jit3A_2392 = arith.constant 1 : i32
        %select_n3A_2393 = arith.select %eq3A_2391, %jit3A_2392, %jit3A_2389 : i32
        %rem3A_2394 = arith.remsi %add3A_2364, %select_n3A_2393 : i32
        %ne3A_2395 = arith.constant 0 : i32
        %ne3A_2396 = arith.cmpi ne, %rem3A_2394, %ne3A_2395 : i32
        %lt3A_2397 = arith.constant 0 : i32
        %lt3A_2398 = arith.cmpi slt, %rem3A_2394, %lt3A_2397 : i32
        %lt3A_2399 = arith.constant 0 : i32
        %lt3A_2400 = arith.cmpi slt, %select_n3A_2393, %lt3A_2399 : i32
        %ne3A_2401 = arith.xori %lt3A_2398, %lt3A_2400 : i1
        %and3A_2402 = arith.andi %ne3A_2401, %ne3A_2396 : i1
        %add3A_2403 = arith.addi %rem3A_2394, %select_n3A_2393 : i32
        %select_n3A_2404 = arith.select %and3A_2402, %add3A_2403, %rem3A_2394 : i32
        %dma_wait3A_2405 = arith.constant 7 : i32
        %dma_wait3A_2406 = arith.constant 56 : i32
        %dma_wait3A_2407 = arith.constant 0 : i32
        %dma_wait3A_2408 = tpu.memref_slice %arg9[%dma_wait3A_2406, %dma_wait3A_2407] : memref<64x128xf32, #tpu.memory_space<vmem>> -> memref<8x128xf32, #tpu.memory_space<vmem>>
        %dma_wait3A_2409 = arith.constant 0 : i32
        %dma_wait3A_2410 = arith.constant 0 : i32
        %dma_wait3A_2411 = tpu.memref_slice %arg4[%select_n3A_2388, %dma_wait3A_2405, %select_n3A_2404, %dma_wait3A_2409, %dma_wait3A_2410] : memref<20x8x128x8x128xf32, #tpu.memory_space<hbm>> -> memref<1x1x1x8x128xf32, #tpu.memory_space<hbm>>
        %dma_wait3A_2412 = tpu.memref_squeeze %dma_wait3A_2411 : memref<1x1x1x8x128xf32, #tpu.memory_space<hbm>> -> memref<8x128xf32, #tpu.memory_space<hbm>>
        %dma_wait3A_2413 = arith.constant 0 : i32
        %dma_wait3A_2414 = arith.constant 0 : i32
        %dma_wait3A_2415 = tpu.memref_slice %arg4[%select_n3A_2388, %dma_wait3A_2405, %select_n3A_2404, %dma_wait3A_2413, %dma_wait3A_2414] : memref<20x8x128x8x128xf32, #tpu.memory_space<hbm>> -> memref<1x1x1x8x128xf32, #tpu.memory_space<hbm>>
        %dma_wait3A_2416 = tpu.memref_squeeze %dma_wait3A_2415 : memref<1x1x1x8x128xf32, #tpu.memory_space<hbm>> -> memref<8x128xf32, #tpu.memory_space<hbm>>
        %dma_wait3A_2417 = arith.constant 56 : i32
        %dma_wait3A_2418 = arith.constant 0 : i32
        %dma_wait3A_2419 = tpu.memref_slice %arg9[%dma_wait3A_2417, %dma_wait3A_2418] : memref<64x128xf32, #tpu.memory_space<vmem>> -> memref<8x128xf32, #tpu.memory_space<vmem>>
        tpu.wait_dma2 semaphore(%arg13 : memref<!tpu.dma_semaphore, #tpu.memory_space<semaphore_mem>>) src(%dma_wait3A_2419 : memref<8x128xf32, #tpu.memory_space<vmem>>) dst(%dma_wait3A_2416 : memref<8x128xf32, #tpu.memory_space<hbm>>)
      } else {
      }
      %iota3A_1459 = tpu.iota {dimensions = array<i32: 0>} : vector<16xi32>
      %add3A_1460 = arith.constant 0 : i32
      %add3A_1461 = vector.broadcast %add3A_1460 : i32 to vector<16xi32>
      %add3A_1462 = arith.addi %iota3A_1459, %add3A_1461 : vector<16xi32>
      %parallel_loop3A_1463 = arith.constant 0 : i32
      %parallel_loop3A_1464 = arith.constant 64 : i32
      %parallel_loop3A_1465 = arith.constant 1 : i32
      scf.for %parallel_loop3A_1970 = %parallel_loop3A_1463 to %parallel_loop3A_1464 step %parallel_loop3A_1465  : i32 {
        %parallel_loop3A_1971 = arith.constant 0 : i32
        %parallel_loop3A_1972 = vector.broadcast %parallel_loop3A_1971 : i32 to vector<16xi32>
        %parallel_loop3A_1973 = vector.broadcast %parallel_loop3A_1970 : i32 to vector<16xi32>
        %parallel_loop3A_1974 = arith.addi %parallel_loop3A_1972, %parallel_loop3A_1973 : vector<16xi32>
        %parallel_loop3A_1975 = tpu.vector_load_idx %arg7[%add3A_1462, %parallel_loop3A_1974] : memref<128x64xf32, #tpu.memory_space<vmem>>[vector<16xi32>, vector<16xi32>], vector<16xf32>,
        %parallel_loop3A_1976 = arith.index_cast %parallel_loop3A_1970 : i32 to index
        %parallel_loop3A_1977 = arith.constant 0 : index
        %parallel_loop3A_1978 = tpu.vector_load %arg9[%parallel_loop3A_1976, %parallel_loop3A_1977] {strides = array<i32>} : memref<64x128xf32, #tpu.memory_space<vmem>>, vector<16xf32>,
        tpu.vector_store %arg9[%parallel_loop3A_1976, %parallel_loop3A_1977], %parallel_loop3A_1975 {strides = array<i32>} : memref<64x128xf32, #tpu.memory_space<vmem>>, vector<16xf32>,
      } {sc.loop_unroll_factor = 8 : i64, sc.parallel_access}
      %iota3A_1466 = tpu.iota {dimensions = array<i32: 0>} : vector<16xi32>
      %add3A_1467 = arith.constant 16 : i32
      %add3A_1468 = vector.broadcast %add3A_1467 : i32 to vector<16xi32>
      %add3A_1469 = arith.addi %iota3A_1466, %add3A_1468 : vector<16xi32>
      %parallel_loop3A_1470 = arith.constant 0 : i32
      %parallel_loop3A_1471 = arith.constant 64 : i32
      %parallel_loop3A_1472 = arith.constant 1 : i32
      scf.for %parallel_loop3A_1970 = %parallel_loop3A_1470 to %parallel_loop3A_1471 step %parallel_loop3A_1472  : i32 {
        %parallel_loop3A_1971 = arith.constant 0 : i32
        %parallel_loop3A_1972 = vector.broadcast %parallel_loop3A_1971 : i32 to vector<16xi32>
        %parallel_loop3A_1973 = vector.broadcast %parallel_loop3A_1970 : i32 to vector<16xi32>
        %parallel_loop3A_1974 = arith.addi %parallel_loop3A_1972, %parallel_loop3A_1973 : vector<16xi32>
        %parallel_loop3A_1975 = tpu.vector_load_idx %arg7[%add3A_1469, %parallel_loop3A_1974] : memref<128x64xf32, #tpu.memory_space<vmem>>[vector<16xi32>, vector<16xi32>], vector<16xf32>,
        %parallel_loop3A_1976 = arith.index_cast %parallel_loop3A_1970 : i32 to index
        %parallel_loop3A_1977 = arith.constant 16 : index
        %parallel_loop3A_1978 = tpu.vector_load %arg9[%parallel_loop3A_1976, %parallel_loop3A_1977] {strides = array<i32>} : memref<64x128xf32, #tpu.memory_space<vmem>>, vector<16xf32>,
        tpu.vector_store %arg9[%parallel_loop3A_1976, %parallel_loop3A_1977], %parallel_loop3A_1975 {strides = array<i32>} : memref<64x128xf32, #tpu.memory_space<vmem>>, vector<16xf32>,
      } {sc.loop_unroll_factor = 8 : i64, sc.parallel_access}
      %iota3A_1473 = tpu.iota {dimensions = array<i32: 0>} : vector<16xi32>
      %add3A_1474 = arith.constant 32 : i32
      %add3A_1475 = vector.broadcast %add3A_1474 : i32 to vector<16xi32>
      %add3A_1476 = arith.addi %iota3A_1473, %add3A_1475 : vector<16xi32>
      %parallel_loop3A_1477 = arith.constant 0 : i32
      %parallel_loop3A_1478 = arith.constant 64 : i32
      %parallel_loop3A_1479 = arith.constant 1 : i32
      scf.for %parallel_loop3A_1970 = %parallel_loop3A_1477 to %parallel_loop3A_1478 step %parallel_loop3A_1479  : i32 {
        %parallel_loop3A_1971 = arith.constant 0 : i32
        %parallel_loop3A_1972 = vector.broadcast %parallel_loop3A_1971 : i32 to vector<16xi32>
        %parallel_loop3A_1973 = vector.broadcast %parallel_loop3A_1970 : i32 to vector<16xi32>
        %parallel_loop3A_1974 = arith.addi %parallel_loop3A_1972, %parallel_loop3A_1973 : vector<16xi32>
        %parallel_loop3A_1975 = tpu.vector_load_idx %arg7[%add3A_1476, %parallel_loop3A_1974] : memref<128x64xf32, #tpu.memory_space<vmem>>[vector<16xi32>, vector<16xi32>], vector<16xf32>,
        %parallel_loop3A_1976 = arith.index_cast %parallel_loop3A_1970 : i32 to index
        %parallel_loop3A_1977 = arith.constant 32 : index
        %parallel_loop3A_1978 = tpu.vector_load %arg9[%parallel_loop3A_1976, %parallel_loop3A_1977] {strides = array<i32>} : memref<64x128xf32, #tpu.memory_space<vmem>>, vector<16xf32>,
        tpu.vector_store %arg9[%parallel_loop3A_1976, %parallel_loop3A_1977], %parallel_loop3A_1975 {strides = array<i32>} : memref<64x128xf32, #tpu.memory_space<vmem>>, vector<16xf32>,
      } {sc.loop_unroll_factor = 8 : i64, sc.parallel_access}
      %iota3A_1480 = tpu.iota {dimensions = array<i32: 0>} : vector<16xi32>
      %add3A_1481 = arith.constant 48 : i32
      %add3A_1482 = vector.broadcast %add3A_1481 : i32 to vector<16xi32>
      %add3A_1483 = arith.addi %iota3A_1480, %add3A_1482 : vector<16xi32>
      %parallel_loop3A_1484 = arith.constant 0 : i32
      %parallel_loop3A_1485 = arith.constant 64 : i32
      %parallel_loop3A_1486 = arith.constant 1 : i32
      scf.for %parallel_loop3A_1970 = %parallel_loop3A_1484 to %parallel_loop3A_1485 step %parallel_loop3A_1486  : i32 {
        %parallel_loop3A_1971 = arith.constant 0 : i32
        %parallel_loop3A_1972 = vector.broadcast %parallel_loop3A_1971 : i32 to vector<16xi32>
        %parallel_loop3A_1973 = vector.broadcast %parallel_loop3A_1970 : i32 to vector<16xi32>
        %parallel_loop3A_1974 = arith.addi %parallel_loop3A_1972, %parallel_loop3A_1973 : vector<16xi32>
        %parallel_loop3A_1975 = tpu.vector_load_idx %arg7[%add3A_1483, %parallel_loop3A_1974] : memref<128x64xf32, #tpu.memory_space<vmem>>[vector<16xi32>, vector<16xi32>], vector<16xf32>,
        %parallel_loop3A_1976 = arith.index_cast %parallel_loop3A_1970 : i32 to index
        %parallel_loop3A_1977 = arith.constant 48 : index
        %parallel_loop3A_1978 = tpu.vector_load %arg9[%parallel_loop3A_1976, %parallel_loop3A_1977] {strides = array<i32>} : memref<64x128xf32, #tpu.memory_space<vmem>>, vector<16xf32>,
        tpu.vector_store %arg9[%parallel_loop3A_1976, %parallel_loop3A_1977], %parallel_loop3A_1975 {strides = array<i32>} : memref<64x128xf32, #tpu.memory_space<vmem>>, vector<16xf32>,
      } {sc.loop_unroll_factor = 8 : i64, sc.parallel_access}
      %iota3A_1487 = tpu.iota {dimensions = array<i32: 0>} : vector<16xi32>
      %add3A_1488 = arith.constant 64 : i32
      %add3A_1489 = vector.broadcast %add3A_1488 : i32 to vector<16xi32>
      %add3A_1490 = arith.addi %iota3A_1487, %add3A_1489 : vector<16xi32>
      %parallel_loop3A_1491 = arith.constant 0 : i32
      %parallel_loop3A_1492 = arith.constant 64 : i32
      %parallel_loop3A_1493 = arith.constant 1 : i32
      scf.for %parallel_loop3A_1970 = %parallel_loop3A_1491 to %parallel_loop3A_1492 step %parallel_loop3A_1493  : i32 {
        %parallel_loop3A_1971 = arith.constant 0 : i32
        %parallel_loop3A_1972 = vector.broadcast %parallel_loop3A_1971 : i32 to vector<16xi32>
        %parallel_loop3A_1973 = vector.broadcast %parallel_loop3A_1970 : i32 to vector<16xi32>
        %parallel_loop3A_1974 = arith.addi %parallel_loop3A_1972, %parallel_loop3A_1973 : vector<16xi32>
        %parallel_loop3A_1975 = tpu.vector_load_idx %arg7[%add3A_1490, %parallel_loop3A_1974] : memref<128x64xf32, #tpu.memory_space<vmem>>[vector<16xi32>, vector<16xi32>], vector<16xf32>,
        %parallel_loop3A_1976 = arith.index_cast %parallel_loop3A_1970 : i32 to index
        %parallel_loop3A_1977 = arith.constant 64 : index
        %parallel_loop3A_1978 = tpu.vector_load %arg9[%parallel_loop3A_1976, %parallel_loop3A_1977] {strides = array<i32>} : memref<64x128xf32, #tpu.memory_space<vmem>>, vector<16xf32>,
        tpu.vector_store %arg9[%parallel_loop3A_1976, %parallel_loop3A_1977], %parallel_loop3A_1975 {strides = array<i32>} : memref<64x128xf32, #tpu.memory_space<vmem>>, vector<16xf32>,
      } {sc.loop_unroll_factor = 8 : i64, sc.parallel_access}
      %iota3A_1494 = tpu.iota {dimensions = array<i32: 0>} : vector<16xi32>
      %add3A_1495 = arith.constant 80 : i32
      %add3A_1496 = vector.broadcast %add3A_1495 : i32 to vector<16xi32>
      %add3A_1497 = arith.addi %iota3A_1494, %add3A_1496 : vector<16xi32>
      %parallel_loop3A_1498 = arith.constant 0 : i32
      %parallel_loop3A_1499 = arith.constant 64 : i32
      %parallel_loop3A_1500 = arith.constant 1 : i32
      scf.for %parallel_loop3A_1970 = %parallel_loop3A_1498 to %parallel_loop3A_1499 step %parallel_loop3A_1500  : i32 {
        %parallel_loop3A_1971 = arith.constant 0 : i32
        %parallel_loop3A_1972 = vector.broadcast %parallel_loop3A_1971 : i32 to vector<16xi32>
        %parallel_loop3A_1973 = vector.broadcast %parallel_loop3A_1970 : i32 to vector<16xi32>
        %parallel_loop3A_1974 = arith.addi %parallel_loop3A_1972, %parallel_loop3A_1973 : vector<16xi32>
        %parallel_loop3A_1975 = tpu.vector_load_idx %arg7[%add3A_1497, %parallel_loop3A_1974] : memref<128x64xf32, #tpu.memory_space<vmem>>[vector<16xi32>, vector<16xi32>], vector<16xf32>,
        %parallel_loop3A_1976 = arith.index_cast %parallel_loop3A_1970 : i32 to index
        %parallel_loop3A_1977 = arith.constant 80 : index
        %parallel_loop3A_1978 = tpu.vector_load %arg9[%parallel_loop3A_1976, %parallel_loop3A_1977] {strides = array<i32>} : memref<64x128xf32, #tpu.memory_space<vmem>>, vector<16xf32>,
        tpu.vector_store %arg9[%parallel_loop3A_1976, %parallel_loop3A_1977], %parallel_loop3A_1975 {strides = array<i32>} : memref<64x128xf32, #tpu.memory_space<vmem>>, vector<16xf32>,
      } {sc.loop_unroll_factor = 8 : i64, sc.parallel_access}
      %iota3A_1501 = tpu.iota {dimensions = array<i32: 0>} : vector<16xi32>
      %add3A_1502 = arith.constant 96 : i32
      %add3A_1503 = vector.broadcast %add3A_1502 : i32 to vector<16xi32>
      %add3A_1504 = arith.addi %iota3A_1501, %add3A_1503 : vector<16xi32>
      %parallel_loop3A_1505 = arith.constant 0 : i32
      %parallel_loop3A_1506 = arith.constant 64 : i32
      %parallel_loop3A_1507 = arith.constant 1 : i32
      scf.for %parallel_loop3A_1970 = %parallel_loop3A_1505 to %parallel_loop3A_1506 step %parallel_loop3A_1507  : i32 {
        %parallel_loop3A_1971 = arith.constant 0 : i32
        %parallel_loop3A_1972 = vector.broadcast %parallel_loop3A_1971 : i32 to vector<16xi32>
        %parallel_loop3A_1973 = vector.broadcast %parallel_loop3A_1970 : i32 to vector<16xi32>
        %parallel_loop3A_1974 = arith.addi %parallel_loop3A_1972, %parallel_loop3A_1973 : vector<16xi32>
        %parallel_loop3A_1975 = tpu.vector_load_idx %arg7[%add3A_1504, %parallel_loop3A_1974] : memref<128x64xf32, #tpu.memory_space<vmem>>[vector<16xi32>, vector<16xi32>], vector<16xf32>,
        %parallel_loop3A_1976 = arith.index_cast %parallel_loop3A_1970 : i32 to index
        %parallel_loop3A_1977 = arith.constant 96 : index
        %parallel_loop3A_1978 = tpu.vector_load %arg9[%parallel_loop3A_1976, %parallel_loop3A_1977] {strides = array<i32>} : memref<64x128xf32, #tpu.memory_space<vmem>>, vector<16xf32>,
        tpu.vector_store %arg9[%parallel_loop3A_1976, %parallel_loop3A_1977], %parallel_loop3A_1975 {strides = array<i32>} : memref<64x128xf32, #tpu.memory_space<vmem>>, vector<16xf32>,
      } {sc.loop_unroll_factor = 8 : i64, sc.parallel_access}
      %iota3A_1508 = tpu.iota {dimensions = array<i32: 0>} : vector<16xi32>
      %add3A_1509 = arith.constant 112 : i32
      %add3A_1510 = vector.broadcast %add3A_1509 : i32 to vector<16xi32>
      %add3A_1511 = arith.addi %iota3A_1508, %add3A_1510 : vector<16xi32>
      %parallel_loop3A_1512 = arith.constant 0 : i32
      %parallel_loop3A_1513 = arith.constant 64 : i32
      %parallel_loop3A_1514 = arith.constant 1 : i32
      scf.for %parallel_loop3A_1970 = %parallel_loop3A_1512 to %parallel_loop3A_1513 step %parallel_loop3A_1514  : i32 {
        %parallel_loop3A_1971 = arith.constant 0 : i32
        %parallel_loop3A_1972 = vector.broadcast %parallel_loop3A_1971 : i32 to vector<16xi32>
        %parallel_loop3A_1973 = vector.broadcast %parallel_loop3A_1970 : i32 to vector<16xi32>
        %parallel_loop3A_1974 = arith.addi %parallel_loop3A_1972, %parallel_loop3A_1973 : vector<16xi32>
        %parallel_loop3A_1975 = tpu.vector_load_idx %arg7[%add3A_1511, %parallel_loop3A_1974] : memref<128x64xf32, #tpu.memory_space<vmem>>[vector<16xi32>, vector<16xi32>], vector<16xf32>,
        %parallel_loop3A_1976 = arith.index_cast %parallel_loop3A_1970 : i32 to index
        %parallel_loop3A_1977 = arith.constant 112 : index
        %parallel_loop3A_1978 = tpu.vector_load %arg9[%parallel_loop3A_1976, %parallel_loop3A_1977] {strides = array<i32>} : memref<64x128xf32, #tpu.memory_space<vmem>>, vector<16xf32>,
        tpu.vector_store %arg9[%parallel_loop3A_1976, %parallel_loop3A_1977], %parallel_loop3A_1975 {strides = array<i32>} : memref<64x128xf32, #tpu.memory_space<vmem>>, vector<16xf32>,
      } {sc.loop_unroll_factor = 8 : i64, sc.parallel_access}
      %add3A_1515 = arith.constant 2 : i32
      %add3A_1516 = arith.addi %add3A_1447, %add3A_1515 : i32
      %lt3A_1517 = arith.constant 80 : i32
      %lt3A_1518 = arith.cmpi slt, %add3A_1516, %lt3A_1517 : i32
      %convert_element_type3A_1519 = arith.extui %lt3A_1518 : i1 to i32
      %cond3A_1520 = arith.constant 0 : i32
      %cond3A_1521 = arith.cmpi ne, %convert_element_type3A_1519, %cond3A_1520 : i32
      scf.if %cond3A_1521 {
        %add3A_1970 = arith.constant 2 : i32
        %add3A_1971 = arith.addi %add3A_1447, %add3A_1970 : i32
        %dma_start3A_1972 = arith.constant 0 : i32
        %dma_start3A_1973 = tpu.memref_slice %arg5[%add3A_1971, %dma_start3A_1972] : memref<80x128xi32, #tpu.memory_space<vmem>> -> memref<1x128xi32, #tpu.memory_space<vmem>>
        %dma_start3A_1974 = tpu.memref_squeeze %dma_start3A_1973 : memref<1x128xi32, #tpu.memory_space<vmem>> -> memref<128xi32, #tpu.memory_space<vmem>>
        %dma_start3A_1975 = arith.constant 0 : i32
        %dma_start3A_1976 = arith.constant 0 : i32
        %dma_start3A_1977 = tpu.memref_slice %arg3[%dma_start3A_1975, %dma_start3A_1976] : memref<1000000x64xf32, #tpu.memory_space<hbm>> -> memref<1000000x64xf32, #tpu.memory_space<hbm>>
        tpu.enqueue_indirect_dma source(%dma_start3A_1977 : memref<1000000x64xf32, #tpu.memory_space<hbm>>) target(%arg7 : memref<128x64xf32, #tpu.memory_space<vmem>>) offsets(%dma_start3A_1974 : memref<128xi32, #tpu.memory_space<vmem>>) semaphore(%arg11 : memref<!tpu.dma_semaphore, #tpu.memory_space<semaphore_mem>>)
      } else {
      }
      %add3A_1522 = arith.addi %mul3A_2, %add3A_1447 : i32
      %jit3A_1523 = arith.constant 128 : i32
      %div3A_1524 = arith.divsi %add3A_1522, %jit3A_1523 : i32
      %sign3A_1525 = arith.constant 0 : i32
      %sign3A_1526 = arith.cmpi sgt, %add3A_1522, %sign3A_1525 : i32
      %sign3A_1527 = arith.extui %sign3A_1526 : i1 to i32
      %sign3A_1528 = arith.constant 0 : i32
      %sign3A_1529 = arith.cmpi slt, %add3A_1522, %sign3A_1528 : i32
      %sign3A_1530 = arith.extui %sign3A_1529 : i1 to i32
      %sign3A_1531 = arith.subi %sign3A_1527, %sign3A_1530 : i32
      %sign3A_1532 = arith.constant 0 : i32
      %sign3A_1533 = arith.cmpi sgt, %jit3A_1523, %sign3A_1532 : i32
      %sign3A_1534 = arith.extui %sign3A_1533 : i1 to i32
      %sign3A_1535 = arith.constant 0 : i32
      %sign3A_1536 = arith.cmpi slt, %jit3A_1523, %sign3A_1535 : i32
      %sign3A_1537 = arith.extui %sign3A_1536 : i1 to i32
      %sign3A_1538 = arith.subi %sign3A_1534, %sign3A_1537 : i32
      %ne3A_1539 = arith.cmpi ne, %sign3A_1531, %sign3A_1538 : i32
      %rem3A_1540 = arith.remsi %add3A_1522, %jit3A_1523 : i32
      %ne3A_1541 = arith.constant 0 : i32
      %ne3A_1542 = arith.cmpi ne, %rem3A_1540, %ne3A_1541 : i32
      %and3A_1543 = arith.andi %ne3A_1539, %ne3A_1542 : i1
      %sub3A_1544 = arith.constant 1 : i32
      %sub3A_1545 = arith.subi %div3A_1524, %sub3A_1544 : i32
      %select_n3A_1546 = arith.select %and3A_1543, %sub3A_1545, %div3A_1524 : i32
      %jit3A_1547 = arith.constant 128 : i32
      %eq3A_1548 = arith.constant 0 : i32
      %eq3A_1549 = arith.cmpi eq, %jit3A_1547, %eq3A_1548 : i32
      %jit3A_1550 = arith.constant 1 : i32
      %select_n3A_1551 = arith.select %eq3A_1549, %jit3A_1550, %jit3A_1547 : i32
      %rem3A_1552 = arith.remsi %add3A_1522, %select_n3A_1551 : i32
      %ne3A_1553 = arith.constant 0 : i32
      %ne3A_1554 = arith.cmpi ne, %rem3A_1552, %ne3A_1553 : i32
      %lt3A_1555 = arith.constant 0 : i32
      %lt3A_1556 = arith.cmpi slt, %rem3A_1552, %lt3A_1555 : i32
      %lt3A_1557 = arith.constant 0 : i32
      %lt3A_1558 = arith.cmpi slt, %select_n3A_1551, %lt3A_1557 : i32
      %ne3A_1559 = arith.xori %lt3A_1556, %lt3A_1558 : i1
      %and3A_1560 = arith.andi %ne3A_1559, %ne3A_1554 : i1
      %add3A_1561 = arith.addi %rem3A_1552, %select_n3A_1551 : i32
      %select_n3A_1562 = arith.select %and3A_1560, %add3A_1561, %rem3A_1552 : i32
      %dma_start3A_1563 = arith.constant 0 : i32
      %dma_start3A_1564 = arith.constant 0 : i32
      %dma_start3A_1565 = arith.constant 0 : i32
      %dma_start3A_1566 = tpu.memref_slice %arg9[%dma_start3A_1564, %dma_start3A_1565] : memref<64x128xf32, #tpu.memory_space<vmem>> -> memref<8x128xf32, #tpu.memory_space<vmem>>
      %dma_start3A_1567 = arith.constant 0 : i32
      %dma_start3A_1568 = arith.constant 0 : i32
      %dma_start3A_1569 = tpu.memref_slice %arg4[%select_n3A_1546, %dma_start3A_1563, %select_n3A_1562, %dma_start3A_1567, %dma_start3A_1568] : memref<20x8x128x8x128xf32, #tpu.memory_space<hbm>> -> memref<1x1x1x8x128xf32, #tpu.memory_space<hbm>>
      %dma_start3A_1570 = tpu.memref_squeeze %dma_start3A_1569 : memref<1x1x1x8x128xf32, #tpu.memory_space<hbm>> -> memref<8x128xf32, #tpu.memory_space<hbm>>
      %dma_start3A_1571 = arith.constant 0 : i32
      %dma_start3A_1572 = arith.constant 0 : i32
      %dma_start3A_1573 = tpu.memref_slice %arg4[%select_n3A_1546, %dma_start3A_1563, %select_n3A_1562, %dma_start3A_1571, %dma_start3A_1572] : memref<20x8x128x8x128xf32, #tpu.memory_space<hbm>> -> memref<1x1x1x8x128xf32, #tpu.memory_space<hbm>>
      %dma_start3A_1574 = tpu.memref_squeeze %dma_start3A_1573 : memref<1x1x1x8x128xf32, #tpu.memory_space<hbm>> -> memref<8x128xf32, #tpu.memory_space<hbm>>
      %dma_start3A_1575 = arith.constant 0 : i32
      %dma_start3A_1576 = arith.constant 0 : i32
      %dma_start3A_1577 = tpu.memref_slice %arg9[%dma_start3A_1575, %dma_start3A_1576] : memref<64x128xf32, #tpu.memory_space<vmem>> -> memref<8x128xf32, #tpu.memory_space<vmem>>
      tpu.enqueue_dma source(%dma_start3A_1577 : memref<8x128xf32, #tpu.memory_space<vmem>>) target(%dma_start3A_1574 : memref<8x128xf32, #tpu.memory_space<hbm>>) target_semaphore(%arg13 : memref<!tpu.dma_semaphore, #tpu.memory_space<semaphore_mem>>)
      %add3A_1578 = arith.addi %mul3A_2, %add3A_1447 : i32
      %jit3A_1579 = arith.constant 128 : i32
      %div3A_1580 = arith.divsi %add3A_1578, %jit3A_1579 : i32
      %sign3A_1581 = arith.constant 0 : i32
      %sign3A_1582 = arith.cmpi sgt, %add3A_1578, %sign3A_1581 : i32
      %sign3A_1583 = arith.extui %sign3A_1582 : i1 to i32
      %sign3A_1584 = arith.constant 0 : i32
      %sign3A_1585 = arith.cmpi slt, %add3A_1578, %sign3A_1584 : i32
      %sign3A_1586 = arith.extui %sign3A_1585 : i1 to i32
      %sign3A_1587 = arith.subi %sign3A_1583, %sign3A_1586 : i32
      %sign3A_1588 = arith.constant 0 : i32
      %sign3A_1589 = arith.cmpi sgt, %jit3A_1579, %sign3A_1588 : i32
      %sign3A_1590 = arith.extui %sign3A_1589 : i1 to i32
      %sign3A_1591 = arith.constant 0 : i32
      %sign3A_1592 = arith.cmpi slt, %jit3A_1579, %sign3A_1591 : i32
      %sign3A_1593 = arith.extui %sign3A_1592 : i1 to i32
      %sign3A_1594 = arith.subi %sign3A_1590, %sign3A_1593 : i32
      %ne3A_1595 = arith.cmpi ne, %sign3A_1587, %sign3A_1594 : i32
      %rem3A_1596 = arith.remsi %add3A_1578, %jit3A_1579 : i32
      %ne3A_1597 = arith.constant 0 : i32
      %ne3A_1598 = arith.cmpi ne, %rem3A_1596, %ne3A_1597 : i32
      %and3A_1599 = arith.andi %ne3A_1595, %ne3A_1598 : i1
      %sub3A_1600 = arith.constant 1 : i32
      %sub3A_1601 = arith.subi %div3A_1580, %sub3A_1600 : i32
      %select_n3A_1602 = arith.select %and3A_1599, %sub3A_1601, %div3A_1580 : i32
      %jit3A_1603 = arith.constant 128 : i32
      %eq3A_1604 = arith.constant 0 : i32
      %eq3A_1605 = arith.cmpi eq, %jit3A_1603, %eq3A_1604 : i32
      %jit3A_1606 = arith.constant 1 : i32
      %select_n3A_1607 = arith.select %eq3A_1605, %jit3A_1606, %jit3A_1603 : i32
      %rem3A_1608 = arith.remsi %add3A_1578, %select_n3A_1607 : i32
      %ne3A_1609 = arith.constant 0 : i32
      %ne3A_1610 = arith.cmpi ne, %rem3A_1608, %ne3A_1609 : i32
      %lt3A_1611 = arith.constant 0 : i32
      %lt3A_1612 = arith.cmpi slt, %rem3A_1608, %lt3A_1611 : i32
      %lt3A_1613 = arith.constant 0 : i32
      %lt3A_1614 = arith.cmpi slt, %select_n3A_1607, %lt3A_1613 : i32
      %ne3A_1615 = arith.xori %lt3A_1612, %lt3A_1614 : i1
      %and3A_1616 = arith.andi %ne3A_1615, %ne3A_1610 : i1
      %add3A_1617 = arith.addi %rem3A_1608, %select_n3A_1607 : i32
      %select_n3A_1618 = arith.select %and3A_1616, %add3A_1617, %rem3A_1608 : i32
      %dma_start3A_1619 = arith.constant 1 : i32
      %dma_start3A_1620 = arith.constant 8 : i32
      %dma_start3A_1621 = arith.constant 0 : i32
      %dma_start3A_1622 = tpu.memref_slice %arg9[%dma_start3A_1620, %dma_start3A_1621] : memref<64x128xf32, #tpu.memory_space<vmem>> -> memref<8x128xf32, #tpu.memory_space<vmem>>
      %dma_start3A_1623 = arith.constant 0 : i32
      %dma_start3A_1624 = arith.constant 0 : i32
      %dma_start3A_1625 = tpu.memref_slice %arg4[%select_n3A_1602, %dma_start3A_1619, %select_n3A_1618, %dma_start3A_1623, %dma_start3A_1624] : memref<20x8x128x8x128xf32, #tpu.memory_space<hbm>> -> memref<1x1x1x8x128xf32, #tpu.memory_space<hbm>>
      %dma_start3A_1626 = tpu.memref_squeeze %dma_start3A_1625 : memref<1x1x1x8x128xf32, #tpu.memory_space<hbm>> -> memref<8x128xf32, #tpu.memory_space<hbm>>
      %dma_start3A_1627 = arith.constant 0 : i32
      %dma_start3A_1628 = arith.constant 0 : i32
      %dma_start3A_1629 = tpu.memref_slice %arg4[%select_n3A_1602, %dma_start3A_1619, %select_n3A_1618, %dma_start3A_1627, %dma_start3A_1628] : memref<20x8x128x8x128xf32, #tpu.memory_space<hbm>> -> memref<1x1x1x8x128xf32, #tpu.memory_space<hbm>>
      %dma_start3A_1630 = tpu.memref_squeeze %dma_start3A_1629 : memref<1x1x1x8x128xf32, #tpu.memory_space<hbm>> -> memref<8x128xf32, #tpu.memory_space<hbm>>
      %dma_start3A_1631 = arith.constant 8 : i32
      %dma_start3A_1632 = arith.constant 0 : i32
      %dma_start3A_1633 = tpu.memref_slice %arg9[%dma_start3A_1631, %dma_start3A_1632] : memref<64x128xf32, #tpu.memory_space<vmem>> -> memref<8x128xf32, #tpu.memory_space<vmem>>
      tpu.enqueue_dma source(%dma_start3A_1633 : memref<8x128xf32, #tpu.memory_space<vmem>>) target(%dma_start3A_1630 : memref<8x128xf32, #tpu.memory_space<hbm>>) target_semaphore(%arg13 : memref<!tpu.dma_semaphore, #tpu.memory_space<semaphore_mem>>)
      %add3A_1634 = arith.addi %mul3A_2, %add3A_1447 : i32
      %jit3A_1635 = arith.constant 128 : i32
      %div3A_1636 = arith.divsi %add3A_1634, %jit3A_1635 : i32
      %sign3A_1637 = arith.constant 0 : i32
      %sign3A_1638 = arith.cmpi sgt, %add3A_1634, %sign3A_1637 : i32
      %sign3A_1639 = arith.extui %sign3A_1638 : i1 to i32
      %sign3A_1640 = arith.constant 0 : i32
      %sign3A_1641 = arith.cmpi slt, %add3A_1634, %sign3A_1640 : i32
      %sign3A_1642 = arith.extui %sign3A_1641 : i1 to i32
      %sign3A_1643 = arith.subi %sign3A_1639, %sign3A_1642 : i32
      %sign3A_1644 = arith.constant 0 : i32
      %sign3A_1645 = arith.cmpi sgt, %jit3A_1635, %sign3A_1644 : i32
      %sign3A_1646 = arith.extui %sign3A_1645 : i1 to i32
      %sign3A_1647 = arith.constant 0 : i32
      %sign3A_1648 = arith.cmpi slt, %jit3A_1635, %sign3A_1647 : i32
      %sign3A_1649 = arith.extui %sign3A_1648 : i1 to i32
      %sign3A_1650 = arith.subi %sign3A_1646, %sign3A_1649 : i32
      %ne3A_1651 = arith.cmpi ne, %sign3A_1643, %sign3A_1650 : i32
      %rem3A_1652 = arith.remsi %add3A_1634, %jit3A_1635 : i32
      %ne3A_1653 = arith.constant 0 : i32
      %ne3A_1654 = arith.cmpi ne, %rem3A_1652, %ne3A_1653 : i32
      %and3A_1655 = arith.andi %ne3A_1651, %ne3A_1654 : i1
      %sub3A_1656 = arith.constant 1 : i32
      %sub3A_1657 = arith.subi %div3A_1636, %sub3A_1656 : i32
      %select_n3A_1658 = arith.select %and3A_1655, %sub3A_1657, %div3A_1636 : i32
      %jit3A_1659 = arith.constant 128 : i32
      %eq3A_1660 = arith.constant 0 : i32
      %eq3A_1661 = arith.cmpi eq, %jit3A_1659, %eq3A_1660 : i32
      %jit3A_1662 = arith.constant 1 : i32
      %select_n3A_1663 = arith.select %eq3A_1661, %jit3A_1662, %jit3A_1659 : i32
      %rem3A_1664 = arith.remsi %add3A_1634, %select_n3A_1663 : i32
      %ne3A_1665 = arith.constant 0 : i32
      %ne3A_1666 = arith.cmpi ne, %rem3A_1664, %ne3A_1665 : i32
      %lt3A_1667 = arith.constant 0 : i32
      %lt3A_1668 = arith.cmpi slt, %rem3A_1664, %lt3A_1667 : i32
      %lt3A_1669 = arith.constant 0 : i32
      %lt3A_1670 = arith.cmpi slt, %select_n3A_1663, %lt3A_1669 : i32
      %ne3A_1671 = arith.xori %lt3A_1668, %lt3A_1670 : i1
      %and3A_1672 = arith.andi %ne3A_1671, %ne3A_1666 : i1
      %add3A_1673 = arith.addi %rem3A_1664, %select_n3A_1663 : i32
      %select_n3A_1674 = arith.select %and3A_1672, %add3A_1673, %rem3A_1664 : i32
      %dma_start3A_1675 = arith.constant 2 : i32
      %dma_start3A_1676 = arith.constant 16 : i32
      %dma_start3A_1677 = arith.constant 0 : i32
      %dma_start3A_1678 = tpu.memref_slice %arg9[%dma_start3A_1676, %dma_start3A_1677] : memref<64x128xf32, #tpu.memory_space<vmem>> -> memref<8x128xf32, #tpu.memory_space<vmem>>
      %dma_start3A_1679 = arith.constant 0 : i32
      %dma_start3A_1680 = arith.constant 0 : i32
      %dma_start3A_1681 = tpu.memref_slice %arg4[%select_n3A_1658, %dma_start3A_1675, %select_n3A_1674, %dma_start3A_1679, %dma_start3A_1680] : memref<20x8x128x8x128xf32, #tpu.memory_space<hbm>> -> memref<1x1x1x8x128xf32, #tpu.memory_space<hbm>>
      %dma_start3A_1682 = tpu.memref_squeeze %dma_start3A_1681 : memref<1x1x1x8x128xf32, #tpu.memory_space<hbm>> -> memref<8x128xf32, #tpu.memory_space<hbm>>
      %dma_start3A_1683 = arith.constant 0 : i32
      %dma_start3A_1684 = arith.constant 0 : i32
      %dma_start3A_1685 = tpu.memref_slice %arg4[%select_n3A_1658, %dma_start3A_1675, %select_n3A_1674, %dma_start3A_1683, %dma_start3A_1684] : memref<20x8x128x8x128xf32, #tpu.memory_space<hbm>> -> memref<1x1x1x8x128xf32, #tpu.memory_space<hbm>>
      %dma_start3A_1686 = tpu.memref_squeeze %dma_start3A_1685 : memref<1x1x1x8x128xf32, #tpu.memory_space<hbm>> -> memref<8x128xf32, #tpu.memory_space<hbm>>
      %dma_start3A_1687 = arith.constant 16 : i32
      %dma_start3A_1688 = arith.constant 0 : i32
      %dma_start3A_1689 = tpu.memref_slice %arg9[%dma_start3A_1687, %dma_start3A_1688] : memref<64x128xf32, #tpu.memory_space<vmem>> -> memref<8x128xf32, #tpu.memory_space<vmem>>
      tpu.enqueue_dma source(%dma_start3A_1689 : memref<8x128xf32, #tpu.memory_space<vmem>>) target(%dma_start3A_1686 : memref<8x128xf32, #tpu.memory_space<hbm>>) target_semaphore(%arg13 : memref<!tpu.dma_semaphore, #tpu.memory_space<semaphore_mem>>)
      %add3A_1690 = arith.addi %mul3A_2, %add3A_1447 : i32
      %jit3A_1691 = arith.constant 128 : i32
      %div3A_1692 = arith.divsi %add3A_1690, %jit3A_1691 : i32
      %sign3A_1693 = arith.constant 0 : i32
      %sign3A_1694 = arith.cmpi sgt, %add3A_1690, %sign3A_1693 : i32
      %sign3A_1695 = arith.extui %sign3A_1694 : i1 to i32
      %sign3A_1696 = arith.constant 0 : i32
      %sign3A_1697 = arith.cmpi slt, %add3A_1690, %sign3A_1696 : i32
      %sign3A_1698 = arith.extui %sign3A_1697 : i1 to i32
      %sign3A_1699 = arith.subi %sign3A_1695, %sign3A_1698 : i32
      %sign3A_1700 = arith.constant 0 : i32
      %sign3A_1701 = arith.cmpi sgt, %jit3A_1691, %sign3A_1700 : i32
      %sign3A_1702 = arith.extui %sign3A_1701 : i1 to i32
      %sign3A_1703 = arith.constant 0 : i32
      %sign3A_1704 = arith.cmpi slt, %jit3A_1691, %sign3A_1703 : i32
      %sign3A_1705 = arith.extui %sign3A_1704 : i1 to i32
      %sign3A_1706 = arith.subi %sign3A_1702, %sign3A_1705 : i32
      %ne3A_1707 = arith.cmpi ne, %sign3A_1699, %sign3A_1706 : i32
      %rem3A_1708 = arith.remsi %add3A_1690, %jit3A_1691 : i32
      %ne3A_1709 = arith.constant 0 : i32
      %ne3A_1710 = arith.cmpi ne, %rem3A_1708, %ne3A_1709 : i32
      %and3A_1711 = arith.andi %ne3A_1707, %ne3A_1710 : i1
      %sub3A_1712 = arith.constant 1 : i32
      %sub3A_1713 = arith.subi %div3A_1692, %sub3A_1712 : i32
      %select_n3A_1714 = arith.select %and3A_1711, %sub3A_1713, %div3A_1692 : i32
      %jit3A_1715 = arith.constant 128 : i32
      %eq3A_1716 = arith.constant 0 : i32
      %eq3A_1717 = arith.cmpi eq, %jit3A_1715, %eq3A_1716 : i32
      %jit3A_1718 = arith.constant 1 : i32
      %select_n3A_1719 = arith.select %eq3A_1717, %jit3A_1718, %jit3A_1715 : i32
      %rem3A_1720 = arith.remsi %add3A_1690, %select_n3A_1719 : i32
      %ne3A_1721 = arith.constant 0 : i32
      %ne3A_1722 = arith.cmpi ne, %rem3A_1720, %ne3A_1721 : i32
      %lt3A_1723 = arith.constant 0 : i32
      %lt3A_1724 = arith.cmpi slt, %rem3A_1720, %lt3A_1723 : i32
      %lt3A_1725 = arith.constant 0 : i32
      %lt3A_1726 = arith.cmpi slt, %select_n3A_1719, %lt3A_1725 : i32
      %ne3A_1727 = arith.xori %lt3A_1724, %lt3A_1726 : i1
      %and3A_1728 = arith.andi %ne3A_1727, %ne3A_1722 : i1
      %add3A_1729 = arith.addi %rem3A_1720, %select_n3A_1719 : i32
      %select_n3A_1730 = arith.select %and3A_1728, %add3A_1729, %rem3A_1720 : i32
      %dma_start3A_1731 = arith.constant 3 : i32
      %dma_start3A_1732 = arith.constant 24 : i32
      %dma_start3A_1733 = arith.constant 0 : i32
      %dma_start3A_1734 = tpu.memref_slice %arg9[%dma_start3A_1732, %dma_start3A_1733] : memref<64x128xf32, #tpu.memory_space<vmem>> -> memref<8x128xf32, #tpu.memory_space<vmem>>
      %dma_start3A_1735 = arith.constant 0 : i32
      %dma_start3A_1736 = arith.constant 0 : i32
      %dma_start3A_1737 = tpu.memref_slice %arg4[%select_n3A_1714, %dma_start3A_1731, %select_n3A_1730, %dma_start3A_1735, %dma_start3A_1736] : memref<20x8x128x8x128xf32, #tpu.memory_space<hbm>> -> memref<1x1x1x8x128xf32, #tpu.memory_space<hbm>>
      %dma_start3A_1738 = tpu.memref_squeeze %dma_start3A_1737 : memref<1x1x1x8x128xf32, #tpu.memory_space<hbm>> -> memref<8x128xf32, #tpu.memory_space<hbm>>
      %dma_start3A_1739 = arith.constant 0 : i32
      %dma_start3A_1740 = arith.constant 0 : i32
      %dma_start3A_1741 = tpu.memref_slice %arg4[%select_n3A_1714, %dma_start3A_1731, %select_n3A_1730, %dma_start3A_1739, %dma_start3A_1740] : memref<20x8x128x8x128xf32, #tpu.memory_space<hbm>> -> memref<1x1x1x8x128xf32, #tpu.memory_space<hbm>>
      %dma_start3A_1742 = tpu.memref_squeeze %dma_start3A_1741 : memref<1x1x1x8x128xf32, #tpu.memory_space<hbm>> -> memref<8x128xf32, #tpu.memory_space<hbm>>
      %dma_start3A_1743 = arith.constant 24 : i32
      %dma_start3A_1744 = arith.constant 0 : i32
      %dma_start3A_1745 = tpu.memref_slice %arg9[%dma_start3A_1743, %dma_start3A_1744] : memref<64x128xf32, #tpu.memory_space<vmem>> -> memref<8x128xf32, #tpu.memory_space<vmem>>
      tpu.enqueue_dma source(%dma_start3A_1745 : memref<8x128xf32, #tpu.memory_space<vmem>>) target(%dma_start3A_1742 : memref<8x128xf32, #tpu.memory_space<hbm>>) target_semaphore(%arg13 : memref<!tpu.dma_semaphore, #tpu.memory_space<semaphore_mem>>)
      %add3A_1746 = arith.addi %mul3A_2, %add3A_1447 : i32
      %jit3A_1747 = arith.constant 128 : i32
      %div3A_1748 = arith.divsi %add3A_1746, %jit3A_1747 : i32
      %sign3A_1749 = arith.constant 0 : i32
      %sign3A_1750 = arith.cmpi sgt, %add3A_1746, %sign3A_1749 : i32
      %sign3A_1751 = arith.extui %sign3A_1750 : i1 to i32
      %sign3A_1752 = arith.constant 0 : i32
      %sign3A_1753 = arith.cmpi slt, %add3A_1746, %sign3A_1752 : i32
      %sign3A_1754 = arith.extui %sign3A_1753 : i1 to i32
      %sign3A_1755 = arith.subi %sign3A_1751, %sign3A_1754 : i32
      %sign3A_1756 = arith.constant 0 : i32
      %sign3A_1757 = arith.cmpi sgt, %jit3A_1747, %sign3A_1756 : i32
      %sign3A_1758 = arith.extui %sign3A_1757 : i1 to i32
      %sign3A_1759 = arith.constant 0 : i32
      %sign3A_1760 = arith.cmpi slt, %jit3A_1747, %sign3A_1759 : i32
      %sign3A_1761 = arith.extui %sign3A_1760 : i1 to i32
      %sign3A_1762 = arith.subi %sign3A_1758, %sign3A_1761 : i32
      %ne3A_1763 = arith.cmpi ne, %sign3A_1755, %sign3A_1762 : i32
      %rem3A_1764 = arith.remsi %add3A_1746, %jit3A_1747 : i32
      %ne3A_1765 = arith.constant 0 : i32
      %ne3A_1766 = arith.cmpi ne, %rem3A_1764, %ne3A_1765 : i32
      %and3A_1767 = arith.andi %ne3A_1763, %ne3A_1766 : i1
      %sub3A_1768 = arith.constant 1 : i32
      %sub3A_1769 = arith.subi %div3A_1748, %sub3A_1768 : i32
      %select_n3A_1770 = arith.select %and3A_1767, %sub3A_1769, %div3A_1748 : i32
      %jit3A_1771 = arith.constant 128 : i32
      %eq3A_1772 = arith.constant 0 : i32
      %eq3A_1773 = arith.cmpi eq, %jit3A_1771, %eq3A_1772 : i32
      %jit3A_1774 = arith.constant 1 : i32
      %select_n3A_1775 = arith.select %eq3A_1773, %jit3A_1774, %jit3A_1771 : i32
      %rem3A_1776 = arith.remsi %add3A_1746, %select_n3A_1775 : i32
      %ne3A_1777 = arith.constant 0 : i32
      %ne3A_1778 = arith.cmpi ne, %rem3A_1776, %ne3A_1777 : i32
      %lt3A_1779 = arith.constant 0 : i32
      %lt3A_1780 = arith.cmpi slt, %rem3A_1776, %lt3A_1779 : i32
      %lt3A_1781 = arith.constant 0 : i32
      %lt3A_1782 = arith.cmpi slt, %select_n3A_1775, %lt3A_1781 : i32
      %ne3A_1783 = arith.xori %lt3A_1780, %lt3A_1782 : i1
      %and3A_1784 = arith.andi %ne3A_1783, %ne3A_1778 : i1
      %add3A_1785 = arith.addi %rem3A_1776, %select_n3A_1775 : i32
      %select_n3A_1786 = arith.select %and3A_1784, %add3A_1785, %rem3A_1776 : i32
      %dma_start3A_1787 = arith.constant 4 : i32
      %dma_start3A_1788 = arith.constant 32 : i32
      %dma_start3A_1789 = arith.constant 0 : i32
      %dma_start3A_1790 = tpu.memref_slice %arg9[%dma_start3A_1788, %dma_start3A_1789] : memref<64x128xf32, #tpu.memory_space<vmem>> -> memref<8x128xf32, #tpu.memory_space<vmem>>
      %dma_start3A_1791 = arith.constant 0 : i32
      %dma_start3A_1792 = arith.constant 0 : i32
      %dma_start3A_1793 = tpu.memref_slice %arg4[%select_n3A_1770, %dma_start3A_1787, %select_n3A_1786, %dma_start3A_1791, %dma_start3A_1792] : memref<20x8x128x8x128xf32, #tpu.memory_space<hbm>> -> memref<1x1x1x8x128xf32, #tpu.memory_space<hbm>>
      %dma_start3A_1794 = tpu.memref_squeeze %dma_start3A_1793 : memref<1x1x1x8x128xf32, #tpu.memory_space<hbm>> -> memref<8x128xf32, #tpu.memory_space<hbm>>
      %dma_start3A_1795 = arith.constant 0 : i32
      %dma_start3A_1796 = arith.constant 0 : i32
      %dma_start3A_1797 = tpu.memref_slice %arg4[%select_n3A_1770, %dma_start3A_1787, %select_n3A_1786, %dma_start3A_1795, %dma_start3A_1796] : memref<20x8x128x8x128xf32, #tpu.memory_space<hbm>> -> memref<1x1x1x8x128xf32, #tpu.memory_space<hbm>>
      %dma_start3A_1798 = tpu.memref_squeeze %dma_start3A_1797 : memref<1x1x1x8x128xf32, #tpu.memory_space<hbm>> -> memref<8x128xf32, #tpu.memory_space<hbm>>
      %dma_start3A_1799 = arith.constant 32 : i32
      %dma_start3A_1800 = arith.constant 0 : i32
      %dma_start3A_1801 = tpu.memref_slice %arg9[%dma_start3A_1799, %dma_start3A_1800] : memref<64x128xf32, #tpu.memory_space<vmem>> -> memref<8x128xf32, #tpu.memory_space<vmem>>
      tpu.enqueue_dma source(%dma_start3A_1801 : memref<8x128xf32, #tpu.memory_space<vmem>>) target(%dma_start3A_1798 : memref<8x128xf32, #tpu.memory_space<hbm>>) target_semaphore(%arg13 : memref<!tpu.dma_semaphore, #tpu.memory_space<semaphore_mem>>)
      %add3A_1802 = arith.addi %mul3A_2, %add3A_1447 : i32
      %jit3A_1803 = arith.constant 128 : i32
      %div3A_1804 = arith.divsi %add3A_1802, %jit3A_1803 : i32
      %sign3A_1805 = arith.constant 0 : i32
      %sign3A_1806 = arith.cmpi sgt, %add3A_1802, %sign3A_1805 : i32
      %sign3A_1807 = arith.extui %sign3A_1806 : i1 to i32
      %sign3A_1808 = arith.constant 0 : i32
      %sign3A_1809 = arith.cmpi slt, %add3A_1802, %sign3A_1808 : i32
      %sign3A_1810 = arith.extui %sign3A_1809 : i1 to i32
      %sign3A_1811 = arith.subi %sign3A_1807, %sign3A_1810 : i32
      %sign3A_1812 = arith.constant 0 : i32
      %sign3A_1813 = arith.cmpi sgt, %jit3A_1803, %sign3A_1812 : i32
      %sign3A_1814 = arith.extui %sign3A_1813 : i1 to i32
      %sign3A_1815 = arith.constant 0 : i32
      %sign3A_1816 = arith.cmpi slt, %jit3A_1803, %sign3A_1815 : i32
      %sign3A_1817 = arith.extui %sign3A_1816 : i1 to i32
      %sign3A_1818 = arith.subi %sign3A_1814, %sign3A_1817 : i32
      %ne3A_1819 = arith.cmpi ne, %sign3A_1811, %sign3A_1818 : i32
      %rem3A_1820 = arith.remsi %add3A_1802, %jit3A_1803 : i32
      %ne3A_1821 = arith.constant 0 : i32
      %ne3A_1822 = arith.cmpi ne, %rem3A_1820, %ne3A_1821 : i32
      %and3A_1823 = arith.andi %ne3A_1819, %ne3A_1822 : i1
      %sub3A_1824 = arith.constant 1 : i32
      %sub3A_1825 = arith.subi %div3A_1804, %sub3A_1824 : i32
      %select_n3A_1826 = arith.select %and3A_1823, %sub3A_1825, %div3A_1804 : i32
      %jit3A_1827 = arith.constant 128 : i32
      %eq3A_1828 = arith.constant 0 : i32
      %eq3A_1829 = arith.cmpi eq, %jit3A_1827, %eq3A_1828 : i32
      %jit3A_1830 = arith.constant 1 : i32
      %select_n3A_1831 = arith.select %eq3A_1829, %jit3A_1830, %jit3A_1827 : i32
      %rem3A_1832 = arith.remsi %add3A_1802, %select_n3A_1831 : i32
      %ne3A_1833 = arith.constant 0 : i32
      %ne3A_1834 = arith.cmpi ne, %rem3A_1832, %ne3A_1833 : i32
      %lt3A_1835 = arith.constant 0 : i32
      %lt3A_1836 = arith.cmpi slt, %rem3A_1832, %lt3A_1835 : i32
      %lt3A_1837 = arith.constant 0 : i32
      %lt3A_1838 = arith.cmpi slt, %select_n3A_1831, %lt3A_1837 : i32
      %ne3A_1839 = arith.xori %lt3A_1836, %lt3A_1838 : i1
      %and3A_1840 = arith.andi %ne3A_1839, %ne3A_1834 : i1
      %add3A_1841 = arith.addi %rem3A_1832, %select_n3A_1831 : i32
      %select_n3A_1842 = arith.select %and3A_1840, %add3A_1841, %rem3A_1832 : i32
      %dma_start3A_1843 = arith.constant 5 : i32
      %dma_start3A_1844 = arith.constant 40 : i32
      %dma_start3A_1845 = arith.constant 0 : i32
      %dma_start3A_1846 = tpu.memref_slice %arg9[%dma_start3A_1844, %dma_start3A_1845] : memref<64x128xf32, #tpu.memory_space<vmem>> -> memref<8x128xf32, #tpu.memory_space<vmem>>
      %dma_start3A_1847 = arith.constant 0 : i32
      %dma_start3A_1848 = arith.constant 0 : i32
      %dma_start3A_1849 = tpu.memref_slice %arg4[%select_n3A_1826, %dma_start3A_1843, %select_n3A_1842, %dma_start3A_1847, %dma_start3A_1848] : memref<20x8x128x8x128xf32, #tpu.memory_space<hbm>> -> memref<1x1x1x8x128xf32, #tpu.memory_space<hbm>>
      %dma_start3A_1850 = tpu.memref_squeeze %dma_start3A_1849 : memref<1x1x1x8x128xf32, #tpu.memory_space<hbm>> -> memref<8x128xf32, #tpu.memory_space<hbm>>
      %dma_start3A_1851 = arith.constant 0 : i32
      %dma_start3A_1852 = arith.constant 0 : i32
      %dma_start3A_1853 = tpu.memref_slice %arg4[%select_n3A_1826, %dma_start3A_1843, %select_n3A_1842, %dma_start3A_1851, %dma_start3A_1852] : memref<20x8x128x8x128xf32, #tpu.memory_space<hbm>> -> memref<1x1x1x8x128xf32, #tpu.memory_space<hbm>>
      %dma_start3A_1854 = tpu.memref_squeeze %dma_start3A_1853 : memref<1x1x1x8x128xf32, #tpu.memory_space<hbm>> -> memref<8x128xf32, #tpu.memory_space<hbm>>
      %dma_start3A_1855 = arith.constant 40 : i32
      %dma_start3A_1856 = arith.constant 0 : i32
      %dma_start3A_1857 = tpu.memref_slice %arg9[%dma_start3A_1855, %dma_start3A_1856] : memref<64x128xf32, #tpu.memory_space<vmem>> -> memref<8x128xf32, #tpu.memory_space<vmem>>
      tpu.enqueue_dma source(%dma_start3A_1857 : memref<8x128xf32, #tpu.memory_space<vmem>>) target(%dma_start3A_1854 : memref<8x128xf32, #tpu.memory_space<hbm>>) target_semaphore(%arg13 : memref<!tpu.dma_semaphore, #tpu.memory_space<semaphore_mem>>)
      %add3A_1858 = arith.addi %mul3A_2, %add3A_1447 : i32
      %jit3A_1859 = arith.constant 128 : i32
      %div3A_1860 = arith.divsi %add3A_1858, %jit3A_1859 : i32
      %sign3A_1861 = arith.constant 0 : i32
      %sign3A_1862 = arith.cmpi sgt, %add3A_1858, %sign3A_1861 : i32
      %sign3A_1863 = arith.extui %sign3A_1862 : i1 to i32
      %sign3A_1864 = arith.constant 0 : i32
      %sign3A_1865 = arith.cmpi slt, %add3A_1858, %sign3A_1864 : i32
      %sign3A_1866 = arith.extui %sign3A_1865 : i1 to i32
      %sign3A_1867 = arith.subi %sign3A_1863, %sign3A_1866 : i32
      %sign3A_1868 = arith.constant 0 : i32
      %sign3A_1869 = arith.cmpi sgt, %jit3A_1859, %sign3A_1868 : i32
      %sign3A_1870 = arith.extui %sign3A_1869 : i1 to i32
      %sign3A_1871 = arith.constant 0 : i32
      %sign3A_1872 = arith.cmpi slt, %jit3A_1859, %sign3A_1871 : i32
      %sign3A_1873 = arith.extui %sign3A_1872 : i1 to i32
      %sign3A_1874 = arith.subi %sign3A_1870, %sign3A_1873 : i32
      %ne3A_1875 = arith.cmpi ne, %sign3A_1867, %sign3A_1874 : i32
      %rem3A_1876 = arith.remsi %add3A_1858, %jit3A_1859 : i32
      %ne3A_1877 = arith.constant 0 : i32
      %ne3A_1878 = arith.cmpi ne, %rem3A_1876, %ne3A_1877 : i32
      %and3A_1879 = arith.andi %ne3A_1875, %ne3A_1878 : i1
      %sub3A_1880 = arith.constant 1 : i32
      %sub3A_1881 = arith.subi %div3A_1860, %sub3A_1880 : i32
      %select_n3A_1882 = arith.select %and3A_1879, %sub3A_1881, %div3A_1860 : i32
      %jit3A_1883 = arith.constant 128 : i32
      %eq3A_1884 = arith.constant 0 : i32
      %eq3A_1885 = arith.cmpi eq, %jit3A_1883, %eq3A_1884 : i32
      %jit3A_1886 = arith.constant 1 : i32
      %select_n3A_1887 = arith.select %eq3A_1885, %jit3A_1886, %jit3A_1883 : i32
      %rem3A_1888 = arith.remsi %add3A_1858, %select_n3A_1887 : i32
      %ne3A_1889 = arith.constant 0 : i32
      %ne3A_1890 = arith.cmpi ne, %rem3A_1888, %ne3A_1889 : i32
      %lt3A_1891 = arith.constant 0 : i32
      %lt3A_1892 = arith.cmpi slt, %rem3A_1888, %lt3A_1891 : i32
      %lt3A_1893 = arith.constant 0 : i32
      %lt3A_1894 = arith.cmpi slt, %select_n3A_1887, %lt3A_1893 : i32
      %ne3A_1895 = arith.xori %lt3A_1892, %lt3A_1894 : i1
      %and3A_1896 = arith.andi %ne3A_1895, %ne3A_1890 : i1
      %add3A_1897 = arith.addi %rem3A_1888, %select_n3A_1887 : i32
      %select_n3A_1898 = arith.select %and3A_1896, %add3A_1897, %rem3A_1888 : i32
      %dma_start3A_1899 = arith.constant 6 : i32
      %dma_start3A_1900 = arith.constant 48 : i32
      %dma_start3A_1901 = arith.constant 0 : i32
      %dma_start3A_1902 = tpu.memref_slice %arg9[%dma_start3A_1900, %dma_start3A_1901] : memref<64x128xf32, #tpu.memory_space<vmem>> -> memref<8x128xf32, #tpu.memory_space<vmem>>
      %dma_start3A_1903 = arith.constant 0 : i32
      %dma_start3A_1904 = arith.constant 0 : i32
      %dma_start3A_1905 = tpu.memref_slice %arg4[%select_n3A_1882, %dma_start3A_1899, %select_n3A_1898, %dma_start3A_1903, %dma_start3A_1904] : memref<20x8x128x8x128xf32, #tpu.memory_space<hbm>> -> memref<1x1x1x8x128xf32, #tpu.memory_space<hbm>>
      %dma_start3A_1906 = tpu.memref_squeeze %dma_start3A_1905 : memref<1x1x1x8x128xf32, #tpu.memory_space<hbm>> -> memref<8x128xf32, #tpu.memory_space<hbm>>
      %dma_start3A_1907 = arith.constant 0 : i32
      %dma_start3A_1908 = arith.constant 0 : i32
      %dma_start3A_1909 = tpu.memref_slice %arg4[%select_n3A_1882, %dma_start3A_1899, %select_n3A_1898, %dma_start3A_1907, %dma_start3A_1908] : memref<20x8x128x8x128xf32, #tpu.memory_space<hbm>> -> memref<1x1x1x8x128xf32, #tpu.memory_space<hbm>>
      %dma_start3A_1910 = tpu.memref_squeeze %dma_start3A_1909 : memref<1x1x1x8x128xf32, #tpu.memory_space<hbm>> -> memref<8x128xf32, #tpu.memory_space<hbm>>
      %dma_start3A_1911 = arith.constant 48 : i32
      %dma_start3A_1912 = arith.constant 0 : i32
      %dma_start3A_1913 = tpu.memref_slice %arg9[%dma_start3A_1911, %dma_start3A_1912] : memref<64x128xf32, #tpu.memory_space<vmem>> -> memref<8x128xf32, #tpu.memory_space<vmem>>
      tpu.enqueue_dma source(%dma_start3A_1913 : memref<8x128xf32, #tpu.memory_space<vmem>>) target(%dma_start3A_1910 : memref<8x128xf32, #tpu.memory_space<hbm>>) target_semaphore(%arg13 : memref<!tpu.dma_semaphore, #tpu.memory_space<semaphore_mem>>)
      %add3A_1914 = arith.addi %mul3A_2, %add3A_1447 : i32
      %jit3A_1915 = arith.constant 128 : i32
      %div3A_1916 = arith.divsi %add3A_1914, %jit3A_1915 : i32
      %sign3A_1917 = arith.constant 0 : i32
      %sign3A_1918 = arith.cmpi sgt, %add3A_1914, %sign3A_1917 : i32
      %sign3A_1919 = arith.extui %sign3A_1918 : i1 to i32
      %sign3A_1920 = arith.constant 0 : i32
      %sign3A_1921 = arith.cmpi slt, %add3A_1914, %sign3A_1920 : i32
      %sign3A_1922 = arith.extui %sign3A_1921 : i1 to i32
      %sign3A_1923 = arith.subi %sign3A_1919, %sign3A_1922 : i32
      %sign3A_1924 = arith.constant 0 : i32
      %sign3A_1925 = arith.cmpi sgt, %jit3A_1915, %sign3A_1924 : i32
      %sign3A_1926 = arith.extui %sign3A_1925 : i1 to i32
      %sign3A_1927 = arith.constant 0 : i32
      %sign3A_1928 = arith.cmpi slt, %jit3A_1915, %sign3A_1927 : i32
      %sign3A_1929 = arith.extui %sign3A_1928 : i1 to i32
      %sign3A_1930 = arith.subi %sign3A_1926, %sign3A_1929 : i32
      %ne3A_1931 = arith.cmpi ne, %sign3A_1923, %sign3A_1930 : i32
      %rem3A_1932 = arith.remsi %add3A_1914, %jit3A_1915 : i32
      %ne3A_1933 = arith.constant 0 : i32
      %ne3A_1934 = arith.cmpi ne, %rem3A_1932, %ne3A_1933 : i32
      %and3A_1935 = arith.andi %ne3A_1931, %ne3A_1934 : i1
      %sub3A_1936 = arith.constant 1 : i32
      %sub3A_1937 = arith.subi %div3A_1916, %sub3A_1936 : i32
      %select_n3A_1938 = arith.select %and3A_1935, %sub3A_1937, %div3A_1916 : i32
      %jit3A_1939 = arith.constant 128 : i32
      %eq3A_1940 = arith.constant 0 : i32
      %eq3A_1941 = arith.cmpi eq, %jit3A_1939, %eq3A_1940 : i32
      %jit3A_1942 = arith.constant 1 : i32
      %select_n3A_1943 = arith.select %eq3A_1941, %jit3A_1942, %jit3A_1939 : i32
      %rem3A_1944 = arith.remsi %add3A_1914, %select_n3A_1943 : i32
      %ne3A_1945 = arith.constant 0 : i32
      %ne3A_1946 = arith.cmpi ne, %rem3A_1944, %ne3A_1945 : i32
      %lt3A_1947 = arith.constant 0 : i32
      %lt3A_1948 = arith.cmpi slt, %rem3A_1944, %lt3A_1947 : i32
      %lt3A_1949 = arith.constant 0 : i32
      %lt3A_1950 = arith.cmpi slt, %select_n3A_1943, %lt3A_1949 : i32
      %ne3A_1951 = arith.xori %lt3A_1948, %lt3A_1950 : i1
      %and3A_1952 = arith.andi %ne3A_1951, %ne3A_1946 : i1
      %add3A_1953 = arith.addi %rem3A_1944, %select_n3A_1943 : i32
      %select_n3A_1954 = arith.select %and3A_1952, %add3A_1953, %rem3A_1944 : i32
      %dma_start3A_1955 = arith.constant 7 : i32
      %dma_start3A_1956 = arith.constant 56 : i32
      %dma_start3A_1957 = arith.constant 0 : i32
      %dma_start3A_1958 = tpu.memref_slice %arg9[%dma_start3A_1956, %dma_start3A_1957] : memref<64x128xf32, #tpu.memory_space<vmem>> -> memref<8x128xf32, #tpu.memory_space<vmem>>
      %dma_start3A_1959 = arith.constant 0 : i32
      %dma_start3A_1960 = arith.constant 0 : i32
      %dma_start3A_1961 = tpu.memref_slice %arg4[%select_n3A_1938, %dma_start3A_1955, %select_n3A_1954, %dma_start3A_1959, %dma_start3A_1960] : memref<20x8x128x8x128xf32, #tpu.memory_space<hbm>> -> memref<1x1x1x8x128xf32, #tpu.memory_space<hbm>>
      %dma_start3A_1962 = tpu.memref_squeeze %dma_start3A_1961 : memref<1x1x1x8x128xf32, #tpu.memory_space<hbm>> -> memref<8x128xf32, #tpu.memory_space<hbm>>
      %dma_start3A_1963 = arith.constant 0 : i32
      %dma_start3A_1964 = arith.constant 0 : i32
      %dma_start3A_1965 = tpu.memref_slice %arg4[%select_n3A_1938, %dma_start3A_1955, %select_n3A_1954, %dma_start3A_1963, %dma_start3A_1964] : memref<20x8x128x8x128xf32, #tpu.memory_space<hbm>> -> memref<1x1x1x8x128xf32, #tpu.memory_space<hbm>>
      %dma_start3A_1966 = tpu.memref_squeeze %dma_start3A_1965 : memref<1x1x1x8x128xf32, #tpu.memory_space<hbm>> -> memref<8x128xf32, #tpu.memory_space<hbm>>
      %dma_start3A_1967 = arith.constant 56 : i32
      %dma_start3A_1968 = arith.constant 0 : i32
      %dma_start3A_1969 = tpu.memref_slice %arg9[%dma_start3A_1967, %dma_start3A_1968] : memref<64x128xf32, #tpu.memory_space<vmem>> -> memref<8x128xf32, #tpu.memory_space<vmem>>
      tpu.enqueue_dma source(%dma_start3A_1969 : memref<8x128xf32, #tpu.memory_space<vmem>>) target(%dma_start3A_1966 : memref<8x128xf32, #tpu.memory_space<hbm>>) target_semaphore(%arg13 : memref<!tpu.dma_semaphore, #tpu.memory_space<semaphore_mem>>)
    }
    %scan3A_20 = arith.constant 40 : i32
    %add3A_21 = arith.constant 78 : i32
    %add3A_22 = arith.addi %mul3A_2, %add3A_21 : i32
    %jit3A = arith.constant 128 : i32
    %div3A = arith.divsi %add3A_22, %jit3A : i32
    %sign3A = arith.constant 0 : i32
    %sign3A_23 = arith.cmpi sgt, %add3A_22, %sign3A : i32
    %sign3A_24 = arith.extui %sign3A_23 : i1 to i32
    %sign3A_25 = arith.constant 0 : i32
    %sign3A_26 = arith.cmpi slt, %add3A_22, %sign3A_25 : i32
    %sign3A_27 = arith.extui %sign3A_26 : i1 to i32
    %sign3A_28 = arith.subi %sign3A_24, %sign3A_27 : i32
    %sign3A_29 = arith.constant 0 : i32
    %sign3A_30 = arith.cmpi sgt, %jit3A, %sign3A_29 : i32
    %sign3A_31 = arith.extui %sign3A_30 : i1 to i32
    %sign3A_32 = arith.constant 0 : i32
    %sign3A_33 = arith.cmpi slt, %jit3A, %sign3A_32 : i32
    %sign3A_34 = arith.extui %sign3A_33 : i1 to i32
    %sign3A_35 = arith.subi %sign3A_31, %sign3A_34 : i32
    %ne3A = arith.cmpi ne, %sign3A_28, %sign3A_35 : i32
    %rem3A = arith.remsi %add3A_22, %jit3A : i32
    %ne3A_36 = arith.constant 0 : i32
    %ne3A_37 = arith.cmpi ne, %rem3A, %ne3A_36 : i32
    %and3A = arith.andi %ne3A, %ne3A_37 : i1
    %sub3A = arith.constant 1 : i32
    %sub3A_38 = arith.subi %div3A, %sub3A : i32
    %select_n3A = arith.select %and3A, %sub3A_38, %div3A : i32
    %jit3A_39 = arith.constant 128 : i32
    %eq3A = arith.constant 0 : i32
    %eq3A_40 = arith.cmpi eq, %jit3A_39, %eq3A : i32
    %jit3A_41 = arith.constant 1 : i32
    %select_n3A_42 = arith.select %eq3A_40, %jit3A_41, %jit3A_39 : i32
    %rem3A_43 = arith.remsi %add3A_22, %select_n3A_42 : i32
    %ne3A_44 = arith.constant 0 : i32
    %ne3A_45 = arith.cmpi ne, %rem3A_43, %ne3A_44 : i32
    %lt3A = arith.constant 0 : i32
    %lt3A_46 = arith.cmpi slt, %rem3A_43, %lt3A : i32
    %lt3A_47 = arith.constant 0 : i32
    %lt3A_48 = arith.cmpi slt, %select_n3A_42, %lt3A_47 : i32
    %ne3A_49 = arith.xori %lt3A_46, %lt3A_48 : i1
    %and3A_50 = arith.andi %ne3A_49, %ne3A_45 : i1
    %add3A_51 = arith.addi %rem3A_43, %select_n3A_42 : i32
    %select_n3A_52 = arith.select %and3A_50, %add3A_51, %rem3A_43 : i32
    %dma_wait3A = arith.constant 0 : i32
    %dma_wait3A_53 = arith.constant 0 : i32
    %dma_wait3A_54 = arith.constant 0 : i32
    %dma_wait3A_55 = tpu.memref_slice %arg8[%dma_wait3A_53, %dma_wait3A_54] : memref<64x128xf32, #tpu.memory_space<vmem>> -> memref<8x128xf32, #tpu.memory_space<vmem>>
    %dma_wait3A_56 = arith.constant 0 : i32
    %dma_wait3A_57 = arith.constant 0 : i32
    %dma_wait3A_58 = tpu.memref_slice %arg4[%select_n3A, %dma_wait3A, %select_n3A_52, %dma_wait3A_56, %dma_wait3A_57] : memref<20x8x128x8x128xf32, #tpu.memory_space<hbm>> -> memref<1x1x1x8x128xf32, #tpu.memory_space<hbm>>
    %dma_wait3A_59 = tpu.memref_squeeze %dma_wait3A_58 : memref<1x1x1x8x128xf32, #tpu.memory_space<hbm>> -> memref<8x128xf32, #tpu.memory_space<hbm>>
    %dma_wait3A_60 = arith.constant 0 : i32
    %dma_wait3A_61 = arith.constant 0 : i32
    %dma_wait3A_62 = tpu.memref_slice %arg4[%select_n3A, %dma_wait3A, %select_n3A_52, %dma_wait3A_60, %dma_wait3A_61] : memref<20x8x128x8x128xf32, #tpu.memory_space<hbm>> -> memref<1x1x1x8x128xf32, #tpu.memory_space<hbm>>
    %dma_wait3A_63 = tpu.memref_squeeze %dma_wait3A_62 : memref<1x1x1x8x128xf32, #tpu.memory_space<hbm>> -> memref<8x128xf32, #tpu.memory_space<hbm>>
    %dma_wait3A_64 = arith.constant 0 : i32
    %dma_wait3A_65 = arith.constant 0 : i32
    %dma_wait3A_66 = tpu.memref_slice %arg8[%dma_wait3A_64, %dma_wait3A_65] : memref<64x128xf32, #tpu.memory_space<vmem>> -> memref<8x128xf32, #tpu.memory_space<vmem>>
    tpu.wait_dma2 semaphore(%arg12 : memref<!tpu.dma_semaphore, #tpu.memory_space<semaphore_mem>>) src(%dma_wait3A_66 : memref<8x128xf32, #tpu.memory_space<vmem>>) dst(%dma_wait3A_63 : memref<8x128xf32, #tpu.memory_space<hbm>>)
    %add3A_67 = arith.constant 78 : i32
    %add3A_68 = arith.addi %mul3A_2, %add3A_67 : i32
    %jit3A_69 = arith.constant 128 : i32
    %div3A_70 = arith.divsi %add3A_68, %jit3A_69 : i32
    %sign3A_71 = arith.constant 0 : i32
    %sign3A_72 = arith.cmpi sgt, %add3A_68, %sign3A_71 : i32
    %sign3A_73 = arith.extui %sign3A_72 : i1 to i32
    %sign3A_74 = arith.constant 0 : i32
    %sign3A_75 = arith.cmpi slt, %add3A_68, %sign3A_74 : i32
    %sign3A_76 = arith.extui %sign3A_75 : i1 to i32
    %sign3A_77 = arith.subi %sign3A_73, %sign3A_76 : i32
    %sign3A_78 = arith.constant 0 : i32
    %sign3A_79 = arith.cmpi sgt, %jit3A_69, %sign3A_78 : i32
    %sign3A_80 = arith.extui %sign3A_79 : i1 to i32
    %sign3A_81 = arith.constant 0 : i32
    %sign3A_82 = arith.cmpi slt, %jit3A_69, %sign3A_81 : i32
    %sign3A_83 = arith.extui %sign3A_82 : i1 to i32
    %sign3A_84 = arith.subi %sign3A_80, %sign3A_83 : i32
    %ne3A_85 = arith.cmpi ne, %sign3A_77, %sign3A_84 : i32
    %rem3A_86 = arith.remsi %add3A_68, %jit3A_69 : i32
    %ne3A_87 = arith.constant 0 : i32
    %ne3A_88 = arith.cmpi ne, %rem3A_86, %ne3A_87 : i32
    %and3A_89 = arith.andi %ne3A_85, %ne3A_88 : i1
    %sub3A_90 = arith.constant 1 : i32
    %sub3A_91 = arith.subi %div3A_70, %sub3A_90 : i32
    %select_n3A_92 = arith.select %and3A_89, %sub3A_91, %div3A_70 : i32
    %jit3A_93 = arith.constant 128 : i32
    %eq3A_94 = arith.constant 0 : i32
    %eq3A_95 = arith.cmpi eq, %jit3A_93, %eq3A_94 : i32
    %jit3A_96 = arith.constant 1 : i32
    %select_n3A_97 = arith.select %eq3A_95, %jit3A_96, %jit3A_93 : i32
    %rem3A_98 = arith.remsi %add3A_68, %select_n3A_97 : i32
    %ne3A_99 = arith.constant 0 : i32
    %ne3A_100 = arith.cmpi ne, %rem3A_98, %ne3A_99 : i32
    %lt3A_101 = arith.constant 0 : i32
    %lt3A_102 = arith.cmpi slt, %rem3A_98, %lt3A_101 : i32
    %lt3A_103 = arith.constant 0 : i32
    %lt3A_104 = arith.cmpi slt, %select_n3A_97, %lt3A_103 : i32
    %ne3A_105 = arith.xori %lt3A_102, %lt3A_104 : i1
    %and3A_106 = arith.andi %ne3A_105, %ne3A_100 : i1
    %add3A_107 = arith.addi %rem3A_98, %select_n3A_97 : i32
    %select_n3A_108 = arith.select %and3A_106, %add3A_107, %rem3A_98 : i32
    %dma_wait3A_109 = arith.constant 1 : i32
    %dma_wait3A_110 = arith.constant 8 : i32
    %dma_wait3A_111 = arith.constant 0 : i32
    %dma_wait3A_112 = tpu.memref_slice %arg8[%dma_wait3A_110, %dma_wait3A_111] : memref<64x128xf32, #tpu.memory_space<vmem>> -> memref<8x128xf32, #tpu.memory_space<vmem>>
    %dma_wait3A_113 = arith.constant 0 : i32
    %dma_wait3A_114 = arith.constant 0 : i32
    %dma_wait3A_115 = tpu.memref_slice %arg4[%select_n3A_92, %dma_wait3A_109, %select_n3A_108, %dma_wait3A_113, %dma_wait3A_114] : memref<20x8x128x8x128xf32, #tpu.memory_space<hbm>> -> memref<1x1x1x8x128xf32, #tpu.memory_space<hbm>>
    %dma_wait3A_116 = tpu.memref_squeeze %dma_wait3A_115 : memref<1x1x1x8x128xf32, #tpu.memory_space<hbm>> -> memref<8x128xf32, #tpu.memory_space<hbm>>
    %dma_wait3A_117 = arith.constant 0 : i32
    %dma_wait3A_118 = arith.constant 0 : i32
    %dma_wait3A_119 = tpu.memref_slice %arg4[%select_n3A_92, %dma_wait3A_109, %select_n3A_108, %dma_wait3A_117, %dma_wait3A_118] : memref<20x8x128x8x128xf32, #tpu.memory_space<hbm>> -> memref<1x1x1x8x128xf32, #tpu.memory_space<hbm>>
    %dma_wait3A_120 = tpu.memref_squeeze %dma_wait3A_119 : memref<1x1x1x8x128xf32, #tpu.memory_space<hbm>> -> memref<8x128xf32, #tpu.memory_space<hbm>>
    %dma_wait3A_121 = arith.constant 8 : i32
    %dma_wait3A_122 = arith.constant 0 : i32
    %dma_wait3A_123 = tpu.memref_slice %arg8[%dma_wait3A_121, %dma_wait3A_122] : memref<64x128xf32, #tpu.memory_space<vmem>> -> memref<8x128xf32, #tpu.memory_space<vmem>>
    tpu.wait_dma2 semaphore(%arg12 : memref<!tpu.dma_semaphore, #tpu.memory_space<semaphore_mem>>) src(%dma_wait3A_123 : memref<8x128xf32, #tpu.memory_space<vmem>>) dst(%dma_wait3A_120 : memref<8x128xf32, #tpu.memory_space<hbm>>)
    %add3A_124 = arith.constant 78 : i32
    %add3A_125 = arith.addi %mul3A_2, %add3A_124 : i32
    %jit3A_126 = arith.constant 128 : i32
    %div3A_127 = arith.divsi %add3A_125, %jit3A_126 : i32
    %sign3A_128 = arith.constant 0 : i32
    %sign3A_129 = arith.cmpi sgt, %add3A_125, %sign3A_128 : i32
    %sign3A_130 = arith.extui %sign3A_129 : i1 to i32
    %sign3A_131 = arith.constant 0 : i32
    %sign3A_132 = arith.cmpi slt, %add3A_125, %sign3A_131 : i32
    %sign3A_133 = arith.extui %sign3A_132 : i1 to i32
    %sign3A_134 = arith.subi %sign3A_130, %sign3A_133 : i32
    %sign3A_135 = arith.constant 0 : i32
    %sign3A_136 = arith.cmpi sgt, %jit3A_126, %sign3A_135 : i32
    %sign3A_137 = arith.extui %sign3A_136 : i1 to i32
    %sign3A_138 = arith.constant 0 : i32
    %sign3A_139 = arith.cmpi slt, %jit3A_126, %sign3A_138 : i32
    %sign3A_140 = arith.extui %sign3A_139 : i1 to i32
    %sign3A_141 = arith.subi %sign3A_137, %sign3A_140 : i32
    %ne3A_142 = arith.cmpi ne, %sign3A_134, %sign3A_141 : i32
    %rem3A_143 = arith.remsi %add3A_125, %jit3A_126 : i32
    %ne3A_144 = arith.constant 0 : i32
    %ne3A_145 = arith.cmpi ne, %rem3A_143, %ne3A_144 : i32
    %and3A_146 = arith.andi %ne3A_142, %ne3A_145 : i1
    %sub3A_147 = arith.constant 1 : i32
    %sub3A_148 = arith.subi %div3A_127, %sub3A_147 : i32
    %select_n3A_149 = arith.select %and3A_146, %sub3A_148, %div3A_127 : i32
    %jit3A_150 = arith.constant 128 : i32
    %eq3A_151 = arith.constant 0 : i32
    %eq3A_152 = arith.cmpi eq, %jit3A_150, %eq3A_151 : i32
    %jit3A_153 = arith.constant 1 : i32
    %select_n3A_154 = arith.select %eq3A_152, %jit3A_153, %jit3A_150 : i32
    %rem3A_155 = arith.remsi %add3A_125, %select_n3A_154 : i32
    %ne3A_156 = arith.constant 0 : i32
    %ne3A_157 = arith.cmpi ne, %rem3A_155, %ne3A_156 : i32
    %lt3A_158 = arith.constant 0 : i32
    %lt3A_159 = arith.cmpi slt, %rem3A_155, %lt3A_158 : i32
    %lt3A_160 = arith.constant 0 : i32
    %lt3A_161 = arith.cmpi slt, %select_n3A_154, %lt3A_160 : i32
    %ne3A_162 = arith.xori %lt3A_159, %lt3A_161 : i1
    %and3A_163 = arith.andi %ne3A_162, %ne3A_157 : i1
    %add3A_164 = arith.addi %rem3A_155, %select_n3A_154 : i32
    %select_n3A_165 = arith.select %and3A_163, %add3A_164, %rem3A_155 : i32
    %dma_wait3A_166 = arith.constant 2 : i32
    %dma_wait3A_167 = arith.constant 16 : i32
    %dma_wait3A_168 = arith.constant 0 : i32
    %dma_wait3A_169 = tpu.memref_slice %arg8[%dma_wait3A_167, %dma_wait3A_168] : memref<64x128xf32, #tpu.memory_space<vmem>> -> memref<8x128xf32, #tpu.memory_space<vmem>>
    %dma_wait3A_170 = arith.constant 0 : i32
    %dma_wait3A_171 = arith.constant 0 : i32
    %dma_wait3A_172 = tpu.memref_slice %arg4[%select_n3A_149, %dma_wait3A_166, %select_n3A_165, %dma_wait3A_170, %dma_wait3A_171] : memref<20x8x128x8x128xf32, #tpu.memory_space<hbm>> -> memref<1x1x1x8x128xf32, #tpu.memory_space<hbm>>
    %dma_wait3A_173 = tpu.memref_squeeze %dma_wait3A_172 : memref<1x1x1x8x128xf32, #tpu.memory_space<hbm>> -> memref<8x128xf32, #tpu.memory_space<hbm>>
    %dma_wait3A_174 = arith.constant 0 : i32
    %dma_wait3A_175 = arith.constant 0 : i32
    %dma_wait3A_176 = tpu.memref_slice %arg4[%select_n3A_149, %dma_wait3A_166, %select_n3A_165, %dma_wait3A_174, %dma_wait3A_175] : memref<20x8x128x8x128xf32, #tpu.memory_space<hbm>> -> memref<1x1x1x8x128xf32, #tpu.memory_space<hbm>>
    %dma_wait3A_177 = tpu.memref_squeeze %dma_wait3A_176 : memref<1x1x1x8x128xf32, #tpu.memory_space<hbm>> -> memref<8x128xf32, #tpu.memory_space<hbm>>
    %dma_wait3A_178 = arith.constant 16 : i32
    %dma_wait3A_179 = arith.constant 0 : i32
    %dma_wait3A_180 = tpu.memref_slice %arg8[%dma_wait3A_178, %dma_wait3A_179] : memref<64x128xf32, #tpu.memory_space<vmem>> -> memref<8x128xf32, #tpu.memory_space<vmem>>
    tpu.wait_dma2 semaphore(%arg12 : memref<!tpu.dma_semaphore, #tpu.memory_space<semaphore_mem>>) src(%dma_wait3A_180 : memref<8x128xf32, #tpu.memory_space<vmem>>) dst(%dma_wait3A_177 : memref<8x128xf32, #tpu.memory_space<hbm>>)
    %add3A_181 = arith.constant 78 : i32
    %add3A_182 = arith.addi %mul3A_2, %add3A_181 : i32
    %jit3A_183 = arith.constant 128 : i32
    %div3A_184 = arith.divsi %add3A_182, %jit3A_183 : i32
    %sign3A_185 = arith.constant 0 : i32
    %sign3A_186 = arith.cmpi sgt, %add3A_182, %sign3A_185 : i32
    %sign3A_187 = arith.extui %sign3A_186 : i1 to i32
    %sign3A_188 = arith.constant 0 : i32
    %sign3A_189 = arith.cmpi slt, %add3A_182, %sign3A_188 : i32
    %sign3A_190 = arith.extui %sign3A_189 : i1 to i32
    %sign3A_191 = arith.subi %sign3A_187, %sign3A_190 : i32
    %sign3A_192 = arith.constant 0 : i32
    %sign3A_193 = arith.cmpi sgt, %jit3A_183, %sign3A_192 : i32
    %sign3A_194 = arith.extui %sign3A_193 : i1 to i32
    %sign3A_195 = arith.constant 0 : i32
    %sign3A_196 = arith.cmpi slt, %jit3A_183, %sign3A_195 : i32
    %sign3A_197 = arith.extui %sign3A_196 : i1 to i32
    %sign3A_198 = arith.subi %sign3A_194, %sign3A_197 : i32
    %ne3A_199 = arith.cmpi ne, %sign3A_191, %sign3A_198 : i32
    %rem3A_200 = arith.remsi %add3A_182, %jit3A_183 : i32
    %ne3A_201 = arith.constant 0 : i32
    %ne3A_202 = arith.cmpi ne, %rem3A_200, %ne3A_201 : i32
    %and3A_203 = arith.andi %ne3A_199, %ne3A_202 : i1
    %sub3A_204 = arith.constant 1 : i32
    %sub3A_205 = arith.subi %div3A_184, %sub3A_204 : i32
    %select_n3A_206 = arith.select %and3A_203, %sub3A_205, %div3A_184 : i32
    %jit3A_207 = arith.constant 128 : i32
    %eq3A_208 = arith.constant 0 : i32
    %eq3A_209 = arith.cmpi eq, %jit3A_207, %eq3A_208 : i32
    %jit3A_210 = arith.constant 1 : i32
    %select_n3A_211 = arith.select %eq3A_209, %jit3A_210, %jit3A_207 : i32
    %rem3A_212 = arith.remsi %add3A_182, %select_n3A_211 : i32
    %ne3A_213 = arith.constant 0 : i32
    %ne3A_214 = arith.cmpi ne, %rem3A_212, %ne3A_213 : i32
    %lt3A_215 = arith.constant 0 : i32
    %lt3A_216 = arith.cmpi slt, %rem3A_212, %lt3A_215 : i32
    %lt3A_217 = arith.constant 0 : i32
    %lt3A_218 = arith.cmpi slt, %select_n3A_211, %lt3A_217 : i32
    %ne3A_219 = arith.xori %lt3A_216, %lt3A_218 : i1
    %and3A_220 = arith.andi %ne3A_219, %ne3A_214 : i1
    %add3A_221 = arith.addi %rem3A_212, %select_n3A_211 : i32
    %select_n3A_222 = arith.select %and3A_220, %add3A_221, %rem3A_212 : i32
    %dma_wait3A_223 = arith.constant 3 : i32
    %dma_wait3A_224 = arith.constant 24 : i32
    %dma_wait3A_225 = arith.constant 0 : i32
    %dma_wait3A_226 = tpu.memref_slice %arg8[%dma_wait3A_224, %dma_wait3A_225] : memref<64x128xf32, #tpu.memory_space<vmem>> -> memref<8x128xf32, #tpu.memory_space<vmem>>
    %dma_wait3A_227 = arith.constant 0 : i32
    %dma_wait3A_228 = arith.constant 0 : i32
    %dma_wait3A_229 = tpu.memref_slice %arg4[%select_n3A_206, %dma_wait3A_223, %select_n3A_222, %dma_wait3A_227, %dma_wait3A_228] : memref<20x8x128x8x128xf32, #tpu.memory_space<hbm>> -> memref<1x1x1x8x128xf32, #tpu.memory_space<hbm>>
    %dma_wait3A_230 = tpu.memref_squeeze %dma_wait3A_229 : memref<1x1x1x8x128xf32, #tpu.memory_space<hbm>> -> memref<8x128xf32, #tpu.memory_space<hbm>>
    %dma_wait3A_231 = arith.constant 0 : i32
    %dma_wait3A_232 = arith.constant 0 : i32
    %dma_wait3A_233 = tpu.memref_slice %arg4[%select_n3A_206, %dma_wait3A_223, %select_n3A_222, %dma_wait3A_231, %dma_wait3A_232] : memref<20x8x128x8x128xf32, #tpu.memory_space<hbm>> -> memref<1x1x1x8x128xf32, #tpu.memory_space<hbm>>
    %dma_wait3A_234 = tpu.memref_squeeze %dma_wait3A_233 : memref<1x1x1x8x128xf32, #tpu.memory_space<hbm>> -> memref<8x128xf32, #tpu.memory_space<hbm>>
    %dma_wait3A_235 = arith.constant 24 : i32
    %dma_wait3A_236 = arith.constant 0 : i32
    %dma_wait3A_237 = tpu.memref_slice %arg8[%dma_wait3A_235, %dma_wait3A_236] : memref<64x128xf32, #tpu.memory_space<vmem>> -> memref<8x128xf32, #tpu.memory_space<vmem>>
    tpu.wait_dma2 semaphore(%arg12 : memref<!tpu.dma_semaphore, #tpu.memory_space<semaphore_mem>>) src(%dma_wait3A_237 : memref<8x128xf32, #tpu.memory_space<vmem>>) dst(%dma_wait3A_234 : memref<8x128xf32, #tpu.memory_space<hbm>>)
    %add3A_238 = arith.constant 78 : i32
    %add3A_239 = arith.addi %mul3A_2, %add3A_238 : i32
    %jit3A_240 = arith.constant 128 : i32
    %div3A_241 = arith.divsi %add3A_239, %jit3A_240 : i32
    %sign3A_242 = arith.constant 0 : i32
    %sign3A_243 = arith.cmpi sgt, %add3A_239, %sign3A_242 : i32
    %sign3A_244 = arith.extui %sign3A_243 : i1 to i32
    %sign3A_245 = arith.constant 0 : i32
    %sign3A_246 = arith.cmpi slt, %add3A_239, %sign3A_245 : i32
    %sign3A_247 = arith.extui %sign3A_246 : i1 to i32
    %sign3A_248 = arith.subi %sign3A_244, %sign3A_247 : i32
    %sign3A_249 = arith.constant 0 : i32
    %sign3A_250 = arith.cmpi sgt, %jit3A_240, %sign3A_249 : i32
    %sign3A_251 = arith.extui %sign3A_250 : i1 to i32
    %sign3A_252 = arith.constant 0 : i32
    %sign3A_253 = arith.cmpi slt, %jit3A_240, %sign3A_252 : i32
    %sign3A_254 = arith.extui %sign3A_253 : i1 to i32
    %sign3A_255 = arith.subi %sign3A_251, %sign3A_254 : i32
    %ne3A_256 = arith.cmpi ne, %sign3A_248, %sign3A_255 : i32
    %rem3A_257 = arith.remsi %add3A_239, %jit3A_240 : i32
    %ne3A_258 = arith.constant 0 : i32
    %ne3A_259 = arith.cmpi ne, %rem3A_257, %ne3A_258 : i32
    %and3A_260 = arith.andi %ne3A_256, %ne3A_259 : i1
    %sub3A_261 = arith.constant 1 : i32
    %sub3A_262 = arith.subi %div3A_241, %sub3A_261 : i32
    %select_n3A_263 = arith.select %and3A_260, %sub3A_262, %div3A_241 : i32
    %jit3A_264 = arith.constant 128 : i32
    %eq3A_265 = arith.constant 0 : i32
    %eq3A_266 = arith.cmpi eq, %jit3A_264, %eq3A_265 : i32
    %jit3A_267 = arith.constant 1 : i32
    %select_n3A_268 = arith.select %eq3A_266, %jit3A_267, %jit3A_264 : i32
    %rem3A_269 = arith.remsi %add3A_239, %select_n3A_268 : i32
    %ne3A_270 = arith.constant 0 : i32
    %ne3A_271 = arith.cmpi ne, %rem3A_269, %ne3A_270 : i32
    %lt3A_272 = arith.constant 0 : i32
    %lt3A_273 = arith.cmpi slt, %rem3A_269, %lt3A_272 : i32
    %lt3A_274 = arith.constant 0 : i32
    %lt3A_275 = arith.cmpi slt, %select_n3A_268, %lt3A_274 : i32
    %ne3A_276 = arith.xori %lt3A_273, %lt3A_275 : i1
    %and3A_277 = arith.andi %ne3A_276, %ne3A_271 : i1
    %add3A_278 = arith.addi %rem3A_269, %select_n3A_268 : i32
    %select_n3A_279 = arith.select %and3A_277, %add3A_278, %rem3A_269 : i32
    %dma_wait3A_280 = arith.constant 4 : i32
    %dma_wait3A_281 = arith.constant 32 : i32
    %dma_wait3A_282 = arith.constant 0 : i32
    %dma_wait3A_283 = tpu.memref_slice %arg8[%dma_wait3A_281, %dma_wait3A_282] : memref<64x128xf32, #tpu.memory_space<vmem>> -> memref<8x128xf32, #tpu.memory_space<vmem>>
    %dma_wait3A_284 = arith.constant 0 : i32
    %dma_wait3A_285 = arith.constant 0 : i32
    %dma_wait3A_286 = tpu.memref_slice %arg4[%select_n3A_263, %dma_wait3A_280, %select_n3A_279, %dma_wait3A_284, %dma_wait3A_285] : memref<20x8x128x8x128xf32, #tpu.memory_space<hbm>> -> memref<1x1x1x8x128xf32, #tpu.memory_space<hbm>>
    %dma_wait3A_287 = tpu.memref_squeeze %dma_wait3A_286 : memref<1x1x1x8x128xf32, #tpu.memory_space<hbm>> -> memref<8x128xf32, #tpu.memory_space<hbm>>
    %dma_wait3A_288 = arith.constant 0 : i32
    %dma_wait3A_289 = arith.constant 0 : i32
    %dma_wait3A_290 = tpu.memref_slice %arg4[%select_n3A_263, %dma_wait3A_280, %select_n3A_279, %dma_wait3A_288, %dma_wait3A_289] : memref<20x8x128x8x128xf32, #tpu.memory_space<hbm>> -> memref<1x1x1x8x128xf32, #tpu.memory_space<hbm>>
    %dma_wait3A_291 = tpu.memref_squeeze %dma_wait3A_290 : memref<1x1x1x8x128xf32, #tpu.memory_space<hbm>> -> memref<8x128xf32, #tpu.memory_space<hbm>>
    %dma_wait3A_292 = arith.constant 32 : i32
    %dma_wait3A_293 = arith.constant 0 : i32
    %dma_wait3A_294 = tpu.memref_slice %arg8[%dma_wait3A_292, %dma_wait3A_293] : memref<64x128xf32, #tpu.memory_space<vmem>> -> memref<8x128xf32, #tpu.memory_space<vmem>>
    tpu.wait_dma2 semaphore(%arg12 : memref<!tpu.dma_semaphore, #tpu.memory_space<semaphore_mem>>) src(%dma_wait3A_294 : memref<8x128xf32, #tpu.memory_space<vmem>>) dst(%dma_wait3A_291 : memref<8x128xf32, #tpu.memory_space<hbm>>)
    %add3A_295 = arith.constant 78 : i32
    %add3A_296 = arith.addi %mul3A_2, %add3A_295 : i32
    %jit3A_297 = arith.constant 128 : i32
    %div3A_298 = arith.divsi %add3A_296, %jit3A_297 : i32
    %sign3A_299 = arith.constant 0 : i32
    %sign3A_300 = arith.cmpi sgt, %add3A_296, %sign3A_299 : i32
    %sign3A_301 = arith.extui %sign3A_300 : i1 to i32
    %sign3A_302 = arith.constant 0 : i32
    %sign3A_303 = arith.cmpi slt, %add3A_296, %sign3A_302 : i32
    %sign3A_304 = arith.extui %sign3A_303 : i1 to i32
    %sign3A_305 = arith.subi %sign3A_301, %sign3A_304 : i32
    %sign3A_306 = arith.constant 0 : i32
    %sign3A_307 = arith.cmpi sgt, %jit3A_297, %sign3A_306 : i32
    %sign3A_308 = arith.extui %sign3A_307 : i1 to i32
    %sign3A_309 = arith.constant 0 : i32
    %sign3A_310 = arith.cmpi slt, %jit3A_297, %sign3A_309 : i32
    %sign3A_311 = arith.extui %sign3A_310 : i1 to i32
    %sign3A_312 = arith.subi %sign3A_308, %sign3A_311 : i32
    %ne3A_313 = arith.cmpi ne, %sign3A_305, %sign3A_312 : i32
    %rem3A_314 = arith.remsi %add3A_296, %jit3A_297 : i32
    %ne3A_315 = arith.constant 0 : i32
    %ne3A_316 = arith.cmpi ne, %rem3A_314, %ne3A_315 : i32
    %and3A_317 = arith.andi %ne3A_313, %ne3A_316 : i1
    %sub3A_318 = arith.constant 1 : i32
    %sub3A_319 = arith.subi %div3A_298, %sub3A_318 : i32
    %select_n3A_320 = arith.select %and3A_317, %sub3A_319, %div3A_298 : i32
    %jit3A_321 = arith.constant 128 : i32
    %eq3A_322 = arith.constant 0 : i32
    %eq3A_323 = arith.cmpi eq, %jit3A_321, %eq3A_322 : i32
    %jit3A_324 = arith.constant 1 : i32
    %select_n3A_325 = arith.select %eq3A_323, %jit3A_324, %jit3A_321 : i32
    %rem3A_326 = arith.remsi %add3A_296, %select_n3A_325 : i32
    %ne3A_327 = arith.constant 0 : i32
    %ne3A_328 = arith.cmpi ne, %rem3A_326, %ne3A_327 : i32
    %lt3A_329 = arith.constant 0 : i32
    %lt3A_330 = arith.cmpi slt, %rem3A_326, %lt3A_329 : i32
    %lt3A_331 = arith.constant 0 : i32
    %lt3A_332 = arith.cmpi slt, %select_n3A_325, %lt3A_331 : i32
    %ne3A_333 = arith.xori %lt3A_330, %lt3A_332 : i1
    %and3A_334 = arith.andi %ne3A_333, %ne3A_328 : i1
    %add3A_335 = arith.addi %rem3A_326, %select_n3A_325 : i32
    %select_n3A_336 = arith.select %and3A_334, %add3A_335, %rem3A_326 : i32
    %dma_wait3A_337 = arith.constant 5 : i32
    %dma_wait3A_338 = arith.constant 40 : i32
    %dma_wait3A_339 = arith.constant 0 : i32
    %dma_wait3A_340 = tpu.memref_slice %arg8[%dma_wait3A_338, %dma_wait3A_339] : memref<64x128xf32, #tpu.memory_space<vmem>> -> memref<8x128xf32, #tpu.memory_space<vmem>>
    %dma_wait3A_341 = arith.constant 0 : i32
    %dma_wait3A_342 = arith.constant 0 : i32
    %dma_wait3A_343 = tpu.memref_slice %arg4[%select_n3A_320, %dma_wait3A_337, %select_n3A_336, %dma_wait3A_341, %dma_wait3A_342] : memref<20x8x128x8x128xf32, #tpu.memory_space<hbm>> -> memref<1x1x1x8x128xf32, #tpu.memory_space<hbm>>
    %dma_wait3A_344 = tpu.memref_squeeze %dma_wait3A_343 : memref<1x1x1x8x128xf32, #tpu.memory_space<hbm>> -> memref<8x128xf32, #tpu.memory_space<hbm>>
    %dma_wait3A_345 = arith.constant 0 : i32
    %dma_wait3A_346 = arith.constant 0 : i32
    %dma_wait3A_347 = tpu.memref_slice %arg4[%select_n3A_320, %dma_wait3A_337, %select_n3A_336, %dma_wait3A_345, %dma_wait3A_346] : memref<20x8x128x8x128xf32, #tpu.memory_space<hbm>> -> memref<1x1x1x8x128xf32, #tpu.memory_space<hbm>>
    %dma_wait3A_348 = tpu.memref_squeeze %dma_wait3A_347 : memref<1x1x1x8x128xf32, #tpu.memory_space<hbm>> -> memref<8x128xf32, #tpu.memory_space<hbm>>
    %dma_wait3A_349 = arith.constant 40 : i32
    %dma_wait3A_350 = arith.constant 0 : i32
    %dma_wait3A_351 = tpu.memref_slice %arg8[%dma_wait3A_349, %dma_wait3A_350] : memref<64x128xf32, #tpu.memory_space<vmem>> -> memref<8x128xf32, #tpu.memory_space<vmem>>
    tpu.wait_dma2 semaphore(%arg12 : memref<!tpu.dma_semaphore, #tpu.memory_space<semaphore_mem>>) src(%dma_wait3A_351 : memref<8x128xf32, #tpu.memory_space<vmem>>) dst(%dma_wait3A_348 : memref<8x128xf32, #tpu.memory_space<hbm>>)
    %add3A_352 = arith.constant 78 : i32
    %add3A_353 = arith.addi %mul3A_2, %add3A_352 : i32
    %jit3A_354 = arith.constant 128 : i32
    %div3A_355 = arith.divsi %add3A_353, %jit3A_354 : i32
    %sign3A_356 = arith.constant 0 : i32
    %sign3A_357 = arith.cmpi sgt, %add3A_353, %sign3A_356 : i32
    %sign3A_358 = arith.extui %sign3A_357 : i1 to i32
    %sign3A_359 = arith.constant 0 : i32
    %sign3A_360 = arith.cmpi slt, %add3A_353, %sign3A_359 : i32
    %sign3A_361 = arith.extui %sign3A_360 : i1 to i32
    %sign3A_362 = arith.subi %sign3A_358, %sign3A_361 : i32
    %sign3A_363 = arith.constant 0 : i32
    %sign3A_364 = arith.cmpi sgt, %jit3A_354, %sign3A_363 : i32
    %sign3A_365 = arith.extui %sign3A_364 : i1 to i32
    %sign3A_366 = arith.constant 0 : i32
    %sign3A_367 = arith.cmpi slt, %jit3A_354, %sign3A_366 : i32
    %sign3A_368 = arith.extui %sign3A_367 : i1 to i32
    %sign3A_369 = arith.subi %sign3A_365, %sign3A_368 : i32
    %ne3A_370 = arith.cmpi ne, %sign3A_362, %sign3A_369 : i32
    %rem3A_371 = arith.remsi %add3A_353, %jit3A_354 : i32
    %ne3A_372 = arith.constant 0 : i32
    %ne3A_373 = arith.cmpi ne, %rem3A_371, %ne3A_372 : i32
    %and3A_374 = arith.andi %ne3A_370, %ne3A_373 : i1
    %sub3A_375 = arith.constant 1 : i32
    %sub3A_376 = arith.subi %div3A_355, %sub3A_375 : i32
    %select_n3A_377 = arith.select %and3A_374, %sub3A_376, %div3A_355 : i32
    %jit3A_378 = arith.constant 128 : i32
    %eq3A_379 = arith.constant 0 : i32
    %eq3A_380 = arith.cmpi eq, %jit3A_378, %eq3A_379 : i32
    %jit3A_381 = arith.constant 1 : i32
    %select_n3A_382 = arith.select %eq3A_380, %jit3A_381, %jit3A_378 : i32
    %rem3A_383 = arith.remsi %add3A_353, %select_n3A_382 : i32
    %ne3A_384 = arith.constant 0 : i32
    %ne3A_385 = arith.cmpi ne, %rem3A_383, %ne3A_384 : i32
    %lt3A_386 = arith.constant 0 : i32
    %lt3A_387 = arith.cmpi slt, %rem3A_383, %lt3A_386 : i32
    %lt3A_388 = arith.constant 0 : i32
    %lt3A_389 = arith.cmpi slt, %select_n3A_382, %lt3A_388 : i32
    %ne3A_390 = arith.xori %lt3A_387, %lt3A_389 : i1
    %and3A_391 = arith.andi %ne3A_390, %ne3A_385 : i1
    %add3A_392 = arith.addi %rem3A_383, %select_n3A_382 : i32
    %select_n3A_393 = arith.select %and3A_391, %add3A_392, %rem3A_383 : i32
    %dma_wait3A_394 = arith.constant 6 : i32
    %dma_wait3A_395 = arith.constant 48 : i32
    %dma_wait3A_396 = arith.constant 0 : i32
    %dma_wait3A_397 = tpu.memref_slice %arg8[%dma_wait3A_395, %dma_wait3A_396] : memref<64x128xf32, #tpu.memory_space<vmem>> -> memref<8x128xf32, #tpu.memory_space<vmem>>
    %dma_wait3A_398 = arith.constant 0 : i32
    %dma_wait3A_399 = arith.constant 0 : i32
    %dma_wait3A_400 = tpu.memref_slice %arg4[%select_n3A_377, %dma_wait3A_394, %select_n3A_393, %dma_wait3A_398, %dma_wait3A_399] : memref<20x8x128x8x128xf32, #tpu.memory_space<hbm>> -> memref<1x1x1x8x128xf32, #tpu.memory_space<hbm>>
    %dma_wait3A_401 = tpu.memref_squeeze %dma_wait3A_400 : memref<1x1x1x8x128xf32, #tpu.memory_space<hbm>> -> memref<8x128xf32, #tpu.memory_space<hbm>>
    %dma_wait3A_402 = arith.constant 0 : i32
    %dma_wait3A_403 = arith.constant 0 : i32
    %dma_wait3A_404 = tpu.memref_slice %arg4[%select_n3A_377, %dma_wait3A_394, %select_n3A_393, %dma_wait3A_402, %dma_wait3A_403] : memref<20x8x128x8x128xf32, #tpu.memory_space<hbm>> -> memref<1x1x1x8x128xf32, #tpu.memory_space<hbm>>
    %dma_wait3A_405 = tpu.memref_squeeze %dma_wait3A_404 : memref<1x1x1x8x128xf32, #tpu.memory_space<hbm>> -> memref<8x128xf32, #tpu.memory_space<hbm>>
    %dma_wait3A_406 = arith.constant 48 : i32
    %dma_wait3A_407 = arith.constant 0 : i32
    %dma_wait3A_408 = tpu.memref_slice %arg8[%dma_wait3A_406, %dma_wait3A_407] : memref<64x128xf32, #tpu.memory_space<vmem>> -> memref<8x128xf32, #tpu.memory_space<vmem>>
    tpu.wait_dma2 semaphore(%arg12 : memref<!tpu.dma_semaphore, #tpu.memory_space<semaphore_mem>>) src(%dma_wait3A_408 : memref<8x128xf32, #tpu.memory_space<vmem>>) dst(%dma_wait3A_405 : memref<8x128xf32, #tpu.memory_space<hbm>>)
    %add3A_409 = arith.constant 78 : i32
    %add3A_410 = arith.addi %mul3A_2, %add3A_409 : i32
    %jit3A_411 = arith.constant 128 : i32
    %div3A_412 = arith.divsi %add3A_410, %jit3A_411 : i32
    %sign3A_413 = arith.constant 0 : i32
    %sign3A_414 = arith.cmpi sgt, %add3A_410, %sign3A_413 : i32
    %sign3A_415 = arith.extui %sign3A_414 : i1 to i32
    %sign3A_416 = arith.constant 0 : i32
    %sign3A_417 = arith.cmpi slt, %add3A_410, %sign3A_416 : i32
    %sign3A_418 = arith.extui %sign3A_417 : i1 to i32
    %sign3A_419 = arith.subi %sign3A_415, %sign3A_418 : i32
    %sign3A_420 = arith.constant 0 : i32
    %sign3A_421 = arith.cmpi sgt, %jit3A_411, %sign3A_420 : i32
    %sign3A_422 = arith.extui %sign3A_421 : i1 to i32
    %sign3A_423 = arith.constant 0 : i32
    %sign3A_424 = arith.cmpi slt, %jit3A_411, %sign3A_423 : i32
    %sign3A_425 = arith.extui %sign3A_424 : i1 to i32
    %sign3A_426 = arith.subi %sign3A_422, %sign3A_425 : i32
    %ne3A_427 = arith.cmpi ne, %sign3A_419, %sign3A_426 : i32
    %rem3A_428 = arith.remsi %add3A_410, %jit3A_411 : i32
    %ne3A_429 = arith.constant 0 : i32
    %ne3A_430 = arith.cmpi ne, %rem3A_428, %ne3A_429 : i32
    %and3A_431 = arith.andi %ne3A_427, %ne3A_430 : i1
    %sub3A_432 = arith.constant 1 : i32
    %sub3A_433 = arith.subi %div3A_412, %sub3A_432 : i32
    %select_n3A_434 = arith.select %and3A_431, %sub3A_433, %div3A_412 : i32
    %jit3A_435 = arith.constant 128 : i32
    %eq3A_436 = arith.constant 0 : i32
    %eq3A_437 = arith.cmpi eq, %jit3A_435, %eq3A_436 : i32
    %jit3A_438 = arith.constant 1 : i32
    %select_n3A_439 = arith.select %eq3A_437, %jit3A_438, %jit3A_435 : i32
    %rem3A_440 = arith.remsi %add3A_410, %select_n3A_439 : i32
    %ne3A_441 = arith.constant 0 : i32
    %ne3A_442 = arith.cmpi ne, %rem3A_440, %ne3A_441 : i32
    %lt3A_443 = arith.constant 0 : i32
    %lt3A_444 = arith.cmpi slt, %rem3A_440, %lt3A_443 : i32
    %lt3A_445 = arith.constant 0 : i32
    %lt3A_446 = arith.cmpi slt, %select_n3A_439, %lt3A_445 : i32
    %ne3A_447 = arith.xori %lt3A_444, %lt3A_446 : i1
    %and3A_448 = arith.andi %ne3A_447, %ne3A_442 : i1
    %add3A_449 = arith.addi %rem3A_440, %select_n3A_439 : i32
    %select_n3A_450 = arith.select %and3A_448, %add3A_449, %rem3A_440 : i32
    %dma_wait3A_451 = arith.constant 7 : i32
    %dma_wait3A_452 = arith.constant 56 : i32
    %dma_wait3A_453 = arith.constant 0 : i32
    %dma_wait3A_454 = tpu.memref_slice %arg8[%dma_wait3A_452, %dma_wait3A_453] : memref<64x128xf32, #tpu.memory_space<vmem>> -> memref<8x128xf32, #tpu.memory_space<vmem>>
    %dma_wait3A_455 = arith.constant 0 : i32
    %dma_wait3A_456 = arith.constant 0 : i32
    %dma_wait3A_457 = tpu.memref_slice %arg4[%select_n3A_434, %dma_wait3A_451, %select_n3A_450, %dma_wait3A_455, %dma_wait3A_456] : memref<20x8x128x8x128xf32, #tpu.memory_space<hbm>> -> memref<1x1x1x8x128xf32, #tpu.memory_space<hbm>>
    %dma_wait3A_458 = tpu.memref_squeeze %dma_wait3A_457 : memref<1x1x1x8x128xf32, #tpu.memory_space<hbm>> -> memref<8x128xf32, #tpu.memory_space<hbm>>
    %dma_wait3A_459 = arith.constant 0 : i32
    %dma_wait3A_460 = arith.constant 0 : i32
    %dma_wait3A_461 = tpu.memref_slice %arg4[%select_n3A_434, %dma_wait3A_451, %select_n3A_450, %dma_wait3A_459, %dma_wait3A_460] : memref<20x8x128x8x128xf32, #tpu.memory_space<hbm>> -> memref<1x1x1x8x128xf32, #tpu.memory_space<hbm>>
    %dma_wait3A_462 = tpu.memref_squeeze %dma_wait3A_461 : memref<1x1x1x8x128xf32, #tpu.memory_space<hbm>> -> memref<8x128xf32, #tpu.memory_space<hbm>>
    %dma_wait3A_463 = arith.constant 56 : i32
    %dma_wait3A_464 = arith.constant 0 : i32
    %dma_wait3A_465 = tpu.memref_slice %arg8[%dma_wait3A_463, %dma_wait3A_464] : memref<64x128xf32, #tpu.memory_space<vmem>> -> memref<8x128xf32, #tpu.memory_space<vmem>>
    tpu.wait_dma2 semaphore(%arg12 : memref<!tpu.dma_semaphore, #tpu.memory_space<semaphore_mem>>) src(%dma_wait3A_465 : memref<8x128xf32, #tpu.memory_space<vmem>>) dst(%dma_wait3A_462 : memref<8x128xf32, #tpu.memory_space<hbm>>)
    %add3A_466 = arith.constant 79 : i32
    %add3A_467 = arith.addi %mul3A_2, %add3A_466 : i32
    %jit3A_468 = arith.constant 128 : i32
    %div3A_469 = arith.divsi %add3A_467, %jit3A_468 : i32
    %sign3A_470 = arith.constant 0 : i32
    %sign3A_471 = arith.cmpi sgt, %add3A_467, %sign3A_470 : i32
    %sign3A_472 = arith.extui %sign3A_471 : i1 to i32
    %sign3A_473 = arith.constant 0 : i32
    %sign3A_474 = arith.cmpi slt, %add3A_467, %sign3A_473 : i32
    %sign3A_475 = arith.extui %sign3A_474 : i1 to i32
    %sign3A_476 = arith.subi %sign3A_472, %sign3A_475 : i32
    %sign3A_477 = arith.constant 0 : i32
    %sign3A_478 = arith.cmpi sgt, %jit3A_468, %sign3A_477 : i32
    %sign3A_479 = arith.extui %sign3A_478 : i1 to i32
    %sign3A_480 = arith.constant 0 : i32
    %sign3A_481 = arith.cmpi slt, %jit3A_468, %sign3A_480 : i32
    %sign3A_482 = arith.extui %sign3A_481 : i1 to i32
    %sign3A_483 = arith.subi %sign3A_479, %sign3A_482 : i32
    %ne3A_484 = arith.cmpi ne, %sign3A_476, %sign3A_483 : i32
    %rem3A_485 = arith.remsi %add3A_467, %jit3A_468 : i32
    %ne3A_486 = arith.constant 0 : i32
    %ne3A_487 = arith.cmpi ne, %rem3A_485, %ne3A_486 : i32
    %and3A_488 = arith.andi %ne3A_484, %ne3A_487 : i1
    %sub3A_489 = arith.constant 1 : i32
    %sub3A_490 = arith.subi %div3A_469, %sub3A_489 : i32
    %select_n3A_491 = arith.select %and3A_488, %sub3A_490, %div3A_469 : i32
    %jit3A_492 = arith.constant 128 : i32
    %eq3A_493 = arith.constant 0 : i32
    %eq3A_494 = arith.cmpi eq, %jit3A_492, %eq3A_493 : i32
    %jit3A_495 = arith.constant 1 : i32
    %select_n3A_496 = arith.select %eq3A_494, %jit3A_495, %jit3A_492 : i32
    %rem3A_497 = arith.remsi %add3A_467, %select_n3A_496 : i32
    %ne3A_498 = arith.constant 0 : i32
    %ne3A_499 = arith.cmpi ne, %rem3A_497, %ne3A_498 : i32
    %lt3A_500 = arith.constant 0 : i32
    %lt3A_501 = arith.cmpi slt, %rem3A_497, %lt3A_500 : i32
    %lt3A_502 = arith.constant 0 : i32
    %lt3A_503 = arith.cmpi slt, %select_n3A_496, %lt3A_502 : i32
    %ne3A_504 = arith.xori %lt3A_501, %lt3A_503 : i1
    %and3A_505 = arith.andi %ne3A_504, %ne3A_499 : i1
    %add3A_506 = arith.addi %rem3A_497, %select_n3A_496 : i32
    %select_n3A_507 = arith.select %and3A_505, %add3A_506, %rem3A_497 : i32
    %dma_wait3A_508 = arith.constant 0 : i32
    %dma_wait3A_509 = arith.constant 0 : i32
    %dma_wait3A_510 = arith.constant 0 : i32
    %dma_wait3A_511 = tpu.memref_slice %arg9[%dma_wait3A_509, %dma_wait3A_510] : memref<64x128xf32, #tpu.memory_space<vmem>> -> memref<8x128xf32, #tpu.memory_space<vmem>>
    %dma_wait3A_512 = arith.constant 0 : i32
    %dma_wait3A_513 = arith.constant 0 : i32
    %dma_wait3A_514 = tpu.memref_slice %arg4[%select_n3A_491, %dma_wait3A_508, %select_n3A_507, %dma_wait3A_512, %dma_wait3A_513] : memref<20x8x128x8x128xf32, #tpu.memory_space<hbm>> -> memref<1x1x1x8x128xf32, #tpu.memory_space<hbm>>
    %dma_wait3A_515 = tpu.memref_squeeze %dma_wait3A_514 : memref<1x1x1x8x128xf32, #tpu.memory_space<hbm>> -> memref<8x128xf32, #tpu.memory_space<hbm>>
    %dma_wait3A_516 = arith.constant 0 : i32
    %dma_wait3A_517 = arith.constant 0 : i32
    %dma_wait3A_518 = tpu.memref_slice %arg4[%select_n3A_491, %dma_wait3A_508, %select_n3A_507, %dma_wait3A_516, %dma_wait3A_517] : memref<20x8x128x8x128xf32, #tpu.memory_space<hbm>> -> memref<1x1x1x8x128xf32, #tpu.memory_space<hbm>>
    %dma_wait3A_519 = tpu.memref_squeeze %dma_wait3A_518 : memref<1x1x1x8x128xf32, #tpu.memory_space<hbm>> -> memref<8x128xf32, #tpu.memory_space<hbm>>
    %dma_wait3A_520 = arith.constant 0 : i32
    %dma_wait3A_521 = arith.constant 0 : i32
    %dma_wait3A_522 = tpu.memref_slice %arg9[%dma_wait3A_520, %dma_wait3A_521] : memref<64x128xf32, #tpu.memory_space<vmem>> -> memref<8x128xf32, #tpu.memory_space<vmem>>
    tpu.wait_dma2 semaphore(%arg13 : memref<!tpu.dma_semaphore, #tpu.memory_space<semaphore_mem>>) src(%dma_wait3A_522 : memref<8x128xf32, #tpu.memory_space<vmem>>) dst(%dma_wait3A_519 : memref<8x128xf32, #tpu.memory_space<hbm>>)
    %add3A_523 = arith.constant 79 : i32
    %add3A_524 = arith.addi %mul3A_2, %add3A_523 : i32
    %jit3A_525 = arith.constant 128 : i32
    %div3A_526 = arith.divsi %add3A_524, %jit3A_525 : i32
    %sign3A_527 = arith.constant 0 : i32
    %sign3A_528 = arith.cmpi sgt, %add3A_524, %sign3A_527 : i32
    %sign3A_529 = arith.extui %sign3A_528 : i1 to i32
    %sign3A_530 = arith.constant 0 : i32
    %sign3A_531 = arith.cmpi slt, %add3A_524, %sign3A_530 : i32
    %sign3A_532 = arith.extui %sign3A_531 : i1 to i32
    %sign3A_533 = arith.subi %sign3A_529, %sign3A_532 : i32
    %sign3A_534 = arith.constant 0 : i32
    %sign3A_535 = arith.cmpi sgt, %jit3A_525, %sign3A_534 : i32
    %sign3A_536 = arith.extui %sign3A_535 : i1 to i32
    %sign3A_537 = arith.constant 0 : i32
    %sign3A_538 = arith.cmpi slt, %jit3A_525, %sign3A_537 : i32
    %sign3A_539 = arith.extui %sign3A_538 : i1 to i32
    %sign3A_540 = arith.subi %sign3A_536, %sign3A_539 : i32
    %ne3A_541 = arith.cmpi ne, %sign3A_533, %sign3A_540 : i32
    %rem3A_542 = arith.remsi %add3A_524, %jit3A_525 : i32
    %ne3A_543 = arith.constant 0 : i32
    %ne3A_544 = arith.cmpi ne, %rem3A_542, %ne3A_543 : i32
    %and3A_545 = arith.andi %ne3A_541, %ne3A_544 : i1
    %sub3A_546 = arith.constant 1 : i32
    %sub3A_547 = arith.subi %div3A_526, %sub3A_546 : i32
    %select_n3A_548 = arith.select %and3A_545, %sub3A_547, %div3A_526 : i32
    %jit3A_549 = arith.constant 128 : i32
    %eq3A_550 = arith.constant 0 : i32
    %eq3A_551 = arith.cmpi eq, %jit3A_549, %eq3A_550 : i32
    %jit3A_552 = arith.constant 1 : i32
    %select_n3A_553 = arith.select %eq3A_551, %jit3A_552, %jit3A_549 : i32
    %rem3A_554 = arith.remsi %add3A_524, %select_n3A_553 : i32
    %ne3A_555 = arith.constant 0 : i32
    %ne3A_556 = arith.cmpi ne, %rem3A_554, %ne3A_555 : i32
    %lt3A_557 = arith.constant 0 : i32
    %lt3A_558 = arith.cmpi slt, %rem3A_554, %lt3A_557 : i32
    %lt3A_559 = arith.constant 0 : i32
    %lt3A_560 = arith.cmpi slt, %select_n3A_553, %lt3A_559 : i32
    %ne3A_561 = arith.xori %lt3A_558, %lt3A_560 : i1
    %and3A_562 = arith.andi %ne3A_561, %ne3A_556 : i1
    %add3A_563 = arith.addi %rem3A_554, %select_n3A_553 : i32
    %select_n3A_564 = arith.select %and3A_562, %add3A_563, %rem3A_554 : i32
    %dma_wait3A_565 = arith.constant 1 : i32
    %dma_wait3A_566 = arith.constant 8 : i32
    %dma_wait3A_567 = arith.constant 0 : i32
    %dma_wait3A_568 = tpu.memref_slice %arg9[%dma_wait3A_566, %dma_wait3A_567] : memref<64x128xf32, #tpu.memory_space<vmem>> -> memref<8x128xf32, #tpu.memory_space<vmem>>
    %dma_wait3A_569 = arith.constant 0 : i32
    %dma_wait3A_570 = arith.constant 0 : i32
    %dma_wait3A_571 = tpu.memref_slice %arg4[%select_n3A_548, %dma_wait3A_565, %select_n3A_564, %dma_wait3A_569, %dma_wait3A_570] : memref<20x8x128x8x128xf32, #tpu.memory_space<hbm>> -> memref<1x1x1x8x128xf32, #tpu.memory_space<hbm>>
    %dma_wait3A_572 = tpu.memref_squeeze %dma_wait3A_571 : memref<1x1x1x8x128xf32, #tpu.memory_space<hbm>> -> memref<8x128xf32, #tpu.memory_space<hbm>>
    %dma_wait3A_573 = arith.constant 0 : i32
    %dma_wait3A_574 = arith.constant 0 : i32
    %dma_wait3A_575 = tpu.memref_slice %arg4[%select_n3A_548, %dma_wait3A_565, %select_n3A_564, %dma_wait3A_573, %dma_wait3A_574] : memref<20x8x128x8x128xf32, #tpu.memory_space<hbm>> -> memref<1x1x1x8x128xf32, #tpu.memory_space<hbm>>
    %dma_wait3A_576 = tpu.memref_squeeze %dma_wait3A_575 : memref<1x1x1x8x128xf32, #tpu.memory_space<hbm>> -> memref<8x128xf32, #tpu.memory_space<hbm>>
    %dma_wait3A_577 = arith.constant 8 : i32
    %dma_wait3A_578 = arith.constant 0 : i32
    %dma_wait3A_579 = tpu.memref_slice %arg9[%dma_wait3A_577, %dma_wait3A_578] : memref<64x128xf32, #tpu.memory_space<vmem>> -> memref<8x128xf32, #tpu.memory_space<vmem>>
    tpu.wait_dma2 semaphore(%arg13 : memref<!tpu.dma_semaphore, #tpu.memory_space<semaphore_mem>>) src(%dma_wait3A_579 : memref<8x128xf32, #tpu.memory_space<vmem>>) dst(%dma_wait3A_576 : memref<8x128xf32, #tpu.memory_space<hbm>>)
    %add3A_580 = arith.constant 79 : i32
    %add3A_581 = arith.addi %mul3A_2, %add3A_580 : i32
    %jit3A_582 = arith.constant 128 : i32
    %div3A_583 = arith.divsi %add3A_581, %jit3A_582 : i32
    %sign3A_584 = arith.constant 0 : i32
    %sign3A_585 = arith.cmpi sgt, %add3A_581, %sign3A_584 : i32
    %sign3A_586 = arith.extui %sign3A_585 : i1 to i32
    %sign3A_587 = arith.constant 0 : i32
    %sign3A_588 = arith.cmpi slt, %add3A_581, %sign3A_587 : i32
    %sign3A_589 = arith.extui %sign3A_588 : i1 to i32
    %sign3A_590 = arith.subi %sign3A_586, %sign3A_589 : i32
    %sign3A_591 = arith.constant 0 : i32
    %sign3A_592 = arith.cmpi sgt, %jit3A_582, %sign3A_591 : i32
    %sign3A_593 = arith.extui %sign3A_592 : i1 to i32
    %sign3A_594 = arith.constant 0 : i32
    %sign3A_595 = arith.cmpi slt, %jit3A_582, %sign3A_594 : i32
    %sign3A_596 = arith.extui %sign3A_595 : i1 to i32
    %sign3A_597 = arith.subi %sign3A_593, %sign3A_596 : i32
    %ne3A_598 = arith.cmpi ne, %sign3A_590, %sign3A_597 : i32
    %rem3A_599 = arith.remsi %add3A_581, %jit3A_582 : i32
    %ne3A_600 = arith.constant 0 : i32
    %ne3A_601 = arith.cmpi ne, %rem3A_599, %ne3A_600 : i32
    %and3A_602 = arith.andi %ne3A_598, %ne3A_601 : i1
    %sub3A_603 = arith.constant 1 : i32
    %sub3A_604 = arith.subi %div3A_583, %sub3A_603 : i32
    %select_n3A_605 = arith.select %and3A_602, %sub3A_604, %div3A_583 : i32
    %jit3A_606 = arith.constant 128 : i32
    %eq3A_607 = arith.constant 0 : i32
    %eq3A_608 = arith.cmpi eq, %jit3A_606, %eq3A_607 : i32
    %jit3A_609 = arith.constant 1 : i32
    %select_n3A_610 = arith.select %eq3A_608, %jit3A_609, %jit3A_606 : i32
    %rem3A_611 = arith.remsi %add3A_581, %select_n3A_610 : i32
    %ne3A_612 = arith.constant 0 : i32
    %ne3A_613 = arith.cmpi ne, %rem3A_611, %ne3A_612 : i32
    %lt3A_614 = arith.constant 0 : i32
    %lt3A_615 = arith.cmpi slt, %rem3A_611, %lt3A_614 : i32
    %lt3A_616 = arith.constant 0 : i32
    %lt3A_617 = arith.cmpi slt, %select_n3A_610, %lt3A_616 : i32
    %ne3A_618 = arith.xori %lt3A_615, %lt3A_617 : i1
    %and3A_619 = arith.andi %ne3A_618, %ne3A_613 : i1
    %add3A_620 = arith.addi %rem3A_611, %select_n3A_610 : i32
    %select_n3A_621 = arith.select %and3A_619, %add3A_620, %rem3A_611 : i32
    %dma_wait3A_622 = arith.constant 2 : i32
    %dma_wait3A_623 = arith.constant 16 : i32
    %dma_wait3A_624 = arith.constant 0 : i32
    %dma_wait3A_625 = tpu.memref_slice %arg9[%dma_wait3A_623, %dma_wait3A_624] : memref<64x128xf32, #tpu.memory_space<vmem>> -> memref<8x128xf32, #tpu.memory_space<vmem>>
    %dma_wait3A_626 = arith.constant 0 : i32
    %dma_wait3A_627 = arith.constant 0 : i32
    %dma_wait3A_628 = tpu.memref_slice %arg4[%select_n3A_605, %dma_wait3A_622, %select_n3A_621, %dma_wait3A_626, %dma_wait3A_627] : memref<20x8x128x8x128xf32, #tpu.memory_space<hbm>> -> memref<1x1x1x8x128xf32, #tpu.memory_space<hbm>>
    %dma_wait3A_629 = tpu.memref_squeeze %dma_wait3A_628 : memref<1x1x1x8x128xf32, #tpu.memory_space<hbm>> -> memref<8x128xf32, #tpu.memory_space<hbm>>
    %dma_wait3A_630 = arith.constant 0 : i32
    %dma_wait3A_631 = arith.constant 0 : i32
    %dma_wait3A_632 = tpu.memref_slice %arg4[%select_n3A_605, %dma_wait3A_622, %select_n3A_621, %dma_wait3A_630, %dma_wait3A_631] : memref<20x8x128x8x128xf32, #tpu.memory_space<hbm>> -> memref<1x1x1x8x128xf32, #tpu.memory_space<hbm>>
    %dma_wait3A_633 = tpu.memref_squeeze %dma_wait3A_632 : memref<1x1x1x8x128xf32, #tpu.memory_space<hbm>> -> memref<8x128xf32, #tpu.memory_space<hbm>>
    %dma_wait3A_634 = arith.constant 16 : i32
    %dma_wait3A_635 = arith.constant 0 : i32
    %dma_wait3A_636 = tpu.memref_slice %arg9[%dma_wait3A_634, %dma_wait3A_635] : memref<64x128xf32, #tpu.memory_space<vmem>> -> memref<8x128xf32, #tpu.memory_space<vmem>>
    tpu.wait_dma2 semaphore(%arg13 : memref<!tpu.dma_semaphore, #tpu.memory_space<semaphore_mem>>) src(%dma_wait3A_636 : memref<8x128xf32, #tpu.memory_space<vmem>>) dst(%dma_wait3A_633 : memref<8x128xf32, #tpu.memory_space<hbm>>)
    %add3A_637 = arith.constant 79 : i32
    %add3A_638 = arith.addi %mul3A_2, %add3A_637 : i32
    %jit3A_639 = arith.constant 128 : i32
    %div3A_640 = arith.divsi %add3A_638, %jit3A_639 : i32
    %sign3A_641 = arith.constant 0 : i32
    %sign3A_642 = arith.cmpi sgt, %add3A_638, %sign3A_641 : i32
    %sign3A_643 = arith.extui %sign3A_642 : i1 to i32
    %sign3A_644 = arith.constant 0 : i32
    %sign3A_645 = arith.cmpi slt, %add3A_638, %sign3A_644 : i32
    %sign3A_646 = arith.extui %sign3A_645 : i1 to i32
    %sign3A_647 = arith.subi %sign3A_643, %sign3A_646 : i32
    %sign3A_648 = arith.constant 0 : i32
    %sign3A_649 = arith.cmpi sgt, %jit3A_639, %sign3A_648 : i32
    %sign3A_650 = arith.extui %sign3A_649 : i1 to i32
    %sign3A_651 = arith.constant 0 : i32
    %sign3A_652 = arith.cmpi slt, %jit3A_639, %sign3A_651 : i32
    %sign3A_653 = arith.extui %sign3A_652 : i1 to i32
    %sign3A_654 = arith.subi %sign3A_650, %sign3A_653 : i32
    %ne3A_655 = arith.cmpi ne, %sign3A_647, %sign3A_654 : i32
    %rem3A_656 = arith.remsi %add3A_638, %jit3A_639 : i32
    %ne3A_657 = arith.constant 0 : i32
    %ne3A_658 = arith.cmpi ne, %rem3A_656, %ne3A_657 : i32
    %and3A_659 = arith.andi %ne3A_655, %ne3A_658 : i1
    %sub3A_660 = arith.constant 1 : i32
    %sub3A_661 = arith.subi %div3A_640, %sub3A_660 : i32
    %select_n3A_662 = arith.select %and3A_659, %sub3A_661, %div3A_640 : i32
    %jit3A_663 = arith.constant 128 : i32
    %eq3A_664 = arith.constant 0 : i32
    %eq3A_665 = arith.cmpi eq, %jit3A_663, %eq3A_664 : i32
    %jit3A_666 = arith.constant 1 : i32
    %select_n3A_667 = arith.select %eq3A_665, %jit3A_666, %jit3A_663 : i32
    %rem3A_668 = arith.remsi %add3A_638, %select_n3A_667 : i32
    %ne3A_669 = arith.constant 0 : i32
    %ne3A_670 = arith.cmpi ne, %rem3A_668, %ne3A_669 : i32
    %lt3A_671 = arith.constant 0 : i32
    %lt3A_672 = arith.cmpi slt, %rem3A_668, %lt3A_671 : i32
    %lt3A_673 = arith.constant 0 : i32
    %lt3A_674 = arith.cmpi slt, %select_n3A_667, %lt3A_673 : i32
    %ne3A_675 = arith.xori %lt3A_672, %lt3A_674 : i1
    %and3A_676 = arith.andi %ne3A_675, %ne3A_670 : i1
    %add3A_677 = arith.addi %rem3A_668, %select_n3A_667 : i32
    %select_n3A_678 = arith.select %and3A_676, %add3A_677, %rem3A_668 : i32
    %dma_wait3A_679 = arith.constant 3 : i32
    %dma_wait3A_680 = arith.constant 24 : i32
    %dma_wait3A_681 = arith.constant 0 : i32
    %dma_wait3A_682 = tpu.memref_slice %arg9[%dma_wait3A_680, %dma_wait3A_681] : memref<64x128xf32, #tpu.memory_space<vmem>> -> memref<8x128xf32, #tpu.memory_space<vmem>>
    %dma_wait3A_683 = arith.constant 0 : i32
    %dma_wait3A_684 = arith.constant 0 : i32
    %dma_wait3A_685 = tpu.memref_slice %arg4[%select_n3A_662, %dma_wait3A_679, %select_n3A_678, %dma_wait3A_683, %dma_wait3A_684] : memref<20x8x128x8x128xf32, #tpu.memory_space<hbm>> -> memref<1x1x1x8x128xf32, #tpu.memory_space<hbm>>
    %dma_wait3A_686 = tpu.memref_squeeze %dma_wait3A_685 : memref<1x1x1x8x128xf32, #tpu.memory_space<hbm>> -> memref<8x128xf32, #tpu.memory_space<hbm>>
    %dma_wait3A_687 = arith.constant 0 : i32
    %dma_wait3A_688 = arith.constant 0 : i32
    %dma_wait3A_689 = tpu.memref_slice %arg4[%select_n3A_662, %dma_wait3A_679, %select_n3A_678, %dma_wait3A_687, %dma_wait3A_688] : memref<20x8x128x8x128xf32, #tpu.memory_space<hbm>> -> memref<1x1x1x8x128xf32, #tpu.memory_space<hbm>>
    %dma_wait3A_690 = tpu.memref_squeeze %dma_wait3A_689 : memref<1x1x1x8x128xf32, #tpu.memory_space<hbm>> -> memref<8x128xf32, #tpu.memory_space<hbm>>
    %dma_wait3A_691 = arith.constant 24 : i32
    %dma_wait3A_692 = arith.constant 0 : i32
    %dma_wait3A_693 = tpu.memref_slice %arg9[%dma_wait3A_691, %dma_wait3A_692] : memref<64x128xf32, #tpu.memory_space<vmem>> -> memref<8x128xf32, #tpu.memory_space<vmem>>
    tpu.wait_dma2 semaphore(%arg13 : memref<!tpu.dma_semaphore, #tpu.memory_space<semaphore_mem>>) src(%dma_wait3A_693 : memref<8x128xf32, #tpu.memory_space<vmem>>) dst(%dma_wait3A_690 : memref<8x128xf32, #tpu.memory_space<hbm>>)
    %add3A_694 = arith.constant 79 : i32
    %add3A_695 = arith.addi %mul3A_2, %add3A_694 : i32
    %jit3A_696 = arith.constant 128 : i32
    %div3A_697 = arith.divsi %add3A_695, %jit3A_696 : i32
    %sign3A_698 = arith.constant 0 : i32
    %sign3A_699 = arith.cmpi sgt, %add3A_695, %sign3A_698 : i32
    %sign3A_700 = arith.extui %sign3A_699 : i1 to i32
    %sign3A_701 = arith.constant 0 : i32
    %sign3A_702 = arith.cmpi slt, %add3A_695, %sign3A_701 : i32
    %sign3A_703 = arith.extui %sign3A_702 : i1 to i32
    %sign3A_704 = arith.subi %sign3A_700, %sign3A_703 : i32
    %sign3A_705 = arith.constant 0 : i32
    %sign3A_706 = arith.cmpi sgt, %jit3A_696, %sign3A_705 : i32
    %sign3A_707 = arith.extui %sign3A_706 : i1 to i32
    %sign3A_708 = arith.constant 0 : i32
    %sign3A_709 = arith.cmpi slt, %jit3A_696, %sign3A_708 : i32
    %sign3A_710 = arith.extui %sign3A_709 : i1 to i32
    %sign3A_711 = arith.subi %sign3A_707, %sign3A_710 : i32
    %ne3A_712 = arith.cmpi ne, %sign3A_704, %sign3A_711 : i32
    %rem3A_713 = arith.remsi %add3A_695, %jit3A_696 : i32
    %ne3A_714 = arith.constant 0 : i32
    %ne3A_715 = arith.cmpi ne, %rem3A_713, %ne3A_714 : i32
    %and3A_716 = arith.andi %ne3A_712, %ne3A_715 : i1
    %sub3A_717 = arith.constant 1 : i32
    %sub3A_718 = arith.subi %div3A_697, %sub3A_717 : i32
    %select_n3A_719 = arith.select %and3A_716, %sub3A_718, %div3A_697 : i32
    %jit3A_720 = arith.constant 128 : i32
    %eq3A_721 = arith.constant 0 : i32
    %eq3A_722 = arith.cmpi eq, %jit3A_720, %eq3A_721 : i32
    %jit3A_723 = arith.constant 1 : i32
    %select_n3A_724 = arith.select %eq3A_722, %jit3A_723, %jit3A_720 : i32
    %rem3A_725 = arith.remsi %add3A_695, %select_n3A_724 : i32
    %ne3A_726 = arith.constant 0 : i32
    %ne3A_727 = arith.cmpi ne, %rem3A_725, %ne3A_726 : i32
    %lt3A_728 = arith.constant 0 : i32
    %lt3A_729 = arith.cmpi slt, %rem3A_725, %lt3A_728 : i32
    %lt3A_730 = arith.constant 0 : i32
    %lt3A_731 = arith.cmpi slt, %select_n3A_724, %lt3A_730 : i32
    %ne3A_732 = arith.xori %lt3A_729, %lt3A_731 : i1
    %and3A_733 = arith.andi %ne3A_732, %ne3A_727 : i1
    %add3A_734 = arith.addi %rem3A_725, %select_n3A_724 : i32
    %select_n3A_735 = arith.select %and3A_733, %add3A_734, %rem3A_725 : i32
    %dma_wait3A_736 = arith.constant 4 : i32
    %dma_wait3A_737 = arith.constant 32 : i32
    %dma_wait3A_738 = arith.constant 0 : i32
    %dma_wait3A_739 = tpu.memref_slice %arg9[%dma_wait3A_737, %dma_wait3A_738] : memref<64x128xf32, #tpu.memory_space<vmem>> -> memref<8x128xf32, #tpu.memory_space<vmem>>
    %dma_wait3A_740 = arith.constant 0 : i32
    %dma_wait3A_741 = arith.constant 0 : i32
    %dma_wait3A_742 = tpu.memref_slice %arg4[%select_n3A_719, %dma_wait3A_736, %select_n3A_735, %dma_wait3A_740, %dma_wait3A_741] : memref<20x8x128x8x128xf32, #tpu.memory_space<hbm>> -> memref<1x1x1x8x128xf32, #tpu.memory_space<hbm>>
    %dma_wait3A_743 = tpu.memref_squeeze %dma_wait3A_742 : memref<1x1x1x8x128xf32, #tpu.memory_space<hbm>> -> memref<8x128xf32, #tpu.memory_space<hbm>>
    %dma_wait3A_744 = arith.constant 0 : i32
    %dma_wait3A_745 = arith.constant 0 : i32
    %dma_wait3A_746 = tpu.memref_slice %arg4[%select_n3A_719, %dma_wait3A_736, %select_n3A_735, %dma_wait3A_744, %dma_wait3A_745] : memref<20x8x128x8x128xf32, #tpu.memory_space<hbm>> -> memref<1x1x1x8x128xf32, #tpu.memory_space<hbm>>
    %dma_wait3A_747 = tpu.memref_squeeze %dma_wait3A_746 : memref<1x1x1x8x128xf32, #tpu.memory_space<hbm>> -> memref<8x128xf32, #tpu.memory_space<hbm>>
    %dma_wait3A_748 = arith.constant 32 : i32
    %dma_wait3A_749 = arith.constant 0 : i32
    %dma_wait3A_750 = tpu.memref_slice %arg9[%dma_wait3A_748, %dma_wait3A_749] : memref<64x128xf32, #tpu.memory_space<vmem>> -> memref<8x128xf32, #tpu.memory_space<vmem>>
    tpu.wait_dma2 semaphore(%arg13 : memref<!tpu.dma_semaphore, #tpu.memory_space<semaphore_mem>>) src(%dma_wait3A_750 : memref<8x128xf32, #tpu.memory_space<vmem>>) dst(%dma_wait3A_747 : memref<8x128xf32, #tpu.memory_space<hbm>>)
    %add3A_751 = arith.constant 79 : i32
    %add3A_752 = arith.addi %mul3A_2, %add3A_751 : i32
    %jit3A_753 = arith.constant 128 : i32
    %div3A_754 = arith.divsi %add3A_752, %jit3A_753 : i32
    %sign3A_755 = arith.constant 0 : i32
    %sign3A_756 = arith.cmpi sgt, %add3A_752, %sign3A_755 : i32
    %sign3A_757 = arith.extui %sign3A_756 : i1 to i32
    %sign3A_758 = arith.constant 0 : i32
    %sign3A_759 = arith.cmpi slt, %add3A_752, %sign3A_758 : i32
    %sign3A_760 = arith.extui %sign3A_759 : i1 to i32
    %sign3A_761 = arith.subi %sign3A_757, %sign3A_760 : i32
    %sign3A_762 = arith.constant 0 : i32
    %sign3A_763 = arith.cmpi sgt, %jit3A_753, %sign3A_762 : i32
    %sign3A_764 = arith.extui %sign3A_763 : i1 to i32
    %sign3A_765 = arith.constant 0 : i32
    %sign3A_766 = arith.cmpi slt, %jit3A_753, %sign3A_765 : i32
    %sign3A_767 = arith.extui %sign3A_766 : i1 to i32
    %sign3A_768 = arith.subi %sign3A_764, %sign3A_767 : i32
    %ne3A_769 = arith.cmpi ne, %sign3A_761, %sign3A_768 : i32
    %rem3A_770 = arith.remsi %add3A_752, %jit3A_753 : i32
    %ne3A_771 = arith.constant 0 : i32
    %ne3A_772 = arith.cmpi ne, %rem3A_770, %ne3A_771 : i32
    %and3A_773 = arith.andi %ne3A_769, %ne3A_772 : i1
    %sub3A_774 = arith.constant 1 : i32
    %sub3A_775 = arith.subi %div3A_754, %sub3A_774 : i32
    %select_n3A_776 = arith.select %and3A_773, %sub3A_775, %div3A_754 : i32
    %jit3A_777 = arith.constant 128 : i32
    %eq3A_778 = arith.constant 0 : i32
    %eq3A_779 = arith.cmpi eq, %jit3A_777, %eq3A_778 : i32
    %jit3A_780 = arith.constant 1 : i32
    %select_n3A_781 = arith.select %eq3A_779, %jit3A_780, %jit3A_777 : i32
    %rem3A_782 = arith.remsi %add3A_752, %select_n3A_781 : i32
    %ne3A_783 = arith.constant 0 : i32
    %ne3A_784 = arith.cmpi ne, %rem3A_782, %ne3A_783 : i32
    %lt3A_785 = arith.constant 0 : i32
    %lt3A_786 = arith.cmpi slt, %rem3A_782, %lt3A_785 : i32
    %lt3A_787 = arith.constant 0 : i32
    %lt3A_788 = arith.cmpi slt, %select_n3A_781, %lt3A_787 : i32
    %ne3A_789 = arith.xori %lt3A_786, %lt3A_788 : i1
    %and3A_790 = arith.andi %ne3A_789, %ne3A_784 : i1
    %add3A_791 = arith.addi %rem3A_782, %select_n3A_781 : i32
    %select_n3A_792 = arith.select %and3A_790, %add3A_791, %rem3A_782 : i32
    %dma_wait3A_793 = arith.constant 5 : i32
    %dma_wait3A_794 = arith.constant 40 : i32
    %dma_wait3A_795 = arith.constant 0 : i32
    %dma_wait3A_796 = tpu.memref_slice %arg9[%dma_wait3A_794, %dma_wait3A_795] : memref<64x128xf32, #tpu.memory_space<vmem>> -> memref<8x128xf32, #tpu.memory_space<vmem>>
    %dma_wait3A_797 = arith.constant 0 : i32
    %dma_wait3A_798 = arith.constant 0 : i32
    %dma_wait3A_799 = tpu.memref_slice %arg4[%select_n3A_776, %dma_wait3A_793, %select_n3A_792, %dma_wait3A_797, %dma_wait3A_798] : memref<20x8x128x8x128xf32, #tpu.memory_space<hbm>> -> memref<1x1x1x8x128xf32, #tpu.memory_space<hbm>>
    %dma_wait3A_800 = tpu.memref_squeeze %dma_wait3A_799 : memref<1x1x1x8x128xf32, #tpu.memory_space<hbm>> -> memref<8x128xf32, #tpu.memory_space<hbm>>
    %dma_wait3A_801 = arith.constant 0 : i32
    %dma_wait3A_802 = arith.constant 0 : i32
    %dma_wait3A_803 = tpu.memref_slice %arg4[%select_n3A_776, %dma_wait3A_793, %select_n3A_792, %dma_wait3A_801, %dma_wait3A_802] : memref<20x8x128x8x128xf32, #tpu.memory_space<hbm>> -> memref<1x1x1x8x128xf32, #tpu.memory_space<hbm>>
    %dma_wait3A_804 = tpu.memref_squeeze %dma_wait3A_803 : memref<1x1x1x8x128xf32, #tpu.memory_space<hbm>> -> memref<8x128xf32, #tpu.memory_space<hbm>>
    %dma_wait3A_805 = arith.constant 40 : i32
    %dma_wait3A_806 = arith.constant 0 : i32
    %dma_wait3A_807 = tpu.memref_slice %arg9[%dma_wait3A_805, %dma_wait3A_806] : memref<64x128xf32, #tpu.memory_space<vmem>> -> memref<8x128xf32, #tpu.memory_space<vmem>>
    tpu.wait_dma2 semaphore(%arg13 : memref<!tpu.dma_semaphore, #tpu.memory_space<semaphore_mem>>) src(%dma_wait3A_807 : memref<8x128xf32, #tpu.memory_space<vmem>>) dst(%dma_wait3A_804 : memref<8x128xf32, #tpu.memory_space<hbm>>)
    %add3A_808 = arith.constant 79 : i32
    %add3A_809 = arith.addi %mul3A_2, %add3A_808 : i32
    %jit3A_810 = arith.constant 128 : i32
    %div3A_811 = arith.divsi %add3A_809, %jit3A_810 : i32
    %sign3A_812 = arith.constant 0 : i32
    %sign3A_813 = arith.cmpi sgt, %add3A_809, %sign3A_812 : i32
    %sign3A_814 = arith.extui %sign3A_813 : i1 to i32
    %sign3A_815 = arith.constant 0 : i32
    %sign3A_816 = arith.cmpi slt, %add3A_809, %sign3A_815 : i32
    %sign3A_817 = arith.extui %sign3A_816 : i1 to i32
    %sign3A_818 = arith.subi %sign3A_814, %sign3A_817 : i32
    %sign3A_819 = arith.constant 0 : i32
    %sign3A_820 = arith.cmpi sgt, %jit3A_810, %sign3A_819 : i32
    %sign3A_821 = arith.extui %sign3A_820 : i1 to i32
    %sign3A_822 = arith.constant 0 : i32
    %sign3A_823 = arith.cmpi slt, %jit3A_810, %sign3A_822 : i32
    %sign3A_824 = arith.extui %sign3A_823 : i1 to i32
    %sign3A_825 = arith.subi %sign3A_821, %sign3A_824 : i32
    %ne3A_826 = arith.cmpi ne, %sign3A_818, %sign3A_825 : i32
    %rem3A_827 = arith.remsi %add3A_809, %jit3A_810 : i32
    %ne3A_828 = arith.constant 0 : i32
    %ne3A_829 = arith.cmpi ne, %rem3A_827, %ne3A_828 : i32
    %and3A_830 = arith.andi %ne3A_826, %ne3A_829 : i1
    %sub3A_831 = arith.constant 1 : i32
    %sub3A_832 = arith.subi %div3A_811, %sub3A_831 : i32
    %select_n3A_833 = arith.select %and3A_830, %sub3A_832, %div3A_811 : i32
    %jit3A_834 = arith.constant 128 : i32
    %eq3A_835 = arith.constant 0 : i32
    %eq3A_836 = arith.cmpi eq, %jit3A_834, %eq3A_835 : i32
    %jit3A_837 = arith.constant 1 : i32
    %select_n3A_838 = arith.select %eq3A_836, %jit3A_837, %jit3A_834 : i32
    %rem3A_839 = arith.remsi %add3A_809, %select_n3A_838 : i32
    %ne3A_840 = arith.constant 0 : i32
    %ne3A_841 = arith.cmpi ne, %rem3A_839, %ne3A_840 : i32
    %lt3A_842 = arith.constant 0 : i32
    %lt3A_843 = arith.cmpi slt, %rem3A_839, %lt3A_842 : i32
    %lt3A_844 = arith.constant 0 : i32
    %lt3A_845 = arith.cmpi slt, %select_n3A_838, %lt3A_844 : i32
    %ne3A_846 = arith.xori %lt3A_843, %lt3A_845 : i1
    %and3A_847 = arith.andi %ne3A_846, %ne3A_841 : i1
    %add3A_848 = arith.addi %rem3A_839, %select_n3A_838 : i32
    %select_n3A_849 = arith.select %and3A_847, %add3A_848, %rem3A_839 : i32
    %dma_wait3A_850 = arith.constant 6 : i32
    %dma_wait3A_851 = arith.constant 48 : i32
    %dma_wait3A_852 = arith.constant 0 : i32
    %dma_wait3A_853 = tpu.memref_slice %arg9[%dma_wait3A_851, %dma_wait3A_852] : memref<64x128xf32, #tpu.memory_space<vmem>> -> memref<8x128xf32, #tpu.memory_space<vmem>>
    %dma_wait3A_854 = arith.constant 0 : i32
    %dma_wait3A_855 = arith.constant 0 : i32
    %dma_wait3A_856 = tpu.memref_slice %arg4[%select_n3A_833, %dma_wait3A_850, %select_n3A_849, %dma_wait3A_854, %dma_wait3A_855] : memref<20x8x128x8x128xf32, #tpu.memory_space<hbm>> -> memref<1x1x1x8x128xf32, #tpu.memory_space<hbm>>
    %dma_wait3A_857 = tpu.memref_squeeze %dma_wait3A_856 : memref<1x1x1x8x128xf32, #tpu.memory_space<hbm>> -> memref<8x128xf32, #tpu.memory_space<hbm>>
    %dma_wait3A_858 = arith.constant 0 : i32
    %dma_wait3A_859 = arith.constant 0 : i32
    %dma_wait3A_860 = tpu.memref_slice %arg4[%select_n3A_833, %dma_wait3A_850, %select_n3A_849, %dma_wait3A_858, %dma_wait3A_859] : memref<20x8x128x8x128xf32, #tpu.memory_space<hbm>> -> memref<1x1x1x8x128xf32, #tpu.memory_space<hbm>>
    %dma_wait3A_861 = tpu.memref_squeeze %dma_wait3A_860 : memref<1x1x1x8x128xf32, #tpu.memory_space<hbm>> -> memref<8x128xf32, #tpu.memory_space<hbm>>
    %dma_wait3A_862 = arith.constant 48 : i32
    %dma_wait3A_863 = arith.constant 0 : i32
    %dma_wait3A_864 = tpu.memref_slice %arg9[%dma_wait3A_862, %dma_wait3A_863] : memref<64x128xf32, #tpu.memory_space<vmem>> -> memref<8x128xf32, #tpu.memory_space<vmem>>
    tpu.wait_dma2 semaphore(%arg13 : memref<!tpu.dma_semaphore, #tpu.memory_space<semaphore_mem>>) src(%dma_wait3A_864 : memref<8x128xf32, #tpu.memory_space<vmem>>) dst(%dma_wait3A_861 : memref<8x128xf32, #tpu.memory_space<hbm>>)
    %add3A_865 = arith.constant 79 : i32
    %add3A_866 = arith.addi %mul3A_2, %add3A_865 : i32
    %jit3A_867 = arith.constant 128 : i32
    %div3A_868 = arith.divsi %add3A_866, %jit3A_867 : i32
    %sign3A_869 = arith.constant 0 : i32
    %sign3A_870 = arith.cmpi sgt, %add3A_866, %sign3A_869 : i32
    %sign3A_871 = arith.extui %sign3A_870 : i1 to i32
    %sign3A_872 = arith.constant 0 : i32
    %sign3A_873 = arith.cmpi slt, %add3A_866, %sign3A_872 : i32
    %sign3A_874 = arith.extui %sign3A_873 : i1 to i32
    %sign3A_875 = arith.subi %sign3A_871, %sign3A_874 : i32
    %sign3A_876 = arith.constant 0 : i32
    %sign3A_877 = arith.cmpi sgt, %jit3A_867, %sign3A_876 : i32
    %sign3A_878 = arith.extui %sign3A_877 : i1 to i32
    %sign3A_879 = arith.constant 0 : i32
    %sign3A_880 = arith.cmpi slt, %jit3A_867, %sign3A_879 : i32
    %sign3A_881 = arith.extui %sign3A_880 : i1 to i32
    %sign3A_882 = arith.subi %sign3A_878, %sign3A_881 : i32
    %ne3A_883 = arith.cmpi ne, %sign3A_875, %sign3A_882 : i32
    %rem3A_884 = arith.remsi %add3A_866, %jit3A_867 : i32
    %ne3A_885 = arith.constant 0 : i32
    %ne3A_886 = arith.cmpi ne, %rem3A_884, %ne3A_885 : i32
    %and3A_887 = arith.andi %ne3A_883, %ne3A_886 : i1
    %sub3A_888 = arith.constant 1 : i32
    %sub3A_889 = arith.subi %div3A_868, %sub3A_888 : i32
    %select_n3A_890 = arith.select %and3A_887, %sub3A_889, %div3A_868 : i32
    %jit3A_891 = arith.constant 128 : i32
    %eq3A_892 = arith.constant 0 : i32
    %eq3A_893 = arith.cmpi eq, %jit3A_891, %eq3A_892 : i32
    %jit3A_894 = arith.constant 1 : i32
    %select_n3A_895 = arith.select %eq3A_893, %jit3A_894, %jit3A_891 : i32
    %rem3A_896 = arith.remsi %add3A_866, %select_n3A_895 : i32
    %ne3A_897 = arith.constant 0 : i32
    %ne3A_898 = arith.cmpi ne, %rem3A_896, %ne3A_897 : i32
    %lt3A_899 = arith.constant 0 : i32
    %lt3A_900 = arith.cmpi slt, %rem3A_896, %lt3A_899 : i32
    %lt3A_901 = arith.constant 0 : i32
    %lt3A_902 = arith.cmpi slt, %select_n3A_895, %lt3A_901 : i32
    %ne3A_903 = arith.xori %lt3A_900, %lt3A_902 : i1
    %and3A_904 = arith.andi %ne3A_903, %ne3A_898 : i1
    %add3A_905 = arith.addi %rem3A_896, %select_n3A_895 : i32
    %select_n3A_906 = arith.select %and3A_904, %add3A_905, %rem3A_896 : i32
    %dma_wait3A_907 = arith.constant 7 : i32
    %dma_wait3A_908 = arith.constant 56 : i32
    %dma_wait3A_909 = arith.constant 0 : i32
    %dma_wait3A_910 = tpu.memref_slice %arg9[%dma_wait3A_908, %dma_wait3A_909] : memref<64x128xf32, #tpu.memory_space<vmem>> -> memref<8x128xf32, #tpu.memory_space<vmem>>
    %dma_wait3A_911 = arith.constant 0 : i32
    %dma_wait3A_912 = arith.constant 0 : i32
    %dma_wait3A_913 = tpu.memref_slice %arg4[%select_n3A_890, %dma_wait3A_907, %select_n3A_906, %dma_wait3A_911, %dma_wait3A_912] : memref<20x8x128x8x128xf32, #tpu.memory_space<hbm>> -> memref<1x1x1x8x128xf32, #tpu.memory_space<hbm>>
    %dma_wait3A_914 = tpu.memref_squeeze %dma_wait3A_913 : memref<1x1x1x8x128xf32, #tpu.memory_space<hbm>> -> memref<8x128xf32, #tpu.memory_space<hbm>>
    %dma_wait3A_915 = arith.constant 0 : i32
    %dma_wait3A_916 = arith.constant 0 : i32
    %dma_wait3A_917 = tpu.memref_slice %arg4[%select_n3A_890, %dma_wait3A_907, %select_n3A_906, %dma_wait3A_915, %dma_wait3A_916] : memref<20x8x128x8x128xf32, #tpu.memory_space<hbm>> -> memref<1x1x1x8x128xf32, #tpu.memory_space<hbm>>
    %dma_wait3A_918 = tpu.memref_squeeze %dma_wait3A_917 : memref<1x1x1x8x128xf32, #tpu.memory_space<hbm>> -> memref<8x128xf32, #tpu.memory_space<hbm>>
    %dma_wait3A_919 = arith.constant 56 : i32
    %dma_wait3A_920 = arith.constant 0 : i32
    %dma_wait3A_921 = tpu.memref_slice %arg9[%dma_wait3A_919, %dma_wait3A_920] : memref<64x128xf32, #tpu.memory_space<vmem>> -> memref<8x128xf32, #tpu.memory_space<vmem>>
    tpu.wait_dma2 semaphore(%arg13 : memref<!tpu.dma_semaphore, #tpu.memory_space<semaphore_mem>>) src(%dma_wait3A_921 : memref<8x128xf32, #tpu.memory_space<vmem>>) dst(%dma_wait3A_918 : memref<8x128xf32, #tpu.memory_space<hbm>>)
    return
  }
}

</mosaic_0001>

<sc_bundles>
// kernel: _lookup.3.cloned.1.call-start
scs
__scs_entry_jumppad:
0x0: {  	(pc) =	sbr.rel $0x88, $3  }
0x1: {  	(tag) =	ssettag $0x0;
	lr =	simm.s32 $0x1  }
0x2: {  	[smem:$0x3F9F] =	sst lr;
	_ =	strace $0xD0000000  }
0x3: {  	_ = 	snop  }
0x4: {  	_ = 	snop  }
0x5: {  	_ = 	snop  }
0x6: {  	_ = 	snop  }
0x7: {  	_ = 	snop  }
__scs_overlays_trampoline_lowered:
0x8: {  	[smem:$0x3FAE] =	sst s0  }
0x9: {  	[smem:$0x3FAF] =	sst s1  }
0xa: {  	[smem:$0x3FB0] =	sst s2  }
0xb: {  	[smem:$0x3FB1] =	sst s3  }
0xc: {  	[smem:$0x3FB2] =	sst s4  }
0xd: {  	[smem:$0x3FB3] =	sst s5  }
0xe: {  	[smem:$0x3FB4] =	sst s6  }
0xf: {  	[smem:$0x3FB5] =	sst s7  }
0x10: {  	[smem:$0x3FB6] =	sst s8  }
0x11: {  	[smem:$0x3FB7] =	sst s9;
	s0 =	simm.s32 @!p0 $0x0  }
0x12: {  	s1 =	sld [smem:$0x3F9D];
	s0 =	simm.s32 @p0 $0x1  }
0x13: {  	[smem:$0x3FB8] =	sst s0;
	s0 =	simm.s32 @!p1 $0x0  }
0x14: {  	s2 =	sld [smem:$0x3F9C];
	s0 =	simm.s32 @p1 $0x1  }
0x15: {  	[smem:$0x3FB9] =	sst s0;
	s0 =	simm.s32 @!p2 $0x0  }
0x16: {  	s3 =	sld [smem:$0x3FDB];
	s0 =	simm.s32 @p2 $0x1  }
0x17: {  	s4 =	simm.s32 $0x1BF5;
	[smem:$0x3FBB] =	sst s0  }
0x18: {  	s0 =	sld [smem:$0x3F9E];
	_ =	swait.ge [sflag:s4], $0x0  }
0x19: {  	s7 =	sld [smem:$0x3F9F]  }
0x1a: {  	s8 =	sadd.s32 $0xFFFFE003, lr  }
0x1b: {  	s9 =	sadd.s32 $0xFFFFFEF7, lr;
	s5 =	simm.s32 $0xFFFFFFFF;
	p2 =	slt.u32 s8, $0xFFFFF086  }
0x1c: {  	p1 =	slt.u32 s9, $0xF7A;
	s5 =	simm.s32 @!p2 $0x0  }
0x1d: {  	s5 =	simm.s32 @p1 $0x1;
	p0 =	seq.s32 s7, s2  }
0x1e: {  	s7 =	smul.u32 @!p0 $0xF7A, s2;
	p2 =	seq.s32 @!p0 s5, $0x0  }
0x1f: {  	s9 =	smul.u32 $0xF7A, s1;
	s8 =	simm.s32 @!p0 $0x1BF5;
	p2 =	por !p2, p0  }
0x20: {  	[sflag:s8] =	ssyncset.s32 @!p0 $0xFFFFF086;
	s6 =	sadd.s32 @!p0 s3, s7;
	s7 =	simm.s32 @!p0 $0x108  }
0x21: {  	s3 =	sadd.s32 s3, s9;
	s6 =	sadd.s32 @!p0 $0x88, s6;
	s7 =	simm.s32 @p2 $0x1082  }
0x22: {  	[simem:s7], [sflag:s8] =	dma.local @!p0 [hbm:s6], $0xF7A  }
0x23: {  	s9 =	sor.u32 $0xD0000000, s2;
	s6 =	simm.s32 $0x108;
	_ =	swait.ge @!p0 [sflag:s8], $0x0  }
0x24: {  	s3 =	sadd.s32 $0x88, s3;
	s6 =	simm.s32 @!p1 $0x1082;
	[sflag:s4] =	ssyncset.s32 $0xFFFFF086  }
0x25: {  	[simem:s6], [sflag:s4] =	dma.local [hbm:s3], $0xF7A  }
0x26: {  	[smem:$0x3F9F] =	sst s1;
	(tag) =	ssettag s2;
	_ =	strace s9  }
0x27: {  	s1 =	sld [smem:$0x3FAF]  }
0x28: {  	s2 =	sld [smem:$0x3FB0]  }
0x29: {  	s4 =	sld [smem:$0x3FB2]  }
0x2a: {  	p0 =	seq.s32 s5, $0x0;
	s5 =	sld [smem:$0x3FB3]  }
0x2b: {  	s6 =	sld [smem:$0x3FB4]  }
0x2c: {  	s7 =	sld [smem:$0x3FB5]  }
0x2d: {  	s3 =	simm.s32 $0x108;
	s8 =	sld [smem:$0x3FB6]  }
0x2e: {  	s3 =	simm.s32 @!p0 $0x1082;
	s9 =	sld [smem:$0x3FB7]  }
0x2f: {  	lr =	sadd.s32 s0, s3;
	s0 =	sld [smem:$0x3FAE]  }
0x30: {  	s3 =	sld [smem:$0x3FB1]  }
0x31: {  	[smem:$0x3FBA] =	sst s10  }
0x32: {  	s10 =	sld [smem:$0x3FB8];
	_ =	sdelay $0x3  }
0x33: {  	p0 =	seq.s32 s10, $0x1;
	s10 =	sld [smem:$0x3FBA];
	_ =	sdelay $0x3  }
0x34: {  	[smem:$0x3FBA] =	sst s10  }
0x35: {  	s10 =	sld [smem:$0x3FB9];
	_ =	sdelay $0x3  }
0x36: {  	p1 =	seq.s32 s10, $0x1;
	s10 =	sld [smem:$0x3FBA];
	_ =	sdelay $0x3  }
0x37: {  	[smem:$0x3FBA] =	sst s10  }
0x38: {  	s10 =	sld [smem:$0x3FBB]  }
0x39: {  	_ = 	snop;
	(pc) =	sbr.ind lr, $3  }
0x3a: {  	_ = 	snop  }
0x3b: {  	_ = 	snop  }
0x3c: {  	p2 =	seq.s32 s10, $0x1;
	s10 =	sld [smem:$0x3FBA]  }
0x3d: {  	_ =	shalt  }
0x3e: {  	_ =	shalt  }
0x3f: {  	_ =	shalt  }
0x40: {  	_ =	shalt  }
0x41: {  	_ =	shalt  }
0x42: {  	_ =	shalt  }
0x43: {  	_ =	shalt  }
0x44: {  	_ =	shalt  }
0x45: {  	_ =	shalt  }
0x46: {  	_ =	shalt  }
0x47: {  	_ =	shalt  }
0x48: {  	_ =	shalt  }
0x49: {  	_ =	shalt  }
0x4a: {  	_ =	shalt  }
0x4b: {  	_ =	shalt  }
0x4c: {  	_ =	shalt  }
0x4d: {  	_ =	shalt  }
0x4e: {  	_ =	shalt  }
0x4f: {  	_ =	shalt  }
0x50: {  	_ =	shalt  }
0x51: {  	_ =	shalt  }
0x52: {  	_ =	shalt  }
0x53: {  	_ =	shalt  }
0x54: {  	_ =	shalt  }
0x55: {  	_ =	shalt  }
0x56: {  	_ =	shalt  }
0x57: {  	_ =	shalt  }
0x58: {  	_ =	shalt  }
0x59: {  	_ =	shalt  }
0x5a: {  	_ =	shalt  }
0x5b: {  	_ =	shalt  }
0x5c: {  	_ =	shalt  }
0x5d: {  	_ =	shalt  }
0x5e: {  	_ =	shalt  }
0x5f: {  	_ =	shalt  }
0x60: {  	_ =	shalt  }
0x61: {  	_ =	shalt  }
0x62: {  	_ =	shalt  }
0x63: {  	_ =	shalt  }
0x64: {  	_ =	shalt  }
0x65: {  	_ =	shalt  }
0x66: {  	_ =	shalt  }
0x67: {  	_ =	shalt  }
0x68: {  	_ =	shalt  }
0x69: {  	_ =	shalt  }
0x6a: {  	_ =	shalt  }
0x6b: {  	_ =	shalt  }
0x6c: {  	_ =	shalt  }
0x6d: {  	_ =	shalt  }
0x6e: {  	_ =	shalt  }
0x6f: {  	_ =	shalt  }
0x70: {  	_ =	shalt  }
0x71: {  	_ =	shalt  }
0x72: {  	_ =	shalt  }
0x73: {  	_ =	shalt  }
0x74: {  	_ =	shalt  }
0x75: {  	_ =	shalt  }
0x76: {  	_ =	shalt  }
0x77: {  	_ =	shalt  }
0x78: {  	_ =	shalt  }
0x79: {  	_ =	shalt  }
0x7a: {  	_ =	shalt  }
0x7b: {  	_ =	shalt  }
0x7c: {  	_ =	shalt  }
0x7d: {  	_ =	shalt  }
0x7e: {  	_ =	shalt  }
0x7f: {  	_ =	shalt  }
0x80: {  	_ =	shalt  }
0x81: {  	_ =	shalt  }
0x82: {  	_ =	shalt  }
0x83: {  	_ =	shalt  }
0x84: {  	_ =	shalt  }
0x85: {  	_ =	shalt  }
0x86: {  	_ =	shalt  }
0x87: {  	_ =	shalt  }
.Lfunc_end0:
.L_simem_size_0:
called_computation_lowered:
.L_overlay_start_0:
0x88: {  	s2 =	sld [smem:$0x3FD9]  }
0x89: {  	s3 =	sld [smem:$0x3FFE];
	_ =	sdelay $0x1  }
0x8a: {  	s1 =	srdreg.scid  }
0x8b: {  	s0 =	sand.u32 $0x1, s1  }
0x8c: {  	s18 =	sshll.u32 s0, $0xA;
	s2 =	sadd.s32 s3, s2  }
0x8d: {  	s2 =	sadd.s32 s2, s18  }
0x8e: {  	[smem:$0x3FC6] =	sst s2  }
0x8f: {  	_ = 	snop  }
0x90: {  	s2 =	sld [smem:$0x3FC9]  }
0x91: {  	s19 =	sld [smem:$0x3FC8]  }
0x92: {  	s4 =	sld [smem:$0x3FD0];
	(tm) =	ssettm $0x1  }
0x93: {  	s5 =	sld [smem:$0x3FFB];
	_ =	sdelay $0x3  }
0x94: {  	_ =	strace s5  }
0x95: {  	s5 =	sld [smem:$0x3FFC];
	_ =	sdelay $0x3  }
0x96: {  	_ =	strace s5  }
0x97: {  	s5 =	sld [smem:$0x3FFD];
	_ =	sdelay $0x3  }
0x98: {  	_ =	strace s5  }
0x99: {  	_ =	strace $0x8FFFFFFF  }
0x9a: {  	s20 =	sld [smem:$0x3FDB];
	_ =	sdelay $0x1  }
0x9b: {  	s6 =	simm.s32 $_scs_section_size  }
0x9c: {  	s7 =	simm.s32 $_size__tile_overlayer_lowered;
	s8 =	simm.s32 $_tile_overlayer_lowered  }
0x9d: {  	s23 =	simm.s32 $0x1BFF;
	s22 =	sshll.u32 s8, $0x1;
	s5 =	sadd.s32 s6, s20  }
0x9e: {  	s9 =	simm.s32 $0x0;
	s21 =	sshll.u32 s7, $0x1;
	s7 =	sadd.s32 s22, s5  }
0x9f: {  	[timem:s9], [sflag:s23] =	dma.local [hbm:s7], s21  }
0xa0: {  	_ =	swait.ge [sflag:s23], s21  }
0xa1: {  	s6 =	ssub.s32 $0x0, s21;
	[sflag:s23] =	ssyncset.done $0x0  }
0xa2: {  	[sflag:s23] =	ssyncadd.s32 s6;
	_ =	sdelay $0x1  }
0xa3: {  	s24 =	simm.s32 $0x1B8B  }
0xa4: {  	_ =	swait.ge [sflag:s24], $0x1  }
0xa5: {  	[sflag:s24] =	ssyncset.done $0x0  }
0xa6: {  	s25 =	simm.s32 $0x1B8E;
	[sflag:s24] =	ssyncadd.s32 $0xFFFFFFFF  }
0xa7: {  	s26 =	simm.s32 $execute0_lowered;
	[smem:$0x3FD2] =	sst s25  }
0xa8: {  	s6 =	sshll.u32 s26, $0x1;
	_ =	strace $0x80000046;
	[dreg:$0x1] =	wrdreg $0xFFFFFFFF  }
0xa9: {  	s28 =	simm.s32 $_size_execute0_lowered;
	s5 =	sadd.s32 s5, s6;
	[dreg:$0x0] =	wrdreg $0x0  }
0xaa: {  	s6 =	sshll.u32 s28, $0x1;
	[dreg:$0x2] =	wrdreg s5  }
0xab: {  	[dreg:$0x3] =	wrdreg s6  }
0xac: {  	[dreg:$0x4] =	wrdreg $0xC0  }
0xad: {  	_ =	task [dreg:s9], $0x5FFFF  }
0xae: {  	[dreg:$0x1] =	wrdreg $0xFFFFFFFF  }
0xaf: {  	[dreg:$0x0] =	wrdreg $0x60  }
0xb0: {  	[dreg:$0x2] =	wrdreg s2  }
0xb1: {  	[dreg:$0x3] =	wrdreg s19  }
0xb2: {  	[dreg:$0x4] =	wrdreg s4  }
0xb3: {  	[dreg:$0x5] =	wrdreg $0x9  }
0xb4: {  	_ =	task.clear_ibuf [dreg:s9], $0x6FFFF;
	_ =	strace $0x90000046  }
0xb5: {  	s29 =	simm.s32 $0x9;
	_ =	strace $0x80000048  }
0xb6: {  	_ =	swait.ge [sflag:s29], $0x1  }
0xb7: {  	[sflag:s29] =	ssyncadd.s32 $0xFFFFFFFF  }
0xb8: {  	_ =	strace $0x90000048  }
0xb9: {  	_ =	sfence  }
0xba: {  	s30 =	sld [smem:$0x0];
	_ =	sdelay $0x2  }
0xbb: {  	s31 =	sshll.u32 s1, $0xD;
	s1 =	sshrl.u32 s1, $0x2  }
0xbc: {  	s3 =	sand.u32 $0x4000, s31;
	s1 =	sadd.s32 s1, s30  }
0xbd: {  	s0 =	sor.u32 s3, s0;
	s1 =	sshll.u32 s1, $0x11  }
0xbe: {  	s0 =	sor.u32 s1, s0  }
0xbf: {  	s0 =	sadd.s32 $0x8F2B, s0  }
0xc0: {  	[sflag:s0] =	ssyncadd.remote.s32 $0x1  }
0xc1: {  	_ =	sfence.sel $0xFFFF  }
0xc2: {  	[dreg:$0x0] =	wrdreg $0xFFFFFFFF;
	(pc) =	sbr.abs _section_cstart, $3  }
0xc3: {  	[dreg:$0x1] =	wrdreg $0xFFFFFFFF  }
0xc4: {  	_ =	task.clear_ibuf [dreg:s9], $0x2FFFF;
	_ =	strace $0x9FFFFFFF  }
0xc5: {  	(tm) =	ssettm $0x7FFFFFFF  }
tec
execute0_lowered:
.L_overlay_start_1:
0x0: {  	(tag) =	ssettag $0x1  }
0x1: {  	v0 =	vlaneseq.u32  }
0x2: {  	v14 =	vmul.u32 $0x40, v0  }
0x3: {  	vm0 =	vcmask $0x300;
	v0 =	vimm.s32 $0x0  }
0x4: {  	v1 =	vsel vm0, $0x3, v0;
	v0 =	vor.u32 $0x402, v14  }
0x5: {  	[tilespmem:$0x1FE30] =	vst v0;
	v0 =	vor.u32 $0x403, v14  }
0x6: {  	[tilespmem:$0x1FE40] =	vst v0;
	v0 =	vor.u32 $0x404, v14  }
0x7: {  	[tilespmem:$0x1FE50] =	vst v0;
	v0 =	vor.u32 $0x405, v14  }
0x8: {  	[tilespmem:$0x1FE60] =	vst v0;
	v0 =	vor.u32 $0x406, v14  }
0x9: {  	[tilespmem:$0x1FE70] =	vst v0;
	v0 =	vor.u32 $0x407, v14  }
0xa: {  	[tilespmem:$0x1FE80] =	vst v0;
	v0 =	vor.u32 $0x802, v14  }
0xb: {  	[tilespmem:$0x1FE90] =	vst v0;
	v0 =	vor.u32 $0x803, v14  }
0xc: {  	s1 =	rddreg [dreg:$0x0];
	s4 =	stileid.u32;
	[tilespmem:$0x1FEA0] =	vst v0;
	v0 =	vor.u32 $0x805, v14  }
0xd: {  	s0 =	rddreg [dreg:$0x1];
	s5 =	sshll.u32 s4, $0x1;
	s4 =	simm.s32 $0x0;
	[tilespmem:$0x1FEB0] =	vst v0;
	v0 =	vor.u32 $0x806, v14  }
0xe: {  	[smem:$0x7FF] =	sst s4;
	[tilespmem:$0x1FEC0] =	vst v0;
	v0 =	vor.u32 $0xC02, v14  }
0xf: {  	s3 =	rddreg [dreg:$0x2];
	_ =	strace $0x80000047;
	[tilespmem:$0x1FED0] =	vst v0  }
0x10: {  	v13 =	vor.u32 $0x1, v14;
	[tilespmem:$0x1FF00] =	vst v14  }
0x11: {  	v21 =	vor.u32 $0x2, v14;
	v25 =	vor.u32 $0x4, v14;
	[tilespmem:$0x1FF10] =	vst v13  }
0x12: {  	v15 =	vor.u32 $0x3, v14;
	v3 =	vor.u32 $0x5, v14;
	v20 =	vor.u32 $0x6, v14;
	[tilespmem:$0x1FF20] =	vst v25  }
0x13: {  	v2 =	vor.u32 $0x7, v14;
	v24 =	vor.u32 $0x400, v14;
	v26 =	vor.u32 $0x401, v14;
	[tilespmem:$0x1FF30] =	vst v3  }
0x14: {  	v16 =	vor.u32 $0x800, v14;
	v22 =	vor.u32 $0x801, v14;
	v29 =	vor.u32 $0x804, v14;
	[tilespmem:$0x1FF40] =	vst v2  }
0x15: {  	v27 =	vor.u32 $0x807, v14;
	v31 =	vor.u32 $0xC00, v14;
	v23 =	vor.u32 $0xC01, v14;
	[tilespmem:$0x1FF50] =	vst v26  }
0x16: {  	v30 =	vor.u32 $0xC05, v14;
	v28 =	vor.u32 $0xC06, v14;
	v32 =	vor.u32 $0xC07, v14;
	[tilespmem:$0x1FF60] =	vst v15  }
0x17: {  	v33 =	vor.u32 $0x1000, v14;
	v34 =	vor.u32 $0x1001, v14;
	v35 =	vor.u32 $0x1002, v14;
	[tilespmem:$0x1FF70] =	vst v24  }
0x18: {  	v36 =	vor.u32 $0x1003, v14;
	v37 =	vor.u32 $0x1004, v14;
	v38 =	vor.u32 $0x1005, v14;
	[tilespmem:$0x1FF80] =	vst v16  }
0x19: {  	s2 =	srdreg.scid;
	v39 =	vor.u32 $0x1006, v14;
	v40 =	vor.u32 $0x1007, v14;
	v41 =	vor.u32 $0x1400, v14;
	[tilespmem:$0x1FF90] =	vst v22  }
0x1a: {  	s17 =	simm.s32 $0x2800;
	s18 =	simm.s32 $0x4800;
	s2 =	sand.u32 $0x1, s2;
	v42 =	vor.u32 $0x1401, v14;
	v43 =	vor.u32 $0x1402, v14;
	v44 =	vor.u32 $0x1403, v14;
	[tilespmem:$0x1FFA0] =	vst v31  }
0x1b: {  	s19 =	simm.s32 $0x1;
	s8 =	sadd.s32 $0x8000, s3;
	s5 =	sor.u32 s2, s5;
	v45 =	vor.u32 $0x1404, v14;
	v46 =	vor.u32 $0x1405, v14;
	v47 =	vor.u32 $0x1406, v14;
	[tilespmem:$0x1FFB0] =	vst v23  }
0x1c: {  	s29 =	simm.s32 $0x2;
	s9 =	sadd.s32 $0xC000, s3;
	s6 =	smul.u32 $0x500, s5;
	v48 =	vor.u32 $0x1407, v14;
	v49 =	vor.u32 $0x1800, v14;
	v50 =	vor.u32 $0x1801, v14;
	[tilespmem:$0x1FFC0] =	vst v30  }
.Ltmp0:
0x1d: {  	s10 =	sadd.s32 $0x10000, s3;
	s2 =	ssub.s32 $0x2, s2;
	v51 =	vor.u32 $0x1802, v14;
	v52 =	vor.u32 $0x1803, v14;
	v53 =	vor.u32 $0x1804, v14;
	[tilespmem:$0x1FFD0] =	vst v28;
	(pc) =	sbr.rel .LBB2_1-.Ltmp0, $4  }
0x1e: {  	s11 =	sadd.s32 $0x14000, s3;
	s12 =	sadd.s32 $0x18000, s3;
	s7 =	sshrl.u32 s2, $0x1;
	v54 =	vor.u32 $0x1805, v14;
	v55 =	vor.u32 $0x1806, v14;
	v56 =	vor.u32 $0x1807, v14;
	[tilespmem:$0x1FFE0] =	vst v29  }
0x1f: {  	s13 =	sadd.s32 $0x1C000, s3;
	v57 =	vor.u32 $0x1C00, v14;
	v58 =	vor.u32 $0x1C01, v14;
	s2 =	ssub.s32 s2, s7;
	s1 =	sadd.s32 s1, s6;
	v0 =	vor.u32 $0xC03, v14;
	[tilespmem:$0x1FFF0] =	vst v27  }
0x20: {  	s5 =	smul.u32 $0x50, s5;
	v59 =	vor.u32 $0x1C02, v14;
	v60 =	vor.u32 $0x1C03, v14;
	s31 =	smax.u32 s2, $0x1;
	[dreg:$0x4] =	wrdreg s1;
	[tilespmem:$0x1FEE0] =	vst v0;
	v0 =	vor.u32 $0xC04, v14  }
0x21: {  	v61 =	vor.u32 $0x1C04, v14;
	v62 =	vor.u32 $0x1C05, v14;
	v63 =	vor.u32 $0x1C06, v14;
	s7 =	sadd.s32 $0x4000, s3;
	s6 =	simm.s32 $0x0;
	[dreg:$0x5] =	wrdreg s31;
	[tilespmem:$0x1FEF0] =	vst v0  }
.LBB2_92:
0x22: {  	s1 =	simm.s32 $0x3  }
0x23: {  	_ =	swait.ge [sflag:s1], $0x400  }
0x24: {  	[sflag:s1] =	ssyncset.done $0x0  }
0x25: {  	[sflag:s1] =	ssyncadd.s32 $0xFFFFFC00  }
0x26: {  	_ =	swait.ge [sflag:s1], $0x400  }
0x27: {  	[sflag:s1] =	ssyncset.done $0x0  }
0x28: {  	[sflag:s1] =	ssyncadd.s32 $0xFFFFFC00  }
0x29: {  	_ =	swait.ge [sflag:s1], $0x400  }
0x2a: {  	[sflag:s1] =	ssyncset.done $0x0  }
0x2b: {  	[sflag:s1] =	ssyncadd.s32 $0xFFFFFC00  }
0x2c: {  	_ =	swait.ge [sflag:s1], $0x400  }
0x2d: {  	[sflag:s1] =	ssyncset.done $0x0  }
0x2e: {  	[sflag:s1] =	ssyncadd.s32 $0xFFFFFC00  }
0x2f: {  	_ =	swait.ge [sflag:s1], $0x400  }
0x30: {  	[sflag:s1] =	ssyncset.done $0x0  }
0x31: {  	[sflag:s1] =	ssyncadd.s32 $0xFFFFFC00  }
0x32: {  	_ =	swait.ge [sflag:s1], $0x400  }
0x33: {  	[sflag:s1] =	ssyncset.done $0x0  }
0x34: {  	[sflag:s1] =	ssyncadd.s32 $0xFFFFFC00  }
0x35: {  	_ =	swait.ge [sflag:s1], $0x400  }
0x36: {  	[sflag:s1] =	ssyncset.done $0x0  }
0x37: {  	[sflag:s1] =	ssyncadd.s32 $0xFFFFFC00  }
0x38: {  	_ =	swait.ge [sflag:s1], $0x400  }
0x39: {  	[sflag:s1] =	ssyncset.done $0x0  }
0x3a: {  	s2 =	simm.s32 $0x4;
	[sflag:s1] =	ssyncadd.s32 $0xFFFFFC00  }
0x3b: {  	_ =	swait.ge [sflag:s2], $0x400  }
0x3c: {  	[sflag:s2] =	ssyncset.done $0x0  }
0x3d: {  	[sflag:s2] =	ssyncadd.s32 $0xFFFFFC00  }
0x3e: {  	_ =	swait.ge [sflag:s2], $0x400  }
0x3f: {  	[sflag:s2] =	ssyncset.done $0x0  }
0x40: {  	[sflag:s2] =	ssyncadd.s32 $0xFFFFFC00  }
0x41: {  	_ =	swait.ge [sflag:s2], $0x400  }
0x42: {  	[sflag:s2] =	ssyncset.done $0x0  }
0x43: {  	[sflag:s2] =	ssyncadd.s32 $0xFFFFFC00  }
0x44: {  	_ =	swait.ge [sflag:s2], $0x400  }
0x45: {  	[sflag:s2] =	ssyncset.done $0x0  }
0x46: {  	[sflag:s2] =	ssyncadd.s32 $0xFFFFFC00  }
0x47: {  	_ =	swait.ge [sflag:s2], $0x400  }
0x48: {  	[sflag:s2] =	ssyncset.done $0x0  }
0x49: {  	[sflag:s2] =	ssyncadd.s32 $0xFFFFFC00  }
0x4a: {  	_ =	swait.ge [sflag:s2], $0x400  }
0x4b: {  	[sflag:s2] =	ssyncset.done $0x0  }
0x4c: {  	[sflag:s2] =	ssyncadd.s32 $0xFFFFFC00  }
0x4d: {  	_ =	swait.ge [sflag:s2], $0x400  }
0x4e: {  	[sflag:s2] =	ssyncset.done $0x0  }
0x4f: {  	[sflag:s2] =	ssyncadd.s32 $0xFFFFFC00  }
0x50: {  	_ =	swait.ge [sflag:s2], $0x400  }
0x51: {  	s6 =	rddreg [dreg:$0x6]  }
0x52: {  	s31 =	rddreg [dreg:$0x5];
	s6 =	sadd.s32 $0x1, s6  }
0x53: {  	p0 =	sne.s32 s6, s31  }
.Ltmp1:
0x54: {  	_ = 	snop;
	(pc) =	sbr.rel @!p0 .LBB2_93-.Ltmp1, $3  }
0x55: {  	_ =	sdelay $0x1  }
0x56: {  	[sflag:s2] =	ssyncset.done $0x0  }
0x57: {  	[sflag:s2] =	ssyncadd.s32 $0xFFFFFC00  }
.LBB2_1:
0x58: {  	[dreg:$0x6] =	wrdreg s6  }
0x59: {  	s1 =	rddreg [dreg:$0x4];
	s30 =	simm.s32 $0x5  }
0x5a: {  	[tilespmem:s4], [sflag:$0x5] =	stream.linear.gather [hbm4b:s1+s4], $0x2800, $0x38;
	[tilespmem:$0xA800] =	vst v63  }
0x5b: {  	_ =	swait.ge [sflag:s30], $0x2800  }
0x5c: {  	[sflag:s30] =	ssyncset.done $0x0  }
0x5d: {  	s31 =	simm.s32 $0x80;
	[sflag:s30] =	ssyncadd.s32 $0xFFFFD800  }
0x5e: {  	[tilespmem:s17], [sflag:$0x1] =	stream.indirect.gather [hbm4b:s0+s31], $0x40, s4, s31, $0xb8;
	[tilespmem:$0xA800] =	vst v63  }
0x5f: {  	s20 =	simm.s32 $0x0  }
0x60: {  	[tilespmem:s18], [sflag:$0x2] =	stream.indirect.gather [hbm4b:s0+s31], $0x40, s31, s31, $0xb8;
	[tilespmem:$0xA800] =	vst v63  }
.LBB2_2:
0x61: {  	_ =	swait.ge [sflag:s19], $0x2000  }
0x62: {  	p0 =	seq.s32 s20, $0x0;
	[sflag:s19] =	ssyncset.done $0x0  }
0x63: {  	s1 =	simm.s32 @!p0 $0x3;
	[sflag:s19] =	ssyncadd.s32 $0xFFFFE000  }
0x64: {  	_ =	swait.ge @!p0 [sflag:s1], $0x400  }
0x65: {  	[sflag:s1] =	ssyncset.done @!p0 $0x0  }
0x66: {  	[sflag:s1] =	ssyncadd.s32 @!p0 $0xFFFFFC00  }
0x67: {  	_ =	swait.ge @!p0 [sflag:s1], $0x400  }
0x68: {  	[sflag:s1] =	ssyncset.done @!p0 $0x0  }
0x69: {  	[sflag:s1] =	ssyncadd.s32 @!p0 $0xFFFFFC00  }
0x6a: {  	_ =	swait.ge @!p0 [sflag:s1], $0x400  }
0x6b: {  	[sflag:s1] =	ssyncset.done @!p0 $0x0  }
0x6c: {  	[sflag:s1] =	ssyncadd.s32 @!p0 $0xFFFFFC00  }
0x6d: {  	_ =	swait.ge @!p0 [sflag:s1], $0x400  }
0x6e: {  	[sflag:s1] =	ssyncset.done @!p0 $0x0  }
0x6f: {  	[sflag:s1] =	ssyncadd.s32 @!p0 $0xFFFFFC00  }
0x70: {  	_ =	swait.ge @!p0 [sflag:s1], $0x400  }
0x71: {  	s15 =	simm.s32 $0x6;
	[sflag:s1] =	ssyncset.done @!p0 $0x0  }
0x72: {  	s2 =	simm.s32 $0x0;
	s31 =	simm.s32 $0x1;
	v6 =	vmov s15;
	[sflag:s1] =	ssyncadd.s32 @!p0 $0xFFFFFC00  }
0x73: {  	s6 =	simm.s32 $0x2;
	v0 =	vmov s2;
	v2 =	vmov s31;
	v6 =	vshrl.u32 v6, $0x3;
	_ =	swait.ge @!p0 [sflag:s1], $0x400  }
0x74: {  	v3 =	vmov s6;
	v2 =	vshrl.u32 v2, $0x3;
	v6 =	vshll.u32 v6, v1;
	[sflag:s1] =	ssyncset.done @!p0 $0x0  }
0x75: {  	s16 =	simm.s32 $0x5;
	v3 =	vshrl.u32 v3, $0x3;
	v2 =	vshll.u32 v2, v1;
	v6 =	vbroadcast v6, $0x0;
	[sflag:s1] =	ssyncadd.s32 @!p0 $0xFFFFFC00  }
0x76: {  	s14 =	simm.s32 $0x3;
	v7 =	vmov s16;
	v8 =	vbroadcast v2, $0x0;
	v2 =	vshll.u32 v3, v1;
	_ =	swait.ge @!p0 [sflag:s1], $0x400  }
0x77: {  	s6 =	simm.s32 $0x4;
	v4 =	vmov s14;
	v3 =	vshrl.u32 v7, $0x3;
	v7 =	vbroadcast v2, $0x0;
	[tilespmem:$0x1FD60] =	vst v6  }
0x78: {  	v0 =	vshrl.u32 v0, $0x3;
	v5 =	vmov s6;
	v4 =	vshrl.u32 v4, $0x3;
	[sflag:s1] =	ssyncset.done @!p0 $0x0;
	[tilespmem:$0x1FD70] =	vst v8  }
0x79: {  	v5 =	vshrl.u32 v5, $0x3;
	v2 =	vshll.u32 v4, v1;
	v4 =	vor.u32 v20, v6;
	[tilespmem:$0x1FD80] =	vst v7;
	[sflag:s1] =	ssyncadd.s32 @!p0 $0xFFFFFC00  }
0x7a: {  	v6 =	vor.u32 v13, v8;
	v8 =	vbroadcast v2, $0x0;
	v2 =	vshll.u32 v5, v1;
	_ =	swait.ge @!p0 [sflag:s1], $0x400  }
0x7b: {  	v5 =	vor.u32 v21, v7;
	v7 =	vbroadcast v2, $0x0;
	v2 =	vshll.u32 v3, v1;
	v24 =	vld [tilespmem:$0x1FF30]  }
0x7c: {  	v0 =	vshll.u32 v0, v1;
	v3 =	vor.u32 v15, v8;
	[tilespmem:$0x1FD90] =	vst v8;
	v8 =	vbroadcast v2, $0x0  }
0x7d: {  	v11 =	vbroadcast v0, $0x0;
	[sflag:s1] =	ssyncset.done @!p0 $0x0;
	[tilespmem:$0x1FDA0] =	vst v7;
	v16 =	vld [tilespmem:$0x1FF40]  }
0x7e: {  	s22 =	simm.s32 $0x9;
	v0 =	vor.u32 v25, v7;
	[sflag:s1] =	ssyncadd.s32 @!p0 $0xFFFFFC00;
	[tilespmem:$0x1FDB0] =	vst v8  }
0x7f: {  	s26 =	simm.s32 $0xC;
	s30 =	simm.s32 $0xE;
	v9 =	vmov s22;
	v4 =	vld.idx.msk [tilespmem:v4+s17+$0x0], $0xffff;
	[tilespmem:$0x1FDC0] =	vst v11;
	v11 =	vor.u32 v14, v11  }
0x80: {  	v17 =	vmov s26;
	s31 =	simm.s32 $0xD;
	v18 =	vmov s30;
	v6 =	vld.idx.msk [tilespmem:v6+s17+$0x0], $0xffff;
	v7 =	vor.u32 v24, v8  }
0x81: {  	s21 =	simm.s32 $0x8;
	s23 =	simm.s32 $0x7;
	v9 =	vshrl.u32 v9, $0x3;
	v19 =	vmov s31;
	v18 =	vshrl.u32 v18, $0x3;
	v5 =	vld.idx.msk [tilespmem:v5+s17+$0x0], $0xffff  }
0x82: {  	v18 =	vshll.u32 v18, v1;
	v2 =	vmov s21;
	v3 =	vld.idx.msk [tilespmem:v3+s17+$0x0], $0xffff;
	v8 =	vor.u32 s23, v16  }
0x83: {  	s24 =	simm.s32 $0xA;
	s26 =	simm.s32 $0x6A00;
	v9 =	vshll.u32 v9, v1;
	v23 =	vshrl.u32 v2, $0x3;
	v2 =	vbroadcast v18, $0x0;
	v0 =	vld.idx.msk [tilespmem:v0+s17+$0x0], $0xffff  }
0x84: {  	v10 =	vmov s24;
	v22 =	vbroadcast v9, $0x0;
	v9 =	vshrl.u32 v19, $0x3;
	[tilespmem:s26+$0x100] =	vst v4;
	v19 =	vld.idx.msk [tilespmem:v11+s17+$0x0], $0xffff  }
0x85: {  	s25 =	simm.s32 $0xB;
	v10 =	vshrl.u32 v10, $0x3;
	v18 =	vld.idx.msk [tilespmem:v7+s17+$0x0], $0xffff;
	[tilespmem:$0x1FDD0] =	vst v2  }
0x86: {  	v12 =	vmov s25;
	v7 =	vshll.u32 v10, v1;
	[tilespmem:s26+$0xFFFFFE80] =	vst v6  }
0x87: {  	v12 =	vshrl.u32 v12, $0x3;
	v10 =	vor.u32 v20, v2;
	v7 =	vbroadcast v7, $0x0;
	v2 =	vld.idx.msk [tilespmem:v8+s17+$0x0], $0xffff;
	[tilespmem:$0x1FDE0] =	vst v22  }
0x88: {  	v4 =	vshll.u32 v12, v1;
	[tilespmem:s26+$0xFFFFFF00] =	vst v5  }
0x89: {  	v17 =	vshrl.u32 v17, $0x3;
	v6 =	vbroadcast v4, $0x0;
	[tilespmem:$0x1FDF0] =	vst v7  }
0x8a: {  	v4 =	vshll.u32 v17, v1;
	[tilespmem:s26+$0xFFFFFF80] =	vst v3  }
0x8b: {  	v11 =	vbroadcast v4, $0x0;
	[tilespmem:$0x1FE00] =	vst v6  }
0x8c: {  	v12 =	vor.u32 v13, v22;
	[tilespmem:s26+$0x0] =	vst v0  }
0x8d: {  	s22 =	simm.s32 $0x10;
	v4 =	vshll.u32 v9, v1;
	v5 =	vshll.u32 v23, v1;
	[tilespmem:$0x1FE10] =	vst v11  }
0x8e: {  	v7 =	vor.u32 v21, v7;
	v3 =	vbroadcast v4, $0x0;
	v4 =	vmov s22;
	[tilespmem:s26+$0x80] =	vst v18  }
0x8f: {  	s28 =	simm.s32 $0x10;
	s2 =	simm.s32 $0xF;
	s24 =	simm.s32 $0x11;
	v22 =	vmovc v15;
	v8 =	vor.u32 v15, v6;
	v9 =	vor.u32 v25, v11;
	v0 =	vbroadcast v5, $0x0;
	[tilespmem:$0x1FE20] =	vst v4  }
0x90: {  	s25 =	simm.s32 $0x12;
	s14 =	simm.s32 $0x14;
	s16 =	simm.s32 $0x16;
	v23 =	vmovc v25;
	v6 =	vor.u32 s2, v16;
	v5 =	vshrl.u32 v4, $0x3;
	v11 =	vor.u32 v24, v3;
	v10 =	vld.idx.msk [tilespmem:v10+s17+$0x0], $0xffff;
	[tilespmem:s26+$0xFFFFFE00] =	vst v19  }
0x91: {  	s6 =	simm.s32 $0x13;
	s21 =	sshll.u32 s20, $0x1;
	s1 =	simm.s32 $0x18;
	v27 =	vmovc v3;
	v18 =	vmov s25;
	v29 =	vmovc v0;
	v17 =	vor.u32 v14, v0;
	v19 =	vmov s24;
	v12 =	vld.idx.msk [tilespmem:v12+s17+$0x0], $0xffff;
	[tilespmem:s26+$0x180] =	vst v2  }
.LBB2_3:
0x92: {  	v0 =	vmov s6;
	v2 =	vmov s14  }
0x93: {  	p1 =	slt.u32 s1, $0x38;
	s6 =	sadd.s32 $0x5, s28;
	v4 =	vmov s16;
	v7 =	vld.idx.msk [tilespmem:v7+s17+$0x0], $0xffff;
	v19 =	vshrl.u32 v19, $0x3;
	v18 =	vshrl.u32 v18, $0x3  }
0x94: {  	v5 =	vshll.u32 v5, v1;
	v3 =	vmov s6;
	v4 =	vshrl.u32 v4, $0x3;
	v8 =	vld.idx.msk [tilespmem:v8+s17+$0x0], $0xffff  }
0x95: {  	v0 =	vshrl.u32 v0, $0x3;
	v19 =	vshll.u32 v19, v1;
	v4 =	vshll.u32 v4, v1;
	v9 =	vld.idx.msk [tilespmem:v9+s17+$0x0], $0xffff  }
0x96: {  	s26 =	sadd.s32 $0x400, s26;
	v2 =	vshrl.u32 v2, $0x3;
	v18 =	vshll.u32 v18, v1;
	v4 =	vbroadcast v4, $0x0;
	v11 =	vld.idx.msk [tilespmem:v11+s17+$0x0], $0xffff  }
0x97: {  	v25 =	vmovc v20;
	v19 =	vbroadcast v19, $0x0;
	v3 =	vshrl.u32 v3, $0x3;
	v0 =	vshll.u32 v0, v1;
	v17 =	vld.idx.msk [tilespmem:v17+s17+$0x0], $0xffff;
	[tilespmem:s26+$0x100] =	vst v10  }
0x98: {  	v2 =	vshll.u32 v2, v1;
	v10 =	vbroadcast v18, $0x0;
	v4 =	vor.u32 v20, v4;
	[tilespmem:s26+$0xFFFFFE80] =	vst v12;
	v20 =	vld.idx.msk [tilespmem:v6+s17+$0x0], $0xffff  }
0x99: {  	v0 =	vbroadcast v0, $0x0;
	v2 =	vbroadcast v2, $0x0;
	v12 =	vor.u32 v13, v19;
	[tilespmem:s26+$0xFFFFFF00] =	vst v7  }
.Ltmp2:
0x9a: {  	v15 =	vmovc v21;
	v3 =	vshll.u32 v3, v1;
	v7 =	vor.u32 v21, v10;
	v21 =	vbroadcast v5, $0x0;
	[tilespmem:s26+$0xFFFFFF80] =	vst v8;
	(pc) =	sbr.rel @p1 .LBB2_3-.Ltmp2, $4  }
0x9b: {  	v8 =	vor.u32 v22, v0;
	v0 =	vbroadcast v3, $0x0;
	[tilespmem:s26+$0x0] =	vst v9  }
0x9c: {  	s14 =	sadd.s32 $0x7, s28;
	s28 =	smov.u32 s1;
	v3 =	vmov s1;
	v9 =	vor.u32 v23, v2;
	[tilespmem:s26+$0x80] =	vst v11  }
0x9d: {  	s16 =	sadd.s32 $0x1, s1;
	s30 =	sadd.s32 $0x2, s1;
	s6 =	sadd.s32 $0x3, s1;
	v6 =	vor.u32 s14, v16;
	v5 =	vshrl.u32 v3, $0x3;
	v11 =	vor.u32 v24, v0;
	v10 =	vld.idx.msk [tilespmem:v4+s17+$0x0], $0xffff;
	[tilespmem:s26+$0xFFFFFE00] =	vst v17  }
0x9e: {  	v18 =	vmov s30;
	v19 =	vmov s16;
	s14 =	sadd.s32 $0x4, s28;
	s16 =	sadd.s32 $0x6, s28;
	s1 =	sadd.s32 $0x8, s1;
	v17 =	vor.u32 v14, v21;
	v21 =	vmovc v15;
	v12 =	vld.idx.msk [tilespmem:v12+s17+$0x0], $0xffff;
	[tilespmem:s26+$0x180] =	vst v20;
	v20 =	vmovc v25  }
0x9f: {  	_ = 	snop  }
0xa0: {  	v0 =	vmov s6;
	v4 =	vshrl.u32 v19, $0x3  }
0xa1: {  	v3 =	vmov s16;
	v18 =	vshrl.u32 v18, $0x3;
	v4 =	vshll.u32 v4, v1  }
0xa2: {  	v3 =	vshrl.u32 v3, $0x3;
	v18 =	vshll.u32 v18, v1;
	v4 =	vbroadcast v4, $0x0  }
0xa3: {  	v7 =	vld.idx.msk [tilespmem:v7+s17+$0x0], $0xffff;
	v0 =	vshrl.u32 v0, $0x3;
	v3 =	vshll.u32 v3, v1;
	v18 =	vbroadcast v18, $0x0  }
0xa4: {  	v8 =	vld.idx.msk [tilespmem:v8+s17+$0x0], $0xffff;
	s30 =	sadd.s32 $0x400, s26;
	v0 =	vshll.u32 v0, v1;
	v3 =	vbroadcast v3, $0x0;
	v4 =	vor.u32 v13, v4  }
0xa5: {  	v2 =	vmov s14;
	s1 =	sadd.s32 $0x5, s28;
	v9 =	vld.idx.msk [tilespmem:v9+s17+$0x0], $0xffff;
	v0 =	vbroadcast v0, $0x0;
	[tilespmem:s30+$0x100] =	vst v10;
	v10 =	vor.u32 v21, v18  }
0xa6: {  	v11 =	vld.idx.msk [tilespmem:v11+s17+$0x0], $0xffff;
	v19 =	vmov s1;
	v2 =	vshrl.u32 v2, $0x3;
	v3 =	vor.u32 v20, v3  }
0xa7: {  	v17 =	vld.idx.msk [tilespmem:v17+s17+$0x0], $0xffff;
	v19 =	vshrl.u32 v19, $0x3;
	v2 =	vshll.u32 v2, v1;
	[tilespmem:s30+$0xFFFFFE80] =	vst v12;
	v0 =	vor.u32 v22, v0  }
0xa8: {  	v6 =	vld.idx.msk [tilespmem:v6+s17+$0x0], $0xffff;
	v2 =	vbroadcast v2, $0x0;
	v18 =	vshll.u32 v19, v1;
	[tilespmem:s30+$0xFFFFFF00] =	vst v7  }
0xa9: {  	v5 =	vshll.u32 v5, v1;
	v12 =	vbroadcast v18, $0x0;
	[tilespmem:s30+$0xFFFFFF80] =	vst v8;
	v4 =	vld.idx.msk [tilespmem:v4+s17+$0x0], $0xffff  }
0xaa: {  	v5 =	vbroadcast v5, $0x0;
	v2 =	vor.u32 v23, v2;
	[tilespmem:s30+$0x0] =	vst v9;
	v9 =	vld.idx.msk [tilespmem:v10+s17+$0x0], $0xffff  }
0xab: {  	[tilespmem:s30+$0x80] =	vst v11;
	v7 =	vor.u32 v24, v12;
	v3 =	vld.idx.msk [tilespmem:v3+s17+$0x0], $0xffff  }
0xac: {  	v5 =	vor.u32 v14, v5;
	[tilespmem:s30+$0xFFFFFE00] =	vst v17;
	v0 =	vld.idx.msk [tilespmem:v0+s17+$0x0], $0xffff  }
0xad: {  	s1 =	sadd.s32 $0x400, s30;
	[tilespmem:s30+$0x180] =	vst v6  }
0xae: {  	s31 =	sadd.s32 $0x7, s28;
	[tilespmem:s1+$0xFFFFFE80] =	vst v4  }
0xaf: {  	v8 =	vor.u32 s31, v16;
	v2 =	vld.idx.msk [tilespmem:v2+s17+$0x0], $0xffff;
	[tilespmem:s1+$0xFFFFFF00] =	vst v9  }
0xb0: {  	v6 =	vld.idx.msk [tilespmem:v7+s17+$0x0], $0xffff;
	[tilespmem:s1+$0x100] =	vst v3  }
0xb1: {  	v3 =	vld.idx.msk [tilespmem:v5+s17+$0x0], $0xffff;
	[tilespmem:s1+$0xFFFFFF80] =	vst v0  }
0xb2: {  	v23 =	vld [tilespmem:$0x1FE70]  }
0xb3: {  	v0 =	vld [tilespmem:$0x1FD60]  }
0xb4: {  	v4 =	vld.idx.msk [tilespmem:v8+s17+$0x0], $0xffff;
	[tilespmem:s1+$0x0] =	vst v2  }
0xb5: {  	v2 =	vld [tilespmem:$0x1FD70];
	[tilespmem:s1+$0x80] =	vst v6  }
0xb6: {  	v16 =	vld [tilespmem:$0x1FE30]  }
0xb7: {  	v5 =	vld [tilespmem:$0x1FD80];
	[tilespmem:s1+$0xFFFFFE00] =	vst v3  }
0xb8: {  	v0 =	vor.u32 v23, v0;
	v20 =	vld [tilespmem:$0x1FE40]  }
0xb9: {  	v3 =	vld [tilespmem:$0x1FD90];
	[tilespmem:s1+$0x180] =	vst v4  }
0xba: {  	v21 =	vld [tilespmem:$0x1FE50]  }
0xbb: {  	v4 =	vld [tilespmem:$0x1FDA0]  }
0xbc: {  	v24 =	vld [tilespmem:$0x1FE80]  }
0xbd: {  	v2 =	vor.u32 v26, v2;
	v0 =	vld.idx.msk [tilespmem:v0+s17+$0x0], $0xffff  }
0xbe: {  	v22 =	vld [tilespmem:$0x1FE60]  }
0xbf: {  	v6 =	vld [tilespmem:$0x1FDB0]  }
0xc0: {  	v13 =	vld [tilespmem:$0x1FF70];
	v5 =	vor.u32 v16, v5  }
0xc1: {  	v7 =	vld [tilespmem:$0x1FDC0];
	v3 =	vor.u32 v20, v3;
	v8 =	vor.u32 s23, v24;
	s23 =	simm.s32 $0x6A10  }
0xc2: {  	v4 =	vor.u32 v21, v4;
	v2 =	vld.idx.msk [tilespmem:v2+s17+$0x0], $0xffff;
	[tilespmem:s23+$0x100] =	vst v0  }
0xc3: {  	v0 =	vld [tilespmem:$0x1FDD0];
	_ =	sdelay $0x1  }
0xc4: {  	v5 =	vld.idx.msk [tilespmem:v5+s17+$0x0], $0xffff  }
0xc5: {  	v3 =	vld.idx.msk [tilespmem:v3+s17+$0x0], $0xffff  }
0xc6: {  	v4 =	vld.idx.msk [tilespmem:v4+s17+$0x0], $0xffff;
	[tilespmem:s23+$0xFFFFFE80] =	vst v2  }
0xc7: {  	v11 =	vor.u32 v23, v0;
	v0 =	vld [tilespmem:$0x1FDE0];
	_ =	sdelay $0x1  }
0xc8: {  	[tilespmem:s23+$0xFFFFFF00] =	vst v5  }
0xc9: {  	[tilespmem:s23+$0xFFFFFF80] =	vst v3  }
0xca: {  	[tilespmem:s23+$0x0] =	vst v4  }
0xcb: {  	v17 =	vor.u32 v26, v0;
	v0 =	vld [tilespmem:$0x1FDF0];
	_ =	sdelay $0x3  }
0xcc: {  	v6 =	vor.u32 v22, v6;
	v12 =	vld.idx.msk [tilespmem:v8+s17+$0x0], $0xffff  }
0xcd: {  	v8 =	vor.u32 v16, v0;
	v0 =	vld [tilespmem:$0x1FE00];
	_ =	sdelay $0x3  }
0xce: {  	v7 =	vor.u32 v13, v7;
	v9 =	vld.idx.msk [tilespmem:v6+s17+$0x0], $0xffff  }
0xcf: {  	v6 =	vor.u32 v20, v0;
	v0 =	vld [tilespmem:$0x1FE10];
	_ =	sdelay $0x3  }
0xd0: {  	v10 =	vld.idx.msk [tilespmem:v7+s17+$0x0], $0xffff;
	[tilespmem:s23+$0x80] =	vst v9  }
0xd1: {  	v5 =	vor.u32 v21, v0;
	v0 =	vld [tilespmem:$0x1FE20];
	_ =	sdelay $0x3  }
0xd2: {  	s6 =	simm.s32 $0x13;
	v7 =	vor.u32 v22, v27;
	v2 =	vor.u32 s2, v24;
	v3 =	vld.idx.msk [tilespmem:v11+s17+$0x0], $0xffff;
	v11 =	vmov s24;
	[tilespmem:s23+$0xFFFFFE00] =	vst v10  }
0xd3: {  	s14 =	simm.s32 $0x14;
	s1 =	simm.s32 $0x18;
	s2 =	simm.s32 $0x16;
	v4 =	vld.idx.msk [tilespmem:v17+s17+$0x0], $0xffff;
	v9 =	vor.u32 v13, v29;
	v10 =	vmov s25;
	[tilespmem:s23+$0x180] =	vst v12;
	v0 =	vshrl.u32 v0, $0x3  }
.LBB2_5:
0xd4: {  	p1 =	slt.u32 s1, $0x38;
	v12 =	vmov s6;
	v17 =	vmov s14;
	s6 =	sadd.s32 $0x5, s22;
	v18 =	vmov s2;
	v8 =	vld.idx.msk [tilespmem:v8+s17+$0x0], $0xffff  }
0xd5: {  	v11 =	vshrl.u32 v11, $0x3;
	v19 =	vmov s6;
	v18 =	vshrl.u32 v18, $0x3;
	v6 =	vld.idx.msk [tilespmem:v6+s17+$0x0], $0xffff  }
0xd6: {  	v10 =	vshrl.u32 v10, $0x3;
	v12 =	vshrl.u32 v12, $0x3;
	v18 =	vshll.u32 v18, v1;
	v5 =	vld.idx.msk [tilespmem:v5+s17+$0x0], $0xffff  }
0xd7: {  	s23 =	sadd.s32 $0x400, s23;
	v11 =	vshll.u32 v11, v1;
	v17 =	vshrl.u32 v17, $0x3;
	v18 =	vbroadcast v18, $0x0;
	v7 =	vld.idx.msk [tilespmem:v7+s17+$0x0], $0xffff  }
0xd8: {  	v10 =	vshll.u32 v10, v1;
	v11 =	vbroadcast v11, $0x0;
	v19 =	vshrl.u32 v19, $0x3;
	v9 =	vld.idx.msk [tilespmem:v9+s17+$0x0], $0xffff;
	[tilespmem:s23+$0x100] =	vst v3  }
0xd9: {  	v3 =	vbroadcast v10, $0x0;
	v10 =	vshll.u32 v12, v1;
	v12 =	vor.u32 v23, v18;
	[tilespmem:s23+$0xFFFFFE80] =	vst v4;
	v18 =	vld.idx.msk [tilespmem:v2+s17+$0x0], $0xffff  }
0xda: {  	v4 =	vor.u32 v26, v11;
	v2 =	vbroadcast v10, $0x0;
	v10 =	vshll.u32 v17, v1;
	[tilespmem:s23+$0xFFFFFF00] =	vst v8  }
.Ltmp3:
0xdb: {  	v8 =	vor.u32 v16, v3;
	v3 =	vbroadcast v10, $0x0;
	v10 =	vshll.u32 v19, v1;
	[tilespmem:s23+$0xFFFFFF80] =	vst v6;
	(pc) =	sbr.rel @p1 .LBB2_5-.Ltmp3, $4  }
0xdc: {  	v0 =	vshll.u32 v0, v1;
	v6 =	vor.u32 v20, v2;
	v2 =	vbroadcast v10, $0x0;
	[tilespmem:s23+$0x0] =	vst v5  }
0xdd: {  	s2 =	sadd.s32 $0x7, s22;
	s22 =	smov.u32 s1;
	v17 =	vbroadcast v0, $0x0;
	v10 =	vmov s1;
	v5 =	vor.u32 v21, v3;
	[tilespmem:s23+$0x80] =	vst v7  }
0xde: {  	s14 =	sadd.s32 $0x1, s1;
	s16 =	sadd.s32 $0x2, s1;
	s6 =	sadd.s32 $0x3, s1;
	v0 =	vshrl.u32 v10, $0x3;
	v7 =	vor.u32 v22, v2;
	v2 =	vor.u32 s2, v24;
	v3 =	vld.idx.msk [tilespmem:v12+s17+$0x0], $0xffff;
	[tilespmem:s23+$0xFFFFFE00] =	vst v9  }
0xdf: {  	v11 =	vmov s14;
	s14 =	sadd.s32 $0x4, s22;
	s1 =	sadd.s32 $0x8, s1;
	v10 =	vmov s16;
	s2 =	sadd.s32 $0x6, s22;
	v9 =	vor.u32 v13, v17;
	v4 =	vld.idx.msk [tilespmem:v4+s17+$0x0], $0xffff;
	[tilespmem:s23+$0x180] =	vst v18  }
0xe0: {  	v12 =	vmov s6;
	v17 =	vmov s14;
	v18 =	vmov s2  }
0xe1: {  	s1 =	sadd.s32 $0x5, s22;
	v11 =	vshrl.u32 v11, $0x3;
	v10 =	vshrl.u32 v10, $0x3;
	v0 =	vshll.u32 v0, v1  }
0xe2: {  	v19 =	vmov s1;
	v18 =	vshrl.u32 v18, $0x3;
	v12 =	vshrl.u32 v12, $0x3  }
0xe3: {  	v11 =	vshll.u32 v11, v1;
	v17 =	vshrl.u32 v17, $0x3;
	v0 =	vbroadcast v0, $0x0  }
0xe4: {  	v8 =	vld.idx.msk [tilespmem:v8+s17+$0x0], $0xffff;
	v10 =	vshll.u32 v10, v1;
	v18 =	vshll.u32 v18, v1;
	v11 =	vbroadcast v11, $0x0  }
0xe5: {  	v6 =	vld.idx.msk [tilespmem:v6+s17+$0x0], $0xffff;
	v19 =	vshrl.u32 v19, $0x3;
	v10 =	vbroadcast v10, $0x0;
	v0 =	vor.u32 v13, v0  }
0xe6: {  	v5 =	vld.idx.msk [tilespmem:v5+s17+$0x0], $0xffff;
	s6 =	sadd.s32 $0x400, s23;
	v12 =	vshll.u32 v12, v1;
	v18 =	vbroadcast v18, $0x0;
	v11 =	vor.u32 v26, v11  }
0xe7: {  	v7 =	vld.idx.msk [tilespmem:v7+s17+$0x0], $0xffff;
	v17 =	vshll.u32 v17, v1;
	v12 =	vbroadcast v12, $0x0;
	[tilespmem:s6+$0x100] =	vst v3;
	v3 =	vor.u32 v16, v10  }
0xe8: {  	v9 =	vld.idx.msk [tilespmem:v9+s17+$0x0], $0xffff;
	v10 =	vbroadcast v17, $0x0;
	v17 =	vshll.u32 v19, v1;
	[tilespmem:s6+$0xFFFFFE80] =	vst v4;
	v18 =	vor.u32 v23, v18  }
0xe9: {  	v2 =	vld.idx.msk [tilespmem:v2+s17+$0x0], $0xffff;
	v4 =	vor.u32 v20, v12;
	v12 =	vbroadcast v17, $0x0;
	[tilespmem:s6+$0xFFFFFF00] =	vst v8  }
0xea: {  	[tilespmem:s6+$0xFFFFFF80] =	vst v6;
	v8 =	vor.u32 v21, v10;
	v0 =	vld.idx.msk [tilespmem:v0+s17+$0x0], $0xffff  }
0xeb: {  	s14 =	sadd.s32 $0x7, s22;
	[tilespmem:s6+$0x0] =	vst v5;
	v6 =	vor.u32 v22, v12;
	v5 =	vld.idx.msk [tilespmem:v11+s17+$0x0], $0xffff  }
0xec: {  	[tilespmem:s6+$0x80] =	vst v7;
	v7 =	vor.u32 s14, v24;
	v3 =	vld.idx.msk [tilespmem:v3+s17+$0x0], $0xffff  }
0xed: {  	[tilespmem:s6+$0xFFFFFE00] =	vst v9;
	v10 =	vld.idx.msk [tilespmem:v18+s17+$0x0], $0xffff  }
0xee: {  	s15 =	sadd.s32 $0x400, s6;
	[tilespmem:s6+$0x180] =	vst v2;
	v4 =	vld.idx.msk [tilespmem:v4+s17+$0x0], $0xffff  }
0xef: {  	v2 =	vld.idx.msk [tilespmem:v8+s17+$0x0], $0xffff;
	[tilespmem:s15+$0xFFFFFE00] =	vst v0  }
0xf0: {  	v6 =	vld.idx.msk [tilespmem:v6+s17+$0x0], $0xffff;
	[tilespmem:s15+$0xFFFFFE80] =	vst v5  }
0xf1: {  	v5 =	vld.idx.msk [tilespmem:v7+s17+$0x0], $0xffff;
	[tilespmem:s15+$0xFFFFFF00] =	vst v3  }
0xf2: {  	[tilespmem:s15+$0x100] =	vst v10  }
0xf3: {  	[tilespmem:s15+$0xFFFFFF80] =	vst v4  }
0xf4: {  	[tilespmem:s15+$0x0] =	vst v2  }
0xf5: {  	[tilespmem:s15+$0x80] =	vst v6  }
0xf6: {  	[tilespmem:s15+$0x180] =	vst v5  }
0xf7: {  	s22 =	simm.s32 $0x0;
	s28 =	simm.s32 $0x6A20;
	p2 =	por $0x1, $0x1;
	v16 =	vld [tilespmem:$0x1FF80]  }
.Ltmp4:
0xf8: {  	s16 =	simm.s32 $0x1;
	s31 =	simm.s32 $0x2;
	v22 =	vld [tilespmem:$0x1FF90];
	(pc) =	sbr.rel @!p2 .LBB2_13-.Ltmp4, $4  }
0xf9: {  	s23 =	simm.s32 $0x3;
	s25 =	simm.s32 $0x4;
	s24 =	simm.s32 $0x6;
	v23 =	vld [tilespmem:$0x1FE90]  }
0xfa: {  	s26 =	simm.s32 $0x8;
	p3 =	por $0x0, $0x0;
	p1 =	por $0x0, $0x0;
	v2 =	vmov s22;
	v24 =	vld [tilespmem:$0x1FEA0]  }
0xfb: {  	s30 =	simm.s32 $0x0;
	s2 =	simm.s32 $0x6A20;
	p4 =	por $0x0, $0x0;
	v0 =	vmov s31;
	v3 =	vmov s16;
	v2 =	vshrl.u32 v2, $0x3;
	v26 =	vld [tilespmem:$0x1FEB0]  }
0xfc: {  	s1 =	simm.s32 $0x3;
	s6 =	simm.s32 $0x6;
	s16 =	simm.s32 $0x4;
	v11 =	vmov v0;
	v12 =	vmov v3;
	v4 =	vmov v2;
	v27 =	vld [tilespmem:$0x1FFF0]  }
0xfd: {  	v4 =	vmov s23;
	v5 =	vmov s25;
	v6 =	vmov s24;
	v29 =	vld [tilespmem:$0x1FEC0]  }
0xfe: {  	s1 =	simm.s32 $0x5;
	v7 =	vshrl.u32 v3, $0x3;
	v9 =	vshrl.u32 v0, $0x3;
	v6 =	vshrl.u32 v6, $0x3  }
0xff: {  	v8 =	vmov s1;
	v4 =	vshrl.u32 v4, $0x3;
	v6 =	vshll.u32 v6, v1  }
0x100: {  	s6 =	simm.s32 $0x9;
	v7 =	vshll.u32 v7, v1;
	v5 =	vshrl.u32 v5, $0x3;
	v6 =	vbroadcast v6, $0x0  }
0x101: {  	v9 =	vshll.u32 v9, v1;
	v12 =	vmov s6;
	v7 =	vbroadcast v7, $0x0  }
0x102: {  	v8 =	vshrl.u32 v8, $0x3;
	v9 =	vbroadcast v9, $0x0;
	v10 =	vor.u32 v29, v6  }
0x103: {  	p4 =	por $0x1, $0x1;
	v4 =	vshll.u32 v4, v1;
	v5 =	vshll.u32 v5, v1;
	v19 =	vor.u32 v22, v7;
	v30 =	vmovc v27;
	v27 =	vld [tilespmem:$0x1FFE0]  }
.Ltmp5:
0x104: {  	v4 =	vbroadcast v4, $0x0;
	v5 =	vbroadcast v5, $0x0;
	v8 =	vshll.u32 v8, v1;
	(pc) =	sbr.rel @!p4 .LBB2_8-.Ltmp5, $4  }
0x105: {  	v11 =	vbroadcast v8, $0x0;
	v6 =	vor.u32 v23, v9;
	v9 =	vshll.u32 v2, v1  }
0x106: {  	s14 =	simm.s32 $0xA;
	v7 =	vor.u32 v24, v4;
	v4 =	vmov s26;
	v18 =	vbroadcast v9, $0x0  }
0x107: {  	s2 =	simm.s32 $0x7;
	s16 =	simm.s32 $0xC;
	s30 =	simm.s32 $0x10;
	v4 =	vshrl.u32 v4, $0x3;
	v9 =	vor.u32 v26, v11;
	v11 =	vmov s14;
	v17 =	vld.idx.msk [tilespmem:v10+s17+$0x0], $0xffff  }
0x108: {  	p3 =	por $0x1, $0x1;
	s1 =	simm.s32 $0xB;
	s6 =	simm.s32 $0xE;
	v18 =	vor.u32 v16, v18;
	v8 =	vor.u32 v27, v5;
	v5 =	vor.u32 s2, v30;
	v10 =	vld.idx.msk [tilespmem:v19+s17+$0x0], $0xffff  }
0x109: {  	_ =	sdelay $0x3  }
0x10a: {  	v7 =	vld.idx.msk [tilespmem:v7+s17+$0x0], $0xffff;
	_ =	sdelay $0x2  }
0x10b: {  	v13 =	vld.idx.msk [tilespmem:v6+s17+$0x0], $0xffff;
	_ =	sdelay $0x1  }
0x10c: {  	v19 =	vmov s1;
	v12 =	vshrl.u32 v12, $0x3;
	[tilespmem:$0x1FD50] =	vst v7  }
0x10d: {  	v20 =	vmov s16;
	s16 =	simm.s32 $0xD;
	v21 =	vmov s6;
	v12 =	vshll.u32 v12, v1;
	[tilespmem:s28+$0x100] =	vst v17  }
0x10e: {  	v6 =	vmov s16;
	v21 =	vshrl.u32 v21, $0x3;
	v12 =	vbroadcast v12, $0x0;
	[tilespmem:s28+$0xFFFFFE80] =	vst v10  }
0x10f: {  	v11 =	vshrl.u32 v11, $0x3;
	v21 =	vshll.u32 v21, v1;
	v7 =	vshrl.u32 v6, $0x3;
	v8 =	vld.idx.msk [tilespmem:v8+s17+$0x0], $0xffff;
	[tilespmem:s28+$0xFFFFFF00] =	vst v13  }
0x110: {  	v21 =	vbroadcast v21, $0x0;
	v10 =	vor.u32 v22, v12;
	v12 =	vshll.u32 v7, v1;
	v7 =	vld [tilespmem:$0x1FD50]  }
0x111: {  	v19 =	vshrl.u32 v19, $0x3;
	v20 =	vshrl.u32 v20, $0x3;
	v11 =	vshll.u32 v11, v1;
	v9 =	vld.idx.msk [tilespmem:v9+s17+$0x0], $0xffff  }
0x112: {  	v6 =	vbroadcast v11, $0x0;
	v11 =	vshll.u32 v19, v1;
	v18 =	vld.idx.msk [tilespmem:v18+s17+$0x0], $0xffff;
	v17 =	vor.u32 v29, v21  }
0x113: {  	p5 =	por $0x1, $0x1;
	v19 =	vld.idx.msk [tilespmem:v5+s17+$0x0], $0xffff;
	v5 =	vbroadcast v11, $0x0;
	v11 =	vshll.u32 v20, v1  }
.Ltmp6:
0x114: {  	v4 =	vshll.u32 v4, v1;
	v6 =	vor.u32 v23, v6;
	v11 =	vbroadcast v11, $0x0;
	[tilespmem:s28+$0x0] =	vst v8;
	(pc) =	sbr.rel @!p5 .LBB2_10-.Ltmp6, $4  }
0x115: {  	s31 =	simm.s32 $0x12;
	v20 =	vbroadcast v4, $0x0;
	[tilespmem:s28+$0xFFFFFF80] =	vst v7;
	v7 =	vor.u32 v24, v5;
	v5 =	vbroadcast v12, $0x0  }
0x116: {  	s2 =	simm.s32 $0xF;
	s14 =	simm.s32 $0x11;
	v8 =	vor.u32 v27, v11;
	[tilespmem:s28+$0x80] =	vst v9;
	v11 =	vmov s31  }
0x117: {  	s1 =	simm.s32 $0x13;
	s6 =	simm.s32 $0x16;
	p4 =	por $0x1, $0x1;
	v17 =	vld.idx.msk [tilespmem:v17+s17+$0x0], $0xffff;
	[tilespmem:s28+$0xFFFFFE00] =	vst v18;
	v18 =	vor.u32 v16, v20;
	v12 =	vmov s30;
	v9 =	vor.u32 v26, v5  }
0x118: {  	s16 =	simm.s32 $0x14;
	s31 =	simm.s32 $0x18;
	v10 =	vld.idx.msk [tilespmem:v10+s17+$0x0], $0xffff;
	[tilespmem:s28+$0x180] =	vst v19;
	v4 =	vshrl.u32 v12, $0x3;
	v12 =	vmov s14;
	v5 =	vor.u32 s2, v30;
	s2 =	simm.s32 $0x6A20  }
.LBB2_11:
0x119: {  	p5 =	slt.u32 s31, $0x38;
	v19 =	vmov s1;
	v20 =	vmov s16;
	s1 =	sadd.s32 $0x5, s30;
	v21 =	vmov s6;
	v6 =	vld.idx.msk [tilespmem:v6+s17+$0x0], $0xffff  }
0x11a: {  	v12 =	vshrl.u32 v12, $0x3;
	v13 =	vmov s1;
	v21 =	vshrl.u32 v21, $0x3;
	v7 =	vld.idx.msk [tilespmem:v7+s17+$0x0], $0xffff  }
0x11b: {  	v11 =	vshrl.u32 v11, $0x3;
	v19 =	vshrl.u32 v19, $0x3;
	v21 =	vshll.u32 v21, v1;
	v8 =	vld.idx.msk [tilespmem:v8+s17+$0x0], $0xffff  }
0x11c: {  	s2 =	sadd.s32 $0x400, s2;
	v12 =	vshll.u32 v12, v1;
	v20 =	vshrl.u32 v20, $0x3;
	v21 =	vbroadcast v21, $0x0;
	v9 =	vld.idx.msk [tilespmem:v9+s17+$0x0], $0xffff  }
0x11d: {  	v11 =	vshll.u32 v11, v1;
	v12 =	vbroadcast v12, $0x0;
	v13 =	vshrl.u32 v13, $0x3;
	v18 =	vld.idx.msk [tilespmem:v18+s17+$0x0], $0xffff;
	[tilespmem:s2+$0x100] =	vst v17  }
0x11e: {  	v11 =	vbroadcast v11, $0x0;
	v17 =	vshll.u32 v19, v1;
	v19 =	vor.u32 v29, v21;
	[tilespmem:s2+$0xFFFFFE80] =	vst v10;
	v21 =	vld.idx.msk [tilespmem:v5+s17+$0x0], $0xffff  }
0x11f: {  	v10 =	vor.u32 v22, v12;
	v5 =	vbroadcast v17, $0x0;
	v12 =	vshll.u32 v20, v1;
	[tilespmem:s2+$0xFFFFFF00] =	vst v6  }
.Ltmp7:
0x120: {  	v6 =	vor.u32 v23, v11;
	v11 =	vbroadcast v12, $0x0;
	v12 =	vshll.u32 v13, v1;
	[tilespmem:s2+$0xFFFFFF80] =	vst v7;
	(pc) =	sbr.rel @p5 .LBB2_11-.Ltmp7, $4  }
0x121: {  	v4 =	vshll.u32 v4, v1;
	v7 =	vor.u32 v24, v5;
	v5 =	vbroadcast v12, $0x0;
	[tilespmem:s2+$0x0] =	vst v8  }
0x122: {  	s6 =	sadd.s32 $0x7, s30;
	s30 =	smov.u32 s31;
	v13 =	vbroadcast v4, $0x0;
	v12 =	vmov s31;
	v8 =	vor.u32 v27, v11;
	[tilespmem:s2+$0x80] =	vst v9  }
0x123: {  	s14 =	sadd.s32 $0x1, s31;
	s16 =	sadd.s32 $0x2, s31;
	s1 =	sadd.s32 $0x3, s31;
	v4 =	vshrl.u32 v12, $0x3;
	v9 =	vor.u32 v26, v5;
	v5 =	vor.u32 s6, v30;
	v17 =	vld.idx.msk [tilespmem:v19+s17+$0x0], $0xffff;
	[tilespmem:s2+$0xFFFFFE00] =	vst v18  }
0x124: {  	s31 =	sadd.s32 $0x8, s31;
	v12 =	vmov s14;
	v11 =	vmov s16;
	s16 =	sadd.s32 $0x4, s30;
	s6 =	sadd.s32 $0x6, s30;
	v18 =	vor.u32 v16, v13;
	v10 =	vld.idx.msk [tilespmem:v10+s17+$0x0], $0xffff;
	[tilespmem:s2+$0x180] =	vst v21  }
0x125: {  	v27 =	vmov v30;
	v30 =	vld [tilespmem:$0x1FFC0]  }
.LBB2_13:
0x126: {  	_ =	sdelay $0x3  }
0x127: {  	v13 =	vmov s1;
	v6 =	vld.idx.msk @p3 [tilespmem:v6+s17+$0x0], $0xffff  }
0x128: {  	v19 =	vmov s16;
	s16 =	sadd.s32 $0x5, s30;
	v20 =	vmov s6;
	v12 =	vshrl.u32 v12, $0x3;
	s1 =	sadd.s32 @p4 $0x400, s2;
	s2 =	simm.s32 $0x6A20  }
0x129: {  	v11 =	vshrl.u32 v11, $0x3;
	v4 =	vshll.u32 v4, v1;
	v21 =	vmov s16;
	s2 =	smov.u32 @p4 s1  }
0x12a: {  	v29 =	vld [tilespmem:$0x1FEC0];
	v20 =	vshrl.u32 v20, $0x3;
	v13 =	vshrl.u32 v13, $0x3;
	v19 =	vshrl.u32 v19, $0x3;
	[tilespmem:s2+$0x100] =	vst @p3 v17  }
0x12b: {  	v11 =	vshll.u32 v11, v1;
	v4 =	vbroadcast v4, $0x0;
	v20 =	vshll.u32 v20, v1;
	[tilespmem:s2+$0xFFFFFE80] =	vst @p3 v10  }
0x12c: {  	v7 =	vld.idx.msk @p3 [tilespmem:v7+s17+$0x0], $0xffff;
	v11 =	vbroadcast v11, $0x0;
	v13 =	vshll.u32 v13, v1;
	v19 =	vshll.u32 v19, v1;
	[tilespmem:s2+$0xFFFFFF00] =	vst @p3 v6  }
0x12d: {  	v13 =	vbroadcast v13, $0x0;
	v17 =	vbroadcast v19, $0x0;
	v4 =	vor.u32 v16, v4;
	v19 =	vld [tilespmem:$0x1FFE0]  }
0x12e: {  	v8 =	vld.idx.msk @p3 [tilespmem:v8+s17+$0x0], $0xffff;
	v12 =	vshll.u32 v12, v1;
	v20 =	vbroadcast v20, $0x0;
	v11 =	vor.u32 v23, v11  }
0x12f: {  	v9 =	vld.idx.msk @p3 [tilespmem:v9+s17+$0x0], $0xffff;
	v12 =	vbroadcast v12, $0x0;
	v21 =	vshrl.u32 v21, $0x3;
	v10 =	vor.u32 v24, v13  }
0x130: {  	v18 =	vld.idx.msk @p3 [tilespmem:v18+s17+$0x0], $0xffff;
	v23 =	vshll.u32 v21, v1;
	v20 =	vor.u32 v29, v20  }
0x131: {  	v5 =	vld.idx.msk @p3 [tilespmem:v5+s17+$0x0], $0xffff;
	v12 =	vor.u32 v22, v12;
	v13 =	vbroadcast v23, $0x0  }
0x132: {  	[tilespmem:s2+$0xFFFFFF80] =	vst @p3 v7;
	v4 =	vld.idx.msk [tilespmem:v4+s17+$0x0], $0xffff;
	v23 =	vor.u32 v19, v17  }
0x133: {  	s31 =	sadd.s32 $0x7, s30;
	[tilespmem:s2+$0x0] =	vst @p3 v8;
	v11 =	vld.idx.msk [tilespmem:v11+s17+$0x0], $0xffff;
	v19 =	vor.u32 v26, v13  }
0x134: {  	v21 =	vor.u32 s31, v27;
	[tilespmem:s2+$0x80] =	vst @p3 v9;
	v10 =	vld.idx.msk [tilespmem:v10+s17+$0x0], $0xffff  }
0x135: {  	s1 =	sadd.s32 @p3 $0x400, s2;
	[tilespmem:s2+$0xFFFFFE00] =	vst @p3 v18;
	v13 =	vld.idx.msk [tilespmem:v20+s17+$0x0], $0xffff  }
0x136: {  	s28 =	smov.u32 @p3 s1;
	[tilespmem:s2+$0x180] =	vst @p3 v5;
	v20 =	vld.idx.msk [tilespmem:v12+s17+$0x0], $0xffff  }
0x137: {  	[tilespmem:s28+$0xFFFFFE00] =	vst v4;
	v5 =	vld.idx.msk [tilespmem:v23+s17+$0x0], $0xffff  }
0x138: {  	[tilespmem:s28+$0xFFFFFF00] =	vst v11;
	v22 =	vld.idx.msk [tilespmem:v19+s17+$0x0], $0xffff  }
0x139: {  	[tilespmem:s28+$0xFFFFFF80] =	vst v10;
	v23 =	vld.idx.msk [tilespmem:v21+s17+$0x0], $0xffff  }
.Ltmp8:
0x13a: {  	[tilespmem:s28+$0x100] =	vst v13;
	(pc) =	sbr.rel @!p2 .LBB2_14-.Ltmp8, $4  }
0x13b: {  	[tilespmem:s28+$0xFFFFFE80] =	vst v20  }
0x13c: {  	[tilespmem:s28+$0x0] =	vst v5  }
0x13d: {  	[tilespmem:s28+$0x80] =	vst v22  }
0x13e: {  	s30 =	simm.s32 $0x6A30;
	[tilespmem:s28+$0x180] =	vst v23  }
0x13f: {  	v4 =	vmov s23;
	v5 =	vmov s25;
	v6 =	vmov s24  }
0x140: {  	s1 =	simm.s32 $0x5;
	v3 =	vshrl.u32 v3, $0x3;
	v0 =	vshrl.u32 v0, $0x3;
	v16 =	vld [tilespmem:$0x1FFB0];
	v6 =	vshrl.u32 v6, $0x3  }
0x141: {  	v2 =	vshll.u32 v2, v1;
	v7 =	vmov s1;
	v6 =	vshll.u32 v6, v1  }
0x142: {  	v19 =	vld [tilespmem:$0x1FED0];
	v4 =	vshrl.u32 v4, $0x3;
	v3 =	vshll.u32 v3, v1;
	v6 =	vbroadcast v6, $0x0  }
0x143: {  	v20 =	vld [tilespmem:$0x1FEE0];
	v5 =	vshrl.u32 v5, $0x3;
	v0 =	vshll.u32 v0, v1;
	v3 =	vbroadcast v3, $0x0  }
0x144: {  	v21 =	vld [tilespmem:$0x1FEF0];
	v11 =	vbroadcast v2, $0x0;
	v7 =	vshrl.u32 v7, $0x3;
	v8 =	vor.u32 v28, v6  }
0x145: {  	p3 =	por $0x1, $0x1;
	v0 =	vbroadcast v0, $0x0;
	v4 =	vshll.u32 v4, v1;
	v10 =	vor.u32 v16, v3  }
.Ltmp9:
0x146: {  	v11 =	vor.u32 v31, v11;
	v3 =	vbroadcast v4, $0x0;
	v4 =	vshll.u32 v5, v1;
	(pc) =	sbr.rel @!p3 .LBB2_16-.Ltmp9, $4  }
0x147: {  	v5 =	vor.u32 v19, v0;
	v0 =	vbroadcast v4, $0x0;
	v4 =	vshll.u32 v7, v1  }
0x148: {  	s31 =	simm.s32 $0x7;
	s2 =	simm.s32 $0x9;
	v6 =	vor.u32 v20, v3;
	v3 =	vbroadcast v4, $0x0;
	v4 =	vmov s26  }
0x149: {  	s6 =	simm.s32 $0xA;
	s23 =	simm.s32 $0xB;
	s25 =	simm.s32 $0xC;
	v7 =	vor.u32 v21, v0;
	v2 =	vshrl.u32 v4, $0x3;
	v4 =	vor.u32 s31, v32;
	v8 =	vld.idx.msk [tilespmem:v8+s17+$0x0], $0xffff  }
0x14a: {  	s24 =	simm.s32 $0xE;
	s22 =	simm.s32 $0x10;
	p2 =	por $0x1, $0x1;
	v0 =	vmov s6;
	v9 =	vor.u32 v30, v3;
	v3 =	vmov s2;
	v10 =	vld.idx.msk [tilespmem:v10+s17+$0x0], $0xffff  }
0x14b: {  	_ =	sdelay $0x2  }
0x14c: {  	v12 =	vmov s23;
	v13 =	vmov s25;
	s1 =	simm.s32 $0xD;
	v17 =	vmov s24  }
0x14d: {  	v5 =	vld.idx.msk [tilespmem:v5+s17+$0x0], $0xffff;
	v3 =	vshrl.u32 v3, $0x3;
	v0 =	vshrl.u32 v0, $0x3;
	v18 =	vmov s1  }
0x14e: {  	v6 =	vld.idx.msk [tilespmem:v6+s17+$0x0], $0xffff;
	v17 =	vshrl.u32 v17, $0x3;
	v12 =	vshrl.u32 v12, $0x3;
	v3 =	vshll.u32 v3, v1  }
0x14f: {  	v7 =	vld.idx.msk [tilespmem:v7+s17+$0x0], $0xffff;
	v13 =	vshrl.u32 v13, $0x3;
	v17 =	vshll.u32 v17, v1;
	v3 =	vbroadcast v3, $0x0  }
0x150: {  	v9 =	vld.idx.msk [tilespmem:v9+s17+$0x0], $0xffff;
	v0 =	vshll.u32 v0, v1;
	v18 =	vshrl.u32 v18, $0x3;
	v17 =	vbroadcast v17, $0x0;
	[tilespmem:s30+$0x100] =	vst v8  }
0x151: {  	v11 =	vld.idx.msk [tilespmem:v11+s17+$0x0], $0xffff;
	v0 =	vbroadcast v0, $0x0;
	v8 =	vshll.u32 v12, v1;
	[tilespmem:s30+$0xFFFFFE80] =	vst v10;
	v10 =	vor.u32 v16, v3  }
0x152: {  	p3 =	por $0x1, $0x1;
	v3 =	vbroadcast v8, $0x0;
	v12 =	vor.u32 v28, v17;
	v17 =	vld.idx.msk [tilespmem:v4+s17+$0x0], $0xffff;
	v4 =	vshll.u32 v13, v1;
	[tilespmem:s30+$0xFFFFFF00] =	vst v5  }
.Ltmp10:
0x153: {  	v5 =	vor.u32 v19, v0;
	[tilespmem:s30+$0xFFFFFF80] =	vst v6;
	v0 =	vbroadcast v4, $0x0;
	v4 =	vshll.u32 v18, v1;
	(pc) =	sbr.rel @!p3 .LBB2_18-.Ltmp10, $4  }
0x154: {  	v2 =	vshll.u32 v2, v1;
	[tilespmem:s30+$0x0] =	vst v7;
	v6 =	vor.u32 v20, v3;
	v3 =	vbroadcast v4, $0x0  }
0x155: {  	s31 =	simm.s32 $0xF;
	s2 =	simm.s32 $0x11;
	s6 =	simm.s32 $0x12;
	v13 =	vbroadcast v2, $0x0;
	[tilespmem:s30+$0x80] =	vst v9;
	v4 =	vmov s22;
	v7 =	vor.u32 v21, v0  }
0x156: {  	s23 =	simm.s32 $0x13;
	s25 =	simm.s32 $0x14;
	s24 =	simm.s32 $0x16;
	[tilespmem:s30+$0xFFFFFE00] =	vst v11;
	v2 =	vshrl.u32 v4, $0x3;
	v4 =	vor.u32 s31, v32;
	v9 =	vor.u32 v30, v3;
	v10 =	vld.idx.msk [tilespmem:v10+s17+$0x0], $0xffff  }
0x157: {  	s26 =	simm.s32 $0x18;
	p1 =	por $0x1, $0x1;
	v11 =	vor.u32 v31, v13;
	v0 =	vmov s6;
	v3 =	vmov s2;
	s2 =	simm.s32 $0x6A30;
	v8 =	vld.idx.msk [tilespmem:v12+s17+$0x0], $0xffff;
	[tilespmem:s30+$0x180] =	vst v17  }
.LBB2_19:
0x158: {  	p3 =	slt.u32 s26, $0x38;
	v12 =	vmov s23;
	v13 =	vmov s25;
	s1 =	sadd.s32 $0x5, s22;
	v17 =	vmov s24;
	v5 =	vld.idx.msk [tilespmem:v5+s17+$0x0], $0xffff  }
0x159: {  	v3 =	vshrl.u32 v3, $0x3;
	v18 =	vmov s1;
	v17 =	vshrl.u32 v17, $0x3;
	v6 =	vld.idx.msk [tilespmem:v6+s17+$0x0], $0xffff  }
0x15a: {  	v0 =	vshrl.u32 v0, $0x3;
	v12 =	vshrl.u32 v12, $0x3;
	v17 =	vshll.u32 v17, v1;
	v7 =	vld.idx.msk [tilespmem:v7+s17+$0x0], $0xffff  }
0x15b: {  	s2 =	sadd.s32 $0x400, s2;
	v3 =	vshll.u32 v3, v1;
	v13 =	vshrl.u32 v13, $0x3;
	v17 =	vbroadcast v17, $0x0;
	v9 =	vld.idx.msk [tilespmem:v9+s17+$0x0], $0xffff  }
0x15c: {  	v0 =	vshll.u32 v0, v1;
	v3 =	vbroadcast v3, $0x0;
	v18 =	vshrl.u32 v18, $0x3;
	v11 =	vld.idx.msk [tilespmem:v11+s17+$0x0], $0xffff;
	[tilespmem:s2+$0x100] =	vst v8  }
0x15d: {  	v0 =	vbroadcast v0, $0x0;
	v8 =	vshll.u32 v12, v1;
	v12 =	vor.u32 v28, v17;
	[tilespmem:s2+$0xFFFFFE80] =	vst v10;
	v17 =	vld.idx.msk [tilespmem:v4+s17+$0x0], $0xffff  }
0x15e: {  	v10 =	vor.u32 v16, v3;
	v3 =	vbroadcast v8, $0x0;
	v4 =	vshll.u32 v13, v1;
	[tilespmem:s2+$0xFFFFFF00] =	vst v5  }
.Ltmp11:
0x15f: {  	v5 =	vor.u32 v19, v0;
	v0 =	vbroadcast v4, $0x0;
	v4 =	vshll.u32 v18, v1;
	[tilespmem:s2+$0xFFFFFF80] =	vst v6;
	(pc) =	sbr.rel @p3 .LBB2_19-.Ltmp11, $4  }
0x160: {  	v2 =	vshll.u32 v2, v1;
	v6 =	vor.u32 v20, v3;
	v3 =	vbroadcast v4, $0x0;
	[tilespmem:s2+$0x0] =	vst v7  }
0x161: {  	s1 =	sadd.s32 $0x7, s22;
	s22 =	smov.u32 s26;
	v13 =	vbroadcast v2, $0x0;
	v4 =	vmov s26;
	v7 =	vor.u32 v21, v0;
	[tilespmem:s2+$0x80] =	vst v9  }
0x162: {  	s6 =	sadd.s32 $0x1, s26;
	s14 =	sadd.s32 $0x2, s26;
	s23 =	sadd.s32 $0x3, s26;
	v2 =	vshrl.u32 v4, $0x3;
	v4 =	vor.u32 s1, v32;
	v9 =	vor.u32 v30, v3;
	v8 =	vld.idx.msk [tilespmem:v12+s17+$0x0], $0xffff;
	[tilespmem:s2+$0xFFFFFE00] =	vst v11  }
0x163: {  	s25 =	sadd.s32 $0x4, s22;
	s24 =	sadd.s32 $0x6, s22;
	s26 =	sadd.s32 $0x8, s26;
	v0 =	vmov s14;
	v3 =	vmov s6;
	v11 =	vor.u32 v31, v13;
	v10 =	vld.idx.msk [tilespmem:v10+s17+$0x0], $0xffff;
	[tilespmem:s2+$0x180] =	vst v17  }
.LBB2_20:
0x164: {  	v12 =	vmov s23;
	v13 =	vmov s25;
	v17 =	vmov s24  }
0x165: {  	s1 =	sadd.s32 $0x5, s22;
	v3 =	vshrl.u32 v3, $0x3;
	v0 =	vshrl.u32 v0, $0x3;
	v2 =	vshll.u32 v2, v1  }
0x166: {  	v18 =	vmov s1;
	v17 =	vshrl.u32 v17, $0x3;
	v12 =	vshrl.u32 v12, $0x3  }
0x167: {  	v3 =	vshll.u32 v3, v1;
	v13 =	vshrl.u32 v13, $0x3;
	v2 =	vbroadcast v2, $0x0  }
0x168: {  	v5 =	vld.idx.msk @p2 [tilespmem:v5+s17+$0x0], $0xffff;
	v0 =	vshll.u32 v0, v1;
	v17 =	vshll.u32 v17, v1;
	v3 =	vbroadcast v3, $0x0  }
0x169: {  	v6 =	vld.idx.msk @p2 [tilespmem:v6+s17+$0x0], $0xffff;
	s1 =	sadd.s32 @p1 $0x400, s2;
	s2 =	simm.s32 $0x6A30;
	v18 =	vshrl.u32 v18, $0x3;
	v0 =	vbroadcast v0, $0x0;
	v2 =	vor.u32 v31, v2  }
0x16a: {  	v7 =	vld.idx.msk @p2 [tilespmem:v7+s17+$0x0], $0xffff;
	v12 =	vshll.u32 v12, v1;
	s2 =	smov.u32 @p1 s1;
	v17 =	vbroadcast v17, $0x0;
	v3 =	vor.u32 v16, v3  }
0x16b: {  	v9 =	vld.idx.msk @p2 [tilespmem:v9+s17+$0x0], $0xffff;
	v13 =	vshll.u32 v13, v1;
	v12 =	vbroadcast v12, $0x0;
	[tilespmem:s2+$0x100] =	vst @p2 v8;
	v0 =	vor.u32 v19, v0  }
0x16c: {  	v11 =	vld.idx.msk @p2 [tilespmem:v11+s17+$0x0], $0xffff;
	v8 =	vbroadcast v13, $0x0;
	v13 =	vshll.u32 v18, v1;
	[tilespmem:s2+$0xFFFFFE80] =	vst @p2 v10;
	v17 =	vor.u32 v28, v17  }
0x16d: {  	v4 =	vld.idx.msk @p2 [tilespmem:v4+s17+$0x0], $0xffff;
	v10 =	vor.u32 v20, v12;
	v12 =	vbroadcast v13, $0x0;
	[tilespmem:s2+$0xFFFFFF00] =	vst @p2 v5  }
0x16e: {  	v5 =	vor.u32 v21, v8;
	[tilespmem:s2+$0xFFFFFF80] =	vst @p2 v6;
	v2 =	vld.idx.msk [tilespmem:v2+s17+$0x0], $0xffff  }
0x16f: {  	s14 =	sadd.s32 $0x7, s22;
	[tilespmem:s2+$0x0] =	vst @p2 v7;
	v6 =	vor.u32 v30, v12;
	v3 =	vld.idx.msk [tilespmem:v3+s17+$0x0], $0xffff  }
0x170: {  	[tilespmem:s2+$0x80] =	vst @p2 v9;
	v7 =	vor.u32 s14, v32;
	v0 =	vld.idx.msk [tilespmem:v0+s17+$0x0], $0xffff  }
0x171: {  	s1 =	sadd.s32 @p2 $0x400, s2;
	[tilespmem:s2+$0xFFFFFE00] =	vst @p2 v11;
	v8 =	vld.idx.msk [tilespmem:v17+s17+$0x0], $0xffff  }
0x172: {  	s30 =	smov.u32 @p2 s1;
	[tilespmem:s2+$0x180] =	vst @p2 v4;
	v9 =	vld.idx.msk [tilespmem:v10+s17+$0x0], $0xffff  }
0x173: {  	v4 =	vld.idx.msk [tilespmem:v5+s17+$0x0], $0xffff;
	[tilespmem:s30+$0xFFFFFE00] =	vst v2  }
0x174: {  	v5 =	vld.idx.msk [tilespmem:v6+s17+$0x0], $0xffff;
	[tilespmem:s30+$0xFFFFFE80] =	vst v3  }
0x175: {  	s22 =	simm.s32 $0x0;
	s28 =	simm.s32 $0x6A40;
	p2 =	por $0x1, $0x1;
	v6 =	vld.idx.msk [tilespmem:v7+s17+$0x0], $0xffff;
	[tilespmem:s30+$0xFFFFFF00] =	vst v0  }
.Ltmp12:
0x176: {  	s15 =	simm.s32 $0x1;
	s16 =	simm.s32 $0x2;
	[tilespmem:s30+$0x100] =	vst v8;
	(pc) =	sbr.rel @!p2 .LBB2_26-.Ltmp12, $4  }
0x177: {  	s23 =	simm.s32 $0x3;
	s25 =	simm.s32 $0x4;
	s24 =	simm.s32 $0x6;
	[tilespmem:s30+$0xFFFFFF80] =	vst v9  }
0x178: {  	s26 =	simm.s32 $0x8;
	p3 =	por $0x0, $0x0;
	s31 =	simm.s32 $0x0;
	v0 =	vmov s22;
	[tilespmem:s30+$0x0] =	vst v4  }
0x179: {  	s6 =	simm.s32 $0x6;
	p4 =	por $0x0, $0x0;
	p1 =	por $0x0, $0x0;
	v3 =	vmov s15;
	v2 =	vshrl.u32 v0, $0x3;
	v0 =	vmov s16;
	[tilespmem:s30+$0x80] =	vst v5  }
0x17a: {  	s1 =	simm.s32 $0x3;
	s2 =	simm.s32 $0x6A40;
	s16 =	simm.s32 $0x4;
	v12 =	vmov v3;
	v11 =	vmov v0;
	v4 =	vmov v2;
	[tilespmem:s30+$0x180] =	vst v6  }
0x17b: {  	v4 =	vmov s23;
	v5 =	vmov s25;
	v6 =	vmov s24  }
0x17c: {  	s1 =	simm.s32 $0x5;
	v7 =	vshrl.u32 v3, $0x3;
	v9 =	vshrl.u32 v0, $0x3;
	v6 =	vshrl.u32 v6, $0x3  }
0x17d: {  	v8 =	vmov s1;
	v4 =	vshrl.u32 v4, $0x3;
	v6 =	vshll.u32 v6, v1  }
0x17e: {  	s6 =	simm.s32 $0x9;
	v7 =	vshll.u32 v7, v1;
	v5 =	vshrl.u32 v5, $0x3;
	v6 =	vbroadcast v6, $0x0  }
0x17f: {  	v9 =	vshll.u32 v9, v1;
	v12 =	vmov s6;
	v7 =	vbroadcast v7, $0x0  }
0x180: {  	v8 =	vshrl.u32 v8, $0x3;
	v9 =	vbroadcast v9, $0x0;
	v10 =	vor.u32 v39, v6  }
0x181: {  	p4 =	por $0x1, $0x1;
	v4 =	vshll.u32 v4, v1;
	v5 =	vshll.u32 v5, v1;
	v13 =	vor.u32 v34, v7  }
.Ltmp13:
0x182: {  	v4 =	vbroadcast v4, $0x0;
	v5 =	vbroadcast v5, $0x0;
	v8 =	vshll.u32 v8, v1;
	(pc) =	sbr.rel @!p4 .LBB2_22-.Ltmp13, $4  }
0x183: {  	v11 =	vbroadcast v8, $0x0;
	v6 =	vor.u32 v35, v9;
	v9 =	vshll.u32 v2, v1  }
0x184: {  	s2 =	simm.s32 $0x7;
	v7 =	vor.u32 v36, v4;
	v4 =	vmov s26;
	v18 =	vbroadcast v9, $0x0  }
0x185: {  	s14 =	simm.s32 $0xA;
	s16 =	simm.s32 $0xC;
	s31 =	simm.s32 $0x10;
	v8 =	vor.u32 v37, v5;
	v5 =	vor.u32 s2, v40;
	v4 =	vshrl.u32 v4, $0x3;
	v17 =	vld.idx.msk [tilespmem:v10+s17+$0x0], $0xffff  }
0x186: {  	p3 =	por $0x1, $0x1;
	s1 =	simm.s32 $0xB;
	s6 =	simm.s32 $0xE;
	v9 =	vor.u32 v38, v11;
	v11 =	vmov s14;
	v18 =	vor.u32 v33, v18;
	v10 =	vld.idx.msk [tilespmem:v13+s17+$0x0], $0xffff  }
0x187: {  	_ =	sdelay $0x1  }
0x188: {  	v13 =	vmov s1  }
0x189: {  	v19 =	vmov s16;
	s16 =	simm.s32 $0xD;
	v20 =	vmov s6;
	v12 =	vshrl.u32 v12, $0x3  }
0x18a: {  	v6 =	vld.idx.msk [tilespmem:v6+s17+$0x0], $0xffff;
	v11 =	vshrl.u32 v11, $0x3;
	v4 =	vshll.u32 v4, v1;
	v21 =	vmov s16  }
0x18b: {  	v7 =	vld.idx.msk [tilespmem:v7+s17+$0x0], $0xffff;
	v20 =	vshrl.u32 v20, $0x3;
	v13 =	vshrl.u32 v13, $0x3;
	v12 =	vshll.u32 v12, v1  }
0x18c: {  	v8 =	vld.idx.msk [tilespmem:v8+s17+$0x0], $0xffff;
	v19 =	vshrl.u32 v19, $0x3;
	v20 =	vshll.u32 v20, v1;
	v12 =	vbroadcast v12, $0x0  }
0x18d: {  	v9 =	vld.idx.msk [tilespmem:v9+s17+$0x0], $0xffff;
	v11 =	vshll.u32 v11, v1;
	v21 =	vshrl.u32 v21, $0x3;
	v20 =	vbroadcast v20, $0x0;
	[tilespmem:s28+$0x100] =	vst v17  }
0x18e: {  	v18 =	vld.idx.msk [tilespmem:v18+s17+$0x0], $0xffff;
	v11 =	vbroadcast v11, $0x0;
	v13 =	vshll.u32 v13, v1;
	[tilespmem:s28+$0xFFFFFE80] =	vst v10;
	v10 =	vor.u32 v34, v12  }
0x18f: {  	p5 =	por $0x1, $0x1;
	v12 =	vshll.u32 v19, v1;
	v17 =	vor.u32 v39, v20;
	v20 =	vld.idx.msk [tilespmem:v5+s17+$0x0], $0xffff;
	v5 =	vbroadcast v13, $0x0;
	[tilespmem:s28+$0xFFFFFF00] =	vst v6  }
.Ltmp14:
0x190: {  	v6 =	vor.u32 v35, v11;
	v11 =	vbroadcast v12, $0x0;
	v12 =	vshll.u32 v21, v1;
	[tilespmem:s28+$0xFFFFFF80] =	vst v7;
	(pc) =	sbr.rel @!p5 .LBB2_24-.Ltmp14, $4  }
0x191: {  	[tilespmem:s28+$0x0] =	vst v8;
	v13 =	vbroadcast v4, $0x0;
	v7 =	vor.u32 v36, v5;
	v5 =	vbroadcast v12, $0x0  }
0x192: {  	s2 =	simm.s32 $0xF;
	s14 =	simm.s32 $0x11;
	s30 =	simm.s32 $0x12;
	[tilespmem:s28+$0x80] =	vst v9;
	v12 =	vmov s31;
	v8 =	vor.u32 v37, v11  }
0x193: {  	s1 =	simm.s32 $0x13;
	s6 =	simm.s32 $0x16;
	p4 =	por $0x1, $0x1;
	[tilespmem:s28+$0xFFFFFE00] =	vst v18;
	v11 =	vmov s30;
	v18 =	vor.u32 v33, v13;
	v9 =	vor.u32 v38, v5;
	v10 =	vld.idx.msk [tilespmem:v10+s17+$0x0], $0xffff  }
0x194: {  	s16 =	simm.s32 $0x14;
	s30 =	simm.s32 $0x18;
	v4 =	vshrl.u32 v12, $0x3;
	v12 =	vmov s14;
	v5 =	vor.u32 s2, v40;
	s2 =	simm.s32 $0x6A40;
	v17 =	vld.idx.msk [tilespmem:v17+s17+$0x0], $0xffff;
	[tilespmem:s28+$0x180] =	vst v20  }
.LBB2_25:
0x195: {  	p5 =	slt.u32 s30, $0x38;
	v13 =	vmov s1;
	v19 =	vmov s16;
	s1 =	sadd.s32 $0x5, s31;
	v20 =	vmov s6;
	v6 =	vld.idx.msk [tilespmem:v6+s17+$0x0], $0xffff  }
0x196: {  	v12 =	vshrl.u32 v12, $0x3;
	v21 =	vmov s1;
	v20 =	vshrl.u32 v20, $0x3;
	v7 =	vld.idx.msk [tilespmem:v7+s17+$0x0], $0xffff  }
0x197: {  	v11 =	vshrl.u32 v11, $0x3;
	v13 =	vshrl.u32 v13, $0x3;
	v20 =	vshll.u32 v20, v1;
	v8 =	vld.idx.msk [tilespmem:v8+s17+$0x0], $0xffff  }
0x198: {  	s2 =	sadd.s32 $0x400, s2;
	v12 =	vshll.u32 v12, v1;
	v19 =	vshrl.u32 v19, $0x3;
	v20 =	vbroadcast v20, $0x0;
	v9 =	vld.idx.msk [tilespmem:v9+s17+$0x0], $0xffff  }
0x199: {  	v11 =	vshll.u32 v11, v1;
	v12 =	vbroadcast v12, $0x0;
	v21 =	vshrl.u32 v21, $0x3;
	v18 =	vld.idx.msk [tilespmem:v18+s17+$0x0], $0xffff;
	[tilespmem:s2+$0x100] =	vst v17  }
0x19a: {  	v11 =	vbroadcast v11, $0x0;
	v13 =	vshll.u32 v13, v1;
	v17 =	vor.u32 v39, v20;
	[tilespmem:s2+$0xFFFFFE80] =	vst v10;
	v20 =	vld.idx.msk [tilespmem:v5+s17+$0x0], $0xffff  }
0x19b: {  	v10 =	vor.u32 v34, v12;
	v5 =	vbroadcast v13, $0x0;
	v12 =	vshll.u32 v19, v1;
	[tilespmem:s2+$0xFFFFFF00] =	vst v6  }
.Ltmp15:
0x19c: {  	v6 =	vor.u32 v35, v11;
	v11 =	vbroadcast v12, $0x0;
	v12 =	vshll.u32 v21, v1;
	[tilespmem:s2+$0xFFFFFF80] =	vst v7;
	(pc) =	sbr.rel @p5 .LBB2_25-.Ltmp15, $4  }
0x19d: {  	v4 =	vshll.u32 v4, v1;
	v7 =	vor.u32 v36, v5;
	v5 =	vbroadcast v12, $0x0;
	[tilespmem:s2+$0x0] =	vst v8  }
0x19e: {  	s6 =	sadd.s32 $0x7, s31;
	s31 =	smov.u32 s30;
	v13 =	vbroadcast v4, $0x0;
	v12 =	vmov s30;
	v8 =	vor.u32 v37, v11;
	[tilespmem:s2+$0x80] =	vst v9  }
0x19f: {  	s14 =	sadd.s32 $0x1, s30;
	s16 =	sadd.s32 $0x2, s30;
	s1 =	sadd.s32 $0x3, s30;
	v4 =	vshrl.u32 v12, $0x3;
	v9 =	vor.u32 v38, v5;
	v5 =	vor.u32 s6, v40;
	v17 =	vld.idx.msk [tilespmem:v17+s17+$0x0], $0xffff;
	[tilespmem:s2+$0xFFFFFE00] =	vst v18  }
0x1a0: {  	s30 =	sadd.s32 $0x8, s30;
	v12 =	vmov s14;
	v11 =	vmov s16;
	s16 =	sadd.s32 $0x4, s31;
	s6 =	sadd.s32 $0x6, s31;
	v18 =	vor.u32 v33, v13;
	v10 =	vld.idx.msk [tilespmem:v10+s17+$0x0], $0xffff;
	[tilespmem:s2+$0x180] =	vst v20  }
.LBB2_26:
0x1a1: {  	v13 =	vmov s1;
	v19 =	vmov s16  }
0x1a2: {  	s16 =	sadd.s32 $0x5, s31;
	v20 =	vmov s6;
	v12 =	vshrl.u32 v12, $0x3;
	v11 =	vshrl.u32 v11, $0x3  }
0x1a3: {  	v4 =	vshll.u32 v4, v1;
	v21 =	vmov s16;
	v20 =	vshrl.u32 v20, $0x3  }
0x1a4: {  	v13 =	vshrl.u32 v13, $0x3;
	v11 =	vshll.u32 v11, v1;
	v4 =	vbroadcast v4, $0x0  }
0x1a5: {  	v6 =	vld.idx.msk @p3 [tilespmem:v6+s17+$0x0], $0xffff;
	v12 =	vshll.u32 v12, v1;
	v20 =	vshll.u32 v20, v1;
	v11 =	vbroadcast v11, $0x0  }
0x1a6: {  	v7 =	vld.idx.msk @p3 [tilespmem:v7+s17+$0x0], $0xffff;
	s1 =	sadd.s32 @p4 $0x400, s2;
	s2 =	simm.s32 $0x6A40;
	v19 =	vshrl.u32 v19, $0x3;
	v20 =	vbroadcast v20, $0x0;
	v4 =	vor.u32 v33, v4  }
0x1a7: {  	v8 =	vld.idx.msk @p3 [tilespmem:v8+s17+$0x0], $0xffff;
	s2 =	smov.u32 @p4 s1;
	v12 =	vbroadcast v12, $0x0;
	v13 =	vshll.u32 v13, v1;
	v11 =	vor.u32 v35, v11  }
0x1a8: {  	v9 =	vld.idx.msk @p3 [tilespmem:v9+s17+$0x0], $0xffff;
	v19 =	vshll.u32 v19, v1;
	v13 =	vbroadcast v13, $0x0;
	[tilespmem:s2+$0x100] =	vst @p3 v17;
	v20 =	vor.u32 v39, v20  }
0x1a9: {  	v18 =	vld.idx.msk @p3 [tilespmem:v18+s17+$0x0], $0xffff;
	v21 =	vshrl.u32 v21, $0x3;
	v17 =	vbroadcast v19, $0x0;
	v12 =	vor.u32 v34, v12;
	[tilespmem:s2+$0xFFFFFE80] =	vst @p3 v10  }
0x1aa: {  	v5 =	vld.idx.msk @p3 [tilespmem:v5+s17+$0x0], $0xffff;
	v21 =	vshll.u32 v21, v1;
	v22 =	vor.u32 v36, v13;
	[tilespmem:s2+$0xFFFFFF00] =	vst @p3 v6  }
0x1ab: {  	s31 =	sadd.s32 $0x7, s31;
	v13 =	vbroadcast v21, $0x0;
	v23 =	vor.u32 v37, v17;
	[tilespmem:s2+$0xFFFFFF80] =	vst @p3 v7;
	v4 =	vld.idx.msk [tilespmem:v4+s17+$0x0], $0xffff  }
0x1ac: {  	[tilespmem:s2+$0x0] =	vst @p3 v8;
	v21 =	vor.u32 s31, v40;
	v11 =	vld.idx.msk [tilespmem:v11+s17+$0x0], $0xffff  }
0x1ad: {  	[tilespmem:s2+$0x80] =	vst @p3 v9;
	v19 =	vor.u32 v38, v13;
	v13 =	vld.idx.msk [tilespmem:v20+s17+$0x0], $0xffff  }
0x1ae: {  	s1 =	sadd.s32 @p3 $0x400, s2;
	[tilespmem:s2+$0xFFFFFE00] =	vst @p3 v18;
	v20 =	vld.idx.msk [tilespmem:v12+s17+$0x0], $0xffff  }
0x1af: {  	s28 =	smov.u32 @p3 s1;
	[tilespmem:s2+$0x180] =	vst @p3 v5;
	v10 =	vld.idx.msk [tilespmem:v22+s17+$0x0], $0xffff  }
0x1b0: {  	v5 =	vld.idx.msk [tilespmem:v23+s17+$0x0], $0xffff;
	[tilespmem:s28+$0xFFFFFE00] =	vst v4  }
0x1b1: {  	v23 =	vld.idx.msk [tilespmem:v21+s17+$0x0], $0xffff;
	[tilespmem:s28+$0xFFFFFF00] =	vst v11  }
0x1b2: {  	v22 =	vld.idx.msk [tilespmem:v19+s17+$0x0], $0xffff;
	[tilespmem:s28+$0x100] =	vst v13  }
.Ltmp16:
0x1b3: {  	[tilespmem:s28+$0xFFFFFE80] =	vst v20;
	(pc) =	sbr.rel @!p2 .LBB2_27-.Ltmp16, $4  }
0x1b4: {  	[tilespmem:s28+$0xFFFFFF80] =	vst v10  }
0x1b5: {  	[tilespmem:s28+$0x0] =	vst v5  }
0x1b6: {  	[tilespmem:s28+$0x180] =	vst v23  }
0x1b7: {  	s30 =	simm.s32 $0x6A50;
	[tilespmem:s28+$0x80] =	vst v22  }
0x1b8: {  	v4 =	vmov s23;
	v5 =	vmov s25;
	v6 =	vmov s24  }
0x1b9: {  	s1 =	simm.s32 $0x5;
	v3 =	vshrl.u32 v3, $0x3;
	v0 =	vshrl.u32 v0, $0x3;
	v2 =	vshll.u32 v2, v1  }
0x1ba: {  	v7 =	vmov s1;
	v6 =	vshrl.u32 v6, $0x3;
	v3 =	vshll.u32 v3, v1  }
0x1bb: {  	v4 =	vshrl.u32 v4, $0x3;
	v6 =	vshll.u32 v6, v1;
	v3 =	vbroadcast v3, $0x0  }
0x1bc: {  	v5 =	vshrl.u32 v5, $0x3;
	v0 =	vshll.u32 v0, v1;
	v6 =	vbroadcast v6, $0x0  }
0x1bd: {  	v11 =	vbroadcast v2, $0x0;
	v7 =	vshrl.u32 v7, $0x3;
	v10 =	vor.u32 v42, v3  }
0x1be: {  	p3 =	por $0x1, $0x1;
	v0 =	vbroadcast v0, $0x0;
	v4 =	vshll.u32 v4, v1;
	v8 =	vor.u32 v47, v6  }
.Ltmp17:
0x1bf: {  	v11 =	vor.u32 v41, v11;
	v3 =	vbroadcast v4, $0x0;
	v4 =	vshll.u32 v5, v1;
	(pc) =	sbr.rel @!p3 .LBB2_29-.Ltmp17, $4  }
0x1c0: {  	v5 =	vor.u32 v43, v0;
	v0 =	vbroadcast v4, $0x0;
	v4 =	vshll.u32 v7, v1  }
0x1c1: {  	s31 =	simm.s32 $0x7;
	s2 =	simm.s32 $0x9;
	v6 =	vor.u32 v44, v3;
	v3 =	vbroadcast v4, $0x0;
	v4 =	vmov s26  }
0x1c2: {  	s6 =	simm.s32 $0xA;
	s23 =	simm.s32 $0xB;
	s25 =	simm.s32 $0xC;
	v7 =	vor.u32 v45, v0;
	v2 =	vshrl.u32 v4, $0x3;
	v4 =	vor.u32 s31, v48;
	v10 =	vld.idx.msk [tilespmem:v10+s17+$0x0], $0xffff  }
0x1c3: {  	s24 =	simm.s32 $0xE;
	s22 =	simm.s32 $0x10;
	p2 =	por $0x1, $0x1;
	v0 =	vmov s6;
	v9 =	vor.u32 v46, v3;
	v3 =	vmov s2;
	v8 =	vld.idx.msk [tilespmem:v8+s17+$0x0], $0xffff  }
0x1c4: {  	_ =	sdelay $0x2  }
0x1c5: {  	v12 =	vmov s23;
	v13 =	vmov s25;
	s1 =	simm.s32 $0xD;
	v17 =	vmov s24  }
0x1c6: {  	v5 =	vld.idx.msk [tilespmem:v5+s17+$0x0], $0xffff;
	v3 =	vshrl.u32 v3, $0x3;
	v0 =	vshrl.u32 v0, $0x3;
	v18 =	vmov s1  }
0x1c7: {  	v6 =	vld.idx.msk [tilespmem:v6+s17+$0x0], $0xffff;
	v17 =	vshrl.u32 v17, $0x3;
	v12 =	vshrl.u32 v12, $0x3;
	v3 =	vshll.u32 v3, v1  }
0x1c8: {  	v7 =	vld.idx.msk [tilespmem:v7+s17+$0x0], $0xffff;
	v13 =	vshrl.u32 v13, $0x3;
	v17 =	vshll.u32 v17, v1;
	v3 =	vbroadcast v3, $0x0  }
0x1c9: {  	v9 =	vld.idx.msk [tilespmem:v9+s17+$0x0], $0xffff;
	v0 =	vshll.u32 v0, v1;
	v18 =	vshrl.u32 v18, $0x3;
	v17 =	vbroadcast v17, $0x0;
	[tilespmem:s30+$0xFFFFFE80] =	vst v10  }
0x1ca: {  	v11 =	vld.idx.msk [tilespmem:v11+s17+$0x0], $0xffff;
	v0 =	vbroadcast v0, $0x0;
	[tilespmem:s30+$0x100] =	vst v8;
	v8 =	vshll.u32 v12, v1;
	v10 =	vor.u32 v42, v3  }
0x1cb: {  	p3 =	por $0x1, $0x1;
	v12 =	vor.u32 v47, v17;
	v17 =	vld.idx.msk [tilespmem:v4+s17+$0x0], $0xffff;
	v3 =	vbroadcast v8, $0x0;
	v4 =	vshll.u32 v13, v1;
	[tilespmem:s30+$0xFFFFFF00] =	vst v5  }
.Ltmp18:
0x1cc: {  	v5 =	vor.u32 v43, v0;
	[tilespmem:s30+$0xFFFFFF80] =	vst v6;
	v0 =	vbroadcast v4, $0x0;
	v4 =	vshll.u32 v18, v1;
	(pc) =	sbr.rel @!p3 .LBB2_31-.Ltmp18, $4  }
0x1cd: {  	v2 =	vshll.u32 v2, v1;
	[tilespmem:s30+$0x0] =	vst v7;
	v6 =	vor.u32 v44, v3;
	v3 =	vbroadcast v4, $0x0  }
0x1ce: {  	s31 =	simm.s32 $0xF;
	s2 =	simm.s32 $0x11;
	s6 =	simm.s32 $0x12;
	v13 =	vbroadcast v2, $0x0;
	[tilespmem:s30+$0x80] =	vst v9;
	v4 =	vmov s22;
	v7 =	vor.u32 v45, v0  }
0x1cf: {  	s23 =	simm.s32 $0x13;
	s25 =	simm.s32 $0x14;
	s24 =	simm.s32 $0x16;
	[tilespmem:s30+$0xFFFFFE00] =	vst v11;
	v2 =	vshrl.u32 v4, $0x3;
	v4 =	vor.u32 s31, v48;
	v9 =	vor.u32 v46, v3;
	v10 =	vld.idx.msk [tilespmem:v10+s17+$0x0], $0xffff  }
0x1d0: {  	s26 =	simm.s32 $0x18;
	p1 =	por $0x1, $0x1;
	v11 =	vor.u32 v41, v13;
	v0 =	vmov s6;
	v3 =	vmov s2;
	s2 =	simm.s32 $0x6A50;
	v8 =	vld.idx.msk [tilespmem:v12+s17+$0x0], $0xffff;
	[tilespmem:s30+$0x180] =	vst v17  }
.LBB2_32:
0x1d1: {  	p3 =	slt.u32 s26, $0x38;
	v12 =	vmov s23;
	v13 =	vmov s25;
	s1 =	sadd.s32 $0x5, s22;
	v17 =	vmov s24;
	v5 =	vld.idx.msk [tilespmem:v5+s17+$0x0], $0xffff  }
0x1d2: {  	v3 =	vshrl.u32 v3, $0x3;
	v18 =	vmov s1;
	v17 =	vshrl.u32 v17, $0x3;
	v6 =	vld.idx.msk [tilespmem:v6+s17+$0x0], $0xffff  }
0x1d3: {  	v0 =	vshrl.u32 v0, $0x3;
	v12 =	vshrl.u32 v12, $0x3;
	v17 =	vshll.u32 v17, v1;
	v7 =	vld.idx.msk [tilespmem:v7+s17+$0x0], $0xffff  }
0x1d4: {  	s2 =	sadd.s32 $0x400, s2;
	v3 =	vshll.u32 v3, v1;
	v13 =	vshrl.u32 v13, $0x3;
	v17 =	vbroadcast v17, $0x0;
	v9 =	vld.idx.msk [tilespmem:v9+s17+$0x0], $0xffff  }
0x1d5: {  	v0 =	vshll.u32 v0, v1;
	v3 =	vbroadcast v3, $0x0;
	v18 =	vshrl.u32 v18, $0x3;
	v11 =	vld.idx.msk [tilespmem:v11+s17+$0x0], $0xffff;
	[tilespmem:s2+$0x100] =	vst v8  }
0x1d6: {  	v0 =	vbroadcast v0, $0x0;
	v8 =	vshll.u32 v12, v1;
	v12 =	vor.u32 v47, v17;
	[tilespmem:s2+$0xFFFFFE80] =	vst v10;
	v17 =	vld.idx.msk [tilespmem:v4+s17+$0x0], $0xffff  }
0x1d7: {  	v10 =	vor.u32 v42, v3;
	v3 =	vbroadcast v8, $0x0;
	v4 =	vshll.u32 v13, v1;
	[tilespmem:s2+$0xFFFFFF00] =	vst v5  }
.Ltmp19:
0x1d8: {  	v5 =	vor.u32 v43, v0;
	v0 =	vbroadcast v4, $0x0;
	v4 =	vshll.u32 v18, v1;
	[tilespmem:s2+$0xFFFFFF80] =	vst v6;
	(pc) =	sbr.rel @p3 .LBB2_32-.Ltmp19, $4  }
0x1d9: {  	v2 =	vshll.u32 v2, v1;
	v6 =	vor.u32 v44, v3;
	v3 =	vbroadcast v4, $0x0;
	[tilespmem:s2+$0x0] =	vst v7  }
0x1da: {  	s1 =	sadd.s32 $0x7, s22;
	s22 =	smov.u32 s26;
	v13 =	vbroadcast v2, $0x0;
	v4 =	vmov s26;
	v7 =	vor.u32 v45, v0;
	[tilespmem:s2+$0x80] =	vst v9  }
0x1db: {  	s6 =	sadd.s32 $0x1, s26;
	s14 =	sadd.s32 $0x2, s26;
	s23 =	sadd.s32 $0x3, s26;
	v2 =	vshrl.u32 v4, $0x3;
	v4 =	vor.u32 s1, v48;
	v9 =	vor.u32 v46, v3;
	v8 =	vld.idx.msk [tilespmem:v12+s17+$0x0], $0xffff;
	[tilespmem:s2+$0xFFFFFE00] =	vst v11  }
0x1dc: {  	s25 =	sadd.s32 $0x4, s22;
	s24 =	sadd.s32 $0x6, s22;
	s26 =	sadd.s32 $0x8, s26;
	v0 =	vmov s14;
	v3 =	vmov s6;
	v11 =	vor.u32 v41, v13;
	v10 =	vld.idx.msk [tilespmem:v10+s17+$0x0], $0xffff;
	[tilespmem:s2+$0x180] =	vst v17  }
.LBB2_33:
0x1dd: {  	v12 =	vmov s23;
	v13 =	vmov s25;
	v17 =	vmov s24  }
0x1de: {  	s1 =	sadd.s32 $0x5, s22;
	v3 =	vshrl.u32 v3, $0x3;
	v0 =	vshrl.u32 v0, $0x3;
	v2 =	vshll.u32 v2, v1  }
0x1df: {  	v18 =	vmov s1;
	v17 =	vshrl.u32 v17, $0x3;
	v12 =	vshrl.u32 v12, $0x3  }
0x1e0: {  	v3 =	vshll.u32 v3, v1;
	v13 =	vshrl.u32 v13, $0x3;
	v2 =	vbroadcast v2, $0x0  }
0x1e1: {  	v5 =	vld.idx.msk @p2 [tilespmem:v5+s17+$0x0], $0xffff;
	v0 =	vshll.u32 v0, v1;
	v17 =	vshll.u32 v17, v1;
	v3 =	vbroadcast v3, $0x0  }
0x1e2: {  	v6 =	vld.idx.msk @p2 [tilespmem:v6+s17+$0x0], $0xffff;
	s1 =	sadd.s32 @p1 $0x400, s2;
	s2 =	simm.s32 $0x6A50;
	v18 =	vshrl.u32 v18, $0x3;
	v0 =	vbroadcast v0, $0x0;
	v2 =	vor.u32 v41, v2  }
0x1e3: {  	v7 =	vld.idx.msk @p2 [tilespmem:v7+s17+$0x0], $0xffff;
	v12 =	vshll.u32 v12, v1;
	s2 =	smov.u32 @p1 s1;
	v17 =	vbroadcast v17, $0x0;
	v3 =	vor.u32 v42, v3  }
0x1e4: {  	v9 =	vld.idx.msk @p2 [tilespmem:v9+s17+$0x0], $0xffff;
	v13 =	vshll.u32 v13, v1;
	v12 =	vbroadcast v12, $0x0;
	[tilespmem:s2+$0x100] =	vst @p2 v8;
	v0 =	vor.u32 v43, v0  }
0x1e5: {  	v11 =	vld.idx.msk @p2 [tilespmem:v11+s17+$0x0], $0xffff;
	v8 =	vbroadcast v13, $0x0;
	v13 =	vshll.u32 v18, v1;
	[tilespmem:s2+$0xFFFFFE80] =	vst @p2 v10;
	v17 =	vor.u32 v47, v17  }
0x1e6: {  	v4 =	vld.idx.msk @p2 [tilespmem:v4+s17+$0x0], $0xffff;
	v10 =	vor.u32 v44, v12;
	v12 =	vbroadcast v13, $0x0;
	[tilespmem:s2+$0xFFFFFF00] =	vst @p2 v5  }
0x1e7: {  	v5 =	vor.u32 v45, v8;
	[tilespmem:s2+$0xFFFFFF80] =	vst @p2 v6;
	v2 =	vld.idx.msk [tilespmem:v2+s17+$0x0], $0xffff  }
0x1e8: {  	s14 =	sadd.s32 $0x7, s22;
	[tilespmem:s2+$0x0] =	vst @p2 v7;
	v6 =	vor.u32 v46, v12;
	v3 =	vld.idx.msk [tilespmem:v3+s17+$0x0], $0xffff  }
0x1e9: {  	[tilespmem:s2+$0x80] =	vst @p2 v9;
	v7 =	vor.u32 s14, v48;
	v0 =	vld.idx.msk [tilespmem:v0+s17+$0x0], $0xffff  }
0x1ea: {  	s1 =	sadd.s32 @p2 $0x400, s2;
	[tilespmem:s2+$0xFFFFFE00] =	vst @p2 v11;
	v8 =	vld.idx.msk [tilespmem:v17+s17+$0x0], $0xffff  }
0x1eb: {  	s30 =	smov.u32 @p2 s1;
	[tilespmem:s2+$0x180] =	vst @p2 v4;
	v9 =	vld.idx.msk [tilespmem:v10+s17+$0x0], $0xffff  }
0x1ec: {  	v4 =	vld.idx.msk [tilespmem:v5+s17+$0x0], $0xffff;
	[tilespmem:s30+$0xFFFFFE00] =	vst v2  }
0x1ed: {  	v5 =	vld.idx.msk [tilespmem:v6+s17+$0x0], $0xffff;
	[tilespmem:s30+$0xFFFFFE80] =	vst v3  }
0x1ee: {  	s22 =	simm.s32 $0x0;
	s28 =	simm.s32 $0x6A60;
	p2 =	por $0x1, $0x1;
	v6 =	vld.idx.msk [tilespmem:v7+s17+$0x0], $0xffff;
	[tilespmem:s30+$0xFFFFFF00] =	vst v0  }
.Ltmp20:
0x1ef: {  	s15 =	simm.s32 $0x1;
	s16 =	simm.s32 $0x2;
	[tilespmem:s30+$0x100] =	vst v8;
	(pc) =	sbr.rel @!p2 .LBB2_39-.Ltmp20, $4  }
0x1f0: {  	s23 =	simm.s32 $0x3;
	s24 =	simm.s32 $0x4;
	s25 =	simm.s32 $0x6;
	[tilespmem:s30+$0xFFFFFF80] =	vst v9  }
0x1f1: {  	s26 =	simm.s32 $0x8;
	p3 =	por $0x0, $0x0;
	s31 =	simm.s32 $0x0;
	v0 =	vmov s22;
	[tilespmem:s30+$0x0] =	vst v4  }
0x1f2: {  	s6 =	simm.s32 $0x6;
	p4 =	por $0x0, $0x0;
	p1 =	por $0x0, $0x0;
	v2 =	vmov s16;
	v3 =	vmov s15;
	v0 =	vshrl.u32 v0, $0x3;
	[tilespmem:s30+$0x80] =	vst v5  }
0x1f3: {  	s1 =	simm.s32 $0x3;
	s2 =	simm.s32 $0x6A60;
	s16 =	simm.s32 $0x4;
	v11 =	vmov v2;
	v12 =	vmov v3;
	v4 =	vmov v0;
	[tilespmem:s30+$0x180] =	vst v6  }
0x1f4: {  	v4 =	vmov s23;
	v5 =	vmov s24;
	v6 =	vmov s25  }
0x1f5: {  	s1 =	simm.s32 $0x5;
	v7 =	vshrl.u32 v3, $0x3;
	v9 =	vshrl.u32 v2, $0x3;
	v6 =	vshrl.u32 v6, $0x3  }
0x1f6: {  	v8 =	vmov s1;
	v4 =	vshrl.u32 v4, $0x3;
	v6 =	vshll.u32 v6, v1  }
0x1f7: {  	s6 =	simm.s32 $0x9;
	v7 =	vshll.u32 v7, v1;
	v5 =	vshrl.u32 v5, $0x3;
	v6 =	vbroadcast v6, $0x0  }
0x1f8: {  	v9 =	vshll.u32 v9, v1;
	v12 =	vmov s6;
	v7 =	vbroadcast v7, $0x0  }
0x1f9: {  	v8 =	vshrl.u32 v8, $0x3;
	v9 =	vbroadcast v9, $0x0;
	v10 =	vor.u32 v55, v6  }
0x1fa: {  	p4 =	por $0x1, $0x1;
	v4 =	vshll.u32 v4, v1;
	v5 =	vshll.u32 v5, v1;
	v13 =	vor.u32 v50, v7  }
.Ltmp21:
0x1fb: {  	v4 =	vbroadcast v4, $0x0;
	v5 =	vbroadcast v5, $0x0;
	v8 =	vshll.u32 v8, v1;
	(pc) =	sbr.rel @!p4 .LBB2_35-.Ltmp21, $4  }
0x1fc: {  	v11 =	vbroadcast v8, $0x0;
	v6 =	vor.u32 v51, v9;
	v9 =	vshll.u32 v0, v1  }
0x1fd: {  	s2 =	simm.s32 $0x7;
	v7 =	vor.u32 v52, v4;
	v4 =	vmov s26;
	v18 =	vbroadcast v9, $0x0  }
0x1fe: {  	s14 =	simm.s32 $0xA;
	s16 =	simm.s32 $0xC;
	s31 =	simm.s32 $0x10;
	v8 =	vor.u32 v53, v5;
	v5 =	vor.u32 s2, v56;
	v4 =	vshrl.u32 v4, $0x3;
	v17 =	vld.idx.msk [tilespmem:v10+s17+$0x0], $0xffff  }
0x1ff: {  	p3 =	por $0x1, $0x1;
	s1 =	simm.s32 $0xB;
	s6 =	simm.s32 $0xE;
	v9 =	vor.u32 v54, v11;
	v11 =	vmov s14;
	v18 =	vor.u32 v49, v18;
	v10 =	vld.idx.msk [tilespmem:v13+s17+$0x0], $0xffff  }
0x200: {  	_ =	sdelay $0x1  }
0x201: {  	v13 =	vmov s1  }
0x202: {  	v19 =	vmov s16;
	s16 =	simm.s32 $0xD;
	v20 =	vmov s6;
	v12 =	vshrl.u32 v12, $0x3  }
0x203: {  	v6 =	vld.idx.msk [tilespmem:v6+s17+$0x0], $0xffff;
	v11 =	vshrl.u32 v11, $0x3;
	v4 =	vshll.u32 v4, v1;
	v21 =	vmov s16  }
0x204: {  	v7 =	vld.idx.msk [tilespmem:v7+s17+$0x0], $0xffff;
	v20 =	vshrl.u32 v20, $0x3;
	v13 =	vshrl.u32 v13, $0x3;
	v12 =	vshll.u32 v12, v1  }
0x205: {  	v8 =	vld.idx.msk [tilespmem:v8+s17+$0x0], $0xffff;
	v19 =	vshrl.u32 v19, $0x3;
	v20 =	vshll.u32 v20, v1;
	v12 =	vbroadcast v12, $0x0  }
0x206: {  	v9 =	vld.idx.msk [tilespmem:v9+s17+$0x0], $0xffff;
	v11 =	vshll.u32 v11, v1;
	v21 =	vshrl.u32 v21, $0x3;
	v20 =	vbroadcast v20, $0x0;
	[tilespmem:s28+$0x100] =	vst v17  }
0x207: {  	v18 =	vld.idx.msk [tilespmem:v18+s17+$0x0], $0xffff;
	v11 =	vbroadcast v11, $0x0;
	v13 =	vshll.u32 v13, v1;
	[tilespmem:s28+$0xFFFFFE80] =	vst v10;
	v10 =	vor.u32 v50, v12  }
0x208: {  	p5 =	por $0x1, $0x1;
	v12 =	vshll.u32 v19, v1;
	v17 =	vor.u32 v55, v20;
	v20 =	vld.idx.msk [tilespmem:v5+s17+$0x0], $0xffff;
	v5 =	vbroadcast v13, $0x0;
	[tilespmem:s28+$0xFFFFFF00] =	vst v6  }
.Ltmp22:
0x209: {  	v6 =	vor.u32 v51, v11;
	v11 =	vbroadcast v12, $0x0;
	v12 =	vshll.u32 v21, v1;
	[tilespmem:s28+$0xFFFFFF80] =	vst v7;
	(pc) =	sbr.rel @!p5 .LBB2_37-.Ltmp22, $4  }
0x20a: {  	[tilespmem:s28+$0x0] =	vst v8;
	v13 =	vbroadcast v4, $0x0;
	v7 =	vor.u32 v52, v5;
	v5 =	vbroadcast v12, $0x0  }
0x20b: {  	s2 =	simm.s32 $0xF;
	s14 =	simm.s32 $0x11;
	s30 =	simm.s32 $0x12;
	[tilespmem:s28+$0x80] =	vst v9;
	v12 =	vmov s31;
	v8 =	vor.u32 v53, v11  }
0x20c: {  	s1 =	simm.s32 $0x13;
	s6 =	simm.s32 $0x16;
	p4 =	por $0x1, $0x1;
	[tilespmem:s28+$0xFFFFFE00] =	vst v18;
	v11 =	vmov s30;
	v18 =	vor.u32 v49, v13;
	v9 =	vor.u32 v54, v5;
	v10 =	vld.idx.msk [tilespmem:v10+s17+$0x0], $0xffff  }
0x20d: {  	s16 =	simm.s32 $0x14;
	s30 =	simm.s32 $0x18;
	v4 =	vshrl.u32 v12, $0x3;
	v12 =	vmov s14;
	v5 =	vor.u32 s2, v56;
	s2 =	simm.s32 $0x6A60;
	v17 =	vld.idx.msk [tilespmem:v17+s17+$0x0], $0xffff;
	[tilespmem:s28+$0x180] =	vst v20  }
.LBB2_38:
0x20e: {  	p5 =	slt.u32 s30, $0x38;
	v13 =	vmov s1;
	v19 =	vmov s16;
	s1 =	sadd.s32 $0x5, s31;
	v20 =	vmov s6;
	v6 =	vld.idx.msk [tilespmem:v6+s17+$0x0], $0xffff  }
0x20f: {  	v12 =	vshrl.u32 v12, $0x3;
	v21 =	vmov s1;
	v20 =	vshrl.u32 v20, $0x3;
	v7 =	vld.idx.msk [tilespmem:v7+s17+$0x0], $0xffff  }
0x210: {  	v11 =	vshrl.u32 v11, $0x3;
	v13 =	vshrl.u32 v13, $0x3;
	v20 =	vshll.u32 v20, v1;
	v8 =	vld.idx.msk [tilespmem:v8+s17+$0x0], $0xffff  }
0x211: {  	s2 =	sadd.s32 $0x400, s2;
	v12 =	vshll.u32 v12, v1;
	v19 =	vshrl.u32 v19, $0x3;
	v20 =	vbroadcast v20, $0x0;
	v9 =	vld.idx.msk [tilespmem:v9+s17+$0x0], $0xffff  }
0x212: {  	v11 =	vshll.u32 v11, v1;
	v12 =	vbroadcast v12, $0x0;
	v21 =	vshrl.u32 v21, $0x3;
	v18 =	vld.idx.msk [tilespmem:v18+s17+$0x0], $0xffff;
	[tilespmem:s2+$0x100] =	vst v17  }
0x213: {  	v11 =	vbroadcast v11, $0x0;
	v13 =	vshll.u32 v13, v1;
	v17 =	vor.u32 v55, v20;
	[tilespmem:s2+$0xFFFFFE80] =	vst v10;
	v20 =	vld.idx.msk [tilespmem:v5+s17+$0x0], $0xffff  }
0x214: {  	v10 =	vor.u32 v50, v12;
	v5 =	vbroadcast v13, $0x0;
	v12 =	vshll.u32 v19, v1;
	[tilespmem:s2+$0xFFFFFF00] =	vst v6  }
.Ltmp23:
0x215: {  	v6 =	vor.u32 v51, v11;
	v11 =	vbroadcast v12, $0x0;
	v12 =	vshll.u32 v21, v1;
	[tilespmem:s2+$0xFFFFFF80] =	vst v7;
	(pc) =	sbr.rel @p5 .LBB2_38-.Ltmp23, $4  }
0x216: {  	v4 =	vshll.u32 v4, v1;
	v7 =	vor.u32 v52, v5;
	v5 =	vbroadcast v12, $0x0;
	[tilespmem:s2+$0x0] =	vst v8  }
0x217: {  	s6 =	sadd.s32 $0x7, s31;
	s31 =	smov.u32 s30;
	v13 =	vbroadcast v4, $0x0;
	v12 =	vmov s30;
	v8 =	vor.u32 v53, v11;
	[tilespmem:s2+$0x80] =	vst v9  }
0x218: {  	s14 =	sadd.s32 $0x1, s30;
	s16 =	sadd.s32 $0x2, s30;
	s1 =	sadd.s32 $0x3, s30;
	v4 =	vshrl.u32 v12, $0x3;
	v9 =	vor.u32 v54, v5;
	v5 =	vor.u32 s6, v56;
	v17 =	vld.idx.msk [tilespmem:v17+s17+$0x0], $0xffff;
	[tilespmem:s2+$0xFFFFFE00] =	vst v18  }
0x219: {  	s30 =	sadd.s32 $0x8, s30;
	v12 =	vmov s14;
	v11 =	vmov s16;
	s16 =	sadd.s32 $0x4, s31;
	s6 =	sadd.s32 $0x6, s31;
	v18 =	vor.u32 v49, v13;
	v10 =	vld.idx.msk [tilespmem:v10+s17+$0x0], $0xffff;
	[tilespmem:s2+$0x180] =	vst v20  }
.LBB2_39:
0x21a: {  	v13 =	vmov s1;
	v19 =	vmov s16  }
0x21b: {  	s16 =	sadd.s32 $0x5, s31;
	v20 =	vmov s6;
	v12 =	vshrl.u32 v12, $0x3;
	v11 =	vshrl.u32 v11, $0x3  }
0x21c: {  	v4 =	vshll.u32 v4, v1;
	v21 =	vmov s16;
	v20 =	vshrl.u32 v20, $0x3  }
0x21d: {  	v13 =	vshrl.u32 v13, $0x3;
	v11 =	vshll.u32 v11, v1;
	v4 =	vbroadcast v4, $0x0  }
0x21e: {  	v6 =	vld.idx.msk @p3 [tilespmem:v6+s17+$0x0], $0xffff;
	v12 =	vshll.u32 v12, v1;
	v20 =	vshll.u32 v20, v1;
	v11 =	vbroadcast v11, $0x0  }
0x21f: {  	v7 =	vld.idx.msk @p3 [tilespmem:v7+s17+$0x0], $0xffff;
	s1 =	sadd.s32 @p4 $0x400, s2;
	s2 =	simm.s32 $0x6A60;
	v19 =	vshrl.u32 v19, $0x3;
	v20 =	vbroadcast v20, $0x0;
	v4 =	vor.u32 v49, v4  }
0x220: {  	v8 =	vld.idx.msk @p3 [tilespmem:v8+s17+$0x0], $0xffff;
	s2 =	smov.u32 @p4 s1;
	v12 =	vbroadcast v12, $0x0;
	v13 =	vshll.u32 v13, v1;
	v11 =	vor.u32 v51, v11  }
0x221: {  	v9 =	vld.idx.msk @p3 [tilespmem:v9+s17+$0x0], $0xffff;
	v19 =	vshll.u32 v19, v1;
	v13 =	vbroadcast v13, $0x0;
	[tilespmem:s2+$0x100] =	vst @p3 v17;
	v20 =	vor.u32 v55, v20  }
0x222: {  	v18 =	vld.idx.msk @p3 [tilespmem:v18+s17+$0x0], $0xffff;
	v21 =	vshrl.u32 v21, $0x3;
	v17 =	vbroadcast v19, $0x0;
	v12 =	vor.u32 v50, v12;
	[tilespmem:s2+$0xFFFFFE80] =	vst @p3 v10  }
0x223: {  	v5 =	vld.idx.msk @p3 [tilespmem:v5+s17+$0x0], $0xffff;
	v21 =	vshll.u32 v21, v1;
	v22 =	vor.u32 v52, v13;
	[tilespmem:s2+$0xFFFFFF00] =	vst @p3 v6  }
0x224: {  	s31 =	sadd.s32 $0x7, s31;
	v13 =	vbroadcast v21, $0x0;
	v23 =	vor.u32 v53, v17;
	[tilespmem:s2+$0xFFFFFF80] =	vst @p3 v7;
	v4 =	vld.idx.msk [tilespmem:v4+s17+$0x0], $0xffff  }
0x225: {  	[tilespmem:s2+$0x0] =	vst @p3 v8;
	v21 =	vor.u32 s31, v56;
	v11 =	vld.idx.msk [tilespmem:v11+s17+$0x0], $0xffff  }
0x226: {  	[tilespmem:s2+$0x80] =	vst @p3 v9;
	v19 =	vor.u32 v54, v13;
	v13 =	vld.idx.msk [tilespmem:v20+s17+$0x0], $0xffff  }
0x227: {  	s1 =	sadd.s32 @p3 $0x400, s2;
	[tilespmem:s2+$0xFFFFFE00] =	vst @p3 v18;
	v20 =	vld.idx.msk [tilespmem:v12+s17+$0x0], $0xffff  }
0x228: {  	s28 =	smov.u32 @p3 s1;
	[tilespmem:s2+$0x180] =	vst @p3 v5;
	v10 =	vld.idx.msk [tilespmem:v22+s17+$0x0], $0xffff  }
0x229: {  	v5 =	vld.idx.msk [tilespmem:v23+s17+$0x0], $0xffff;
	[tilespmem:s28+$0xFFFFFE00] =	vst v4  }
0x22a: {  	v23 =	vld.idx.msk [tilespmem:v21+s17+$0x0], $0xffff;
	[tilespmem:s28+$0xFFFFFF00] =	vst v11  }
0x22b: {  	v22 =	vld.idx.msk [tilespmem:v19+s17+$0x0], $0xffff;
	[tilespmem:s28+$0x100] =	vst v13  }
.Ltmp24:
0x22c: {  	[tilespmem:s28+$0xFFFFFE80] =	vst v20;
	(pc) =	sbr.rel @!p2 .LBB2_40-.Ltmp24, $4  }
0x22d: {  	[tilespmem:s28+$0xFFFFFF80] =	vst v10  }
0x22e: {  	[tilespmem:s28+$0x0] =	vst v5  }
0x22f: {  	[tilespmem:s28+$0x180] =	vst v23  }
0x230: {  	s30 =	simm.s32 $0x6A70;
	[tilespmem:s28+$0x80] =	vst v22  }
0x231: {  	v4 =	vmov s23;
	v5 =	vmov s25  }
0x232: {  	v6 =	vmov s24;
	v3 =	vshrl.u32 v3, $0x3;
	v2 =	vshrl.u32 v2, $0x3  }
0x233: {  	s1 =	simm.s32 $0x5;
	v0 =	vshll.u32 v0, v1;
	v5 =	vshrl.u32 v5, $0x3;
	v3 =	vshll.u32 v3, v1  }
0x234: {  	v7 =	vmov s1;
	v2 =	vshll.u32 v2, v1;
	v3 =	vbroadcast v3, $0x0  }
0x235: {  	v4 =	vshrl.u32 v4, $0x3;
	v5 =	vshll.u32 v5, v1;
	v2 =	vbroadcast v2, $0x0  }
0x236: {  	v6 =	vshrl.u32 v6, $0x3;
	v5 =	vbroadcast v5, $0x0;
	v3 =	vor.u32 v58, v3  }
0x237: {  	v0 =	vbroadcast v0, $0x0;
	v4 =	vshll.u32 v4, v1;
	v10 =	vor.u32 v59, v2  }
0x238: {  	p3 =	por $0x1, $0x1;
	v7 =	vshrl.u32 v7, $0x3;
	v6 =	vshll.u32 v6, v1;
	v5 =	vor.u32 v63, v5  }
.Ltmp25:
0x239: {  	v4 =	vbroadcast v4, $0x0;
	v6 =	vbroadcast v6, $0x0;
	v2 =	vshll.u32 v7, v1;
	(pc) =	sbr.rel @!p3 .LBB2_42-.Ltmp25, $4  }
0x23a: {  	v18 =	vor.u32 v57, v0;
	v2 =	vbroadcast v2, $0x0  }
0x23b: {  	s31 =	simm.s32 $0x7;
	s2 =	simm.s32 $0x9;
	v17 =	vor.u32 v60, v4;
	v9 =	vor.u32 v61, v6;
	v4 =	vor.u32 $0x1C07, v14;
	v8 =	vld.idx.msk [tilespmem:v3+s17+$0x0], $0xffff  }
0x23c: {  	s6 =	simm.s32 $0xA;
	s23 =	simm.s32 $0xB;
	s24 =	simm.s32 $0xC;
	v7 =	vor.u32 s31, v4;
	v6 =	vor.u32 v62, v2;
	v2 =	vmov s26;
	v10 =	vld.idx.msk [tilespmem:v10+s17+$0x0], $0xffff  }
0x23d: {  	s25 =	simm.s32 $0xE;
	s22 =	simm.s32 $0x10;
	p2 =	por $0x1, $0x1;
	v20 =	vmovc v15;
	v0 =	vshrl.u32 v2, $0x3;
	v2 =	vmov s6;
	v3 =	vmov s2;
	v5 =	vld.idx.msk [tilespmem:v5+s17+$0x0], $0xffff  }
0x23e: {  	_ =	sdelay $0x2  }
0x23f: {  	v11 =	vmov s23;
	v12 =	vmov s25;
	v13 =	vmov s24  }
0x240: {  	s1 =	simm.s32 $0xD;
	v3 =	vshrl.u32 v3, $0x3;
	v17 =	vld.idx.msk [tilespmem:v17+s17+$0x0], $0xffff;
	v2 =	vshrl.u32 v2, $0x3;
	v12 =	vshrl.u32 v12, $0x3  }
0x241: {  	v9 =	vld.idx.msk [tilespmem:v9+s17+$0x0], $0xffff;
	v19 =	vmov s1;
	v3 =	vshll.u32 v3, v1;
	v12 =	vshll.u32 v12, v1  }
0x242: {  	v6 =	vld.idx.msk [tilespmem:v6+s17+$0x0], $0xffff;
	v2 =	vshll.u32 v2, v1;
	v3 =	vbroadcast v3, $0x0;
	v12 =	vbroadcast v12, $0x0  }
0x243: {  	v18 =	vld.idx.msk [tilespmem:v18+s17+$0x0], $0xffff;
	v11 =	vshrl.u32 v11, $0x3;
	v13 =	vshrl.u32 v13, $0x3;
	v2 =	vbroadcast v2, $0x0  }
0x244: {  	[tilespmem:s30+$0x100] =	vst v5;
	v5 =	vshll.u32 v11, v1;
	v3 =	vor.u32 v58, v3;
	v11 =	vor.u32 v63, v12  }
0x245: {  	[tilespmem:s30+$0xFFFFFE80] =	vst v8;
	v12 =	vshrl.u32 v19, $0x3;
	v19 =	vld.idx.msk [tilespmem:v7+s17+$0x0], $0xffff;
	v5 =	vbroadcast v5, $0x0;
	v7 =	vshll.u32 v13, v1  }
0x246: {  	p3 =	por $0x1, $0x1;
	[tilespmem:s30+$0xFFFFFF00] =	vst v10;
	v10 =	vor.u32 v59, v2;
	v2 =	vshll.u32 v12, v1;
	v7 =	vbroadcast v7, $0x0  }
.Ltmp26:
0x247: {  	v0 =	vshll.u32 v0, v1;
	[tilespmem:s30+$0xFFFFFF80] =	vst v17;
	v2 =	vbroadcast v2, $0x0;
	v17 =	vor.u32 v60, v5;
	(pc) =	sbr.rel @!p3 .LBB2_44-.Ltmp26, $4  }
0x248: {  	v0 =	vbroadcast v0, $0x0;
	[tilespmem:s30+$0x0] =	vst v9;
	v9 =	vor.u32 v61, v7  }
0x249: {  	s31 =	simm.s32 $0xF;
	s2 =	simm.s32 $0x11;
	s6 =	simm.s32 $0x12;
	[tilespmem:s30+$0x80] =	vst v6;
	v6 =	vor.u32 v62, v2;
	v8 =	vld.idx.msk [tilespmem:v3+s17+$0x0], $0xffff  }
0x24a: {  	s23 =	simm.s32 $0x13;
	s24 =	simm.s32 $0x14;
	s25 =	simm.s32 $0x16;
	[tilespmem:s30+$0xFFFFFE00] =	vst v18;
	v18 =	vor.u32 v57, v0;
	v7 =	vor.u32 s31, v4;
	v2 =	vmov s22;
	v5 =	vld.idx.msk [tilespmem:v11+s17+$0x0], $0xffff  }
0x24b: {  	p1 =	por $0x1, $0x1;
	s1 =	simm.s32 $0x18;
	v3 =	vmov s2;
	v10 =	vld.idx.msk [tilespmem:v10+s17+$0x0], $0xffff;
	s2 =	simm.s32 $0x6A70;
	[tilespmem:s30+$0x180] =	vst v19;
	v0 =	vshrl.u32 v2, $0x3;
	v2 =	vmov s6  }
.LBB2_45:
0x24c: {  	p3 =	slt.u32 s1, $0x38;
	v11 =	vmov s23;
	v12 =	vmov s24;
	s6 =	sadd.s32 $0x5, s22;
	v13 =	vmov s25;
	v17 =	vld.idx.msk [tilespmem:v17+s17+$0x0], $0xffff  }
0x24d: {  	v3 =	vshrl.u32 v3, $0x3;
	v19 =	vmov s6;
	v13 =	vshrl.u32 v13, $0x3;
	v9 =	vld.idx.msk [tilespmem:v9+s17+$0x0], $0xffff  }
0x24e: {  	v2 =	vshrl.u32 v2, $0x3;
	s2 =	sadd.s32 $0x400, s2;
	v11 =	vshrl.u32 v11, $0x3;
	v13 =	vshll.u32 v13, v1;
	v6 =	vld.idx.msk [tilespmem:v6+s17+$0x0], $0xffff  }
0x24f: {  	v3 =	vshll.u32 v3, v1;
	v12 =	vshrl.u32 v12, $0x3;
	v13 =	vbroadcast v13, $0x0;
	v18 =	vld.idx.msk [tilespmem:v18+s17+$0x0], $0xffff;
	[tilespmem:s2+$0x100] =	vst v5  }
0x250: {  	v2 =	vshll.u32 v2, v1;
	v3 =	vbroadcast v3, $0x0;
	v5 =	vshrl.u32 v19, $0x3;
	[tilespmem:s2+$0xFFFFFE80] =	vst v8;
	v7 =	vld.idx.msk [tilespmem:v7+s17+$0x0], $0xffff  }
0x251: {  	v2 =	vbroadcast v2, $0x0;
	v8 =	vshll.u32 v11, v1;
	v11 =	vor.u32 v63, v13;
	[tilespmem:s2+$0xFFFFFF00] =	vst v10  }
0x252: {  	v3 =	vor.u32 v58, v3;
	v8 =	vbroadcast v8, $0x0;
	v10 =	vshll.u32 v12, v1;
	[tilespmem:s2+$0xFFFFFF80] =	vst v17  }
0x253: {  	v5 =	vshll.u32 v5, v1;
	v12 =	vor.u32 v59, v2;
	v2 =	vbroadcast v10, $0x0;
	[tilespmem:s2+$0x0] =	vst v9  }
.Ltmp27:
0x254: {  	v0 =	vshll.u32 v0, v1;
	v5 =	vbroadcast v5, $0x0;
	v17 =	vor.u32 v60, v8;
	[tilespmem:s2+$0x80] =	vst v6;
	(pc) =	sbr.rel @p3 .LBB2_45-.Ltmp27, $4  }
0x255: {  	v0 =	vbroadcast v0, $0x0;
	v9 =	vor.u32 v61, v2;
	[tilespmem:s2+$0xFFFFFE00] =	vst v18  }
0x256: {  	s6 =	sadd.s32 $0x7, s22;
	s22 =	smov.u32 s1;
	v6 =	vor.u32 v62, v5;
	v5 =	vld.idx.msk [tilespmem:v11+s17+$0x0], $0xffff;
	[tilespmem:s2+$0x180] =	vst v7  }
0x257: {  	s14 =	sadd.s32 $0x1, s1;
	s16 =	sadd.s32 $0x2, s1;
	s23 =	sadd.s32 $0x3, s1;
	v2 =	vmov s1;
	v18 =	vor.u32 v57, v0;
	v7 =	vor.u32 s6, v4;
	v8 =	vld.idx.msk [tilespmem:v3+s17+$0x0], $0xffff  }
0x258: {  	s24 =	sadd.s32 $0x4, s22;
	s25 =	sadd.s32 $0x6, s22;
	s1 =	sadd.s32 $0x8, s1;
	v0 =	vshrl.u32 v2, $0x3;
	v2 =	vmov s16;
	v3 =	vmov s14;
	v10 =	vld.idx.msk [tilespmem:v12+s17+$0x0], $0xffff  }
.LBB2_46:
0x259: {  	v4 =	vmov s23;
	v11 =	vmov s24;
	v12 =	vmov s25  }
0x25a: {  	s1 =	sadd.s32 $0x5, s22;
	v3 =	vshrl.u32 v3, $0x3;
	v2 =	vshrl.u32 v2, $0x3;
	v0 =	vshll.u32 v0, v1  }
0x25b: {  	v13 =	vmov s1;
	v12 =	vshrl.u32 v12, $0x3;
	v4 =	vshrl.u32 v4, $0x3  }
0x25c: {  	v3 =	vshll.u32 v3, v1;
	v11 =	vshrl.u32 v11, $0x3;
	v0 =	vbroadcast v0, $0x0  }
0x25d: {  	v2 =	vshll.u32 v2, v1;
	v12 =	vshll.u32 v12, v1;
	v3 =	vbroadcast v3, $0x0  }
0x25e: {  	v17 =	vld.idx.msk @p2 [tilespmem:v17+s17+$0x0], $0xffff;
	s1 =	sadd.s32 @p1 $0x400, s2;
	s2 =	simm.s32 $0x6A70;
	v13 =	vshrl.u32 v13, $0x3;
	v2 =	vbroadcast v2, $0x0;
	v0 =	vor.u32 v57, v0  }
0x25f: {  	v9 =	vld.idx.msk @p2 [tilespmem:v9+s17+$0x0], $0xffff;
	v4 =	vshll.u32 v4, v1;
	s2 =	smov.u32 @p1 s1;
	v12 =	vbroadcast v12, $0x0;
	v3 =	vor.u32 v58, v3  }
0x260: {  	v6 =	vld.idx.msk @p2 [tilespmem:v6+s17+$0x0], $0xffff;
	v11 =	vshll.u32 v11, v1;
	v4 =	vbroadcast v4, $0x0;
	[tilespmem:s2+$0x100] =	vst @p2 v5;
	v5 =	vor.u32 v59, v2  }
0x261: {  	v7 =	vld.idx.msk @p2 [tilespmem:v7+s17+$0x0], $0xffff;
	[tilespmem:s2+$0xFFFFFE80] =	vst @p2 v8;
	v2 =	vbroadcast v11, $0x0;
	v11 =	vshll.u32 v13, v1;
	v12 =	vor.u32 v63, v12  }
0x262: {  	v13 =	vld.idx.msk @p2 [tilespmem:v18+s17+$0x0], $0xffff;
	[tilespmem:s2+$0xFFFFFF00] =	vst @p2 v10;
	v4 =	vor.u32 v60, v4;
	v8 =	vbroadcast v11, $0x0  }
0x263: {  	[tilespmem:s2+$0xFFFFFF80] =	vst @p2 v17;
	v10 =	vor.u32 v61, v2;
	v0 =	vld.idx.msk [tilespmem:v0+s17+$0x0], $0xffff  }
0x264: {  	s22 =	sadd.s32 $0x7, s22;
	[tilespmem:s2+$0x0] =	vst @p2 v9;
	v2 =	vor.u32 $0x1C07, v14;
	v8 =	vor.u32 v62, v8;
	v3 =	vld.idx.msk [tilespmem:v3+s17+$0x0], $0xffff  }
0x265: {  	[tilespmem:s2+$0x80] =	vst @p2 v6;
	v6 =	vor.u32 s22, v2;
	v5 =	vld.idx.msk [tilespmem:v5+s17+$0x0], $0xffff  }
0x266: {  	s1 =	sadd.s32 @p2 $0x400, s2;
	[tilespmem:s2+$0x180] =	vst @p2 v7;
	v11 =	vld.idx.msk [tilespmem:v12+s17+$0x0], $0xffff  }
0x267: {  	s30 =	smov.u32 @p2 s1;
	[tilespmem:s2+$0xFFFFFE00] =	vst @p2 v13;
	v4 =	vld.idx.msk [tilespmem:v4+s17+$0x0], $0xffff  }
0x268: {  	v7 =	vld.idx.msk [tilespmem:v10+s17+$0x0], $0xffff;
	[tilespmem:s30+$0xFFFFFE00] =	vst v0  }
0x269: {  	v8 =	vld.idx.msk [tilespmem:v8+s17+$0x0], $0xffff;
	[tilespmem:s30+$0xFFFFFE80] =	vst v3  }
0x26a: {  	v3 =	vld.idx.msk [tilespmem:v6+s17+$0x0], $0xffff;
	[tilespmem:s30+$0xFFFFFF00] =	vst v5  }
0x26b: {  	[tilespmem:s30+$0x100] =	vst v11  }
0x26c: {  	p1 =	seq.s32 s20, $0x27;
	[tilespmem:s30+$0xFFFFFF80] =	vst v4  }
0x26d: {  	s1 =	sshll.u32 @!p1 s20, $0x8;
	[tilespmem:s30+$0x0] =	vst v7  }
0x26e: {  	s23 =	sadd.s32 s5, s21;
	s22 =	sand.u32 @!p1 $0x3FFFFF00, s1;
	[tilespmem:s30+$0x80] =	vst v8  }
0x26f: {  	s6 =	simm.s32 @!p1 $0x2800;
	s1 =	sadd.s32 @!p1 $0x100, s22;
	s2 =	simm.s32 @!p1 $0x80;
	[tilespmem:s30+$0x180] =	vst v3  }
0x270: {  	[tilespmem:s6], [sflag:$0x1] =	stream.indirect.gather @!p1 [hbm4b:s0+s2], $0x40, s1, s2, $0xb8;
	[tilespmem:$0xA800] =	vst v63  }
0x271: {  	s24 =	sshll.u32 s23, $0xA;
	s1 =	sshll.u32 s23, $0x7  }
0x272: {  	s2 =	sand.u32 $0xFFE0000, s24;
	s1 =	sand.u32 $0x3F00, s1  }
0x273: {  	s1 =	sor.u32 s1, s2  }
0x274: {  	s25 =	simm.s32 $0x6800;
	s2 =	sadd.s32 s3, s1  }
0x275: {  	[hbm4b:s2+s4] =	stream.linear.scatter [tilespmem:s25], [sflag:$0x3], $0x400, $0x38;
	[tilespmem:$0xA800] =	vst v63  }
0x276: {  	s31 =	simm.s32 $0x6C00;
	s26 =	sadd.s32 s1, s7  }
0x277: {  	[hbm4b:s26+s4] =	stream.linear.scatter [tilespmem:s31], [sflag:$0x3], $0x400, $0x38;
	[tilespmem:$0xA800] =	vst v63  }
0x278: {  	s15 =	simm.s32 $0x7000;
	s14 =	sadd.s32 s1, s8  }
0x279: {  	[hbm4b:s14+s4] =	stream.linear.scatter [tilespmem:s15], [sflag:$0x3], $0x400, $0x38;
	[tilespmem:$0xA800] =	vst v63  }
0x27a: {  	s23 =	simm.s32 $0x7400;
	s16 =	sadd.s32 s1, s9  }
0x27b: {  	[hbm4b:s16+s4] =	stream.linear.scatter [tilespmem:s23], [sflag:$0x3], $0x400, $0x38;
	[tilespmem:$0xA800] =	vst v63  }
0x27c: {  	s24 =	sadd.s32 s1, s10;
	s25 =	simm.s32 $0x7800  }
0x27d: {  	[hbm4b:s24+s4] =	stream.linear.scatter [tilespmem:s25], [sflag:$0x3], $0x400, $0x38;
	[tilespmem:$0xA800] =	vst v63  }
0x27e: {  	s26 =	sadd.s32 s1, s11;
	s31 =	simm.s32 $0x7C00  }
0x27f: {  	[hbm4b:s26+s4] =	stream.linear.scatter [tilespmem:s31], [sflag:$0x3], $0x400, $0x38;
	[tilespmem:$0xA800] =	vst v63  }
0x280: {  	s6 =	sadd.s32 s1, s12;
	s14 =	simm.s32 $0x8000  }
0x281: {  	[hbm4b:s6+s4] =	stream.linear.scatter [tilespmem:s14], [sflag:$0x3], $0x400, $0x38;
	[tilespmem:$0xA800] =	vst v63  }
0x282: {  	s1 =	sadd.s32 s1, s13;
	s15 =	simm.s32 $0x8400  }
0x283: {  	[hbm4b:s1+s4] =	stream.linear.scatter [tilespmem:s15], [sflag:$0x3], $0x400, $0x38;
	[tilespmem:$0xA800] =	vst v63  }
0x284: {  	_ =	swait.ge [sflag:s29], $0x2000  }
0x285: {  	[sflag:s29] =	ssyncset.done $0x0  }
0x286: {  	s1 =	simm.s32 @!p0 $0x4;
	[sflag:s29] =	ssyncadd.s32 $0xFFFFE000  }
0x287: {  	_ =	swait.ge @!p0 [sflag:s1], $0x400  }
0x288: {  	[sflag:s1] =	ssyncset.done @!p0 $0x0  }
0x289: {  	[sflag:s1] =	ssyncadd.s32 @!p0 $0xFFFFFC00  }
0x28a: {  	_ =	swait.ge @!p0 [sflag:s1], $0x400  }
0x28b: {  	[sflag:s1] =	ssyncset.done @!p0 $0x0  }
0x28c: {  	[sflag:s1] =	ssyncadd.s32 @!p0 $0xFFFFFC00  }
0x28d: {  	_ =	swait.ge @!p0 [sflag:s1], $0x400  }
0x28e: {  	[sflag:s1] =	ssyncset.done @!p0 $0x0  }
0x28f: {  	[sflag:s1] =	ssyncadd.s32 @!p0 $0xFFFFFC00  }
0x290: {  	_ =	swait.ge @!p0 [sflag:s1], $0x400  }
0x291: {  	[sflag:s1] =	ssyncset.done @!p0 $0x0  }
0x292: {  	[sflag:s1] =	ssyncadd.s32 @!p0 $0xFFFFFC00  }
0x293: {  	_ =	swait.ge @!p0 [sflag:s1], $0x400  }
0x294: {  	s16 =	simm.s32 $0x0;
	s26 =	simm.s32 $0x6;
	[sflag:s1] =	ssyncset.done @!p0 $0x0  }
0x295: {  	s23 =	simm.s32 $0x1;
	v0 =	vmov s16;
	v7 =	vmov s26;
	[sflag:s1] =	ssyncadd.s32 @!p0 $0xFFFFFC00  }
0x296: {  	v3 =	vmov s23;
	s24 =	simm.s32 $0x2;
	v9 =	vshrl.u32 v0, $0x3;
	v7 =	vshrl.u32 v7, $0x3;
	_ =	swait.ge @!p0 [sflag:s1], $0x400  }
0x297: {  	v3 =	vshrl.u32 v3, $0x3;
	v4 =	vmov s24;
	v7 =	vshll.u32 v7, v1;
	[sflag:s1] =	ssyncset.done @!p0 $0x0  }
0x298: {  	v3 =	vshll.u32 v3, v1;
	s31 =	simm.s32 $0x5;
	v4 =	vshrl.u32 v4, $0x3;
	v0 =	vbroadcast v7, $0x0;
	[sflag:s1] =	ssyncadd.s32 @!p0 $0xFFFFFC00  }
0x299: {  	v8 =	vmov s31;
	v7 =	vbroadcast v3, $0x0;
	v3 =	vshll.u32 v4, v1;
	_ =	swait.ge @!p0 [sflag:s1], $0x400  }
0x29a: {  	s14 =	simm.s32 $0x3;
	v4 =	vshrl.u32 v8, $0x3;
	v8 =	vbroadcast v3, $0x0;
	[tilespmem:$0x1FC80] =	vst v0  }
0x29b: {  	v5 =	vmov s14;
	[sflag:s1] =	ssyncset.done @!p0 $0x0;
	[tilespmem:$0x1FC90] =	vst v7  }
0x29c: {  	v5 =	vshrl.u32 v5, $0x3;
	[tilespmem:$0x1FCA0] =	vst v8;
	[sflag:s1] =	ssyncadd.s32 @!p0 $0xFFFFFC00  }
0x29d: {  	v3 =	vshll.u32 v5, v1;
	v5 =	vor.u32 v25, v0;
	v0 =	vld [tilespmem:$0x1FF10];
	_ =	swait.ge @!p0 [sflag:s1], $0x400  }
0x29e: {  	s25 =	simm.s32 $0x4;
	v22 =	vld [tilespmem:$0x1FF60]  }
0x29f: {  	v6 =	vmov s25  }
0x2a0: {  	v6 =	vshrl.u32 v6, $0x3;
	v23 =	vld [tilespmem:$0x1FF20]  }
0x2a1: {  	v10 =	vbroadcast v3, $0x0;
	v3 =	vshll.u32 v6, v1;
	v6 =	vor.u32 v20, v8;
	v24 =	vld [tilespmem:$0x1FF30]  }
0x2a2: {  	v11 =	vbroadcast v3, $0x0;
	v3 =	vshll.u32 v4, v1;
	v7 =	vor.u32 v0, v7  }
0x2a3: {  	s23 =	simm.s32 $0xB;
	v8 =	vshll.u32 v9, v1;
	[tilespmem:$0x1FCB0] =	vst v10;
	v26 =	vld [tilespmem:$0x1FF40];
	v4 =	vor.u32 v22, v10;
	v10 =	vbroadcast v3, $0x0  }
0x2a4: {  	v13 =	vmov s23;
	s25 =	simm.s32 $0xC;
	s26 =	simm.s32 $0xE;
	v12 =	vbroadcast v8, $0x0;
	[sflag:s1] =	ssyncset.done @!p0 $0x0;
	[tilespmem:$0x1FCC0] =	vst v11  }
0x2a5: {  	v17 =	vmov s25;
	v18 =	vmov s26;
	s14 =	simm.s32 $0x8;
	[sflag:s1] =	ssyncadd.s32 @!p0 $0xFFFFFC00;
	v21 =	vor.u32 v23, v11;
	[tilespmem:$0x1FCD0] =	vst v10  }
0x2a6: {  	v18 =	vshrl.u32 v18, $0x3;
	s15 =	simm.s32 $0x9;
	v9 =	vmov s14;
	v8 =	vor.u32 v24, v10;
	v5 =	vld.idx.msk [tilespmem:v5+s18+$0x0], $0xffff;
	[tilespmem:$0x1FCE0] =	vst v12  }
0x2a7: {  	s16 =	simm.s32 $0xA;
	s24 =	simm.s32 $0x7;
	v27 =	vshrl.u32 v9, $0x3;
	v10 =	vmov s15;
	v12 =	vor.u32 v14, v12;
	v7 =	vld.idx.msk [tilespmem:v7+s18+$0x0], $0xffff  }
0x2a8: {  	v9 =	vor.u32 s24, v26;
	v11 =	vmov s16;
	v10 =	vshrl.u32 v10, $0x3;
	v6 =	vld.idx.msk [tilespmem:v6+s18+$0x0], $0xffff  }
0x2a9: {  	v3 =	vmovc v20;
	v20 =	vld.idx.msk [tilespmem:v4+s18+$0x0], $0xffff;
	v4 =	vshrl.u32 v11, $0x3;
	v11 =	vshrl.u32 v13, $0x3;
	v13 =	vshll.u32 v18, v1  }
0x2aa: {  	s28 =	simm.s32 $0x8A00;
	v18 =	vld.idx.msk [tilespmem:v21+s18+$0x0], $0xffff;
	v21 =	vshll.u32 v10, v1;
	v10 =	vshrl.u32 v17, $0x3;
	v17 =	vbroadcast v13, $0x0  }
0x2ab: {  	v13 =	vld.idx.msk [tilespmem:v8+s18+$0x0], $0xffff;
	[tilespmem:s28+$0x100] =	vst v5  }
0x2ac: {  	v29 =	vbroadcast v21, $0x0;
	v12 =	vld.idx.msk [tilespmem:v12+s18+$0x0], $0xffff;
	[tilespmem:$0x1FCF0] =	vst v17  }
0x2ad: {  	[tilespmem:s28+$0xFFFFFE80] =	vst v7  }
0x2ae: {  	v5 =	vshll.u32 v11, v1;
	v21 =	vld.idx.msk [tilespmem:v9+s18+$0x0], $0xffff;
	[tilespmem:$0x1FD00] =	vst v29  }
0x2af: {  	v9 =	vbroadcast v5, $0x0;
	[tilespmem:s28+$0xFFFFFF00] =	vst v6  }
0x2b0: {  	s31 =	simm.s32 $0xD;
	v5 =	vshll.u32 v10, v1;
	[tilespmem:s28+$0xFFFFFF80] =	vst v20  }
0x2b1: {  	v19 =	vmov s31;
	v4 =	vshll.u32 v4, v1;
	v10 =	vbroadcast v5, $0x0;
	[tilespmem:$0x1FD10] =	vst v9  }
0x2b2: {  	v8 =	vshrl.u32 v19, $0x3;
	v19 =	vbroadcast v4, $0x0;
	v17 =	vor.u32 v25, v17;
	[tilespmem:s28+$0x0] =	vst v18  }
0x2b3: {  	s23 =	simm.s32 $0x10;
	v4 =	vor.u32 v0, v29;
	v6 =	vshll.u32 v8, v1;
	[tilespmem:$0x1FD20] =	vst v10  }
0x2b4: {  	v11 =	vmov s23;
	v7 =	vor.u32 v3, v19;
	v6 =	vbroadcast v6, $0x0;
	[tilespmem:s28+$0x80] =	vst v13  }
0x2b5: {  	v5 =	vshll.u32 v27, v1;
	v8 =	vor.u32 v22, v9;
	[tilespmem:$0x1FD30] =	vst v11  }
0x2b6: {  	s21 =	sor.u32 $0x1, s21;
	s30 =	simm.s32 $0x10;
	s25 =	simm.s32 $0x11;
	v20 =	vbroadcast v5, $0x0;
	v9 =	vor.u32 v23, v10;
	[tilespmem:$0x1FD40] =	vst v6  }
0x2b7: {  	s2 =	simm.s32 $0xF;
	s26 =	simm.s32 $0x12;
	s6 =	simm.s32 $0x13;
	v29 =	vmovc v19;
	v19 =	vmov s25;
	v5 =	vshrl.u32 v11, $0x3;
	v11 =	vor.u32 v24, v6;
	v10 =	vld.idx.msk [tilespmem:v17+s18+$0x0], $0xffff;
	[tilespmem:s28+$0xFFFFFE00] =	vst v12  }
0x2b8: {  	v16 =	vmovc v25;
	s14 =	simm.s32 $0x14;
	s1 =	simm.s32 $0x18;
	s16 =	simm.s32 $0x16;
	v18 =	vmov s26;
	v27 =	vmovc v20;
	v6 =	vor.u32 s2, v26;
	v17 =	vor.u32 v14, v20;
	v12 =	vld.idx.msk [tilespmem:v4+s18+$0x0], $0xffff;
	[tilespmem:s28+$0x180] =	vst v21  }
.LBB2_47:
0x2b9: {  	p0 =	slt.u32 s1, $0x38;
	v4 =	vmov s6;
	v13 =	vmov s14;
	s6 =	sadd.s32 $0x5, s30;
	v20 =	vmov s16;
	v7 =	vld.idx.msk [tilespmem:v7+s18+$0x0], $0xffff  }
0x2ba: {  	v19 =	vshrl.u32 v19, $0x3;
	v21 =	vmov s6;
	v20 =	vshrl.u32 v20, $0x3;
	v8 =	vld.idx.msk [tilespmem:v8+s18+$0x0], $0xffff  }
0x2bb: {  	v18 =	vshrl.u32 v18, $0x3;
	v4 =	vshrl.u32 v4, $0x3;
	v20 =	vshll.u32 v20, v1;
	v9 =	vld.idx.msk [tilespmem:v9+s18+$0x0], $0xffff  }
0x2bc: {  	s28 =	sadd.s32 $0x400, s28;
	v19 =	vshll.u32 v19, v1;
	v13 =	vshrl.u32 v13, $0x3;
	v20 =	vbroadcast v20, $0x0;
	v11 =	vld.idx.msk [tilespmem:v11+s18+$0x0], $0xffff  }
0x2bd: {  	v18 =	vshll.u32 v18, v1;
	v19 =	vbroadcast v19, $0x0;
	v21 =	vshrl.u32 v21, $0x3;
	v17 =	vld.idx.msk [tilespmem:v17+s18+$0x0], $0xffff;
	[tilespmem:s28+$0x100] =	vst v10  }
0x2be: {  	v4 =	vshll.u32 v4, v1;
	v10 =	vbroadcast v18, $0x0;
	v18 =	vor.u32 v16, v20;
	[tilespmem:s28+$0xFFFFFE80] =	vst v12;
	v20 =	vld.idx.msk [tilespmem:v6+s18+$0x0], $0xffff  }
0x2bf: {  	v4 =	vbroadcast v4, $0x0;
	v12 =	vor.u32 v0, v19;
	v6 =	vshll.u32 v13, v1;
	[tilespmem:s28+$0xFFFFFF00] =	vst v7  }
.Ltmp28:
0x2c0: {  	v7 =	vor.u32 v3, v10;
	v6 =	vbroadcast v6, $0x0;
	v10 =	vshll.u32 v21, v1;
	[tilespmem:s28+$0xFFFFFF80] =	vst v8;
	(pc) =	sbr.rel @p0 .LBB2_47-.Ltmp28, $4  }
0x2c1: {  	v5 =	vshll.u32 v5, v1;
	v8 =	vor.u32 v22, v4;
	v4 =	vbroadcast v10, $0x0;
	[tilespmem:s28+$0x0] =	vst v9  }
0x2c2: {  	s14 =	sadd.s32 $0x7, s30;
	s30 =	smov.u32 s1;
	v13 =	vbroadcast v5, $0x0;
	v10 =	vmov s1;
	v9 =	vor.u32 v23, v6;
	[tilespmem:s28+$0x80] =	vst v11  }
0x2c3: {  	s16 =	sadd.s32 $0x1, s1;
	s31 =	sadd.s32 $0x2, s1;
	s6 =	sadd.s32 $0x3, s1;
	v5 =	vshrl.u32 v10, $0x3;
	v6 =	vor.u32 s14, v26;
	v11 =	vor.u32 v24, v4;
	v10 =	vld.idx.msk [tilespmem:v18+s18+$0x0], $0xffff;
	[tilespmem:s28+$0xFFFFFE00] =	vst v17  }
0x2c4: {  	v19 =	vmov s16;
	s16 =	sadd.s32 $0x6, s30;
	s1 =	sadd.s32 $0x8, s1;
	s14 =	sadd.s32 $0x4, s30;
	v18 =	vmov s31;
	v17 =	vor.u32 v14, v13;
	v12 =	vld.idx.msk [tilespmem:v12+s18+$0x0], $0xffff;
	[tilespmem:s28+$0x180] =	vst v20  }
0x2c5: {  	_ = 	snop  }
0x2c6: {  	v4 =	vmov s6;
	v19 =	vshrl.u32 v19, $0x3  }
0x2c7: {  	v20 =	vmov s16;
	v18 =	vshrl.u32 v18, $0x3;
	v19 =	vshll.u32 v19, v1  }
0x2c8: {  	v20 =	vshrl.u32 v20, $0x3;
	v18 =	vshll.u32 v18, v1;
	v19 =	vbroadcast v19, $0x0  }
0x2c9: {  	v7 =	vld.idx.msk [tilespmem:v7+s18+$0x0], $0xffff;
	v4 =	vshrl.u32 v4, $0x3;
	v20 =	vshll.u32 v20, v1;
	v18 =	vbroadcast v18, $0x0  }
0x2ca: {  	v9 =	vld.idx.msk [tilespmem:v9+s18+$0x0], $0xffff;
	s28 =	sadd.s32 $0x400, s28;
	v4 =	vshll.u32 v4, v1;
	v20 =	vbroadcast v20, $0x0;
	v19 =	vor.u32 v0, v19  }
0x2cb: {  	s1 =	sadd.s32 $0x5, s30;
	v8 =	vld.idx.msk [tilespmem:v8+s18+$0x0], $0xffff;
	v4 =	vbroadcast v4, $0x0;
	[tilespmem:s28+$0x100] =	vst v10;
	v10 =	vor.u32 v3, v18  }
0x2cc: {  	v11 =	vld.idx.msk [tilespmem:v11+s18+$0x0], $0xffff;
	v21 =	vmov s1;
	v20 =	vor.u32 v16, v20  }
0x2cd: {  	v13 =	vmov s14;
	v17 =	vld.idx.msk [tilespmem:v17+s18+$0x0], $0xffff;
	v21 =	vshrl.u32 v21, $0x3;
	[tilespmem:s28+$0xFFFFFE80] =	vst v12;
	v4 =	vor.u32 v22, v4  }
0x2ce: {  	v6 =	vld.idx.msk [tilespmem:v6+s18+$0x0], $0xffff;
	v13 =	vshrl.u32 v13, $0x3;
	v18 =	vshll.u32 v21, v1;
	[tilespmem:s28+$0xFFFFFF00] =	vst v7  }
0x2cf: {  	v13 =	vshll.u32 v13, v1;
	v12 =	vbroadcast v18, $0x0;
	[tilespmem:s28+$0x0] =	vst v9;
	v9 =	vld.idx.msk [tilespmem:v19+s18+$0x0], $0xffff  }
0x2d0: {  	v13 =	vbroadcast v13, $0x0;
	[tilespmem:s28+$0xFFFFFF80] =	vst v8;
	v10 =	vld.idx.msk [tilespmem:v10+s18+$0x0], $0xffff  }
0x2d1: {  	[tilespmem:s28+$0x80] =	vst v11;
	v8 =	vor.u32 v24, v12;
	v12 =	vld.idx.msk [tilespmem:v20+s18+$0x0], $0xffff  }
0x2d2: {  	v7 =	vor.u32 v23, v13;
	[tilespmem:s28+$0xFFFFFE00] =	vst v17;
	v4 =	vld.idx.msk [tilespmem:v4+s18+$0x0], $0xffff  }
0x2d3: {  	s1 =	sadd.s32 $0x400, s28;
	[tilespmem:s28+$0x180] =	vst v6  }
0x2d4: {  	[tilespmem:s1+$0xFFFFFE80] =	vst v9  }
0x2d5: {  	v5 =	vshll.u32 v5, v1;
	[tilespmem:s1+$0xFFFFFF00] =	vst v10  }
0x2d6: {  	v5 =	vbroadcast v5, $0x0;
	[tilespmem:s1+$0x100] =	vst v12  }
0x2d7: {  	v6 =	vld.idx.msk [tilespmem:v7+s18+$0x0], $0xffff;
	[tilespmem:s1+$0xFFFFFF80] =	vst v4  }
0x2d8: {  	v5 =	vor.u32 v14, v5;
	v14 =	vld [tilespmem:$0x1FE70]  }
0x2d9: {  	v0 =	vld [tilespmem:$0x1FC80];
	_ =	sdelay $0x2  }
0x2da: {  	s31 =	sadd.s32 $0x7, s30;
	v7 =	vld.idx.msk [tilespmem:v8+s18+$0x0], $0xffff;
	[tilespmem:s1+$0x0] =	vst v6  }
0x2db: {  	v11 =	vor.u32 s31, v26;
	v26 =	vld [tilespmem:$0x1FF50]  }
0x2dc: {  	v4 =	vor.u32 v14, v0;
	v0 =	vld [tilespmem:$0x1FC90];
	_ =	sdelay $0x2  }
0x2dd: {  	v5 =	vld.idx.msk [tilespmem:v5+s18+$0x0], $0xffff;
	[tilespmem:s1+$0x80] =	vst v7  }
0x2de: {  	v20 =	vld [tilespmem:$0x1FE30]  }
0x2df: {  	v6 =	vor.u32 v26, v0;
	v0 =	vld [tilespmem:$0x1FCA0];
	_ =	sdelay $0x2  }
0x2e0: {  	v8 =	vld.idx.msk [tilespmem:v11+s18+$0x0], $0xffff;
	[tilespmem:s1+$0xFFFFFE00] =	vst v5  }
0x2e1: {  	v21 =	vld [tilespmem:$0x1FE40]  }
0x2e2: {  	v7 =	vor.u32 v20, v0;
	v0 =	vld [tilespmem:$0x1FCB0];
	_ =	sdelay $0x2  }
0x2e3: {  	[tilespmem:s1+$0x180] =	vst v8  }
0x2e4: {  	v23 =	vld [tilespmem:$0x1FE50]  }
0x2e5: {  	v5 =	vor.u32 v21, v0;
	v0 =	vld [tilespmem:$0x1FCC0];
	_ =	sdelay $0x3  }
0x2e6: {  	v22 =	vld [tilespmem:$0x1FE60]  }
0x2e7: {  	v8 =	vor.u32 v23, v0;
	v0 =	vld [tilespmem:$0x1FCD0];
	_ =	sdelay $0x1  }
0x2e8: {  	v4 =	vld.idx.msk [tilespmem:v4+s18+$0x0], $0xffff  }
0x2e9: {  	v16 =	vld [tilespmem:$0x1FE80]  }
0x2ea: {  	v24 =	vld [tilespmem:$0x1FF70]  }
0x2eb: {  	v9 =	vor.u32 v22, v0;
	v0 =	vld [tilespmem:$0x1FCE0];
	_ =	sdelay $0x2  }
0x2ec: {  	v11 =	vor.u32 s24, v16;
	s24 =	simm.s32 $0x8A10  }
0x2ed: {  	v6 =	vld.idx.msk [tilespmem:v6+s18+$0x0], $0xffff;
	[tilespmem:s24+$0x100] =	vst v4  }
0x2ee: {  	v10 =	vor.u32 v24, v0;
	v0 =	vld [tilespmem:$0x1FCF0];
	_ =	sdelay $0x1  }
0x2ef: {  	v7 =	vld.idx.msk [tilespmem:v7+s18+$0x0], $0xffff  }
0x2f0: {  	v5 =	vld.idx.msk [tilespmem:v5+s18+$0x0], $0xffff  }
0x2f1: {  	v8 =	vld.idx.msk [tilespmem:v8+s18+$0x0], $0xffff;
	[tilespmem:s24+$0xFFFFFE80] =	vst v6  }
0x2f2: {  	v4 =	vor.u32 v14, v0;
	v0 =	vld [tilespmem:$0x1FD00];
	_ =	sdelay $0x1  }
0x2f3: {  	[tilespmem:s24+$0xFFFFFF00] =	vst v7  }
0x2f4: {  	[tilespmem:s24+$0xFFFFFF80] =	vst v5  }
0x2f5: {  	[tilespmem:s24+$0x0] =	vst v8  }
0x2f6: {  	v17 =	vor.u32 v26, v0;
	v0 =	vld [tilespmem:$0x1FD10];
	_ =	sdelay $0x3  }
0x2f7: {  	v9 =	vld.idx.msk [tilespmem:v9+s18+$0x0], $0xffff  }
0x2f8: {  	v6 =	vor.u32 v21, v0;
	v0 =	vld [tilespmem:$0x1FD20];
	_ =	sdelay $0x3  }
0x2f9: {  	[tilespmem:s24+$0x80] =	vst v9  }
0x2fa: {  	v5 =	vor.u32 v23, v0;
	v0 =	vld [tilespmem:$0x1FD30];
	_ =	sdelay $0x3  }
0x2fb: {  	v10 =	vld.idx.msk [tilespmem:v10+s18+$0x0], $0xffff  }
0x2fc: {  	v3 =	vshrl.u32 v0, $0x3;
	v0 =	vld [tilespmem:$0x1FD40]  }
0x2fd: {  	v13 =	vld.idx.msk [tilespmem:v11+s18+$0x0], $0xffff  }
0x2fe: {  	v8 =	vor.u32 v20, v29;
	_ =	sdelay $0x2  }
0x2ff: {  	s6 =	simm.s32 $0x13;
	v12 =	vmov s25;
	v4 =	vld.idx.msk [tilespmem:v4+s18+$0x0], $0xffff;
	[tilespmem:s24+$0xFFFFFE00] =	vst v10;
	v7 =	vor.u32 v22, v0  }
0x300: {  	s14 =	simm.s32 $0x14;
	s1 =	simm.s32 $0x18;
	v11 =	vmov s26;
	v9 =	vld.idx.msk [tilespmem:v17+s18+$0x0], $0xffff;
	v10 =	vor.u32 v24, v27;
	[tilespmem:s24+$0x180] =	vst v13;
	v0 =	vor.u32 s2, v16;
	s2 =	simm.s32 $0x16  }
.LBB2_49:
0x301: {  	p0 =	slt.u32 s1, $0x38;
	v13 =	vmov s6;
	v17 =	vmov s14;
	s6 =	sadd.s32 $0x5, s23;
	v18 =	vmov s2;
	v8 =	vld.idx.msk [tilespmem:v8+s18+$0x0], $0xffff  }
0x302: {  	v12 =	vshrl.u32 v12, $0x3;
	v19 =	vmov s6;
	v18 =	vshrl.u32 v18, $0x3;
	v6 =	vld.idx.msk [tilespmem:v6+s18+$0x0], $0xffff  }
0x303: {  	v11 =	vshrl.u32 v11, $0x3;
	v13 =	vshrl.u32 v13, $0x3;
	v18 =	vshll.u32 v18, v1;
	v5 =	vld.idx.msk [tilespmem:v5+s18+$0x0], $0xffff  }
0x304: {  	s24 =	sadd.s32 $0x400, s24;
	v12 =	vshll.u32 v12, v1;
	v17 =	vshrl.u32 v17, $0x3;
	v18 =	vbroadcast v18, $0x0;
	v7 =	vld.idx.msk [tilespmem:v7+s18+$0x0], $0xffff  }
0x305: {  	v11 =	vshll.u32 v11, v1;
	v12 =	vbroadcast v12, $0x0;
	v19 =	vshrl.u32 v19, $0x3;
	v10 =	vld.idx.msk [tilespmem:v10+s18+$0x0], $0xffff;
	[tilespmem:s24+$0x100] =	vst v4  }
0x306: {  	v4 =	vbroadcast v11, $0x0;
	v11 =	vshll.u32 v13, v1;
	v13 =	vor.u32 v14, v18;
	[tilespmem:s24+$0xFFFFFE80] =	vst v9;
	v18 =	vld.idx.msk [tilespmem:v0+s18+$0x0], $0xffff  }
0x307: {  	v9 =	vor.u32 v26, v12;
	v0 =	vbroadcast v11, $0x0;
	v11 =	vshll.u32 v17, v1;
	[tilespmem:s24+$0xFFFFFF00] =	vst v8  }
.Ltmp29:
0x308: {  	v8 =	vor.u32 v20, v4;
	v4 =	vbroadcast v11, $0x0;
	v11 =	vshll.u32 v19, v1;
	[tilespmem:s24+$0xFFFFFF80] =	vst v6;
	(pc) =	sbr.rel @p0 .LBB2_49-.Ltmp29, $4  }
0x309: {  	v3 =	vshll.u32 v3, v1;
	v6 =	vor.u32 v21, v0;
	v0 =	vbroadcast v11, $0x0;
	[tilespmem:s24+$0x0] =	vst v5  }
0x30a: {  	s2 =	sadd.s32 $0x7, s23;
	s23 =	smov.u32 s1;
	v17 =	vbroadcast v3, $0x0;
	v11 =	vmov s1;
	v5 =	vor.u32 v23, v4;
	[tilespmem:s24+$0x80] =	vst v7  }
0x30b: {  	s14 =	sadd.s32 $0x1, s1;
	s16 =	sadd.s32 $0x2, s1;
	s6 =	sadd.s32 $0x3, s1;
	v3 =	vshrl.u32 v11, $0x3;
	v7 =	vor.u32 v22, v0;
	v0 =	vor.u32 s2, v16;
	v4 =	vld.idx.msk [tilespmem:v13+s18+$0x0], $0xffff;
	[tilespmem:s24+$0xFFFFFE00] =	vst v10  }
0x30c: {  	v12 =	vmov s14;
	s14 =	sadd.s32 $0x4, s23;
	s1 =	sadd.s32 $0x8, s1;
	v11 =	vmov s16;
	s2 =	sadd.s32 $0x6, s23;
	v10 =	vor.u32 v24, v17;
	v9 =	vld.idx.msk [tilespmem:v9+s18+$0x0], $0xffff;
	[tilespmem:s24+$0x180] =	vst v18  }
0x30d: {  	v13 =	vmov s6  }
0x30e: {  	v17 =	vmov s14;
	s1 =	sadd.s32 $0x5, s23;
	v18 =	vmov s2;
	v12 =	vshrl.u32 v12, $0x3  }
0x30f: {  	v11 =	vshrl.u32 v11, $0x3;
	v3 =	vshll.u32 v3, v1;
	v19 =	vmov s1  }
0x310: {  	v18 =	vshrl.u32 v18, $0x3;
	v12 =	vshll.u32 v12, v1;
	v3 =	vbroadcast v3, $0x0  }
0x311: {  	v8 =	vld.idx.msk [tilespmem:v8+s18+$0x0], $0xffff;
	v13 =	vshrl.u32 v13, $0x3;
	v11 =	vshll.u32 v11, v1;
	v12 =	vbroadcast v12, $0x0  }
0x312: {  	v7 =	vld.idx.msk [tilespmem:v7+s18+$0x0], $0xffff;
	v18 =	vshll.u32 v18, v1;
	v11 =	vbroadcast v11, $0x0;
	v3 =	vor.u32 v24, v3  }
0x313: {  	v5 =	vld.idx.msk [tilespmem:v5+s18+$0x0], $0xffff;
	s6 =	sadd.s32 $0x400, s24;
	v13 =	vshll.u32 v13, v1;
	v18 =	vbroadcast v18, $0x0;
	v12 =	vor.u32 v26, v12  }
0x314: {  	v6 =	vld.idx.msk [tilespmem:v6+s18+$0x0], $0xffff;
	v17 =	vshrl.u32 v17, $0x3;
	v13 =	vbroadcast v13, $0x0;
	[tilespmem:s6+$0x100] =	vst v4;
	v4 =	vor.u32 v20, v11  }
0x315: {  	v10 =	vld.idx.msk [tilespmem:v10+s18+$0x0], $0xffff;
	v19 =	vshrl.u32 v19, $0x3;
	v17 =	vshll.u32 v17, v1;
	[tilespmem:s6+$0xFFFFFE80] =	vst v9;
	v18 =	vor.u32 v14, v18  }
0x316: {  	v0 =	vld.idx.msk [tilespmem:v0+s18+$0x0], $0xffff;
	s14 =	sadd.s32 $0x7, s23;
	v11 =	vbroadcast v17, $0x0;
	v17 =	vshll.u32 v19, v1;
	v9 =	vor.u32 v21, v13;
	[tilespmem:s6+$0xFFFFFF00] =	vst v8  }
0x317: {  	v13 =	vbroadcast v17, $0x0;
	[tilespmem:s6+$0x80] =	vst v7;
	v7 =	vor.u32 s14, v16;
	v3 =	vld.idx.msk [tilespmem:v3+s18+$0x0], $0xffff  }
0x318: {  	[tilespmem:s6+$0x0] =	vst v5;
	v8 =	vor.u32 v23, v11;
	v5 =	vld.idx.msk [tilespmem:v12+s18+$0x0], $0xffff  }
0x319: {  	[tilespmem:s6+$0xFFFFFF80] =	vst v6;
	v6 =	vor.u32 v22, v13;
	v4 =	vld.idx.msk [tilespmem:v4+s18+$0x0], $0xffff  }
0x31a: {  	[tilespmem:s6+$0xFFFFFE00] =	vst v10;
	v11 =	vld.idx.msk [tilespmem:v18+s18+$0x0], $0xffff  }
0x31b: {  	s1 =	sadd.s32 $0x400, s6;
	[tilespmem:s6+$0x180] =	vst v0;
	v9 =	vld.idx.msk [tilespmem:v9+s18+$0x0], $0xffff  }
0x31c: {  	v7 =	vld.idx.msk [tilespmem:v7+s18+$0x0], $0xffff;
	[tilespmem:s1+$0xFFFFFE00] =	vst v3  }
0x31d: {  	v0 =	vld.idx.msk [tilespmem:v8+s18+$0x0], $0xffff;
	[tilespmem:s1+$0xFFFFFE80] =	vst v5  }
0x31e: {  	v6 =	vld.idx.msk [tilespmem:v6+s18+$0x0], $0xffff;
	[tilespmem:s1+$0xFFFFFF00] =	vst v4  }
0x31f: {  	[tilespmem:s1+$0x100] =	vst v11  }
0x320: {  	[tilespmem:s1+$0xFFFFFF80] =	vst v9  }
0x321: {  	[tilespmem:s1+$0x180] =	vst v7  }
0x322: {  	[tilespmem:s1+$0x0] =	vst v0  }
0x323: {  	[tilespmem:s1+$0x80] =	vst v6  }
0x324: {  	s23 =	simm.s32 $0x0;
	s30 =	simm.s32 $0x8A20;
	p2 =	por $0x1, $0x1;
	v16 =	vld [tilespmem:$0x1FF80]  }
.Ltmp30:
0x325: {  	s15 =	simm.s32 $0x1;
	s16 =	simm.s32 $0x2;
	v22 =	vld [tilespmem:$0x1FF90];
	(pc) =	sbr.rel @!p2 .LBB2_57-.Ltmp30, $4  }
0x326: {  	s24 =	simm.s32 $0x3;
	s26 =	simm.s32 $0x4;
	s25 =	simm.s32 $0x6;
	v0 =	vmov s23;
	v23 =	vld [tilespmem:$0x1FEB0]  }
0x327: {  	s28 =	simm.s32 $0x8;
	p3 =	por $0x0, $0x0;
	p0 =	por $0x0, $0x0;
	v31 =	vld [tilespmem:$0x1FEC0]  }
0x328: {  	s31 =	simm.s32 $0x0;
	s2 =	simm.s32 $0x8A20;
	p4 =	por $0x0, $0x0;
	v19 =	vmov s15;
	v12 =	vmov s16;
	v5 =	vshrl.u32 v0, $0x3;
	v27 =	vld [tilespmem:$0x1FFF0]  }
0x329: {  	s6 =	simm.s32 $0x4;
	s14 =	simm.s32 $0x6;
	s16 =	simm.s32 $0x3;
	v3 =	vmov v12;
	v4 =	vmov v19;
	v29 =	vld [tilespmem:$0x1FFE0];
	v0 =	vmov v5  }
0x32a: {  	v0 =	vmov s24;
	v3 =	vmov s26;
	s1 =	simm.s32 $0x5;
	v4 =	vmov s25  }
0x32b: {  	v6 =	vshrl.u32 v19, $0x3;
	v8 =	vshrl.u32 v12, $0x3;
	v7 =	vmov s1  }
0x32c: {  	v4 =	vshrl.u32 v4, $0x3;
	v0 =	vshrl.u32 v0, $0x3;
	v6 =	vshll.u32 v6, v1  }
0x32d: {  	v8 =	vshll.u32 v8, v1;
	v4 =	vshll.u32 v4, v1;
	v6 =	vbroadcast v6, $0x0  }
0x32e: {  	v3 =	vshrl.u32 v3, $0x3;
	v9 =	vshrl.u32 v7, $0x3;
	v4 =	vbroadcast v4, $0x0  }
0x32f: {  	v7 =	vbroadcast v8, $0x0;
	v3 =	vshll.u32 v3, v1;
	v30 =	vmovc v27;
	v27 =	vld [tilespmem:$0x1FEA0];
	v10 =	vor.u32 v22, v6  }
0x330: {  	p4 =	por $0x1, $0x1;
	v3 =	vbroadcast v3, $0x0;
	v8 =	vmovc v23;
	v23 =	vld [tilespmem:$0x1FE90];
	v6 =	vshll.u32 v9, v1;
	v4 =	vor.u32 v31, v4  }
.Ltmp31:
0x331: {  	v0 =	vshll.u32 v0, v1;
	v9 =	vshll.u32 v5, v1;
	v28 =	vmovc v29;
	v6 =	vbroadcast v6, $0x0;
	(pc) =	sbr.rel @!p4 .LBB2_52-.Ltmp31, $4  }
0x332: {  	s15 =	simm.s32 $0x7;
	s14 =	simm.s32 $0xA;
	v0 =	vbroadcast v0, $0x0;
	v29 =	vmovc v8;
	v11 =	vbroadcast v9, $0x0;
	v17 =	vor.u32 v28, v3  }
0x333: {  	v3 =	vmov s14;
	v18 =	vor.u32 v29, v6;
	v6 =	vor.u32 s15, v30  }
0x334: {  	s2 =	simm.s32 $0x9;
	s16 =	simm.s32 $0xB;
	s6 =	simm.s32 $0xC;
	v11 =	vor.u32 v16, v11;
	v8 =	vor.u32 v27, v0;
	v0 =	vmov s28;
	v10 =	vld.idx.msk [tilespmem:v10+s18+$0x0], $0xffff  }
0x335: {  	s31 =	simm.s32 $0x10;
	p3 =	por $0x1, $0x1;
	s14 =	simm.s32 $0xE;
	v7 =	vor.u32 v23, v7;
	v0 =	vshrl.u32 v0, $0x3;
	v9 =	vld.idx.msk [tilespmem:v4+s18+$0x0], $0xffff;
	v4 =	vmov s2  }
0x336: {  	_ =	sdelay $0x3  }
0x337: {  	v8 =	vld.idx.msk [tilespmem:v8+s18+$0x0], $0xffff;
	_ =	sdelay $0x1  }
0x338: {  	v13 =	vmov s16;
	v20 =	vmov s6  }
0x339: {  	s1 =	simm.s32 $0xD;
	v21 =	vmov s14;
	v14 =	vld.idx.msk [tilespmem:v7+s18+$0x0], $0xffff;
	v4 =	vshrl.u32 v4, $0x3;
	v3 =	vshrl.u32 v3, $0x3  }
0x33a: {  	v7 =	vmov s1;
	v21 =	vshrl.u32 v21, $0x3;
	v13 =	vshrl.u32 v13, $0x3  }
0x33b: {  	v4 =	vshll.u32 v4, v1;
	v20 =	vshrl.u32 v20, $0x3;
	v3 =	vshll.u32 v3, v1;
	[tilespmem:$0x1FC70] =	vst v8  }
0x33c: {  	v21 =	vshll.u32 v21, v1;
	v4 =	vbroadcast v4, $0x0;
	v3 =	vbroadcast v3, $0x0;
	[tilespmem:s30+$0x100] =	vst v9  }
0x33d: {  	v21 =	vbroadcast v21, $0x0;
	v8 =	vshrl.u32 v7, $0x3;
	v7 =	vshll.u32 v13, v1;
	v17 =	vld.idx.msk [tilespmem:v17+s18+$0x0], $0xffff;
	[tilespmem:s30+$0xFFFFFE80] =	vst v10  }
0x33e: {  	v13 =	vld.idx.msk [tilespmem:v6+s18+$0x0], $0xffff;
	v10 =	vor.u32 v22, v4;
	v4 =	vbroadcast v7, $0x0;
	v6 =	vshll.u32 v20, v1;
	[tilespmem:s30+$0xFFFFFF00] =	vst v14  }
0x33f: {  	v7 =	vor.u32 v23, v3;
	v3 =	vbroadcast v6, $0x0;
	v6 =	vshll.u32 v8, v1;
	v8 =	vld [tilespmem:$0x1FC70]  }
0x340: {  	v18 =	vld.idx.msk [tilespmem:v18+s18+$0x0], $0xffff  }
0x341: {  	v11 =	vld.idx.msk [tilespmem:v11+s18+$0x0], $0xffff;
	v9 =	vor.u32 v31, v21  }
0x342: {  	p5 =	por $0x1, $0x1  }
.Ltmp32:
0x343: {  	v0 =	vshll.u32 v0, v1;
	[tilespmem:s30+$0x0] =	vst v17;
	(pc) =	sbr.rel @!p5 .LBB2_54-.Ltmp32, $4  }
0x344: {  	s15 =	simm.s32 $0x12;
	v20 =	vbroadcast v0, $0x0;
	[tilespmem:s30+$0xFFFFFF80] =	vst v8;
	v8 =	vor.u32 v27, v4;
	v4 =	vbroadcast v6, $0x0  }
0x345: {  	s14 =	simm.s32 $0xF;
	s2 =	simm.s32 $0x11;
	v17 =	vor.u32 v28, v3;
	[tilespmem:s30+$0x80] =	vst v18;
	v3 =	vmov s15  }
0x346: {  	s16 =	simm.s32 $0x13;
	s6 =	simm.s32 $0x14;
	p4 =	por $0x1, $0x1;
	v9 =	vld.idx.msk [tilespmem:v9+s18+$0x0], $0xffff;
	[tilespmem:s30+$0xFFFFFE00] =	vst v11;
	v11 =	vor.u32 v16, v20;
	v6 =	vmov s31;
	v18 =	vor.u32 v29, v4  }
0x347: {  	s1 =	simm.s32 $0x18;
	v10 =	vld.idx.msk [tilespmem:v10+s18+$0x0], $0xffff;
	[tilespmem:s30+$0x180] =	vst v13;
	v0 =	vshrl.u32 v6, $0x3;
	v6 =	vor.u32 s14, v30;
	s14 =	simm.s32 $0x16;
	v4 =	vmov s2;
	s2 =	simm.s32 $0x8A20  }
.LBB2_55:
0x348: {  	p5 =	slt.u32 s1, $0x38;
	v13 =	vmov s16;
	v20 =	vmov s6;
	s6 =	sadd.s32 $0x5, s31;
	v21 =	vmov s14;
	v7 =	vld.idx.msk [tilespmem:v7+s18+$0x0], $0xffff  }
0x349: {  	v4 =	vshrl.u32 v4, $0x3;
	v14 =	vmov s6;
	v21 =	vshrl.u32 v21, $0x3;
	v8 =	vld.idx.msk [tilespmem:v8+s18+$0x0], $0xffff  }
0x34a: {  	v3 =	vshrl.u32 v3, $0x3;
	v13 =	vshrl.u32 v13, $0x3;
	v21 =	vshll.u32 v21, v1;
	v17 =	vld.idx.msk [tilespmem:v17+s18+$0x0], $0xffff  }
0x34b: {  	s2 =	sadd.s32 $0x400, s2;
	v4 =	vshll.u32 v4, v1;
	v20 =	vshrl.u32 v20, $0x3;
	v21 =	vbroadcast v21, $0x0;
	v18 =	vld.idx.msk [tilespmem:v18+s18+$0x0], $0xffff  }
0x34c: {  	v3 =	vshll.u32 v3, v1;
	v4 =	vbroadcast v4, $0x0;
	v14 =	vshrl.u32 v14, $0x3;
	v11 =	vld.idx.msk [tilespmem:v11+s18+$0x0], $0xffff;
	[tilespmem:s2+$0x100] =	vst v9  }
0x34d: {  	v3 =	vbroadcast v3, $0x0;
	v9 =	vshll.u32 v13, v1;
	v13 =	vor.u32 v31, v21;
	[tilespmem:s2+$0xFFFFFE80] =	vst v10;
	v21 =	vld.idx.msk [tilespmem:v6+s18+$0x0], $0xffff  }
0x34e: {  	v10 =	vor.u32 v22, v4;
	v4 =	vbroadcast v9, $0x0;
	v6 =	vshll.u32 v20, v1;
	[tilespmem:s2+$0xFFFFFF00] =	vst v7  }
.Ltmp33:
0x34f: {  	v7 =	vor.u32 v23, v3;
	v3 =	vbroadcast v6, $0x0;
	v6 =	vshll.u32 v14, v1;
	[tilespmem:s2+$0xFFFFFF80] =	vst v8;
	(pc) =	sbr.rel @p5 .LBB2_55-.Ltmp33, $4  }
0x350: {  	v0 =	vshll.u32 v0, v1;
	v8 =	vor.u32 v27, v4;
	v4 =	vbroadcast v6, $0x0;
	[tilespmem:s2+$0x0] =	vst v17  }
0x351: {  	s6 =	sadd.s32 $0x7, s31;
	s31 =	smov.u32 s1;
	v14 =	vbroadcast v0, $0x0;
	v6 =	vmov s1;
	v17 =	vor.u32 v28, v3;
	[tilespmem:s2+$0x80] =	vst v18  }
0x352: {  	s14 =	sadd.s32 $0x1, s1;
	s15 =	sadd.s32 $0x2, s1;
	s16 =	sadd.s32 $0x3, s1;
	v0 =	vshrl.u32 v6, $0x3;
	v6 =	vor.u32 s6, v30;
	v18 =	vor.u32 v29, v4;
	v9 =	vld.idx.msk [tilespmem:v13+s18+$0x0], $0xffff;
	[tilespmem:s2+$0xFFFFFE00] =	vst v11  }
0x353: {  	s1 =	sadd.s32 $0x8, s1;
	v3 =	vmov s15;
	s6 =	sadd.s32 $0x4, s31;
	v4 =	vmov s14;
	s14 =	sadd.s32 $0x6, s31;
	v11 =	vor.u32 v16, v14;
	v10 =	vld.idx.msk [tilespmem:v10+s18+$0x0], $0xffff;
	[tilespmem:s2+$0x180] =	vst v21  }
0x354: {  	v23 =	vmov v29;
	v29 =	vmov v28;
	v27 =	vmov v30;
	v30 =	vld [tilespmem:$0x1FFC0]  }
.LBB2_57:
0x355: {  	_ = 	snop  }
0x356: {  	v13 =	vmov s16;
	s1 =	sadd.s32 $0x5, s31  }
0x357: {  	v14 =	vmov s6;
	v20 =	vmov s14;
	v21 =	vmov s1;
	s1 =	sadd.s32 @p4 $0x400, s2;
	s2 =	simm.s32 $0x8A20  }
0x358: {  	v4 =	vshrl.u32 v4, $0x3;
	v3 =	vshrl.u32 v3, $0x3;
	v0 =	vshll.u32 v0, v1;
	s2 =	smov.u32 @p4 s1  }
0x359: {  	v7 =	vld.idx.msk @p3 [tilespmem:v7+s18+$0x0], $0xffff;
	v20 =	vshrl.u32 v20, $0x3;
	v13 =	vshrl.u32 v13, $0x3;
	v4 =	vshll.u32 v4, v1;
	[tilespmem:s2+$0x100] =	vst @p3 v9  }
0x35a: {  	v14 =	vshrl.u32 v14, $0x3;
	v0 =	vbroadcast v0, $0x0;
	v4 =	vbroadcast v4, $0x0;
	v9 =	vld [tilespmem:$0x1FE90];
	[tilespmem:s2+$0xFFFFFE80] =	vst @p3 v10  }
0x35b: {  	v3 =	vshll.u32 v3, v1;
	v20 =	vshll.u32 v20, v1;
	v14 =	vshll.u32 v14, v1;
	v10 =	vld [tilespmem:$0x1FEA0]  }
0x35c: {  	v8 =	vld.idx.msk @p3 [tilespmem:v8+s18+$0x0], $0xffff;
	v0 =	vor.u32 v16, v0;
	v4 =	vor.u32 v22, v4;
	v22 =	vbroadcast v14, $0x0  }
0x35d: {  	v17 =	vld.idx.msk @p3 [tilespmem:v17+s18+$0x0], $0xffff;
	v21 =	vshrl.u32 v21, $0x3;
	v13 =	vshll.u32 v13, v1;
	v20 =	vbroadcast v20, $0x0  }
0x35e: {  	v6 =	vld.idx.msk @p3 [tilespmem:v6+s18+$0x0], $0xffff;
	v3 =	vbroadcast v3, $0x0;
	v13 =	vbroadcast v13, $0x0;
	[tilespmem:s2+$0xFFFFFF00] =	vst @p3 v7;
	v7 =	vor.u32 v29, v22  }
0x35f: {  	v18 =	vld.idx.msk @p3 [tilespmem:v18+s18+$0x0], $0xffff;
	v14 =	vshll.u32 v21, v1;
	v20 =	vor.u32 v31, v20  }
0x360: {  	v11 =	vld.idx.msk @p3 [tilespmem:v11+s18+$0x0], $0xffff;
	v3 =	vor.u32 v9, v3;
	v10 =	vor.u32 v10, v13;
	v13 =	vbroadcast v14, $0x0  }
0x361: {  	[tilespmem:s2+$0xFFFFFF80] =	vst @p3 v8;
	v0 =	vld.idx.msk [tilespmem:v0+s18+$0x0], $0xffff  }
0x362: {  	s16 =	sadd.s32 $0x7, s31;
	[tilespmem:s2+$0x0] =	vst @p3 v17;
	v4 =	vld.idx.msk [tilespmem:v4+s18+$0x0], $0xffff;
	v22 =	vor.u32 v23, v13  }
0x363: {  	[tilespmem:s2+$0x180] =	vst @p3 v6;
	v6 =	vld.idx.msk [tilespmem:v7+s18+$0x0], $0xffff;
	v13 =	vor.u32 s16, v27  }
0x364: {  	s1 =	sadd.s32 @p3 $0x400, s2;
	[tilespmem:s2+$0x80] =	vst @p3 v18;
	v23 =	vld.idx.msk [tilespmem:v20+s18+$0x0], $0xffff  }
0x365: {  	s30 =	smov.u32 @p3 s1;
	[tilespmem:s2+$0xFFFFFE00] =	vst @p3 v11;
	v3 =	vld.idx.msk [tilespmem:v3+s18+$0x0], $0xffff  }
0x366: {  	[tilespmem:s30+$0xFFFFFE00] =	vst v0;
	v10 =	vld.idx.msk [tilespmem:v10+s18+$0x0], $0xffff  }
0x367: {  	[tilespmem:s30+$0xFFFFFE80] =	vst v4;
	v7 =	vld.idx.msk [tilespmem:v22+s18+$0x0], $0xffff  }
0x368: {  	[tilespmem:s30+$0x0] =	vst v6;
	v4 =	vld.idx.msk [tilespmem:v13+s18+$0x0], $0xffff  }
.Ltmp34:
0x369: {  	[tilespmem:s30+$0x100] =	vst v23;
	(pc) =	sbr.rel @!p2 .LBB2_58-.Ltmp34, $4  }
0x36a: {  	[tilespmem:s30+$0xFFFFFF00] =	vst v3  }
0x36b: {  	[tilespmem:s30+$0xFFFFFF80] =	vst v10  }
0x36c: {  	[tilespmem:s30+$0x80] =	vst v7  }
0x36d: {  	s31 =	simm.s32 $0x8A30;
	[tilespmem:s30+$0x180] =	vst v4  }
0x36e: {  	v0 =	vmov s24;
	v3 =	vmov s26;
	v4 =	vmov s25;
	v29 =	vld [tilespmem:$0x1FFD0]  }
0x36f: {  	v6 =	vshrl.u32 v19, $0x3;
	v8 =	vshrl.u32 v12, $0x3;
	v23 =	vld [tilespmem:$0x1FFB0];
	v4 =	vshrl.u32 v4, $0x3  }
0x370: {  	s1 =	simm.s32 $0x5;
	v5 =	vshll.u32 v5, v1;
	v9 =	vmov s28;
	v4 =	vshll.u32 v4, v1  }
0x371: {  	v20 =	vld [tilespmem:$0x1FED0];
	v7 =	vmov s1;
	v6 =	vshll.u32 v6, v1;
	v4 =	vbroadcast v4, $0x0  }
0x372: {  	v21 =	vld [tilespmem:$0x1FEE0];
	v0 =	vshrl.u32 v0, $0x3;
	v3 =	vshrl.u32 v3, $0x3;
	v6 =	vbroadcast v6, $0x0  }
0x373: {  	v31 =	vld [tilespmem:$0x1FFA0];
	v8 =	vshll.u32 v8, v1;
	v11 =	vbroadcast v5, $0x0;
	v4 =	vor.u32 v29, v4  }
0x374: {  	p3 =	por $0x1, $0x1;
	v27 =	vld [tilespmem:$0x1FEF0];
	v8 =	vbroadcast v8, $0x0;
	v0 =	vshll.u32 v0, v1;
	v10 =	vor.u32 v23, v6  }
.Ltmp35:
0x375: {  	v5 =	vshrl.u32 v9, $0x3;
	v7 =	vshrl.u32 v7, $0x3;
	v0 =	vbroadcast v0, $0x0;
	(pc) =	sbr.rel @!p3 .LBB2_60-.Ltmp35, $4  }
0x376: {  	v3 =	vshll.u32 v3, v1;
	v6 =	vor.u32 v20, v8;
	v8 =	vshll.u32 v7, v1  }
0x377: {  	s2 =	simm.s32 $0x9;
	s6 =	simm.s32 $0xA;
	v3 =	vbroadcast v3, $0x0;
	v7 =	vor.u32 v21, v0;
	v0 =	vbroadcast v8, $0x0  }
0x378: {  	s30 =	simm.s32 $0x7;
	s24 =	simm.s32 $0xB;
	s26 =	simm.s32 $0xC;
	v19 =	vmov s2;
	v12 =	vmov s6;
	v11 =	vor.u32 v31, v11;
	v9 =	vld.idx.msk [tilespmem:v4+s18+$0x0], $0xffff  }
0x379: {  	v28 =	vmovc v30;
	s25 =	simm.s32 $0xE;
	s23 =	simm.s32 $0x10;
	p2 =	por $0x1, $0x1;
	v8 =	vor.u32 v27, v3;
	v17 =	vor.u32 v30, v0;
	v0 =	vor.u32 s30, v32;
	v10 =	vld.idx.msk [tilespmem:v10+s18+$0x0], $0xffff  }
0x37a: {  	_ =	sdelay $0x1  }
0x37b: {  	v3 =	vmov s24  }
0x37c: {  	v4 =	vmov s26;
	s1 =	simm.s32 $0xD;
	v13 =	vmov s25;
	v14 =	vshrl.u32 v19, $0x3  }
0x37d: {  	v6 =	vld.idx.msk [tilespmem:v6+s18+$0x0], $0xffff;
	v12 =	vshrl.u32 v12, $0x3;
	v5 =	vshll.u32 v5, v1;
	v18 =	vmov s1  }
0x37e: {  	v7 =	vld.idx.msk [tilespmem:v7+s18+$0x0], $0xffff;
	v13 =	vshrl.u32 v13, $0x3;
	v3 =	vshrl.u32 v3, $0x3;
	v14 =	vshll.u32 v14, v1  }
0x37f: {  	v8 =	vld.idx.msk [tilespmem:v8+s18+$0x0], $0xffff;
	v4 =	vshrl.u32 v4, $0x3;
	v13 =	vshll.u32 v13, v1;
	v14 =	vbroadcast v14, $0x0  }
0x380: {  	v17 =	vld.idx.msk [tilespmem:v17+s18+$0x0], $0xffff;
	v12 =	vshll.u32 v12, v1;
	v18 =	vshrl.u32 v18, $0x3;
	v13 =	vbroadcast v13, $0x0;
	[tilespmem:s31+$0x100] =	vst v9  }
0x381: {  	v11 =	vld.idx.msk [tilespmem:v11+s18+$0x0], $0xffff;
	v3 =	vshll.u32 v3, v1;
	v9 =	vbroadcast v12, $0x0;
	[tilespmem:s31+$0xFFFFFE80] =	vst v10;
	v10 =	vor.u32 v23, v14  }
0x382: {  	p3 =	por $0x1, $0x1;
	v12 =	vor.u32 v29, v13;
	v13 =	vld.idx.msk [tilespmem:v0+s18+$0x0], $0xffff;
	v0 =	vbroadcast v3, $0x0;
	v3 =	vshll.u32 v4, v1;
	[tilespmem:s31+$0xFFFFFF00] =	vst v6  }
.Ltmp36:
0x383: {  	v6 =	vor.u32 v20, v9;
	v4 =	vshll.u32 v18, v1;
	[tilespmem:s31+$0xFFFFFF80] =	vst v7;
	v3 =	vbroadcast v3, $0x0;
	(pc) =	sbr.rel @!p3 .LBB2_62-.Ltmp36, $4  }
0x384: {  	s2 =	simm.s32 $0x11;
	v14 =	vbroadcast v5, $0x0;
	[tilespmem:s31+$0x0] =	vst v8;
	v7 =	vor.u32 v21, v0;
	v0 =	vbroadcast v4, $0x0  }
0x385: {  	s30 =	simm.s32 $0xF;
	s6 =	simm.s32 $0x12;
	v19 =	vmov s2;
	[tilespmem:s31+$0x80] =	vst v17;
	v8 =	vor.u32 v27, v3  }
0x386: {  	s24 =	simm.s32 $0x13;
	s26 =	simm.s32 $0x14;
	s25 =	simm.s32 $0x16;
	[tilespmem:s31+$0xFFFFFE00] =	vst v11;
	v11 =	vor.u32 v31, v14;
	v4 =	vmov s23;
	v17 =	vor.u32 v28, v0;
	v10 =	vld.idx.msk [tilespmem:v10+s18+$0x0], $0xffff  }
0x387: {  	p0 =	por $0x1, $0x1;
	s1 =	simm.s32 $0x18;
	s2 =	simm.s32 $0x8A30;
	v5 =	vshrl.u32 v4, $0x3;
	v0 =	vor.u32 s30, v32;
	v9 =	vld.idx.msk [tilespmem:v12+s18+$0x0], $0xffff;
	v12 =	vmov s6;
	[tilespmem:s31+$0x180] =	vst v13  }
.LBB2_63:
0x388: {  	p3 =	slt.u32 s1, $0x38;
	v3 =	vmov s24;
	v4 =	vmov s26;
	s6 =	sadd.s32 $0x5, s23;
	v13 =	vmov s25;
	v6 =	vld.idx.msk [tilespmem:v6+s18+$0x0], $0xffff  }
0x389: {  	v14 =	vshrl.u32 v19, $0x3;
	v18 =	vmov s6;
	v13 =	vshrl.u32 v13, $0x3;
	v7 =	vld.idx.msk [tilespmem:v7+s18+$0x0], $0xffff  }
0x38a: {  	v12 =	vshrl.u32 v12, $0x3;
	v3 =	vshrl.u32 v3, $0x3;
	v13 =	vshll.u32 v13, v1;
	v8 =	vld.idx.msk [tilespmem:v8+s18+$0x0], $0xffff  }
0x38b: {  	s2 =	sadd.s32 $0x400, s2;
	v14 =	vshll.u32 v14, v1;
	v4 =	vshrl.u32 v4, $0x3;
	v13 =	vbroadcast v13, $0x0;
	v17 =	vld.idx.msk [tilespmem:v17+s18+$0x0], $0xffff  }
0x38c: {  	v12 =	vshll.u32 v12, v1;
	v14 =	vbroadcast v14, $0x0;
	v18 =	vshrl.u32 v18, $0x3;
	v11 =	vld.idx.msk [tilespmem:v11+s18+$0x0], $0xffff;
	[tilespmem:s2+$0x100] =	vst v9  }
0x38d: {  	v3 =	vshll.u32 v3, v1;
	v9 =	vbroadcast v12, $0x0;
	v12 =	vor.u32 v29, v13;
	[tilespmem:s2+$0xFFFFFE80] =	vst v10;
	v13 =	vld.idx.msk [tilespmem:v0+s18+$0x0], $0xffff  }
0x38e: {  	v10 =	vor.u32 v23, v14;
	v0 =	vbroadcast v3, $0x0;
	v3 =	vshll.u32 v4, v1;
	[tilespmem:s2+$0xFFFFFF00] =	vst v6  }
.Ltmp37:
0x38f: {  	v4 =	vshll.u32 v18, v1;
	v6 =	vor.u32 v20, v9;
	v3 =	vbroadcast v3, $0x0;
	[tilespmem:s2+$0xFFFFFF80] =	vst v7;
	(pc) =	sbr.rel @p3 .LBB2_63-.Ltmp37, $4  }
0x390: {  	v5 =	vshll.u32 v5, v1;
	v7 =	vor.u32 v21, v0;
	v0 =	vbroadcast v4, $0x0;
	[tilespmem:s2+$0x0] =	vst v8  }
0x391: {  	s6 =	sadd.s32 $0x7, s23;
	s23 =	smov.u32 s1;
	v14 =	vbroadcast v5, $0x0;
	v4 =	vmov s1;
	v8 =	vor.u32 v27, v3;
	[tilespmem:s2+$0x80] =	vst v17  }
0x392: {  	s14 =	sadd.s32 $0x1, s1;
	s15 =	sadd.s32 $0x2, s1;
	s24 =	sadd.s32 $0x3, s1;
	v5 =	vshrl.u32 v4, $0x3;
	v17 =	vor.u32 v28, v0;
	v0 =	vor.u32 s6, v32;
	v9 =	vld.idx.msk [tilespmem:v12+s18+$0x0], $0xffff;
	[tilespmem:s2+$0xFFFFFE00] =	vst v11  }
0x393: {  	v19 =	vmov s14;
	s26 =	sadd.s32 $0x4, s23;
	s25 =	sadd.s32 $0x6, s23;
	s1 =	sadd.s32 $0x8, s1;
	v12 =	vmov s15;
	v11 =	vor.u32 v31, v14;
	v10 =	vld.idx.msk [tilespmem:v10+s18+$0x0], $0xffff;
	[tilespmem:s2+$0x180] =	vst v13  }
0x394: {  	v30 =	vmov v28;
	v28 =	vmov v29  }
.LBB2_65:
0x395: {  	_ =	sdelay $0x3  }
0x396: {  	s1 =	sadd.s32 $0x5, s23;
	v6 =	vld.idx.msk @p2 [tilespmem:v6+s18+$0x0], $0xffff  }
0x397: {  	v3 =	vmov s24;
	v4 =	vmov s26;
	v18 =	vmov s1;
	s1 =	sadd.s32 @p0 $0x400, s2;
	s2 =	simm.s32 $0x8A30  }
0x398: {  	v13 =	vmov s25;
	v14 =	vshrl.u32 v19, $0x3;
	v12 =	vshrl.u32 v12, $0x3;
	s2 =	smov.u32 @p0 s1  }
0x399: {  	v5 =	vshll.u32 v5, v1;
	v13 =	vshrl.u32 v13, $0x3;
	v3 =	vshrl.u32 v3, $0x3;
	[tilespmem:s2+$0x100] =	vst @p2 v9  }
0x39a: {  	v14 =	vshll.u32 v14, v1;
	v4 =	vshrl.u32 v4, $0x3;
	v5 =	vbroadcast v5, $0x0;
	[tilespmem:s2+$0xFFFFFE80] =	vst @p2 v10  }
0x39b: {  	v7 =	vld.idx.msk @p2 [tilespmem:v7+s18+$0x0], $0xffff;
	v12 =	vshll.u32 v12, v1;
	v13 =	vshll.u32 v13, v1;
	v14 =	vbroadcast v14, $0x0;
	[tilespmem:s2+$0xFFFFFF00] =	vst @p2 v6  }
0x39c: {  	v18 =	vshrl.u32 v18, $0x3;
	v12 =	vbroadcast v12, $0x0;
	v5 =	vor.u32 v31, v5;
	v6 =	vld [tilespmem:$0x1FEF0]  }
0x39d: {  	v8 =	vld.idx.msk @p2 [tilespmem:v8+s18+$0x0], $0xffff;
	v3 =	vshll.u32 v3, v1;
	v13 =	vbroadcast v13, $0x0;
	v14 =	vor.u32 v23, v14  }
0x39e: {  	v17 =	vld.idx.msk @p2 [tilespmem:v17+s18+$0x0], $0xffff;
	v4 =	vshll.u32 v4, v1;
	v3 =	vbroadcast v3, $0x0;
	v9 =	vor.u32 v20, v12  }
0x39f: {  	v11 =	vld.idx.msk @p2 [tilespmem:v11+s18+$0x0], $0xffff;
	v4 =	vbroadcast v4, $0x0;
	v12 =	vshll.u32 v18, v1;
	v13 =	vor.u32 v28, v13  }
0x3a0: {  	v0 =	vld.idx.msk @p2 [tilespmem:v0+s18+$0x0], $0xffff;
	v3 =	vor.u32 v21, v3;
	v10 =	vbroadcast v12, $0x0  }
0x3a1: {  	[tilespmem:s2+$0xFFFFFF80] =	vst @p2 v7;
	v5 =	vld.idx.msk [tilespmem:v5+s18+$0x0], $0xffff;
	v4 =	vor.u32 v6, v4  }
0x3a2: {  	s14 =	sadd.s32 $0x7, s23;
	[tilespmem:s2+$0x0] =	vst @p2 v8;
	v8 =	vld.idx.msk [tilespmem:v14+s18+$0x0], $0xffff;
	v6 =	vor.u32 v30, v10  }
0x3a3: {  	[tilespmem:s2+$0x80] =	vst @p2 v17;
	v9 =	vld.idx.msk [tilespmem:v9+s18+$0x0], $0xffff;
	v10 =	vor.u32 s14, v32  }
0x3a4: {  	s1 =	sadd.s32 @p2 $0x400, s2;
	[tilespmem:s2+$0xFFFFFE00] =	vst @p2 v11;
	v7 =	vld.idx.msk [tilespmem:v13+s18+$0x0], $0xffff  }
0x3a5: {  	s31 =	smov.u32 @p2 s1;
	[tilespmem:s2+$0x180] =	vst @p2 v0;
	v3 =	vld.idx.msk [tilespmem:v3+s18+$0x0], $0xffff  }
0x3a6: {  	[tilespmem:s31+$0xFFFFFE00] =	vst v5;
	v0 =	vld.idx.msk [tilespmem:v4+s18+$0x0], $0xffff  }
0x3a7: {  	[tilespmem:s31+$0xFFFFFE80] =	vst v8;
	v4 =	vld.idx.msk [tilespmem:v6+s18+$0x0], $0xffff  }
0x3a8: {  	s23 =	simm.s32 $0x0;
	s30 =	simm.s32 $0x8A40;
	p2 =	por $0x1, $0x1;
	[tilespmem:s31+$0xFFFFFF00] =	vst v9;
	v6 =	vld.idx.msk [tilespmem:v10+s18+$0x0], $0xffff  }
.Ltmp38:
0x3a9: {  	s15 =	simm.s32 $0x1;
	s16 =	simm.s32 $0x2;
	[tilespmem:s31+$0x100] =	vst v7;
	(pc) =	sbr.rel @!p2 .LBB2_71-.Ltmp38, $4  }
0x3aa: {  	s24 =	simm.s32 $0x3;
	s26 =	simm.s32 $0x4;
	s25 =	simm.s32 $0x6;
	[tilespmem:s31+$0xFFFFFF80] =	vst v3  }
0x3ab: {  	s28 =	simm.s32 $0x8;
	p3 =	por $0x0, $0x0;
	s6 =	simm.s32 $0x4;
	[tilespmem:s31+$0x0] =	vst v0;
	v0 =	vmov s23  }
0x3ac: {  	p4 =	por $0x0, $0x0;
	p0 =	por $0x0, $0x0;
	s2 =	simm.s32 $0x0;
	v3 =	vmov s16;
	[tilespmem:s31+$0x80] =	vst v4;
	v4 =	vmov s15;
	v0 =	vshrl.u32 v0, $0x3  }
0x3ad: {  	s14 =	simm.s32 $0x6;
	s16 =	simm.s32 $0x3;
	v12 =	vmov v3;
	[tilespmem:s31+$0x180] =	vst v6;
	s31 =	simm.s32 $0x8A40;
	v19 =	vmov v4;
	v5 =	vmov v0  }
0x3ae: {  	v5 =	vmov s24;
	v6 =	vmov s26;
	v7 =	vmov s25  }
0x3af: {  	s1 =	simm.s32 $0x5;
	v8 =	vshrl.u32 v4, $0x3;
	v10 =	vshrl.u32 v3, $0x3;
	v7 =	vshrl.u32 v7, $0x3  }
0x3b0: {  	v9 =	vmov s1;
	v5 =	vshrl.u32 v5, $0x3;
	v7 =	vshll.u32 v7, v1  }
0x3b1: {  	s2 =	simm.s32 $0x9;
	v8 =	vshll.u32 v8, v1;
	v6 =	vshrl.u32 v6, $0x3;
	v7 =	vbroadcast v7, $0x0  }
0x3b2: {  	v10 =	vshll.u32 v10, v1;
	v19 =	vmov s2;
	v8 =	vbroadcast v8, $0x0  }
0x3b3: {  	v9 =	vshrl.u32 v9, $0x3;
	v10 =	vbroadcast v10, $0x0;
	v11 =	vor.u32 v39, v7  }
0x3b4: {  	p4 =	por $0x1, $0x1;
	v5 =	vshll.u32 v5, v1;
	v6 =	vshll.u32 v6, v1;
	v13 =	vor.u32 v34, v8  }
.Ltmp39:
0x3b5: {  	v5 =	vbroadcast v5, $0x0;
	v6 =	vbroadcast v6, $0x0;
	v9 =	vshll.u32 v9, v1;
	(pc) =	sbr.rel @!p4 .LBB2_67-.Ltmp39, $4  }
0x3b6: {  	s14 =	simm.s32 $0xA;
	v9 =	vbroadcast v9, $0x0;
	v7 =	vor.u32 v35, v10;
	v10 =	vshll.u32 v0, v1  }
0x3b7: {  	v12 =	vmov s14;
	v8 =	vor.u32 v36, v5;
	v10 =	vbroadcast v10, $0x0  }
0x3b8: {  	s31 =	simm.s32 $0x7;
	s16 =	simm.s32 $0xB;
	s6 =	simm.s32 $0xC;
	v5 =	vmov s28;
	v17 =	vor.u32 v37, v6;
	v18 =	vor.u32 v38, v9;
	v9 =	vld.idx.msk [tilespmem:v11+s18+$0x0], $0xffff  }
0x3b9: {  	p3 =	por $0x1, $0x1;
	s14 =	simm.s32 $0xE;
	s2 =	simm.s32 $0x10;
	v6 =	vor.u32 s31, v40;
	v5 =	vshrl.u32 v5, $0x3;
	v11 =	vor.u32 v33, v10;
	v10 =	vld.idx.msk [tilespmem:v13+s18+$0x0], $0xffff  }
0x3ba: {  	_ =	sdelay $0x1  }
0x3bb: {  	v13 =	vmov s16  }
0x3bc: {  	v14 =	vmov s6;
	s1 =	simm.s32 $0xD;
	v20 =	vmov s14;
	v19 =	vshrl.u32 v19, $0x3  }
0x3bd: {  	v7 =	vld.idx.msk [tilespmem:v7+s18+$0x0], $0xffff;
	v12 =	vshrl.u32 v12, $0x3;
	v5 =	vshll.u32 v5, v1;
	v21 =	vmov s1  }
0x3be: {  	v8 =	vld.idx.msk [tilespmem:v8+s18+$0x0], $0xffff;
	v20 =	vshrl.u32 v20, $0x3;
	v13 =	vshrl.u32 v13, $0x3;
	v19 =	vshll.u32 v19, v1  }
0x3bf: {  	v17 =	vld.idx.msk [tilespmem:v17+s18+$0x0], $0xffff;
	v14 =	vshrl.u32 v14, $0x3;
	v20 =	vshll.u32 v20, v1;
	v19 =	vbroadcast v19, $0x0  }
0x3c0: {  	v18 =	vld.idx.msk [tilespmem:v18+s18+$0x0], $0xffff;
	v12 =	vshll.u32 v12, v1;
	v21 =	vshrl.u32 v21, $0x3;
	v20 =	vbroadcast v20, $0x0;
	[tilespmem:s30+$0x100] =	vst v9  }
0x3c1: {  	v11 =	vld.idx.msk [tilespmem:v11+s18+$0x0], $0xffff;
	v9 =	vbroadcast v12, $0x0;
	v12 =	vshll.u32 v13, v1;
	[tilespmem:s30+$0xFFFFFE80] =	vst v10;
	v10 =	vor.u32 v34, v19  }
0x3c2: {  	p5 =	por $0x1, $0x1;
	v13 =	vor.u32 v39, v20;
	v20 =	vld.idx.msk [tilespmem:v6+s18+$0x0], $0xffff;
	v6 =	vbroadcast v12, $0x0;
	v12 =	vshll.u32 v14, v1;
	[tilespmem:s30+$0xFFFFFF00] =	vst v7  }
.Ltmp40:
0x3c3: {  	v7 =	vor.u32 v35, v9;
	[tilespmem:s30+$0xFFFFFF80] =	vst v8;
	v9 =	vbroadcast v12, $0x0;
	v12 =	vshll.u32 v21, v1;
	(pc) =	sbr.rel @!p5 .LBB2_69-.Ltmp40, $4  }
0x3c4: {  	s15 =	simm.s32 $0x11;
	[tilespmem:s30+$0x0] =	vst v17;
	v14 =	vbroadcast v5, $0x0;
	v8 =	vor.u32 v36, v6;
	v6 =	vbroadcast v12, $0x0  }
0x3c5: {  	s14 =	simm.s32 $0xF;
	s31 =	simm.s32 $0x12;
	v19 =	vmov s15;
	[tilespmem:s30+$0x80] =	vst v18;
	v17 =	vor.u32 v37, v9  }
0x3c6: {  	s16 =	simm.s32 $0x13;
	s6 =	simm.s32 $0x14;
	p4 =	por $0x1, $0x1;
	[tilespmem:s30+$0xFFFFFE00] =	vst v11;
	v12 =	vmov s2;
	v11 =	vor.u32 v33, v14;
	v18 =	vor.u32 v38, v6;
	v10 =	vld.idx.msk [tilespmem:v10+s18+$0x0], $0xffff  }
0x3c7: {  	s1 =	simm.s32 $0x18;
	v5 =	vshrl.u32 v12, $0x3;
	v12 =	vmov s31;
	s31 =	simm.s32 $0x8A40;
	v6 =	vor.u32 s14, v40;
	s14 =	simm.s32 $0x16;
	v9 =	vld.idx.msk [tilespmem:v13+s18+$0x0], $0xffff;
	[tilespmem:s30+$0x180] =	vst v20  }
.LBB2_70:
0x3c8: {  	p5 =	slt.u32 s1, $0x38;
	v13 =	vmov s16;
	v14 =	vmov s6;
	s6 =	sadd.s32 $0x5, s2;
	v20 =	vmov s14;
	v7 =	vld.idx.msk [tilespmem:v7+s18+$0x0], $0xffff  }
0x3c9: {  	v19 =	vshrl.u32 v19, $0x3;
	v21 =	vmov s6;
	v20 =	vshrl.u32 v20, $0x3;
	v8 =	vld.idx.msk [tilespmem:v8+s18+$0x0], $0xffff  }
0x3ca: {  	v12 =	vshrl.u32 v12, $0x3;
	v13 =	vshrl.u32 v13, $0x3;
	v20 =	vshll.u32 v20, v1;
	v17 =	vld.idx.msk [tilespmem:v17+s18+$0x0], $0xffff  }
0x3cb: {  	s31 =	sadd.s32 $0x400, s31;
	v19 =	vshll.u32 v19, v1;
	v14 =	vshrl.u32 v14, $0x3;
	v20 =	vbroadcast v20, $0x0;
	v18 =	vld.idx.msk [tilespmem:v18+s18+$0x0], $0xffff  }
0x3cc: {  	v12 =	vshll.u32 v12, v1;
	v19 =	vbroadcast v19, $0x0;
	v21 =	vshrl.u32 v21, $0x3;
	v11 =	vld.idx.msk [tilespmem:v11+s18+$0x0], $0xffff;
	[tilespmem:s31+$0x100] =	vst v9  }
0x3cd: {  	v9 =	vbroadcast v12, $0x0;
	v12 =	vshll.u32 v13, v1;
	v13 =	vor.u32 v39, v20;
	[tilespmem:s31+$0xFFFFFE80] =	vst v10;
	v20 =	vld.idx.msk [tilespmem:v6+s18+$0x0], $0xffff  }
0x3ce: {  	v10 =	vor.u32 v34, v19;
	v6 =	vbroadcast v12, $0x0;
	v12 =	vshll.u32 v14, v1;
	[tilespmem:s31+$0xFFFFFF00] =	vst v7  }
.Ltmp41:
0x3cf: {  	v7 =	vor.u32 v35, v9;
	v9 =	vbroadcast v12, $0x0;
	v12 =	vshll.u32 v21, v1;
	[tilespmem:s31+$0xFFFFFF80] =	vst v8;
	(pc) =	sbr.rel @p5 .LBB2_70-.Ltmp41, $4  }
0x3d0: {  	v5 =	vshll.u32 v5, v1;
	v8 =	vor.u32 v36, v6;
	v6 =	vbroadcast v12, $0x0;
	[tilespmem:s31+$0x0] =	vst v17  }
0x3d1: {  	s6 =	sadd.s32 $0x7, s2;
	s2 =	smov.u32 s1;
	v14 =	vbroadcast v5, $0x0;
	v12 =	vmov s1;
	v17 =	vor.u32 v37, v9;
	[tilespmem:s31+$0x80] =	vst v18  }
0x3d2: {  	s14 =	sadd.s32 $0x1, s1;
	s15 =	sadd.s32 $0x2, s1;
	s16 =	sadd.s32 $0x3, s1;
	v5 =	vshrl.u32 v12, $0x3;
	v18 =	vor.u32 v38, v6;
	v6 =	vor.u32 s6, v40;
	v9 =	vld.idx.msk [tilespmem:v13+s18+$0x0], $0xffff;
	[tilespmem:s31+$0xFFFFFE00] =	vst v11  }
0x3d3: {  	v19 =	vmov s14;
	s14 =	sadd.s32 $0x6, s2;
	s1 =	sadd.s32 $0x8, s1;
	v12 =	vmov s15;
	s6 =	sadd.s32 $0x4, s2;
	v11 =	vor.u32 v33, v14;
	v10 =	vld.idx.msk [tilespmem:v10+s18+$0x0], $0xffff;
	[tilespmem:s31+$0x180] =	vst v20  }
.LBB2_71:
0x3d4: {  	v13 =	vmov s16;
	v14 =	vmov s6;
	v20 =	vmov s14  }
0x3d5: {  	s1 =	sadd.s32 $0x5, s2;
	v19 =	vshrl.u32 v19, $0x3;
	v12 =	vshrl.u32 v12, $0x3;
	v5 =	vshll.u32 v5, v1  }
0x3d6: {  	v21 =	vmov s1;
	v20 =	vshrl.u32 v20, $0x3;
	v13 =	vshrl.u32 v13, $0x3  }
0x3d7: {  	v19 =	vshll.u32 v19, v1;
	v14 =	vshrl.u32 v14, $0x3;
	v5 =	vbroadcast v5, $0x0  }
0x3d8: {  	v7 =	vld.idx.msk @p3 [tilespmem:v7+s18+$0x0], $0xffff;
	v12 =	vshll.u32 v12, v1;
	v20 =	vshll.u32 v20, v1;
	v19 =	vbroadcast v19, $0x0  }
0x3d9: {  	v8 =	vld.idx.msk @p3 [tilespmem:v8+s18+$0x0], $0xffff;
	s6 =	simm.s32 $0x8A40;
	s1 =	sadd.s32 @p4 $0x400, s31;
	v21 =	vshrl.u32 v21, $0x3;
	v12 =	vbroadcast v12, $0x0;
	v5 =	vor.u32 v33, v5  }
0x3da: {  	v17 =	vld.idx.msk @p3 [tilespmem:v17+s18+$0x0], $0xffff;
	v13 =	vshll.u32 v13, v1;
	s6 =	smov.u32 @p4 s1;
	v20 =	vbroadcast v20, $0x0;
	v19 =	vor.u32 v34, v19  }
0x3db: {  	v18 =	vld.idx.msk @p3 [tilespmem:v18+s18+$0x0], $0xffff;
	v14 =	vshll.u32 v14, v1;
	v13 =	vbroadcast v13, $0x0;
	[tilespmem:s6+$0x100] =	vst @p3 v9;
	v23 =	vor.u32 v35, v12  }
0x3dc: {  	v11 =	vld.idx.msk @p3 [tilespmem:v11+s18+$0x0], $0xffff;
	v12 =	vbroadcast v14, $0x0;
	v14 =	vshll.u32 v21, v1;
	[tilespmem:s6+$0xFFFFFE80] =	vst @p3 v10;
	v20 =	vor.u32 v39, v20  }
0x3dd: {  	v6 =	vld.idx.msk @p3 [tilespmem:v6+s18+$0x0], $0xffff;
	s16 =	sadd.s32 $0x7, s2;
	v21 =	vor.u32 v36, v13;
	v13 =	vbroadcast v14, $0x0;
	[tilespmem:s6+$0xFFFFFF00] =	vst @p3 v7  }
0x3de: {  	[tilespmem:s6+$0xFFFFFF80] =	vst @p3 v8;
	v14 =	vor.u32 s16, v40;
	v5 =	vld.idx.msk [tilespmem:v5+s18+$0x0], $0xffff  }
0x3df: {  	[tilespmem:s6+$0x0] =	vst @p3 v17;
	v7 =	vor.u32 v37, v12;
	v22 =	vor.u32 v38, v13;
	v13 =	vld.idx.msk [tilespmem:v19+s18+$0x0], $0xffff  }
0x3e0: {  	[tilespmem:s6+$0x80] =	vst @p3 v18;
	v9 =	vld.idx.msk [tilespmem:v23+s18+$0x0], $0xffff  }
0x3e1: {  	s1 =	sadd.s32 @p3 $0x400, s6;
	[tilespmem:s6+$0xFFFFFE00] =	vst @p3 v11;
	v12 =	vld.idx.msk [tilespmem:v20+s18+$0x0], $0xffff  }
0x3e2: {  	s30 =	smov.u32 @p3 s1;
	[tilespmem:s6+$0x180] =	vst @p3 v6;
	v10 =	vld.idx.msk [tilespmem:v21+s18+$0x0], $0xffff  }
0x3e3: {  	v23 =	vld.idx.msk [tilespmem:v14+s18+$0x0], $0xffff;
	[tilespmem:s30+$0xFFFFFE00] =	vst v5  }
0x3e4: {  	v6 =	vld.idx.msk [tilespmem:v7+s18+$0x0], $0xffff;
	[tilespmem:s30+$0xFFFFFE80] =	vst v13  }
0x3e5: {  	v7 =	vld.idx.msk [tilespmem:v22+s18+$0x0], $0xffff;
	[tilespmem:s30+$0xFFFFFF00] =	vst v9  }
.Ltmp42:
0x3e6: {  	[tilespmem:s30+$0x100] =	vst v12;
	(pc) =	sbr.rel @!p2 .LBB2_72-.Ltmp42, $4  }
0x3e7: {  	[tilespmem:s30+$0xFFFFFF80] =	vst v10  }
0x3e8: {  	[tilespmem:s30+$0x180] =	vst v23  }
0x3e9: {  	[tilespmem:s30+$0x0] =	vst v6  }
0x3ea: {  	s31 =	simm.s32 $0x8A50;
	[tilespmem:s30+$0x80] =	vst v7  }
0x3eb: {  	v5 =	vmov s24;
	v6 =	vmov s26;
	v7 =	vmov s25  }
0x3ec: {  	s1 =	simm.s32 $0x5;
	v4 =	vshrl.u32 v4, $0x3;
	v3 =	vshrl.u32 v3, $0x3;
	v0 =	vshll.u32 v0, v1  }
0x3ed: {  	v8 =	vmov s1;
	v7 =	vshrl.u32 v7, $0x3;
	v4 =	vshll.u32 v4, v1  }
0x3ee: {  	v5 =	vshrl.u32 v5, $0x3;
	v7 =	vshll.u32 v7, v1;
	v4 =	vbroadcast v4, $0x0  }
0x3ef: {  	v6 =	vshrl.u32 v6, $0x3;
	v3 =	vshll.u32 v3, v1;
	v7 =	vbroadcast v7, $0x0  }
0x3f0: {  	v11 =	vbroadcast v0, $0x0;
	v8 =	vshrl.u32 v8, $0x3;
	v10 =	vor.u32 v42, v4  }
0x3f1: {  	p3 =	por $0x1, $0x1;
	v3 =	vbroadcast v3, $0x0;
	v5 =	vshll.u32 v5, v1;
	v9 =	vor.u32 v47, v7  }
.Ltmp43:
0x3f2: {  	v11 =	vor.u32 v41, v11;
	v4 =	vbroadcast v5, $0x0;
	v5 =	vshll.u32 v6, v1;
	(pc) =	sbr.rel @!p3 .LBB2_74-.Ltmp43, $4  }
0x3f3: {  	v6 =	vor.u32 v43, v3;
	v3 =	vbroadcast v5, $0x0;
	v5 =	vshll.u32 v8, v1  }
0x3f4: {  	s30 =	simm.s32 $0x7;
	s2 =	simm.s32 $0x9;
	v7 =	vor.u32 v44, v4;
	v4 =	vbroadcast v5, $0x0;
	v5 =	vmov s28  }
0x3f5: {  	s6 =	simm.s32 $0xA;
	s24 =	simm.s32 $0xB;
	s26 =	simm.s32 $0xC;
	v8 =	vor.u32 v45, v3;
	v0 =	vshrl.u32 v5, $0x3;
	v5 =	vor.u32 s30, v48;
	v10 =	vld.idx.msk [tilespmem:v10+s18+$0x0], $0xffff  }
0x3f6: {  	s25 =	simm.s32 $0xE;
	s23 =	simm.s32 $0x10;
	p2 =	por $0x1, $0x1;
	v3 =	vmov s6;
	v17 =	vor.u32 v46, v4;
	v4 =	vmov s2;
	v9 =	vld.idx.msk [tilespmem:v9+s18+$0x0], $0xffff  }
0x3f7: {  	_ =	sdelay $0x2  }
0x3f8: {  	v12 =	vmov s24;
	v13 =	vmov s26;
	s1 =	simm.s32 $0xD;
	v14 =	vmov s25  }
0x3f9: {  	v6 =	vld.idx.msk [tilespmem:v6+s18+$0x0], $0xffff;
	v4 =	vshrl.u32 v4, $0x3;
	v3 =	vshrl.u32 v3, $0x3;
	v18 =	vmov s1  }
0x3fa: {  	v7 =	vld.idx.msk [tilespmem:v7+s18+$0x0], $0xffff;
	v14 =	vshrl.u32 v14, $0x3;
	v12 =	vshrl.u32 v12, $0x3;
	v4 =	vshll.u32 v4, v1  }
0x3fb: {  	v8 =	vld.idx.msk [tilespmem:v8+s18+$0x0], $0xffff;
	v13 =	vshrl.u32 v13, $0x3;
	v14 =	vshll.u32 v14, v1;
	v4 =	vbroadcast v4, $0x0  }
0x3fc: {  	v17 =	vld.idx.msk [tilespmem:v17+s18+$0x0], $0xffff;
	v3 =	vshll.u32 v3, v1;
	v18 =	vshrl.u32 v18, $0x3;
	v14 =	vbroadcast v14, $0x0;
	[tilespmem:s31+$0xFFFFFE80] =	vst v10  }
0x3fd: {  	v11 =	vld.idx.msk [tilespmem:v11+s18+$0x0], $0xffff;
	v3 =	vbroadcast v3, $0x0;
	[tilespmem:s31+$0x100] =	vst v9;
	v9 =	vshll.u32 v12, v1;
	v10 =	vor.u32 v42, v4  }
0x3fe: {  	p3 =	por $0x1, $0x1;
	v12 =	vor.u32 v47, v14;
	v14 =	vld.idx.msk [tilespmem:v5+s18+$0x0], $0xffff;
	v4 =	vbroadcast v9, $0x0;
	v5 =	vshll.u32 v13, v1;
	[tilespmem:s31+$0xFFFFFF00] =	vst v6  }
.Ltmp44:
0x3ff: {  	v6 =	vor.u32 v43, v3;
	[tilespmem:s31+$0xFFFFFF80] =	vst v7;
	v3 =	vbroadcast v5, $0x0;
	v5 =	vshll.u32 v18, v1;
	(pc) =	sbr.rel @!p3 .LBB2_76-.Ltmp44, $4  }
0x400: {  	v0 =	vshll.u32 v0, v1;
	[tilespmem:s31+$0x0] =	vst v8;
	v7 =	vor.u32 v44, v4;
	v4 =	vbroadcast v5, $0x0  }
0x401: {  	s30 =	simm.s32 $0xF;
	s2 =	simm.s32 $0x11;
	s6 =	simm.s32 $0x12;
	v13 =	vbroadcast v0, $0x0;
	[tilespmem:s31+$0x80] =	vst v17;
	v5 =	vmov s23;
	v8 =	vor.u32 v45, v3  }
0x402: {  	s24 =	simm.s32 $0x13;
	s26 =	simm.s32 $0x14;
	s25 =	simm.s32 $0x16;
	[tilespmem:s31+$0xFFFFFE00] =	vst v11;
	v0 =	vshrl.u32 v5, $0x3;
	v5 =	vor.u32 s30, v48;
	v17 =	vor.u32 v46, v4;
	v10 =	vld.idx.msk [tilespmem:v10+s18+$0x0], $0xffff  }
0x403: {  	p0 =	por $0x1, $0x1;
	s1 =	simm.s32 $0x18;
	v11 =	vor.u32 v41, v13;
	v3 =	vmov s6;
	v4 =	vmov s2;
	s2 =	simm.s32 $0x8A50;
	v9 =	vld.idx.msk [tilespmem:v12+s18+$0x0], $0xffff;
	[tilespmem:s31+$0x180] =	vst v14  }
.LBB2_77:
0x404: {  	p3 =	slt.u32 s1, $0x38;
	v12 =	vmov s24;
	v13 =	vmov s26;
	s6 =	sadd.s32 $0x5, s23;
	v14 =	vmov s25;
	v6 =	vld.idx.msk [tilespmem:v6+s18+$0x0], $0xffff  }
0x405: {  	v4 =	vshrl.u32 v4, $0x3;
	v18 =	vmov s6;
	v14 =	vshrl.u32 v14, $0x3;
	v7 =	vld.idx.msk [tilespmem:v7+s18+$0x0], $0xffff  }
0x406: {  	v3 =	vshrl.u32 v3, $0x3;
	v12 =	vshrl.u32 v12, $0x3;
	v14 =	vshll.u32 v14, v1;
	v8 =	vld.idx.msk [tilespmem:v8+s18+$0x0], $0xffff  }
0x407: {  	s2 =	sadd.s32 $0x400, s2;
	v4 =	vshll.u32 v4, v1;
	v13 =	vshrl.u32 v13, $0x3;
	v14 =	vbroadcast v14, $0x0;
	v17 =	vld.idx.msk [tilespmem:v17+s18+$0x0], $0xffff  }
0x408: {  	v3 =	vshll.u32 v3, v1;
	v4 =	vbroadcast v4, $0x0;
	v18 =	vshrl.u32 v18, $0x3;
	v11 =	vld.idx.msk [tilespmem:v11+s18+$0x0], $0xffff;
	[tilespmem:s2+$0x100] =	vst v9  }
0x409: {  	v3 =	vbroadcast v3, $0x0;
	v9 =	vshll.u32 v12, v1;
	v12 =	vor.u32 v47, v14;
	[tilespmem:s2+$0xFFFFFE80] =	vst v10;
	v14 =	vld.idx.msk [tilespmem:v5+s18+$0x0], $0xffff  }
0x40a: {  	v10 =	vor.u32 v42, v4;
	v4 =	vbroadcast v9, $0x0;
	v5 =	vshll.u32 v13, v1;
	[tilespmem:s2+$0xFFFFFF00] =	vst v6  }
.Ltmp45:
0x40b: {  	v6 =	vor.u32 v43, v3;
	v3 =	vbroadcast v5, $0x0;
	v5 =	vshll.u32 v18, v1;
	[tilespmem:s2+$0xFFFFFF80] =	vst v7;
	(pc) =	sbr.rel @p3 .LBB2_77-.Ltmp45, $4  }
0x40c: {  	v0 =	vshll.u32 v0, v1;
	v7 =	vor.u32 v44, v4;
	v4 =	vbroadcast v5, $0x0;
	[tilespmem:s2+$0x0] =	vst v8  }
0x40d: {  	s6 =	sadd.s32 $0x7, s23;
	s23 =	smov.u32 s1;
	v13 =	vbroadcast v0, $0x0;
	v5 =	vmov s1;
	v8 =	vor.u32 v45, v3;
	[tilespmem:s2+$0x80] =	vst v17  }
0x40e: {  	s14 =	sadd.s32 $0x1, s1;
	s15 =	sadd.s32 $0x2, s1;
	s24 =	sadd.s32 $0x3, s1;
	v0 =	vshrl.u32 v5, $0x3;
	v5 =	vor.u32 s6, v48;
	v17 =	vor.u32 v46, v4;
	v9 =	vld.idx.msk [tilespmem:v12+s18+$0x0], $0xffff;
	[tilespmem:s2+$0xFFFFFE00] =	vst v11  }
0x40f: {  	s26 =	sadd.s32 $0x4, s23;
	s25 =	sadd.s32 $0x6, s23;
	s1 =	sadd.s32 $0x8, s1;
	v3 =	vmov s15;
	v4 =	vmov s14;
	v11 =	vor.u32 v41, v13;
	v10 =	vld.idx.msk [tilespmem:v10+s18+$0x0], $0xffff;
	[tilespmem:s2+$0x180] =	vst v14  }
.LBB2_78:
0x410: {  	v12 =	vmov s24;
	v13 =	vmov s26;
	v14 =	vmov s25  }
0x411: {  	s1 =	sadd.s32 $0x5, s23;
	v4 =	vshrl.u32 v4, $0x3;
	v3 =	vshrl.u32 v3, $0x3;
	v0 =	vshll.u32 v0, v1  }
0x412: {  	v18 =	vmov s1;
	v14 =	vshrl.u32 v14, $0x3;
	v12 =	vshrl.u32 v12, $0x3  }
0x413: {  	v4 =	vshll.u32 v4, v1;
	v13 =	vshrl.u32 v13, $0x3;
	v0 =	vbroadcast v0, $0x0  }
0x414: {  	v6 =	vld.idx.msk @p2 [tilespmem:v6+s18+$0x0], $0xffff;
	v3 =	vshll.u32 v3, v1;
	v14 =	vshll.u32 v14, v1;
	v4 =	vbroadcast v4, $0x0  }
0x415: {  	v7 =	vld.idx.msk @p2 [tilespmem:v7+s18+$0x0], $0xffff;
	s1 =	sadd.s32 @p0 $0x400, s2;
	s2 =	simm.s32 $0x8A50;
	v18 =	vshrl.u32 v18, $0x3;
	v3 =	vbroadcast v3, $0x0;
	v0 =	vor.u32 v41, v0  }
0x416: {  	v8 =	vld.idx.msk @p2 [tilespmem:v8+s18+$0x0], $0xffff;
	v12 =	vshll.u32 v12, v1;
	s2 =	smov.u32 @p0 s1;
	v14 =	vbroadcast v14, $0x0;
	v4 =	vor.u32 v42, v4  }
0x417: {  	v17 =	vld.idx.msk @p2 [tilespmem:v17+s18+$0x0], $0xffff;
	v13 =	vshll.u32 v13, v1;
	v12 =	vbroadcast v12, $0x0;
	[tilespmem:s2+$0x100] =	vst @p2 v9;
	v3 =	vor.u32 v43, v3  }
0x418: {  	v11 =	vld.idx.msk @p2 [tilespmem:v11+s18+$0x0], $0xffff;
	v9 =	vbroadcast v13, $0x0;
	v13 =	vshll.u32 v18, v1;
	[tilespmem:s2+$0xFFFFFE80] =	vst @p2 v10;
	v14 =	vor.u32 v47, v14  }
0x419: {  	v5 =	vld.idx.msk @p2 [tilespmem:v5+s18+$0x0], $0xffff;
	v10 =	vor.u32 v44, v12;
	v12 =	vbroadcast v13, $0x0;
	[tilespmem:s2+$0xFFFFFF00] =	vst @p2 v6  }
0x41a: {  	v6 =	vor.u32 v45, v9;
	[tilespmem:s2+$0xFFFFFF80] =	vst @p2 v7;
	v0 =	vld.idx.msk [tilespmem:v0+s18+$0x0], $0xffff  }
0x41b: {  	s14 =	sadd.s32 $0x7, s23;
	[tilespmem:s2+$0x0] =	vst @p2 v8;
	v7 =	vor.u32 v46, v12;
	v4 =	vld.idx.msk [tilespmem:v4+s18+$0x0], $0xffff  }
0x41c: {  	[tilespmem:s2+$0x80] =	vst @p2 v17;
	v8 =	vor.u32 s14, v48;
	v3 =	vld.idx.msk [tilespmem:v3+s18+$0x0], $0xffff  }
0x41d: {  	s1 =	sadd.s32 @p2 $0x400, s2;
	[tilespmem:s2+$0xFFFFFE00] =	vst @p2 v11;
	v9 =	vld.idx.msk [tilespmem:v14+s18+$0x0], $0xffff  }
0x41e: {  	s31 =	smov.u32 @p2 s1;
	[tilespmem:s2+$0x180] =	vst @p2 v5;
	v10 =	vld.idx.msk [tilespmem:v10+s18+$0x0], $0xffff  }
0x41f: {  	v5 =	vld.idx.msk [tilespmem:v6+s18+$0x0], $0xffff;
	[tilespmem:s31+$0xFFFFFE00] =	vst v0  }
0x420: {  	v6 =	vld.idx.msk [tilespmem:v7+s18+$0x0], $0xffff;
	[tilespmem:s31+$0xFFFFFE80] =	vst v4  }
0x421: {  	s23 =	simm.s32 $0x0;
	s30 =	simm.s32 $0x8A60;
	p2 =	por $0x1, $0x1;
	v7 =	vld.idx.msk [tilespmem:v8+s18+$0x0], $0xffff;
	[tilespmem:s31+$0xFFFFFF00] =	vst v3  }
.Ltmp46:
0x422: {  	s15 =	simm.s32 $0x1;
	s16 =	simm.s32 $0x2;
	[tilespmem:s31+$0x100] =	vst v9;
	(pc) =	sbr.rel @!p2 .LBB2_84-.Ltmp46, $4  }
0x423: {  	s24 =	simm.s32 $0x3;
	s26 =	simm.s32 $0x4;
	s25 =	simm.s32 $0x6;
	[tilespmem:s31+$0xFFFFFF80] =	vst v10  }
0x424: {  	s28 =	simm.s32 $0x8;
	p3 =	por $0x0, $0x0;
	s6 =	simm.s32 $0x4;
	v3 =	vmov s23;
	[tilespmem:s31+$0x0] =	vst v5  }
0x425: {  	p4 =	por $0x0, $0x0;
	p0 =	por $0x0, $0x0;
	s2 =	simm.s32 $0x0;
	v4 =	vmov s15;
	v0 =	vshrl.u32 v3, $0x3;
	v3 =	vmov s16;
	[tilespmem:s31+$0x80] =	vst v6  }
0x426: {  	s14 =	simm.s32 $0x6;
	s16 =	simm.s32 $0x3;
	v19 =	vmov v4;
	v12 =	vmov v3;
	v5 =	vmov v0;
	[tilespmem:s31+$0x180] =	vst v7;
	s31 =	simm.s32 $0x8A60  }
0x427: {  	v5 =	vmov s24;
	v6 =	vmov s26;
	v7 =	vmov s25  }
0x428: {  	s1 =	simm.s32 $0x5;
	v8 =	vshrl.u32 v4, $0x3;
	v10 =	vshrl.u32 v3, $0x3;
	v7 =	vshrl.u32 v7, $0x3  }
0x429: {  	v9 =	vmov s1;
	v5 =	vshrl.u32 v5, $0x3;
	v7 =	vshll.u32 v7, v1  }
0x42a: {  	s2 =	simm.s32 $0x9;
	v8 =	vshll.u32 v8, v1;
	v6 =	vshrl.u32 v6, $0x3;
	v7 =	vbroadcast v7, $0x0  }
0x42b: {  	v10 =	vshll.u32 v10, v1;
	v19 =	vmov s2;
	v8 =	vbroadcast v8, $0x0  }
0x42c: {  	v9 =	vshrl.u32 v9, $0x3;
	v10 =	vbroadcast v10, $0x0;
	v11 =	vor.u32 v55, v7  }
0x42d: {  	p4 =	por $0x1, $0x1;
	v5 =	vshll.u32 v5, v1;
	v6 =	vshll.u32 v6, v1;
	v13 =	vor.u32 v50, v8  }
.Ltmp47:
0x42e: {  	v5 =	vbroadcast v5, $0x0;
	v6 =	vbroadcast v6, $0x0;
	v9 =	vshll.u32 v9, v1;
	(pc) =	sbr.rel @!p4 .LBB2_80-.Ltmp47, $4  }
0x42f: {  	s14 =	simm.s32 $0xA;
	v9 =	vbroadcast v9, $0x0;
	v7 =	vor.u32 v51, v10;
	v10 =	vshll.u32 v0, v1  }
0x430: {  	v12 =	vmov s14;
	v8 =	vor.u32 v52, v5;
	v10 =	vbroadcast v10, $0x0  }
0x431: {  	s31 =	simm.s32 $0x7;
	s16 =	simm.s32 $0xB;
	s6 =	simm.s32 $0xC;
	v5 =	vmov s28;
	v17 =	vor.u32 v53, v6;
	v18 =	vor.u32 v54, v9;
	v9 =	vld.idx.msk [tilespmem:v11+s18+$0x0], $0xffff  }
0x432: {  	p3 =	por $0x1, $0x1;
	s14 =	simm.s32 $0xE;
	s2 =	simm.s32 $0x10;
	v6 =	vor.u32 s31, v56;
	v5 =	vshrl.u32 v5, $0x3;
	v11 =	vor.u32 v49, v10;
	v10 =	vld.idx.msk [tilespmem:v13+s18+$0x0], $0xffff  }
0x433: {  	_ =	sdelay $0x1  }
0x434: {  	v13 =	vmov s16  }
0x435: {  	v14 =	vmov s6;
	s1 =	simm.s32 $0xD;
	v20 =	vmov s14;
	v19 =	vshrl.u32 v19, $0x3  }
0x436: {  	v7 =	vld.idx.msk [tilespmem:v7+s18+$0x0], $0xffff;
	v12 =	vshrl.u32 v12, $0x3;
	v5 =	vshll.u32 v5, v1;
	v21 =	vmov s1  }
0x437: {  	v8 =	vld.idx.msk [tilespmem:v8+s18+$0x0], $0xffff;
	v20 =	vshrl.u32 v20, $0x3;
	v13 =	vshrl.u32 v13, $0x3;
	v19 =	vshll.u32 v19, v1  }
0x438: {  	v17 =	vld.idx.msk [tilespmem:v17+s18+$0x0], $0xffff;
	v14 =	vshrl.u32 v14, $0x3;
	v20 =	vshll.u32 v20, v1;
	v19 =	vbroadcast v19, $0x0  }
0x439: {  	v18 =	vld.idx.msk [tilespmem:v18+s18+$0x0], $0xffff;
	v12 =	vshll.u32 v12, v1;
	v21 =	vshrl.u32 v21, $0x3;
	v20 =	vbroadcast v20, $0x0;
	[tilespmem:s30+$0x100] =	vst v9  }
0x43a: {  	v11 =	vld.idx.msk [tilespmem:v11+s18+$0x0], $0xffff;
	v9 =	vbroadcast v12, $0x0;
	v12 =	vshll.u32 v13, v1;
	[tilespmem:s30+$0xFFFFFE80] =	vst v10;
	v10 =	vor.u32 v50, v19  }
0x43b: {  	p5 =	por $0x1, $0x1;
	v13 =	vor.u32 v55, v20;
	v20 =	vld.idx.msk [tilespmem:v6+s18+$0x0], $0xffff;
	v6 =	vbroadcast v12, $0x0;
	v12 =	vshll.u32 v14, v1;
	[tilespmem:s30+$0xFFFFFF00] =	vst v7  }
.Ltmp48:
0x43c: {  	v7 =	vor.u32 v51, v9;
	[tilespmem:s30+$0xFFFFFF80] =	vst v8;
	v9 =	vbroadcast v12, $0x0;
	v12 =	vshll.u32 v21, v1;
	(pc) =	sbr.rel @!p5 .LBB2_82-.Ltmp48, $4  }
0x43d: {  	s15 =	simm.s32 $0x11;
	[tilespmem:s30+$0x0] =	vst v17;
	v14 =	vbroadcast v5, $0x0;
	v8 =	vor.u32 v52, v6;
	v6 =	vbroadcast v12, $0x0  }
0x43e: {  	s14 =	simm.s32 $0xF;
	s31 =	simm.s32 $0x12;
	v19 =	vmov s15;
	[tilespmem:s30+$0x80] =	vst v18;
	v17 =	vor.u32 v53, v9  }
0x43f: {  	s16 =	simm.s32 $0x13;
	s6 =	simm.s32 $0x14;
	p4 =	por $0x1, $0x1;
	[tilespmem:s30+$0xFFFFFE00] =	vst v11;
	v12 =	vmov s2;
	v11 =	vor.u32 v49, v14;
	v18 =	vor.u32 v54, v6;
	v10 =	vld.idx.msk [tilespmem:v10+s18+$0x0], $0xffff  }
0x440: {  	s1 =	simm.s32 $0x18;
	v5 =	vshrl.u32 v12, $0x3;
	v12 =	vmov s31;
	s31 =	simm.s32 $0x8A60;
	v6 =	vor.u32 s14, v56;
	s14 =	simm.s32 $0x16;
	v9 =	vld.idx.msk [tilespmem:v13+s18+$0x0], $0xffff;
	[tilespmem:s30+$0x180] =	vst v20  }
.LBB2_83:
0x441: {  	p5 =	slt.u32 s1, $0x38;
	v13 =	vmov s16;
	v14 =	vmov s6;
	s6 =	sadd.s32 $0x5, s2;
	v20 =	vmov s14;
	v7 =	vld.idx.msk [tilespmem:v7+s18+$0x0], $0xffff  }
0x442: {  	v19 =	vshrl.u32 v19, $0x3;
	v21 =	vmov s6;
	v20 =	vshrl.u32 v20, $0x3;
	v8 =	vld.idx.msk [tilespmem:v8+s18+$0x0], $0xffff  }
0x443: {  	v12 =	vshrl.u32 v12, $0x3;
	v13 =	vshrl.u32 v13, $0x3;
	v20 =	vshll.u32 v20, v1;
	v17 =	vld.idx.msk [tilespmem:v17+s18+$0x0], $0xffff  }
0x444: {  	s31 =	sadd.s32 $0x400, s31;
	v19 =	vshll.u32 v19, v1;
	v14 =	vshrl.u32 v14, $0x3;
	v20 =	vbroadcast v20, $0x0;
	v18 =	vld.idx.msk [tilespmem:v18+s18+$0x0], $0xffff  }
0x445: {  	v12 =	vshll.u32 v12, v1;
	v19 =	vbroadcast v19, $0x0;
	v21 =	vshrl.u32 v21, $0x3;
	v11 =	vld.idx.msk [tilespmem:v11+s18+$0x0], $0xffff;
	[tilespmem:s31+$0x100] =	vst v9  }
0x446: {  	v9 =	vbroadcast v12, $0x0;
	v12 =	vshll.u32 v13, v1;
	v13 =	vor.u32 v55, v20;
	[tilespmem:s31+$0xFFFFFE80] =	vst v10;
	v20 =	vld.idx.msk [tilespmem:v6+s18+$0x0], $0xffff  }
0x447: {  	v10 =	vor.u32 v50, v19;
	v6 =	vbroadcast v12, $0x0;
	v12 =	vshll.u32 v14, v1;
	[tilespmem:s31+$0xFFFFFF00] =	vst v7  }
.Ltmp49:
0x448: {  	v7 =	vor.u32 v51, v9;
	v9 =	vbroadcast v12, $0x0;
	v12 =	vshll.u32 v21, v1;
	[tilespmem:s31+$0xFFFFFF80] =	vst v8;
	(pc) =	sbr.rel @p5 .LBB2_83-.Ltmp49, $4  }
0x449: {  	v5 =	vshll.u32 v5, v1;
	v8 =	vor.u32 v52, v6;
	v6 =	vbroadcast v12, $0x0;
	[tilespmem:s31+$0x0] =	vst v17  }
0x44a: {  	s6 =	sadd.s32 $0x7, s2;
	s2 =	smov.u32 s1;
	v14 =	vbroadcast v5, $0x0;
	v12 =	vmov s1;
	v17 =	vor.u32 v53, v9;
	[tilespmem:s31+$0x80] =	vst v18  }
0x44b: {  	s14 =	sadd.s32 $0x1, s1;
	s15 =	sadd.s32 $0x2, s1;
	s16 =	sadd.s32 $0x3, s1;
	v5 =	vshrl.u32 v12, $0x3;
	v18 =	vor.u32 v54, v6;
	v6 =	vor.u32 s6, v56;
	v9 =	vld.idx.msk [tilespmem:v13+s18+$0x0], $0xffff;
	[tilespmem:s31+$0xFFFFFE00] =	vst v11  }
0x44c: {  	v19 =	vmov s14;
	s14 =	sadd.s32 $0x6, s2;
	s1 =	sadd.s32 $0x8, s1;
	v12 =	vmov s15;
	s6 =	sadd.s32 $0x4, s2;
	v11 =	vor.u32 v49, v14;
	v10 =	vld.idx.msk [tilespmem:v10+s18+$0x0], $0xffff;
	[tilespmem:s31+$0x180] =	vst v20  }
.LBB2_84:
0x44d: {  	v13 =	vmov s16;
	v14 =	vmov s6;
	v20 =	vmov s14  }
0x44e: {  	s1 =	sadd.s32 $0x5, s2;
	v19 =	vshrl.u32 v19, $0x3;
	v12 =	vshrl.u32 v12, $0x3;
	v5 =	vshll.u32 v5, v1  }
0x44f: {  	v21 =	vmov s1;
	v20 =	vshrl.u32 v20, $0x3;
	v13 =	vshrl.u32 v13, $0x3  }
0x450: {  	v19 =	vshll.u32 v19, v1;
	v14 =	vshrl.u32 v14, $0x3;
	v5 =	vbroadcast v5, $0x0  }
0x451: {  	v7 =	vld.idx.msk @p3 [tilespmem:v7+s18+$0x0], $0xffff;
	v12 =	vshll.u32 v12, v1;
	v20 =	vshll.u32 v20, v1;
	v19 =	vbroadcast v19, $0x0  }
0x452: {  	v8 =	vld.idx.msk @p3 [tilespmem:v8+s18+$0x0], $0xffff;
	s6 =	simm.s32 $0x8A60;
	s1 =	sadd.s32 @p4 $0x400, s31;
	v21 =	vshrl.u32 v21, $0x3;
	v12 =	vbroadcast v12, $0x0;
	v5 =	vor.u32 v49, v5  }
0x453: {  	v17 =	vld.idx.msk @p3 [tilespmem:v17+s18+$0x0], $0xffff;
	v13 =	vshll.u32 v13, v1;
	s6 =	smov.u32 @p4 s1;
	v20 =	vbroadcast v20, $0x0;
	v19 =	vor.u32 v50, v19  }
0x454: {  	v18 =	vld.idx.msk @p3 [tilespmem:v18+s18+$0x0], $0xffff;
	v14 =	vshll.u32 v14, v1;
	v13 =	vbroadcast v13, $0x0;
	[tilespmem:s6+$0x100] =	vst @p3 v9;
	v23 =	vor.u32 v51, v12  }
0x455: {  	v11 =	vld.idx.msk @p3 [tilespmem:v11+s18+$0x0], $0xffff;
	v12 =	vbroadcast v14, $0x0;
	v14 =	vshll.u32 v21, v1;
	[tilespmem:s6+$0xFFFFFE80] =	vst @p3 v10;
	v20 =	vor.u32 v55, v20  }
0x456: {  	v6 =	vld.idx.msk @p3 [tilespmem:v6+s18+$0x0], $0xffff;
	s16 =	sadd.s32 $0x7, s2;
	v21 =	vor.u32 v52, v13;
	v13 =	vbroadcast v14, $0x0;
	[tilespmem:s6+$0xFFFFFF00] =	vst @p3 v7  }
0x457: {  	[tilespmem:s6+$0xFFFFFF80] =	vst @p3 v8;
	v14 =	vor.u32 s16, v56;
	v5 =	vld.idx.msk [tilespmem:v5+s18+$0x0], $0xffff  }
0x458: {  	[tilespmem:s6+$0x0] =	vst @p3 v17;
	v7 =	vor.u32 v53, v12;
	v22 =	vor.u32 v54, v13;
	v13 =	vld.idx.msk [tilespmem:v19+s18+$0x0], $0xffff  }
0x459: {  	[tilespmem:s6+$0x80] =	vst @p3 v18;
	v9 =	vld.idx.msk [tilespmem:v23+s18+$0x0], $0xffff  }
0x45a: {  	s1 =	sadd.s32 @p3 $0x400, s6;
	[tilespmem:s6+$0xFFFFFE00] =	vst @p3 v11;
	v12 =	vld.idx.msk [tilespmem:v20+s18+$0x0], $0xffff  }
0x45b: {  	s30 =	smov.u32 @p3 s1;
	[tilespmem:s6+$0x180] =	vst @p3 v6;
	v10 =	vld.idx.msk [tilespmem:v21+s18+$0x0], $0xffff  }
0x45c: {  	v23 =	vld.idx.msk [tilespmem:v14+s18+$0x0], $0xffff;
	[tilespmem:s30+$0xFFFFFE00] =	vst v5  }
0x45d: {  	v6 =	vld.idx.msk [tilespmem:v7+s18+$0x0], $0xffff;
	[tilespmem:s30+$0xFFFFFE80] =	vst v13  }
0x45e: {  	v7 =	vld.idx.msk [tilespmem:v22+s18+$0x0], $0xffff;
	[tilespmem:s30+$0xFFFFFF00] =	vst v9  }
.Ltmp50:
0x45f: {  	[tilespmem:s30+$0x100] =	vst v12;
	(pc) =	sbr.rel @!p2 .LBB2_85-.Ltmp50, $4  }
0x460: {  	[tilespmem:s30+$0xFFFFFF80] =	vst v10  }
0x461: {  	[tilespmem:s30+$0x180] =	vst v23  }
0x462: {  	[tilespmem:s30+$0x0] =	vst v6  }
0x463: {  	s31 =	simm.s32 $0x8A70;
	[tilespmem:s30+$0x80] =	vst v7  }
0x464: {  	v5 =	vmov s24;
	v6 =	vmov s26;
	v7 =	vmov s25  }
0x465: {  	s1 =	simm.s32 $0x5;
	v4 =	vshrl.u32 v4, $0x3;
	v3 =	vshrl.u32 v3, $0x3;
	v0 =	vshll.u32 v0, v1  }
0x466: {  	v8 =	vmov s1;
	v7 =	vshrl.u32 v7, $0x3;
	v4 =	vshll.u32 v4, v1  }
0x467: {  	v5 =	vshrl.u32 v5, $0x3;
	v7 =	vshll.u32 v7, v1;
	v4 =	vbroadcast v4, $0x0  }
0x468: {  	v6 =	vshrl.u32 v6, $0x3;
	v3 =	vshll.u32 v3, v1;
	v7 =	vbroadcast v7, $0x0  }
0x469: {  	v11 =	vbroadcast v0, $0x0;
	v8 =	vshrl.u32 v8, $0x3;
	v10 =	vor.u32 v58, v4  }
0x46a: {  	p3 =	por $0x1, $0x1;
	v3 =	vbroadcast v3, $0x0;
	v5 =	vshll.u32 v5, v1;
	v9 =	vor.u32 v63, v7  }
.Ltmp51:
0x46b: {  	v11 =	vor.u32 v57, v11;
	v4 =	vbroadcast v5, $0x0;
	v5 =	vshll.u32 v6, v1;
	(pc) =	sbr.rel @!p3 .LBB2_87-.Ltmp51, $4  }
0x46c: {  	v6 =	vor.u32 v59, v3;
	v3 =	vbroadcast v5, $0x0;
	v5 =	vshll.u32 v8, v1  }
0x46d: {  	s30 =	simm.s32 $0x7;
	s2 =	simm.s32 $0x9;
	v7 =	vor.u32 v60, v4;
	v4 =	vbroadcast v5, $0x0;
	v5 =	vmov s28  }
0x46e: {  	s6 =	simm.s32 $0xA;
	s24 =	simm.s32 $0xB;
	s26 =	simm.s32 $0xC;
	v8 =	vor.u32 v61, v3;
	v0 =	vshrl.u32 v5, $0x3;
	v5 =	vor.u32 s30, v2;
	v10 =	vld.idx.msk [tilespmem:v10+s18+$0x0], $0xffff  }
0x46f: {  	s25 =	simm.s32 $0xE;
	s23 =	simm.s32 $0x10;
	p2 =	por $0x1, $0x1;
	v21 =	vmovc v15;
	v20 =	vmovc v25;
	v3 =	vmov s6;
	v17 =	vor.u32 v62, v4;
	v4 =	vmov s2;
	v9 =	vld.idx.msk [tilespmem:v9+s18+$0x0], $0xffff  }
0x470: {  	_ =	sdelay $0x3  }
0x471: {  	v14 =	vmov s25;
	v6 =	vld.idx.msk [tilespmem:v6+s18+$0x0], $0xffff;
	v4 =	vshrl.u32 v4, $0x3  }
0x472: {  	v7 =	vld.idx.msk [tilespmem:v7+s18+$0x0], $0xffff;
	v14 =	vshrl.u32 v14, $0x3;
	v4 =	vshll.u32 v4, v1  }
0x473: {  	v12 =	vmov s24;
	v8 =	vld.idx.msk [tilespmem:v8+s18+$0x0], $0xffff;
	v14 =	vshll.u32 v14, v1;
	v4 =	vbroadcast v4, $0x0  }
0x474: {  	v3 =	vshrl.u32 v3, $0x3;
	v17 =	vld.idx.msk [tilespmem:v17+s18+$0x0], $0xffff;
	v0 =	vshll.u32 v0, v1;
	v14 =	vbroadcast v14, $0x0;
	[tilespmem:s31+$0xFFFFFE80] =	vst v10  }
0x475: {  	v11 =	vld.idx.msk [tilespmem:v11+s18+$0x0], $0xffff;
	v12 =	vshrl.u32 v12, $0x3;
	v3 =	vshll.u32 v3, v1;
	[tilespmem:s31+$0x100] =	vst v9;
	v10 =	vor.u32 v58, v4  }
0x476: {  	v13 =	vmov s26;
	s1 =	simm.s32 $0xD;
	v9 =	vshll.u32 v12, v1;
	v12 =	vor.u32 v63, v14;
	v14 =	vld.idx.msk [tilespmem:v5+s18+$0x0], $0xffff;
	[tilespmem:s31+$0xFFFFFF00] =	vst v6  }
0x477: {  	v18 =	vmov s1;
	v13 =	vshrl.u32 v13, $0x3;
	v3 =	vbroadcast v3, $0x0;
	[tilespmem:s31+$0xFFFFFF80] =	vst v7  }
0x478: {  	p3 =	por $0x1, $0x1;
	v18 =	vshrl.u32 v18, $0x3;
	v4 =	vbroadcast v9, $0x0;
	v5 =	vshll.u32 v13, v1;
	[tilespmem:s31+$0x0] =	vst v8  }
.Ltmp52:
0x479: {  	v6 =	vor.u32 v59, v3;
	[tilespmem:s31+$0x80] =	vst v17;
	v3 =	vbroadcast v5, $0x0;
	v5 =	vshll.u32 v18, v1;
	(pc) =	sbr.rel @!p3 .LBB2_89-.Ltmp52, $4  }
0x47a: {  	v13 =	vbroadcast v0, $0x0;
	[tilespmem:s31+$0xFFFFFE00] =	vst v11;
	v7 =	vor.u32 v60, v4;
	v4 =	vbroadcast v5, $0x0;
	v10 =	vld.idx.msk [tilespmem:v10+s18+$0x0], $0xffff  }
0x47b: {  	s30 =	simm.s32 $0xF;
	s2 =	simm.s32 $0x11;
	s6 =	simm.s32 $0x12;
	v5 =	vmov s23;
	v8 =	vor.u32 v61, v3;
	v9 =	vld.idx.msk [tilespmem:v12+s18+$0x0], $0xffff;
	[tilespmem:s31+$0x180] =	vst v14  }
0x47c: {  	s24 =	simm.s32 $0x13;
	s26 =	simm.s32 $0x14;
	s25 =	simm.s32 $0x16;
	v11 =	vor.u32 v57, v13;
	v0 =	vshrl.u32 v5, $0x3;
	v17 =	vor.u32 v62, v4;
	v15 =	vld [tilespmem:$0x1FF60]  }
0x47d: {  	p0 =	por $0x1, $0x1;
	s1 =	simm.s32 $0x18;
	v5 =	vor.u32 s30, v2;
	v3 =	vmov s6;
	v4 =	vmov s2;
	s2 =	simm.s32 $0x8A70;
	v25 =	vld [tilespmem:$0x1FF20]  }
.LBB2_90:
0x47e: {  	p3 =	slt.u32 s1, $0x38;
	v12 =	vmov s24;
	v13 =	vmov s26;
	s6 =	sadd.s32 $0x5, s23;
	v14 =	vmov s25;
	v6 =	vld.idx.msk [tilespmem:v6+s18+$0x0], $0xffff  }
0x47f: {  	v4 =	vshrl.u32 v4, $0x3;
	v18 =	vmov s6;
	v14 =	vshrl.u32 v14, $0x3;
	v7 =	vld.idx.msk [tilespmem:v7+s18+$0x0], $0xffff  }
0x480: {  	v3 =	vshrl.u32 v3, $0x3;
	v12 =	vshrl.u32 v12, $0x3;
	v14 =	vshll.u32 v14, v1;
	v8 =	vld.idx.msk [tilespmem:v8+s18+$0x0], $0xffff  }
0x481: {  	s2 =	sadd.s32 $0x400, s2;
	v4 =	vshll.u32 v4, v1;
	v13 =	vshrl.u32 v13, $0x3;
	v14 =	vbroadcast v14, $0x0;
	v17 =	vld.idx.msk [tilespmem:v17+s18+$0x0], $0xffff  }
0x482: {  	v3 =	vshll.u32 v3, v1;
	v4 =	vbroadcast v4, $0x0;
	v18 =	vshrl.u32 v18, $0x3;
	v11 =	vld.idx.msk [tilespmem:v11+s18+$0x0], $0xffff;
	[tilespmem:s2+$0x100] =	vst v9  }
0x483: {  	v3 =	vbroadcast v3, $0x0;
	v9 =	vshll.u32 v12, v1;
	v12 =	vor.u32 v63, v14;
	[tilespmem:s2+$0xFFFFFE80] =	vst v10;
	v14 =	vld.idx.msk [tilespmem:v5+s18+$0x0], $0xffff  }
0x484: {  	v10 =	vor.u32 v58, v4;
	v4 =	vbroadcast v9, $0x0;
	v5 =	vshll.u32 v13, v1;
	[tilespmem:s2+$0xFFFFFF00] =	vst v6  }
.Ltmp53:
0x485: {  	v6 =	vor.u32 v59, v3;
	v3 =	vbroadcast v5, $0x0;
	v5 =	vshll.u32 v18, v1;
	[tilespmem:s2+$0xFFFFFF80] =	vst v7;
	(pc) =	sbr.rel @p3 .LBB2_90-.Ltmp53, $4  }
0x486: {  	v0 =	vshll.u32 v0, v1;
	v7 =	vor.u32 v60, v4;
	v4 =	vbroadcast v5, $0x0;
	[tilespmem:s2+$0x0] =	vst v8  }
0x487: {  	s6 =	sadd.s32 $0x7, s23;
	s23 =	smov.u32 s1;
	v13 =	vbroadcast v0, $0x0;
	v5 =	vmov s1;
	v8 =	vor.u32 v61, v3;
	[tilespmem:s2+$0x80] =	vst v17  }
0x488: {  	s14 =	sadd.s32 $0x1, s1;
	s15 =	sadd.s32 $0x2, s1;
	s24 =	sadd.s32 $0x3, s1;
	v0 =	vshrl.u32 v5, $0x3;
	v5 =	vor.u32 s6, v2;
	v17 =	vor.u32 v62, v4;
	v9 =	vld.idx.msk [tilespmem:v12+s18+$0x0], $0xffff;
	[tilespmem:s2+$0xFFFFFE00] =	vst v11  }
0x489: {  	s26 =	sadd.s32 $0x4, s23;
	s25 =	sadd.s32 $0x6, s23;
	s1 =	sadd.s32 $0x8, s1;
	v3 =	vmov s15;
	v4 =	vmov s14;
	v11 =	vor.u32 v57, v13;
	v10 =	vld.idx.msk [tilespmem:v10+s18+$0x0], $0xffff;
	[tilespmem:s2+$0x180] =	vst v14  }
.LBB2_91:
0x48a: {  	v12 =	vmov s24  }
0x48b: {  	v13 =	vmov s26;
	v14 =	vmov s25;
	s1 =	sadd.s32 $0x5, s23;
	v4 =	vshrl.u32 v4, $0x3  }
0x48c: {  	v3 =	vshrl.u32 v3, $0x3;
	v0 =	vshll.u32 v0, v1;
	v18 =	vmov s1  }
0x48d: {  	v14 =	vshrl.u32 v14, $0x3;
	v12 =	vshrl.u32 v12, $0x3;
	v4 =	vshll.u32 v4, v1  }
0x48e: {  	v6 =	vld.idx.msk @p2 [tilespmem:v6+s18+$0x0], $0xffff;
	s26 =	sadd.s32 $0x7, s23;
	v13 =	vshrl.u32 v13, $0x3;
	v3 =	vshll.u32 v3, v1;
	v0 =	vbroadcast v0, $0x0  }
0x48f: {  	v7 =	vld.idx.msk @p2 [tilespmem:v7+s18+$0x0], $0xffff;
	s1 =	sadd.s32 @p0 $0x400, s2;
	s2 =	simm.s32 $0x8A70;
	v2 =	vor.u32 s26, v2;
	v14 =	vshll.u32 v14, v1;
	v4 =	vbroadcast v4, $0x0  }
0x490: {  	v8 =	vld.idx.msk @p2 [tilespmem:v8+s18+$0x0], $0xffff;
	v18 =	vshrl.u32 v18, $0x3;
	v3 =	vbroadcast v3, $0x0;
	s2 =	smov.u32 @p0 s1;
	v0 =	vor.u32 v57, v0  }
0x491: {  	v17 =	vld.idx.msk @p2 [tilespmem:v17+s18+$0x0], $0xffff;
	v12 =	vshll.u32 v12, v1;
	v14 =	vbroadcast v14, $0x0;
	[tilespmem:s2+$0x100] =	vst @p2 v9;
	v4 =	vor.u32 v58, v4  }
0x492: {  	v11 =	vld.idx.msk @p2 [tilespmem:v11+s18+$0x0], $0xffff;
	v13 =	vshll.u32 v13, v1;
	v12 =	vbroadcast v12, $0x0;
	v3 =	vor.u32 v59, v3;
	[tilespmem:s2+$0xFFFFFE80] =	vst @p2 v10  }
0x493: {  	v5 =	vld.idx.msk @p2 [tilespmem:v5+s18+$0x0], $0xffff;
	v9 =	vbroadcast v13, $0x0;
	v13 =	vshll.u32 v18, v1;
	v14 =	vor.u32 v63, v14;
	[tilespmem:s2+$0xFFFFFF00] =	vst @p2 v6  }
0x494: {  	v10 =	vor.u32 v60, v12;
	v12 =	vbroadcast v13, $0x0;
	[tilespmem:s2+$0xFFFFFF80] =	vst @p2 v7;
	v2 =	vld.idx.msk [tilespmem:v2+s18+$0x0], $0xffff  }
0x495: {  	v6 =	vor.u32 v61, v9;
	[tilespmem:s2+$0x0] =	vst @p2 v8;
	v0 =	vld.idx.msk [tilespmem:v0+s18+$0x0], $0xffff  }
0x496: {  	[tilespmem:s2+$0x80] =	vst @p2 v17;
	v7 =	vor.u32 v62, v12;
	v4 =	vld.idx.msk [tilespmem:v4+s18+$0x0], $0xffff  }
0x497: {  	s1 =	sadd.s32 @p2 $0x400, s2;
	[tilespmem:s2+$0xFFFFFE00] =	vst @p2 v11;
	v3 =	vld.idx.msk [tilespmem:v3+s18+$0x0], $0xffff  }
0x498: {  	s31 =	smov.u32 @p2 s1;
	[tilespmem:s2+$0x180] =	vst @p2 v5;
	v9 =	vld.idx.msk [tilespmem:v14+s18+$0x0], $0xffff  }
0x499: {  	v8 =	vld.idx.msk [tilespmem:v10+s18+$0x0], $0xffff;
	[tilespmem:s31+$0x180] =	vst v2  }
0x49a: {  	v10 =	vld.idx.msk [tilespmem:v6+s18+$0x0], $0xffff;
	[tilespmem:s31+$0xFFFFFE00] =	vst v0  }
0x49b: {  	v11 =	vld.idx.msk [tilespmem:v7+s18+$0x0], $0xffff;
	[tilespmem:s31+$0xFFFFFE80] =	vst v4  }
0x49c: {  	[tilespmem:s31+$0xFFFFFF00] =	vst v3  }
0x49d: {  	[tilespmem:s31+$0x100] =	vst v9  }
0x49e: {  	[tilespmem:s31+$0xFFFFFF80] =	vst v8  }
0x49f: {  	s6 =	simm.s32 @!p1 $0x4800;
	[tilespmem:s31+$0x0] =	vst v10  }
0x4a0: {  	s28 =	sadd.s32 s5, s21;
	s1 =	sadd.s32 @!p1 $0x180, s22;
	s2 =	simm.s32 @!p1 $0x80;
	[tilespmem:s31+$0x80] =	vst v11  }
0x4a1: {  	[tilespmem:s6], [sflag:$0x2] =	stream.indirect.gather @!p1 [hbm4b:s0+s2], $0x40, s1, s2, $0xb8;
	[tilespmem:$0xA800] =	vst v63  }
0x4a2: {  	s30 =	sshll.u32 s28, $0xA;
	s1 =	sshll.u32 s28, $0x7  }
0x4a3: {  	s2 =	sand.u32 $0xFFE0000, s30;
	s1 =	sand.u32 $0x3F80, s1  }
0x4a4: {  	s1 =	sor.u32 s1, s2  }
0x4a5: {  	s31 =	simm.s32 $0x8800;
	s2 =	sadd.s32 s3, s1  }
0x4a6: {  	[hbm4b:s2+s4] =	stream.linear.scatter [tilespmem:s31], [sflag:$0x4], $0x400, $0x38;
	[tilespmem:$0xA800] =	vst v63  }
0x4a7: {  	s14 =	simm.s32 $0x8C00;
	s6 =	sadd.s32 s1, s7  }
0x4a8: {  	[hbm4b:s6+s4] =	stream.linear.scatter [tilespmem:s14], [sflag:$0x4], $0x400, $0x38;
	[tilespmem:$0xA800] =	vst v63  }
0x4a9: {  	s16 =	simm.s32 $0x9000;
	s15 =	sadd.s32 s1, s8  }
0x4aa: {  	[hbm4b:s15+s4] =	stream.linear.scatter [tilespmem:s16], [sflag:$0x4], $0x400, $0x38;
	[tilespmem:$0xA800] =	vst v63  }
0x4ab: {  	s22 =	simm.s32 $0x9400;
	s21 =	sadd.s32 s1, s9  }
0x4ac: {  	[hbm4b:s21+s4] =	stream.linear.scatter [tilespmem:s22], [sflag:$0x4], $0x400, $0x38;
	[tilespmem:$0xA800] =	vst v63  }
0x4ad: {  	s24 =	simm.s32 $0x9800;
	s20 =	sadd.s32 $0x1, s20;
	s23 =	sadd.s32 s1, s10  }
0x4ae: {  	[hbm4b:s23+s4] =	stream.linear.scatter [tilespmem:s24], [sflag:$0x4], $0x400, $0x38;
	[tilespmem:$0xA800] =	vst v63  }
0x4af: {  	s26 =	simm.s32 $0x9C00;
	p0 =	sne.s32 s20, $0x28;
	s25 =	sadd.s32 s1, s11  }
0x4b0: {  	[hbm4b:s25+s4] =	stream.linear.scatter [tilespmem:s26], [sflag:$0x4], $0x400, $0x38;
	[tilespmem:$0xA800] =	vst v63  }
.Ltmp54:
0x4b1: {  	_ = 	snop;
	(pc) =	sbr.rel @p0 .LBB2_2-.Ltmp54, $4  }
.Ltmp55:
0x4b2: {  	s30 =	simm.s32 $0xA000;
	s28 =	sadd.s32 s1, s12;
	(pc) =	sbr.rel @!p0 .LBB2_92-.Ltmp55, $4  }
0x4b3: {  	[hbm4b:s28+s4] =	stream.linear.scatter [tilespmem:s30], [sflag:$0x4], $0x400, $0x38;
	[tilespmem:$0xA800] =	vst v63  }
0x4b4: {  	v14 =	vld [tilespmem:$0x1FF00];
	s1 =	sadd.s32 s1, s13;
	s31 =	simm.s32 $0xA400  }
0x4b5: {  	v13 =	vld [tilespmem:$0x1FF10];
	[hbm4b:s1+s4] =	stream.linear.scatter [tilespmem:s31], [sflag:$0x4], $0x400, $0x38  }
0x4b6: {  	_ = 	snop  }
.LBB2_14:
.Ltmp56:
0x4b7: {  	(pc) =	sbr.rel .LBB2_20-.Ltmp56, $4  }
0x4b8: {  	v16 =	vld [tilespmem:$0x1FFB0]  }
0x4b9: {  	v19 =	vld [tilespmem:$0x1FED0]  }
0x4ba: {  	v20 =	vld [tilespmem:$0x1FEE0]  }
0x4bb: {  	s2 =	simm.s32 $0x6A30;
	p2 =	por $0x0, $0x0;
	v21 =	vld [tilespmem:$0x1FEF0]  }
.LBB2_27:
.Ltmp57:
0x4bc: {  	(pc) =	sbr.rel .LBB2_33-.Ltmp57, $2  }
0x4bd: {  	_ =	sdelay $0x2  }
0x4be: {  	s2 =	simm.s32 $0x6A50;
	p2 =	por $0x0, $0x0  }
.LBB2_40:
.Ltmp58:
0x4bf: {  	(pc) =	sbr.rel .LBB2_46-.Ltmp58, $2  }
0x4c0: {  	_ =	sdelay $0x2  }
0x4c1: {  	s2 =	simm.s32 $0x6A70;
	p2 =	por $0x0, $0x0;
	v20 =	vmov v15  }
.LBB2_58:
.Ltmp59:
0x4c2: {  	v31 =	vld [tilespmem:$0x1FFA0];
	(pc) =	sbr.rel .LBB2_65-.Ltmp59, $4  }
0x4c3: {  	v23 =	vld [tilespmem:$0x1FFB0]  }
0x4c4: {  	v20 =	vld [tilespmem:$0x1FED0]  }
0x4c5: {  	v21 =	vld [tilespmem:$0x1FEE0]  }
0x4c6: {  	s2 =	simm.s32 $0x8A30;
	p2 =	por $0x0, $0x0;
	v28 =	vld [tilespmem:$0x1FFD0]  }
.LBB2_72:
.Ltmp60:
0x4c7: {  	(pc) =	sbr.rel .LBB2_78-.Ltmp60, $2  }
0x4c8: {  	_ =	sdelay $0x2  }
0x4c9: {  	s2 =	simm.s32 $0x8A50;
	p2 =	por $0x0, $0x0  }
.LBB2_85:
.Ltmp61:
0x4ca: {  	(pc) =	sbr.rel .LBB2_91-.Ltmp61, $3  }
0x4cb: {  	_ =	sdelay $0x1  }
0x4cc: {  	v21 =	vmov v15;
	v15 =	vld [tilespmem:$0x1FF60]  }
0x4cd: {  	s2 =	simm.s32 $0x8A70;
	p2 =	por $0x0, $0x0;
	v20 =	vmov v25;
	v25 =	vld [tilespmem:$0x1FF20]  }
.LBB2_8:
.Ltmp62:
0x4ce: {  	(pc) =	sbr.rel .LBB2_13-.Ltmp62, $2  }
0x4cf: {  	_ =	sdelay $0x2  }
0x4d0: {  	s30 =	simm.s32 $0x8;
	s2 =	simm.s32 $0x6A20;
	p4 =	por $0x0, $0x0;
	v27 =	vmov v30;
	v30 =	vld [tilespmem:$0x1FFC0]  }
.LBB2_16:
.Ltmp63:
0x4d1: {  	(pc) =	sbr.rel .LBB2_20-.Ltmp63, $2  }
0x4d2: {  	_ =	sdelay $0x2  }
0x4d3: {  	s22 =	simm.s32 $0x8;
	s2 =	simm.s32 $0x6A30  }
.LBB2_22:
.Ltmp64:
0x4d4: {  	(pc) =	sbr.rel .LBB2_26-.Ltmp64, $2  }
0x4d5: {  	_ =	sdelay $0x2  }
0x4d6: {  	s31 =	simm.s32 $0x8;
	s2 =	simm.s32 $0x6A40;
	p4 =	por $0x0, $0x0  }
.LBB2_29:
.Ltmp65:
0x4d7: {  	(pc) =	sbr.rel .LBB2_33-.Ltmp65, $2  }
0x4d8: {  	_ =	sdelay $0x2  }
0x4d9: {  	s22 =	simm.s32 $0x8;
	s2 =	simm.s32 $0x6A50  }
.LBB2_35:
.Ltmp66:
0x4da: {  	(pc) =	sbr.rel .LBB2_39-.Ltmp66, $2  }
0x4db: {  	_ =	sdelay $0x2  }
0x4dc: {  	s31 =	simm.s32 $0x8;
	s2 =	simm.s32 $0x6A60;
	p4 =	por $0x0, $0x0  }
.LBB2_42:
.Ltmp67:
0x4dd: {  	(pc) =	sbr.rel .LBB2_46-.Ltmp67, $2  }
0x4de: {  	_ =	sdelay $0x2  }
0x4df: {  	s22 =	simm.s32 $0x8;
	s2 =	simm.s32 $0x6A70  }
.LBB2_52:
.Ltmp68:
0x4e0: {  	(pc) =	sbr.rel .LBB2_57-.Ltmp68, $2  }
0x4e1: {  	_ =	sdelay $0x2  }
0x4e2: {  	s31 =	simm.s32 $0x8;
	s2 =	simm.s32 $0x8A20;
	p4 =	por $0x0, $0x0;
	v23 =	vmov v29;
	v29 =	vmov v28;
	v27 =	vmov v30;
	v30 =	vld [tilespmem:$0x1FFC0]  }
.LBB2_60:
.Ltmp69:
0x4e3: {  	(pc) =	sbr.rel .LBB2_65-.Ltmp69, $2  }
0x4e4: {  	_ =	sdelay $0x2  }
0x4e5: {  	s23 =	simm.s32 $0x8;
	s2 =	simm.s32 $0x8A30;
	v30 =	vmov v28;
	v28 =	vmov v29  }
.LBB2_67:
.Ltmp70:
0x4e6: {  	(pc) =	sbr.rel .LBB2_71-.Ltmp70, $2  }
0x4e7: {  	_ =	sdelay $0x2  }
0x4e8: {  	s2 =	simm.s32 $0x8;
	s31 =	simm.s32 $0x8A40;
	p4 =	por $0x0, $0x0  }
.LBB2_74:
.Ltmp71:
0x4e9: {  	(pc) =	sbr.rel .LBB2_78-.Ltmp71, $2  }
0x4ea: {  	_ =	sdelay $0x2  }
0x4eb: {  	s23 =	simm.s32 $0x8;
	s2 =	simm.s32 $0x8A50  }
.LBB2_80:
.Ltmp72:
0x4ec: {  	(pc) =	sbr.rel .LBB2_84-.Ltmp72, $2  }
0x4ed: {  	_ =	sdelay $0x2  }
0x4ee: {  	s2 =	simm.s32 $0x8;
	s31 =	simm.s32 $0x8A60;
	p4 =	por $0x0, $0x0  }
.LBB2_87:
.Ltmp73:
0x4ef: {  	(pc) =	sbr.rel .LBB2_91-.Ltmp73, $3  }
0x4f0: {  	_ =	sdelay $0x1  }
0x4f1: {  	v15 =	vld [tilespmem:$0x1FF60]  }
0x4f2: {  	s23 =	simm.s32 $0x8;
	s2 =	simm.s32 $0x8A70;
	v25 =	vld [tilespmem:$0x1FF20]  }
.LBB2_10:
.Ltmp74:
0x4f3: {  	(pc) =	sbr.rel .LBB2_13-.Ltmp74, $2  }
0x4f4: {  	_ =	sdelay $0x2  }
0x4f5: {  	s2 =	simm.s32 $0x6A20;
	v27 =	vmov v30;
	v30 =	vld [tilespmem:$0x1FFC0]  }
.LBB2_18:
.Ltmp75:
0x4f6: {  	(pc) =	sbr.rel .LBB2_20-.Ltmp75, $2  }
0x4f7: {  	_ =	sdelay $0x2  }
0x4f8: {  	s2 =	simm.s32 $0x6A30  }
.LBB2_24:
.Ltmp76:
0x4f9: {  	(pc) =	sbr.rel .LBB2_26-.Ltmp76, $2  }
0x4fa: {  	_ =	sdelay $0x2  }
0x4fb: {  	s2 =	simm.s32 $0x6A40  }
.LBB2_31:
.Ltmp77:
0x4fc: {  	(pc) =	sbr.rel .LBB2_33-.Ltmp77, $2  }
0x4fd: {  	_ =	sdelay $0x2  }
0x4fe: {  	s2 =	simm.s32 $0x6A50  }
.LBB2_37:
.Ltmp78:
0x4ff: {  	(pc) =	sbr.rel .LBB2_39-.Ltmp78, $2  }
0x500: {  	_ =	sdelay $0x2  }
0x501: {  	s2 =	simm.s32 $0x6A60  }
.LBB2_44:
.Ltmp79:
0x502: {  	(pc) =	sbr.rel .LBB2_46-.Ltmp79, $2  }
0x503: {  	_ =	sdelay $0x2  }
0x504: {  	s2 =	simm.s32 $0x6A70  }
.LBB2_54:
.Ltmp80:
0x505: {  	(pc) =	sbr.rel .LBB2_57-.Ltmp80, $2  }
0x506: {  	_ =	sdelay $0x2  }
0x507: {  	s2 =	simm.s32 $0x8A20;
	v23 =	vmov v29;
	v29 =	vmov v28;
	v27 =	vmov v30;
	v30 =	vld [tilespmem:$0x1FFC0]  }
.LBB2_62:
.Ltmp81:
0x508: {  	(pc) =	sbr.rel .LBB2_65-.Ltmp81, $2  }
0x509: {  	_ =	sdelay $0x2  }
0x50a: {  	s2 =	simm.s32 $0x8A30;
	v30 =	vmov v28;
	v28 =	vmov v29  }
.LBB2_69:
.Ltmp82:
0x50b: {  	(pc) =	sbr.rel .LBB2_71-.Ltmp82, $2  }
0x50c: {  	_ =	sdelay $0x2  }
0x50d: {  	s31 =	simm.s32 $0x8A40  }
.LBB2_76:
.Ltmp83:
0x50e: {  	(pc) =	sbr.rel .LBB2_78-.Ltmp83, $2  }
0x50f: {  	_ =	sdelay $0x2  }
0x510: {  	s2 =	simm.s32 $0x8A50  }
.LBB2_82:
.Ltmp84:
0x511: {  	(pc) =	sbr.rel .LBB2_84-.Ltmp84, $2  }
0x512: {  	_ =	sdelay $0x2  }
0x513: {  	s31 =	simm.s32 $0x8A60  }
.LBB2_89:
.Ltmp85:
0x514: {  	(pc) =	sbr.rel .LBB2_91-.Ltmp85, $2  }
0x515: {  	_ =	sdelay $0x2  }
0x516: {  	s2 =	simm.s32 $0x8A70  }
.LBB2_93:
0x517: {  	_ =	sfence.sel $0x180000  }
0x518: {  	[bflag:$0x0] =	sbarrier.arrive $0xFFFF  }
0x519: {  	_ =	strace $0x90000047  }
0x51a: {  	s0 =	stileid.u32;
	[bflag:$0x2] =	sbarrier.arrive $0xFFFF  }
0x51b: {  	p0 =	sne.s32 s0, $0x0;
	s0 =	rddreg [dreg:$0x3]  }
0x51c: {  	s0 =	sadd.s32 @!p0 $0x100000, s0  }
0x51d: {  	[sflag:s0] =	ssyncadd.tile.s32 @!p0 $0x1;
	_ =	shalt  }
.Lfunc_end2:
_tile_overlayer_lowered:
.L_overlay_start_2:
0x51e: {  	(tag) =	ssettag $0x2  }
0x51f: {  	s0 =	rddreg [dreg:$0x0];
	s2 =	stileid.u32  }
0x520: {  	s1 =	rddreg [dreg:$0x1];
	p0 =	sne.s32 s2, $0x0  }
0x521: {  	s3 =	rddreg [dreg:$0x2];
	[bflag:$0x3] =	sbarrier.arrive $0xFFFF;
	s2 =	simm.s32 @!p0 $0x1C05  }
0x522: {  	[timem:s3], [sflag:s2] =	dma.local @!p0 [hbm:s0], s1  }
0x523: {  	s0 =	simm.s32 @!p0 $0x5  }
0x524: {  	_ =	swait.ge @!p0 [sflag:s0], s1  }
0x525: {  	s1 =	ssub.s32 @!p0 $0x0, s1;
	[sflag:s0] =	ssyncset.done @!p0 $0x0  }
0x526: {  	[sflag:s0] =	ssyncadd.s32 @!p0 s1  }
0x527: {  	[bflag:$0x3] =	sbarrier.arrive $0xFFFF  }
0x528: {  	_ =	shalt  }

</sc_bundles>
